<compile_context>
chip_gen: v7x
topology: tpu7x:2x2x1
jax: 0.10.2.dev20260603
libtpu: 0.0.44.dev20260713+nightly
codegen_flags: <defaults>
</compile_context>

<pallas_src>
import functools

import jax
import jax.numpy as jnp
from jax import lax
from jax.experimental import pallas as pl
from jax.experimental.pallas import tpu as pltpu
from jax.experimental.pallas import tpu_sc as plsc

_B, _S, _D = 4, 8192, 1024
_NW = 32
_SW = _S // _NW
_RC = 8
_NCH = _SW // _RC
_KV = _D // 16


def _sc_body(x_hbm, t_hbm, o_hbm, xA, xB, tA, tB, siA, siB, stA, stB,
             soA, soB):
    cid = lax.axis_index("c")
    sid = lax.axis_index("s")
    wid = sid * 2 + cid
    s0 = wid * _SW

    def in_copy(c, xbuf, b, sem):
        return pltpu.make_async_copy(
            x_hbm.at[b, pl.ds(s0 + c * _RC, _RC), :], xbuf.at[b], sem)

    def out_copy(c, xbuf, b, sem):
        return pltpu.make_async_copy(
            xbuf.at[b], o_hbm.at[b, pl.ds(s0 + c * _RC, _RC), :], sem)

    def t_copy(c, tbuf, sem):
        return pltpu.make_async_copy(
            t_hbm.at[pl.ds(s0 + c * _RC, _RC), :], tbuf, sem)

    def start_chunk(c, xbuf, tbuf, sem_in, sem_t):
        t_copy(c, tbuf, sem_t).start()
        for b in range(_B):
            in_copy(c, xbuf, b, sem_in).start()

    def wait_chunk_in(c, xbuf, tbuf, sem_in, sem_t):
        t_copy(c, tbuf, sem_t).wait()
        for b in range(_B):
            in_copy(c, xbuf, b, sem_in).wait()

    def compute(xbuf, tbuf):
        @plsc.parallel_loop(0, _KV, unroll=2)
        def _(k):
            sl = pl.ds(k * 16, 16)
            for i in range(_RC):
                tv = tbuf[i, sl]
                for b in range(_B):
                    xbuf[b, i, sl] = xbuf[b, i, sl] + tv

    start_chunk(0, xA, tA, siA, stA)
    start_chunk(1, xB, tB, siB, stB)

    def iteration(g, carry):
        c0 = 2 * g
        c1 = c0 + 1
        wait_chunk_in(c0, xA, tA, siA, stA)
        compute(xA, tA)
        for b in range(_B):
            out_copy(c0, xA, b, soA).start()
        wait_chunk_in(c1, xB, tB, siB, stB)
        compute(xB, tB)
        for b in range(_B):
            out_copy(c1, xB, b, soB).start()
        for b in range(_B):
            out_copy(c0, xA, b, soA).wait()

        @pl.when(c0 + 2 < _NCH)
        def _():
            start_chunk(c0 + 2, xA, tA, siA, stA)

        for b in range(_B):
            out_copy(c1, xB, b, soB).wait()

        @pl.when(c1 + 2 < _NCH)
        def _():
            start_chunk(c1 + 2, xB, tB, siB, stB)

        return carry

    lax.fori_loop(0, _NCH // 2, iteration, 0)


def kernel(x, table):
    mesh = plsc.VectorSubcoreMesh(core_axis_name="c", subcore_axis_name="s")
    k = functools.partial(
        pl.kernel,
        mesh=mesh,
        out_type=jax.ShapeDtypeStruct((_B, _S, _D), jnp.float32),
        scratch_types=[
            pltpu.VMEM((_B, _RC, _D), jnp.float32),
            pltpu.VMEM((_B, _RC, _D), jnp.float32),
            pltpu.VMEM((_RC, _D), jnp.float32),
            pltpu.VMEM((_RC, _D), jnp.float32),
            pltpu.SemaphoreType.DMA,
            pltpu.SemaphoreType.DMA,
            pltpu.SemaphoreType.DMA,
            pltpu.SemaphoreType.DMA,
            pltpu.SemaphoreType.DMA,
            pltpu.SemaphoreType.DMA,
        ],
    )(_sc_body)
    return k(x, table)

# --- scband reference (transcript-rebuilt; emitter-appended) ---
"""Pipeline reference for scband-positional-embedding-44985487458656 (READ-ONLY COPY).

The authoritative reference and input builder live on the scoring server;
editing this copy changes nothing except your own understanding.
"""

import jax, jax.numpy as jnp
import numpy as np

SEQ_LEN = 8192
D_MODEL = 1024
BATCH = 4

def setup_inputs(seed: int = 0) -> dict:
    key = jax.random.key(seed)
    k1, k2 = jax.random.split(key)
    x = jax.random.normal(k1, (BATCH, SEQ_LEN, D_MODEL), dtype=jnp.float32)
    # learned positional embedding table, uniform init like keras Embedding default
    table = jax.random.uniform(k2, (SEQ_LEN, D_MODEL), dtype=jnp.float32, minval=-0.05, maxval=0.05)
    return {"x": x, "table": table}

def reference(x, table):
    positions = jnp.arange(SEQ_LEN)
    pos_emb = jnp.take(table, positions, axis=0)  # [SEQ_LEN, D_MODEL]
    return x + pos_emb  # broadcast over batch

if __name__ == "__main__":
    import jax
    _d = setup_inputs()
    print(jax.jit(kernel)(*tuple(_d.values())))

</pallas_src>

<mosaic_0001>
#map = affine_map<(d0, d1) -> (0, 0, 0)>
#map1 = affine_map<(d0, d1) -> (0, 0)>
module attributes {stable_mosaic.version = 14 : i64} {
  func.func @_sc_body(%arg0: i32, %arg1: i32, %arg2: memref<4x8192x1024xf32, #tpu.memory_space<hbm>>, %arg3: memref<8192x1024xf32, #tpu.memory_space<hbm>>, %arg4: memref<4x8192x1024xf32, #tpu.memory_space<hbm>>, %arg5: memref<4x8x1024xf32, #tpu.memory_space<vmem>>, %arg6: memref<4x8x1024xf32, #tpu.memory_space<vmem>>, %arg7: memref<8x1024xf32, #tpu.memory_space<vmem>>, %arg8: memref<8x1024xf32, #tpu.memory_space<vmem>>, %arg9: memref<!tpu.dma_semaphore, #tpu.memory_space<semaphore_mem>>, %arg10: memref<!tpu.dma_semaphore, #tpu.memory_space<semaphore_mem>>, %arg11: memref<!tpu.dma_semaphore, #tpu.memory_space<semaphore_mem>>, %arg12: memref<!tpu.dma_semaphore, #tpu.memory_space<semaphore_mem>>, %arg13: memref<!tpu.dma_semaphore, #tpu.memory_space<semaphore_mem>>, %arg14: memref<!tpu.dma_semaphore, #tpu.memory_space<semaphore_mem>>) attributes {dimension_semantics = [#tpu.dimension_semantics<core_parallel>, #tpu.dimension_semantics<subcore_parallel>], iteration_bounds = array<i64: 2, 16>, scalar_prefetch = 0 : i64, scratch_operands = 10 : i64, tpu.core_type = #tpu.core_type<sc_vector_subcore>, window_params = [{transform_indices = #map}, {transform_indices = #map1}, {transform_indices = #map}]} {
    %mul3A = arith.constant 2 : i32
    %mul3A_0 = arith.muli %arg1, %mul3A : i32
    %add3A = arith.addi %mul3A_0, %arg0 : i32
    %mul3A_1 = arith.constant 256 : i32
    %mul3A_2 = arith.muli %add3A, %mul3A_1 : i32
    %add3A_3 = arith.constant 0 : i32
    %add3A_4 = arith.addi %mul3A_2, %add3A_3 : i32
    %dma_start3A = arith.constant 0 : i32
    %dma_start3A_5 = tpu.memref_slice %arg3[%add3A_4, %dma_start3A] : memref<8192x1024xf32, #tpu.memory_space<hbm>> -> memref<8x1024xf32, #tpu.memory_space<hbm>>
    %dma_start3A_6 = arith.constant 0 : i32
    %dma_start3A_7 = tpu.memref_slice %arg3[%add3A_4, %dma_start3A_6] : memref<8192x1024xf32, #tpu.memory_space<hbm>> -> memref<8x1024xf32, #tpu.memory_space<hbm>>
    tpu.enqueue_dma source(%dma_start3A_7 : memref<8x1024xf32, #tpu.memory_space<hbm>>) target(%arg7 : memref<8x1024xf32, #tpu.memory_space<vmem>>) target_semaphore(%arg11 : memref<!tpu.dma_semaphore, #tpu.memory_space<semaphore_mem>>)
    %add3A_8 = arith.constant 0 : i32
    %add3A_9 = arith.addi %mul3A_2, %add3A_8 : i32
    %dma_start3A_10 = arith.constant 0 : i32
    %dma_start3A_11 = arith.constant 0 : i32
    %dma_start3A_12 = arith.constant 0 : i32
    %dma_start3A_13 = arith.constant 0 : i32
    %dma_start3A_14 = tpu.memref_slice %arg5[%dma_start3A_11, %dma_start3A_12, %dma_start3A_13] : memref<4x8x1024xf32, #tpu.memory_space<vmem>> -> memref<1x8x1024xf32, #tpu.memory_space<vmem>>
    %dma_start3A_15 = tpu.memref_squeeze %dma_start3A_14 : memref<1x8x1024xf32, #tpu.memory_space<vmem>> -> memref<8x1024xf32, #tpu.memory_space<vmem>>
    %dma_start3A_16 = arith.constant 0 : i32
    %dma_start3A_17 = tpu.memref_slice %arg2[%dma_start3A_10, %add3A_9, %dma_start3A_16] : memref<4x8192x1024xf32, #tpu.memory_space<hbm>> -> memref<1x8x1024xf32, #tpu.memory_space<hbm>>
    %dma_start3A_18 = tpu.memref_squeeze %dma_start3A_17 : memref<1x8x1024xf32, #tpu.memory_space<hbm>> -> memref<8x1024xf32, #tpu.memory_space<hbm>>
    %dma_start3A_19 = arith.constant 0 : i32
    %dma_start3A_20 = arith.constant 0 : i32
    %dma_start3A_21 = tpu.memref_slice %arg5[%dma_start3A_11, %dma_start3A_19, %dma_start3A_20] : memref<4x8x1024xf32, #tpu.memory_space<vmem>> -> memref<1x8x1024xf32, #tpu.memory_space<vmem>>
    %dma_start3A_22 = tpu.memref_squeeze %dma_start3A_21 : memref<1x8x1024xf32, #tpu.memory_space<vmem>> -> memref<8x1024xf32, #tpu.memory_space<vmem>>
    %dma_start3A_23 = arith.constant 0 : i32
    %dma_start3A_24 = tpu.memref_slice %arg2[%dma_start3A_10, %add3A_9, %dma_start3A_23] : memref<4x8192x1024xf32, #tpu.memory_space<hbm>> -> memref<1x8x1024xf32, #tpu.memory_space<hbm>>
    %dma_start3A_25 = tpu.memref_squeeze %dma_start3A_24 : memref<1x8x1024xf32, #tpu.memory_space<hbm>> -> memref<8x1024xf32, #tpu.memory_space<hbm>>
    tpu.enqueue_dma source(%dma_start3A_25 : memref<8x1024xf32, #tpu.memory_space<hbm>>) target(%dma_start3A_22 : memref<8x1024xf32, #tpu.memory_space<vmem>>) target_semaphore(%arg9 : memref<!tpu.dma_semaphore, #tpu.memory_space<semaphore_mem>>)
    %add3A_26 = arith.constant 0 : i32
    %add3A_27 = arith.addi %mul3A_2, %add3A_26 : i32
    %dma_start3A_28 = arith.constant 1 : i32
    %dma_start3A_29 = arith.constant 1 : i32
    %dma_start3A_30 = arith.constant 0 : i32
    %dma_start3A_31 = arith.constant 0 : i32
    %dma_start3A_32 = tpu.memref_slice %arg5[%dma_start3A_29, %dma_start3A_30, %dma_start3A_31] : memref<4x8x1024xf32, #tpu.memory_space<vmem>> -> memref<1x8x1024xf32, #tpu.memory_space<vmem>>
    %dma_start3A_33 = tpu.memref_squeeze %dma_start3A_32 : memref<1x8x1024xf32, #tpu.memory_space<vmem>> -> memref<8x1024xf32, #tpu.memory_space<vmem>>
    %dma_start3A_34 = arith.constant 0 : i32
    %dma_start3A_35 = tpu.memref_slice %arg2[%dma_start3A_28, %add3A_27, %dma_start3A_34] : memref<4x8192x1024xf32, #tpu.memory_space<hbm>> -> memref<1x8x1024xf32, #tpu.memory_space<hbm>>
    %dma_start3A_36 = tpu.memref_squeeze %dma_start3A_35 : memref<1x8x1024xf32, #tpu.memory_space<hbm>> -> memref<8x1024xf32, #tpu.memory_space<hbm>>
    %dma_start3A_37 = arith.constant 0 : i32
    %dma_start3A_38 = arith.constant 0 : i32
    %dma_start3A_39 = tpu.memref_slice %arg5[%dma_start3A_29, %dma_start3A_37, %dma_start3A_38] : memref<4x8x1024xf32, #tpu.memory_space<vmem>> -> memref<1x8x1024xf32, #tpu.memory_space<vmem>>
    %dma_start3A_40 = tpu.memref_squeeze %dma_start3A_39 : memref<1x8x1024xf32, #tpu.memory_space<vmem>> -> memref<8x1024xf32, #tpu.memory_space<vmem>>
    %dma_start3A_41 = arith.constant 0 : i32
    %dma_start3A_42 = tpu.memref_slice %arg2[%dma_start3A_28, %add3A_27, %dma_start3A_41] : memref<4x8192x1024xf32, #tpu.memory_space<hbm>> -> memref<1x8x1024xf32, #tpu.memory_space<hbm>>
    %dma_start3A_43 = tpu.memref_squeeze %dma_start3A_42 : memref<1x8x1024xf32, #tpu.memory_space<hbm>> -> memref<8x1024xf32, #tpu.memory_space<hbm>>
    tpu.enqueue_dma source(%dma_start3A_43 : memref<8x1024xf32, #tpu.memory_space<hbm>>) target(%dma_start3A_40 : memref<8x1024xf32, #tpu.memory_space<vmem>>) target_semaphore(%arg9 : memref<!tpu.dma_semaphore, #tpu.memory_space<semaphore_mem>>)
    %add3A_44 = arith.constant 0 : i32
    %add3A_45 = arith.addi %mul3A_2, %add3A_44 : i32
    %dma_start3A_46 = arith.constant 2 : i32
    %dma_start3A_47 = arith.constant 2 : i32
    %dma_start3A_48 = arith.constant 0 : i32
    %dma_start3A_49 = arith.constant 0 : i32
    %dma_start3A_50 = tpu.memref_slice %arg5[%dma_start3A_47, %dma_start3A_48, %dma_start3A_49] : memref<4x8x1024xf32, #tpu.memory_space<vmem>> -> memref<1x8x1024xf32, #tpu.memory_space<vmem>>
    %dma_start3A_51 = tpu.memref_squeeze %dma_start3A_50 : memref<1x8x1024xf32, #tpu.memory_space<vmem>> -> memref<8x1024xf32, #tpu.memory_space<vmem>>
    %dma_start3A_52 = arith.constant 0 : i32
    %dma_start3A_53 = tpu.memref_slice %arg2[%dma_start3A_46, %add3A_45, %dma_start3A_52] : memref<4x8192x1024xf32, #tpu.memory_space<hbm>> -> memref<1x8x1024xf32, #tpu.memory_space<hbm>>
    %dma_start3A_54 = tpu.memref_squeeze %dma_start3A_53 : memref<1x8x1024xf32, #tpu.memory_space<hbm>> -> memref<8x1024xf32, #tpu.memory_space<hbm>>
    %dma_start3A_55 = arith.constant 0 : i32
    %dma_start3A_56 = arith.constant 0 : i32
    %dma_start3A_57 = tpu.memref_slice %arg5[%dma_start3A_47, %dma_start3A_55, %dma_start3A_56] : memref<4x8x1024xf32, #tpu.memory_space<vmem>> -> memref<1x8x1024xf32, #tpu.memory_space<vmem>>
    %dma_start3A_58 = tpu.memref_squeeze %dma_start3A_57 : memref<1x8x1024xf32, #tpu.memory_space<vmem>> -> memref<8x1024xf32, #tpu.memory_space<vmem>>
    %dma_start3A_59 = arith.constant 0 : i32
    %dma_start3A_60 = tpu.memref_slice %arg2[%dma_start3A_46, %add3A_45, %dma_start3A_59] : memref<4x8192x1024xf32, #tpu.memory_space<hbm>> -> memref<1x8x1024xf32, #tpu.memory_space<hbm>>
    %dma_start3A_61 = tpu.memref_squeeze %dma_start3A_60 : memref<1x8x1024xf32, #tpu.memory_space<hbm>> -> memref<8x1024xf32, #tpu.memory_space<hbm>>
    tpu.enqueue_dma source(%dma_start3A_61 : memref<8x1024xf32, #tpu.memory_space<hbm>>) target(%dma_start3A_58 : memref<8x1024xf32, #tpu.memory_space<vmem>>) target_semaphore(%arg9 : memref<!tpu.dma_semaphore, #tpu.memory_space<semaphore_mem>>)
    %add3A_62 = arith.constant 0 : i32
    %add3A_63 = arith.addi %mul3A_2, %add3A_62 : i32
    %dma_start3A_64 = arith.constant 3 : i32
    %dma_start3A_65 = arith.constant 3 : i32
    %dma_start3A_66 = arith.constant 0 : i32
    %dma_start3A_67 = arith.constant 0 : i32
    %dma_start3A_68 = tpu.memref_slice %arg5[%dma_start3A_65, %dma_start3A_66, %dma_start3A_67] : memref<4x8x1024xf32, #tpu.memory_space<vmem>> -> memref<1x8x1024xf32, #tpu.memory_space<vmem>>
    %dma_start3A_69 = tpu.memref_squeeze %dma_start3A_68 : memref<1x8x1024xf32, #tpu.memory_space<vmem>> -> memref<8x1024xf32, #tpu.memory_space<vmem>>
    %dma_start3A_70 = arith.constant 0 : i32
    %dma_start3A_71 = tpu.memref_slice %arg2[%dma_start3A_64, %add3A_63, %dma_start3A_70] : memref<4x8192x1024xf32, #tpu.memory_space<hbm>> -> memref<1x8x1024xf32, #tpu.memory_space<hbm>>
    %dma_start3A_72 = tpu.memref_squeeze %dma_start3A_71 : memref<1x8x1024xf32, #tpu.memory_space<hbm>> -> memref<8x1024xf32, #tpu.memory_space<hbm>>
    %dma_start3A_73 = arith.constant 0 : i32
    %dma_start3A_74 = arith.constant 0 : i32
    %dma_start3A_75 = tpu.memref_slice %arg5[%dma_start3A_65, %dma_start3A_73, %dma_start3A_74] : memref<4x8x1024xf32, #tpu.memory_space<vmem>> -> memref<1x8x1024xf32, #tpu.memory_space<vmem>>
    %dma_start3A_76 = tpu.memref_squeeze %dma_start3A_75 : memref<1x8x1024xf32, #tpu.memory_space<vmem>> -> memref<8x1024xf32, #tpu.memory_space<vmem>>
    %dma_start3A_77 = arith.constant 0 : i32
    %dma_start3A_78 = tpu.memref_slice %arg2[%dma_start3A_64, %add3A_63, %dma_start3A_77] : memref<4x8192x1024xf32, #tpu.memory_space<hbm>> -> memref<1x8x1024xf32, #tpu.memory_space<hbm>>
    %dma_start3A_79 = tpu.memref_squeeze %dma_start3A_78 : memref<1x8x1024xf32, #tpu.memory_space<hbm>> -> memref<8x1024xf32, #tpu.memory_space<hbm>>
    tpu.enqueue_dma source(%dma_start3A_79 : memref<8x1024xf32, #tpu.memory_space<hbm>>) target(%dma_start3A_76 : memref<8x1024xf32, #tpu.memory_space<vmem>>) target_semaphore(%arg9 : memref<!tpu.dma_semaphore, #tpu.memory_space<semaphore_mem>>)
    %add3A_80 = arith.constant 8 : i32
    %add3A_81 = arith.addi %mul3A_2, %add3A_80 : i32
    %dma_start3A_82 = arith.constant 0 : i32
    %dma_start3A_83 = tpu.memref_slice %arg3[%add3A_81, %dma_start3A_82] : memref<8192x1024xf32, #tpu.memory_space<hbm>> -> memref<8x1024xf32, #tpu.memory_space<hbm>>
    %dma_start3A_84 = arith.constant 0 : i32
    %dma_start3A_85 = tpu.memref_slice %arg3[%add3A_81, %dma_start3A_84] : memref<8192x1024xf32, #tpu.memory_space<hbm>> -> memref<8x1024xf32, #tpu.memory_space<hbm>>
    tpu.enqueue_dma source(%dma_start3A_85 : memref<8x1024xf32, #tpu.memory_space<hbm>>) target(%arg8 : memref<8x1024xf32, #tpu.memory_space<vmem>>) target_semaphore(%arg12 : memref<!tpu.dma_semaphore, #tpu.memory_space<semaphore_mem>>)
    %add3A_86 = arith.constant 8 : i32
    %add3A_87 = arith.addi %mul3A_2, %add3A_86 : i32
    %dma_start3A_88 = arith.constant 0 : i32
    %dma_start3A_89 = arith.constant 0 : i32
    %dma_start3A_90 = arith.constant 0 : i32
    %dma_start3A_91 = arith.constant 0 : i32
    %dma_start3A_92 = tpu.memref_slice %arg6[%dma_start3A_89, %dma_start3A_90, %dma_start3A_91] : memref<4x8x1024xf32, #tpu.memory_space<vmem>> -> memref<1x8x1024xf32, #tpu.memory_space<vmem>>
    %dma_start3A_93 = tpu.memref_squeeze %dma_start3A_92 : memref<1x8x1024xf32, #tpu.memory_space<vmem>> -> memref<8x1024xf32, #tpu.memory_space<vmem>>
    %dma_start3A_94 = arith.constant 0 : i32
    %dma_start3A_95 = tpu.memref_slice %arg2[%dma_start3A_88, %add3A_87, %dma_start3A_94] : memref<4x8192x1024xf32, #tpu.memory_space<hbm>> -> memref<1x8x1024xf32, #tpu.memory_space<hbm>>
    %dma_start3A_96 = tpu.memref_squeeze %dma_start3A_95 : memref<1x8x1024xf32, #tpu.memory_space<hbm>> -> memref<8x1024xf32, #tpu.memory_space<hbm>>
    %dma_start3A_97 = arith.constant 0 : i32
    %dma_start3A_98 = arith.constant 0 : i32
    %dma_start3A_99 = tpu.memref_slice %arg6[%dma_start3A_89, %dma_start3A_97, %dma_start3A_98] : memref<4x8x1024xf32, #tpu.memory_space<vmem>> -> memref<1x8x1024xf32, #tpu.memory_space<vmem>>
    %dma_start3A_100 = tpu.memref_squeeze %dma_start3A_99 : memref<1x8x1024xf32, #tpu.memory_space<vmem>> -> memref<8x1024xf32, #tpu.memory_space<vmem>>
    %dma_start3A_101 = arith.constant 0 : i32
    %dma_start3A_102 = tpu.memref_slice %arg2[%dma_start3A_88, %add3A_87, %dma_start3A_101] : memref<4x8192x1024xf32, #tpu.memory_space<hbm>> -> memref<1x8x1024xf32, #tpu.memory_space<hbm>>
    %dma_start3A_103 = tpu.memref_squeeze %dma_start3A_102 : memref<1x8x1024xf32, #tpu.memory_space<hbm>> -> memref<8x1024xf32, #tpu.memory_space<hbm>>
    tpu.enqueue_dma source(%dma_start3A_103 : memref<8x1024xf32, #tpu.memory_space<hbm>>) target(%dma_start3A_100 : memref<8x1024xf32, #tpu.memory_space<vmem>>) target_semaphore(%arg10 : memref<!tpu.dma_semaphore, #tpu.memory_space<semaphore_mem>>)
    %add3A_104 = arith.constant 8 : i32
    %add3A_105 = arith.addi %mul3A_2, %add3A_104 : i32
    %dma_start3A_106 = arith.constant 1 : i32
    %dma_start3A_107 = arith.constant 1 : i32
    %dma_start3A_108 = arith.constant 0 : i32
    %dma_start3A_109 = arith.constant 0 : i32
    %dma_start3A_110 = tpu.memref_slice %arg6[%dma_start3A_107, %dma_start3A_108, %dma_start3A_109] : memref<4x8x1024xf32, #tpu.memory_space<vmem>> -> memref<1x8x1024xf32, #tpu.memory_space<vmem>>
    %dma_start3A_111 = tpu.memref_squeeze %dma_start3A_110 : memref<1x8x1024xf32, #tpu.memory_space<vmem>> -> memref<8x1024xf32, #tpu.memory_space<vmem>>
    %dma_start3A_112 = arith.constant 0 : i32
    %dma_start3A_113 = tpu.memref_slice %arg2[%dma_start3A_106, %add3A_105, %dma_start3A_112] : memref<4x8192x1024xf32, #tpu.memory_space<hbm>> -> memref<1x8x1024xf32, #tpu.memory_space<hbm>>
    %dma_start3A_114 = tpu.memref_squeeze %dma_start3A_113 : memref<1x8x1024xf32, #tpu.memory_space<hbm>> -> memref<8x1024xf32, #tpu.memory_space<hbm>>
    %dma_start3A_115 = arith.constant 0 : i32
    %dma_start3A_116 = arith.constant 0 : i32
    %dma_start3A_117 = tpu.memref_slice %arg6[%dma_start3A_107, %dma_start3A_115, %dma_start3A_116] : memref<4x8x1024xf32, #tpu.memory_space<vmem>> -> memref<1x8x1024xf32, #tpu.memory_space<vmem>>
    %dma_start3A_118 = tpu.memref_squeeze %dma_start3A_117 : memref<1x8x1024xf32, #tpu.memory_space<vmem>> -> memref<8x1024xf32, #tpu.memory_space<vmem>>
    %dma_start3A_119 = arith.constant 0 : i32
    %dma_start3A_120 = tpu.memref_slice %arg2[%dma_start3A_106, %add3A_105, %dma_start3A_119] : memref<4x8192x1024xf32, #tpu.memory_space<hbm>> -> memref<1x8x1024xf32, #tpu.memory_space<hbm>>
    %dma_start3A_121 = tpu.memref_squeeze %dma_start3A_120 : memref<1x8x1024xf32, #tpu.memory_space<hbm>> -> memref<8x1024xf32, #tpu.memory_space<hbm>>
    tpu.enqueue_dma source(%dma_start3A_121 : memref<8x1024xf32, #tpu.memory_space<hbm>>) target(%dma_start3A_118 : memref<8x1024xf32, #tpu.memory_space<vmem>>) target_semaphore(%arg10 : memref<!tpu.dma_semaphore, #tpu.memory_space<semaphore_mem>>)
    %add3A_122 = arith.constant 8 : i32
    %add3A_123 = arith.addi %mul3A_2, %add3A_122 : i32
    %dma_start3A_124 = arith.constant 2 : i32
    %dma_start3A_125 = arith.constant 2 : i32
    %dma_start3A_126 = arith.constant 0 : i32
    %dma_start3A_127 = arith.constant 0 : i32
    %dma_start3A_128 = tpu.memref_slice %arg6[%dma_start3A_125, %dma_start3A_126, %dma_start3A_127] : memref<4x8x1024xf32, #tpu.memory_space<vmem>> -> memref<1x8x1024xf32, #tpu.memory_space<vmem>>
    %dma_start3A_129 = tpu.memref_squeeze %dma_start3A_128 : memref<1x8x1024xf32, #tpu.memory_space<vmem>> -> memref<8x1024xf32, #tpu.memory_space<vmem>>
    %dma_start3A_130 = arith.constant 0 : i32
    %dma_start3A_131 = tpu.memref_slice %arg2[%dma_start3A_124, %add3A_123, %dma_start3A_130] : memref<4x8192x1024xf32, #tpu.memory_space<hbm>> -> memref<1x8x1024xf32, #tpu.memory_space<hbm>>
    %dma_start3A_132 = tpu.memref_squeeze %dma_start3A_131 : memref<1x8x1024xf32, #tpu.memory_space<hbm>> -> memref<8x1024xf32, #tpu.memory_space<hbm>>
    %dma_start3A_133 = arith.constant 0 : i32
    %dma_start3A_134 = arith.constant 0 : i32
    %dma_start3A_135 = tpu.memref_slice %arg6[%dma_start3A_125, %dma_start3A_133, %dma_start3A_134] : memref<4x8x1024xf32, #tpu.memory_space<vmem>> -> memref<1x8x1024xf32, #tpu.memory_space<vmem>>
    %dma_start3A_136 = tpu.memref_squeeze %dma_start3A_135 : memref<1x8x1024xf32, #tpu.memory_space<vmem>> -> memref<8x1024xf32, #tpu.memory_space<vmem>>
    %dma_start3A_137 = arith.constant 0 : i32
    %dma_start3A_138 = tpu.memref_slice %arg2[%dma_start3A_124, %add3A_123, %dma_start3A_137] : memref<4x8192x1024xf32, #tpu.memory_space<hbm>> -> memref<1x8x1024xf32, #tpu.memory_space<hbm>>
    %dma_start3A_139 = tpu.memref_squeeze %dma_start3A_138 : memref<1x8x1024xf32, #tpu.memory_space<hbm>> -> memref<8x1024xf32, #tpu.memory_space<hbm>>
    tpu.enqueue_dma source(%dma_start3A_139 : memref<8x1024xf32, #tpu.memory_space<hbm>>) target(%dma_start3A_136 : memref<8x1024xf32, #tpu.memory_space<vmem>>) target_semaphore(%arg10 : memref<!tpu.dma_semaphore, #tpu.memory_space<semaphore_mem>>)
    %add3A_140 = arith.constant 8 : i32
    %add3A_141 = arith.addi %mul3A_2, %add3A_140 : i32
    %dma_start3A_142 = arith.constant 3 : i32
    %dma_start3A_143 = arith.constant 3 : i32
    %dma_start3A_144 = arith.constant 0 : i32
    %dma_start3A_145 = arith.constant 0 : i32
    %dma_start3A_146 = tpu.memref_slice %arg6[%dma_start3A_143, %dma_start3A_144, %dma_start3A_145] : memref<4x8x1024xf32, #tpu.memory_space<vmem>> -> memref<1x8x1024xf32, #tpu.memory_space<vmem>>
    %dma_start3A_147 = tpu.memref_squeeze %dma_start3A_146 : memref<1x8x1024xf32, #tpu.memory_space<vmem>> -> memref<8x1024xf32, #tpu.memory_space<vmem>>
    %dma_start3A_148 = arith.constant 0 : i32
    %dma_start3A_149 = tpu.memref_slice %arg2[%dma_start3A_142, %add3A_141, %dma_start3A_148] : memref<4x8192x1024xf32, #tpu.memory_space<hbm>> -> memref<1x8x1024xf32, #tpu.memory_space<hbm>>
    %dma_start3A_150 = tpu.memref_squeeze %dma_start3A_149 : memref<1x8x1024xf32, #tpu.memory_space<hbm>> -> memref<8x1024xf32, #tpu.memory_space<hbm>>
    %dma_start3A_151 = arith.constant 0 : i32
    %dma_start3A_152 = arith.constant 0 : i32
    %dma_start3A_153 = tpu.memref_slice %arg6[%dma_start3A_143, %dma_start3A_151, %dma_start3A_152] : memref<4x8x1024xf32, #tpu.memory_space<vmem>> -> memref<1x8x1024xf32, #tpu.memory_space<vmem>>
    %dma_start3A_154 = tpu.memref_squeeze %dma_start3A_153 : memref<1x8x1024xf32, #tpu.memory_space<vmem>> -> memref<8x1024xf32, #tpu.memory_space<vmem>>
    %dma_start3A_155 = arith.constant 0 : i32
    %dma_start3A_156 = tpu.memref_slice %arg2[%dma_start3A_142, %add3A_141, %dma_start3A_155] : memref<4x8192x1024xf32, #tpu.memory_space<hbm>> -> memref<1x8x1024xf32, #tpu.memory_space<hbm>>
    %dma_start3A_157 = tpu.memref_squeeze %dma_start3A_156 : memref<1x8x1024xf32, #tpu.memory_space<hbm>> -> memref<8x1024xf32, #tpu.memory_space<hbm>>
    tpu.enqueue_dma source(%dma_start3A_157 : memref<8x1024xf32, #tpu.memory_space<hbm>>) target(%dma_start3A_154 : memref<8x1024xf32, #tpu.memory_space<vmem>>) target_semaphore(%arg10 : memref<!tpu.dma_semaphore, #tpu.memory_space<semaphore_mem>>)
    %scan3A = arith.constant 0 : i32
    %scan3A_158 = arith.constant 0 : i32
    %scan3A_159 = arith.constant 16 : i32
    %scan3A_160 = arith.addi %scan3A_158, %scan3A_159 : i32
    %scan3A_161 = arith.constant 1 : i32
    scf.for %scan3A_163 = %scan3A_158 to %scan3A_160 step %scan3A_161  : i32 {
      %mul3A_164 = arith.constant 2 : i32
      %mul3A_165 = arith.muli %mul3A_164, %scan3A_163 : i32
      %add3A_166 = arith.constant 1 : i32
      %add3A_167 = arith.addi %mul3A_165, %add3A_166 : i32
      %mul3A_168 = arith.constant 8 : i32
      %mul3A_169 = arith.muli %mul3A_165, %mul3A_168 : i32
      %add3A_170 = arith.addi %mul3A_2, %mul3A_169 : i32
      %dma_wait3A = arith.constant 0 : i32
      %dma_wait3A_171 = tpu.memref_slice %arg3[%add3A_170, %dma_wait3A] : memref<8192x1024xf32, #tpu.memory_space<hbm>> -> memref<8x1024xf32, #tpu.memory_space<hbm>>
      %dma_wait3A_172 = arith.constant 0 : i32
      %dma_wait3A_173 = tpu.memref_slice %arg3[%add3A_170, %dma_wait3A_172] : memref<8192x1024xf32, #tpu.memory_space<hbm>> -> memref<8x1024xf32, #tpu.memory_space<hbm>>
      tpu.wait_dma2 semaphore(%arg11 : memref<!tpu.dma_semaphore, #tpu.memory_space<semaphore_mem>>) src(%dma_wait3A_173 : memref<8x1024xf32, #tpu.memory_space<hbm>>) dst(%arg7 : memref<8x1024xf32, #tpu.memory_space<vmem>>)
      %mul3A_174 = arith.constant 8 : i32
      %mul3A_175 = arith.muli %mul3A_165, %mul3A_174 : i32
      %add3A_176 = arith.addi %mul3A_2, %mul3A_175 : i32
      %dma_wait3A_177 = arith.constant 0 : i32
      %dma_wait3A_178 = arith.constant 0 : i32
      %dma_wait3A_179 = arith.constant 0 : i32
      %dma_wait3A_180 = arith.constant 0 : i32
      %dma_wait3A_181 = tpu.memref_slice %arg5[%dma_wait3A_178, %dma_wait3A_179, %dma_wait3A_180] : memref<4x8x1024xf32, #tpu.memory_space<vmem>> -> memref<1x8x1024xf32, #tpu.memory_space<vmem>>
      %dma_wait3A_182 = tpu.memref_squeeze %dma_wait3A_181 : memref<1x8x1024xf32, #tpu.memory_space<vmem>> -> memref<8x1024xf32, #tpu.memory_space<vmem>>
      %dma_wait3A_183 = arith.constant 0 : i32
      %dma_wait3A_184 = tpu.memref_slice %arg2[%dma_wait3A_177, %add3A_176, %dma_wait3A_183] : memref<4x8192x1024xf32, #tpu.memory_space<hbm>> -> memref<1x8x1024xf32, #tpu.memory_space<hbm>>
      %dma_wait3A_185 = tpu.memref_squeeze %dma_wait3A_184 : memref<1x8x1024xf32, #tpu.memory_space<hbm>> -> memref<8x1024xf32, #tpu.memory_space<hbm>>
      %dma_wait3A_186 = arith.constant 0 : i32
      %dma_wait3A_187 = arith.constant 0 : i32
      %dma_wait3A_188 = tpu.memref_slice %arg5[%dma_wait3A_178, %dma_wait3A_186, %dma_wait3A_187] : memref<4x8x1024xf32, #tpu.memory_space<vmem>> -> memref<1x8x1024xf32, #tpu.memory_space<vmem>>
      %dma_wait3A_189 = tpu.memref_squeeze %dma_wait3A_188 : memref<1x8x1024xf32, #tpu.memory_space<vmem>> -> memref<8x1024xf32, #tpu.memory_space<vmem>>
      %dma_wait3A_190 = arith.constant 0 : i32
      %dma_wait3A_191 = tpu.memref_slice %arg2[%dma_wait3A_177, %add3A_176, %dma_wait3A_190] : memref<4x8192x1024xf32, #tpu.memory_space<hbm>> -> memref<1x8x1024xf32, #tpu.memory_space<hbm>>
      %dma_wait3A_192 = tpu.memref_squeeze %dma_wait3A_191 : memref<1x8x1024xf32, #tpu.memory_space<hbm>> -> memref<8x1024xf32, #tpu.memory_space<hbm>>
      tpu.wait_dma2 semaphore(%arg9 : memref<!tpu.dma_semaphore, #tpu.memory_space<semaphore_mem>>) src(%dma_wait3A_192 : memref<8x1024xf32, #tpu.memory_space<hbm>>) dst(%dma_wait3A_189 : memref<8x1024xf32, #tpu.memory_space<vmem>>)
      %mul3A_193 = arith.constant 8 : i32
      %mul3A_194 = arith.muli %mul3A_165, %mul3A_193 : i32
      %add3A_195 = arith.addi %mul3A_2, %mul3A_194 : i32
      %dma_wait3A_196 = arith.constant 1 : i32
      %dma_wait3A_197 = arith.constant 1 : i32
      %dma_wait3A_198 = arith.constant 0 : i32
      %dma_wait3A_199 = arith.constant 0 : i32
      %dma_wait3A_200 = tpu.memref_slice %arg5[%dma_wait3A_197, %dma_wait3A_198, %dma_wait3A_199] : memref<4x8x1024xf32, #tpu.memory_space<vmem>> -> memref<1x8x1024xf32, #tpu.memory_space<vmem>>
      %dma_wait3A_201 = tpu.memref_squeeze %dma_wait3A_200 : memref<1x8x1024xf32, #tpu.memory_space<vmem>> -> memref<8x1024xf32, #tpu.memory_space<vmem>>
      %dma_wait3A_202 = arith.constant 0 : i32
      %dma_wait3A_203 = tpu.memref_slice %arg2[%dma_wait3A_196, %add3A_195, %dma_wait3A_202] : memref<4x8192x1024xf32, #tpu.memory_space<hbm>> -> memref<1x8x1024xf32, #tpu.memory_space<hbm>>
      %dma_wait3A_204 = tpu.memref_squeeze %dma_wait3A_203 : memref<1x8x1024xf32, #tpu.memory_space<hbm>> -> memref<8x1024xf32, #tpu.memory_space<hbm>>
      %dma_wait3A_205 = arith.constant 0 : i32
      %dma_wait3A_206 = arith.constant 0 : i32
      %dma_wait3A_207 = tpu.memref_slice %arg5[%dma_wait3A_197, %dma_wait3A_205, %dma_wait3A_206] : memref<4x8x1024xf32, #tpu.memory_space<vmem>> -> memref<1x8x1024xf32, #tpu.memory_space<vmem>>
      %dma_wait3A_208 = tpu.memref_squeeze %dma_wait3A_207 : memref<1x8x1024xf32, #tpu.memory_space<vmem>> -> memref<8x1024xf32, #tpu.memory_space<vmem>>
      %dma_wait3A_209 = arith.constant 0 : i32
      %dma_wait3A_210 = tpu.memref_slice %arg2[%dma_wait3A_196, %add3A_195, %dma_wait3A_209] : memref<4x8192x1024xf32, #tpu.memory_space<hbm>> -> memref<1x8x1024xf32, #tpu.memory_space<hbm>>
      %dma_wait3A_211 = tpu.memref_squeeze %dma_wait3A_210 : memref<1x8x1024xf32, #tpu.memory_space<hbm>> -> memref<8x1024xf32, #tpu.memory_space<hbm>>
      tpu.wait_dma2 semaphore(%arg9 : memref<!tpu.dma_semaphore, #tpu.memory_space<semaphore_mem>>) src(%dma_wait3A_211 : memref<8x1024xf32, #tpu.memory_space<hbm>>) dst(%dma_wait3A_208 : memref<8x1024xf32, #tpu.memory_space<vmem>>)
      %mul3A_212 = arith.constant 8 : i32
      %mul3A_213 = arith.muli %mul3A_165, %mul3A_212 : i32
      %add3A_214 = arith.addi %mul3A_2, %mul3A_213 : i32
      %dma_wait3A_215 = arith.constant 2 : i32
      %dma_wait3A_216 = arith.constant 2 : i32
      %dma_wait3A_217 = arith.constant 0 : i32
      %dma_wait3A_218 = arith.constant 0 : i32
      %dma_wait3A_219 = tpu.memref_slice %arg5[%dma_wait3A_216, %dma_wait3A_217, %dma_wait3A_218] : memref<4x8x1024xf32, #tpu.memory_space<vmem>> -> memref<1x8x1024xf32, #tpu.memory_space<vmem>>
      %dma_wait3A_220 = tpu.memref_squeeze %dma_wait3A_219 : memref<1x8x1024xf32, #tpu.memory_space<vmem>> -> memref<8x1024xf32, #tpu.memory_space<vmem>>
      %dma_wait3A_221 = arith.constant 0 : i32
      %dma_wait3A_222 = tpu.memref_slice %arg2[%dma_wait3A_215, %add3A_214, %dma_wait3A_221] : memref<4x8192x1024xf32, #tpu.memory_space<hbm>> -> memref<1x8x1024xf32, #tpu.memory_space<hbm>>
      %dma_wait3A_223 = tpu.memref_squeeze %dma_wait3A_222 : memref<1x8x1024xf32, #tpu.memory_space<hbm>> -> memref<8x1024xf32, #tpu.memory_space<hbm>>
      %dma_wait3A_224 = arith.constant 0 : i32
      %dma_wait3A_225 = arith.constant 0 : i32
      %dma_wait3A_226 = tpu.memref_slice %arg5[%dma_wait3A_216, %dma_wait3A_224, %dma_wait3A_225] : memref<4x8x1024xf32, #tpu.memory_space<vmem>> -> memref<1x8x1024xf32, #tpu.memory_space<vmem>>
      %dma_wait3A_227 = tpu.memref_squeeze %dma_wait3A_226 : memref<1x8x1024xf32, #tpu.memory_space<vmem>> -> memref<8x1024xf32, #tpu.memory_space<vmem>>
      %dma_wait3A_228 = arith.constant 0 : i32
      %dma_wait3A_229 = tpu.memref_slice %arg2[%dma_wait3A_215, %add3A_214, %dma_wait3A_228] : memref<4x8192x1024xf32, #tpu.memory_space<hbm>> -> memref<1x8x1024xf32, #tpu.memory_space<hbm>>
      %dma_wait3A_230 = tpu.memref_squeeze %dma_wait3A_229 : memref<1x8x1024xf32, #tpu.memory_space<hbm>> -> memref<8x1024xf32, #tpu.memory_space<hbm>>
      tpu.wait_dma2 semaphore(%arg9 : memref<!tpu.dma_semaphore, #tpu.memory_space<semaphore_mem>>) src(%dma_wait3A_230 : memref<8x1024xf32, #tpu.memory_space<hbm>>) dst(%dma_wait3A_227 : memref<8x1024xf32, #tpu.memory_space<vmem>>)
      %mul3A_231 = arith.constant 8 : i32
      %mul3A_232 = arith.muli %mul3A_165, %mul3A_231 : i32
      %add3A_233 = arith.addi %mul3A_2, %mul3A_232 : i32
      %dma_wait3A_234 = arith.constant 3 : i32
      %dma_wait3A_235 = arith.constant 3 : i32
      %dma_wait3A_236 = arith.constant 0 : i32
      %dma_wait3A_237 = arith.constant 0 : i32
      %dma_wait3A_238 = tpu.memref_slice %arg5[%dma_wait3A_235, %dma_wait3A_236, %dma_wait3A_237] : memref<4x8x1024xf32, #tpu.memory_space<vmem>> -> memref<1x8x1024xf32, #tpu.memory_space<vmem>>
      %dma_wait3A_239 = tpu.memref_squeeze %dma_wait3A_238 : memref<1x8x1024xf32, #tpu.memory_space<vmem>> -> memref<8x1024xf32, #tpu.memory_space<vmem>>
      %dma_wait3A_240 = arith.constant 0 : i32
      %dma_wait3A_241 = tpu.memref_slice %arg2[%dma_wait3A_234, %add3A_233, %dma_wait3A_240] : memref<4x8192x1024xf32, #tpu.memory_space<hbm>> -> memref<1x8x1024xf32, #tpu.memory_space<hbm>>
      %dma_wait3A_242 = tpu.memref_squeeze %dma_wait3A_241 : memref<1x8x1024xf32, #tpu.memory_space<hbm>> -> memref<8x1024xf32, #tpu.memory_space<hbm>>
      %dma_wait3A_243 = arith.constant 0 : i32
      %dma_wait3A_244 = arith.constant 0 : i32
      %dma_wait3A_245 = tpu.memref_slice %arg5[%dma_wait3A_235, %dma_wait3A_243, %dma_wait3A_244] : memref<4x8x1024xf32, #tpu.memory_space<vmem>> -> memref<1x8x1024xf32, #tpu.memory_space<vmem>>
      %dma_wait3A_246 = tpu.memref_squeeze %dma_wait3A_245 : memref<1x8x1024xf32, #tpu.memory_space<vmem>> -> memref<8x1024xf32, #tpu.memory_space<vmem>>
      %dma_wait3A_247 = arith.constant 0 : i32
      %dma_wait3A_248 = tpu.memref_slice %arg2[%dma_wait3A_234, %add3A_233, %dma_wait3A_247] : memref<4x8192x1024xf32, #tpu.memory_space<hbm>> -> memref<1x8x1024xf32, #tpu.memory_space<hbm>>
      %dma_wait3A_249 = tpu.memref_squeeze %dma_wait3A_248 : memref<1x8x1024xf32, #tpu.memory_space<hbm>> -> memref<8x1024xf32, #tpu.memory_space<hbm>>
      tpu.wait_dma2 semaphore(%arg9 : memref<!tpu.dma_semaphore, #tpu.memory_space<semaphore_mem>>) src(%dma_wait3A_249 : memref<8x1024xf32, #tpu.memory_space<hbm>>) dst(%dma_wait3A_246 : memref<8x1024xf32, #tpu.memory_space<vmem>>)
      %parallel_loop3A = arith.constant 0 : i32
      %parallel_loop3A_250 = arith.constant 64 : i32
      %parallel_loop3A_251 = arith.constant 1 : i32
      scf.for %parallel_loop3A_653 = %parallel_loop3A to %parallel_loop3A_250 step %parallel_loop3A_251  : i32 {
        %parallel_loop3A_654 = arith.constant 16 : i32
        %parallel_loop3A_655 = arith.muli %parallel_loop3A_653, %parallel_loop3A_654 : i32
        %parallel_loop3A_656 = arith.constant 0 : i32
        %parallel_loop3A_657 = arith.index_cast %parallel_loop3A_656 : i32 to index
        %parallel_loop3A_658 = arith.index_cast %parallel_loop3A_655 : i32 to index
        %parallel_loop3A_659 = tpu.vector_load %arg7[%parallel_loop3A_657, %parallel_loop3A_658] {strides = array<i32>} : memref<8x1024xf32, #tpu.memory_space<vmem>>, vector<1x16xf32>,
        %parallel_loop3A_660 = vector.shape_cast %parallel_loop3A_659 : vector<1x16xf32> to vector<16xf32>
        %parallel_loop3A_661 = arith.constant 0 : i32
        %parallel_loop3A_662 = arith.constant 0 : i32
        %parallel_loop3A_663 = arith.index_cast %parallel_loop3A_661 : i32 to index
        %parallel_loop3A_664 = arith.index_cast %parallel_loop3A_662 : i32 to index
        %parallel_loop3A_665 = arith.index_cast %parallel_loop3A_655 : i32 to index
        %parallel_loop3A_666 = tpu.vector_load %arg5[%parallel_loop3A_663, %parallel_loop3A_664, %parallel_loop3A_665] {strides = array<i32>} : memref<4x8x1024xf32, #tpu.memory_space<vmem>>, vector<1x1x16xf32>,
        %parallel_loop3A_667 = vector.shape_cast %parallel_loop3A_666 : vector<1x1x16xf32> to vector<16xf32>
        %parallel_loop3A_668 = arith.addf %parallel_loop3A_667, %parallel_loop3A_660 : vector<16xf32>
        %parallel_loop3A_669 = arith.constant 0 : i32
        %parallel_loop3A_670 = arith.constant 0 : i32
        %parallel_loop3A_671 = arith.index_cast %parallel_loop3A_669 : i32 to index
        %parallel_loop3A_672 = arith.index_cast %parallel_loop3A_670 : i32 to index
        %parallel_loop3A_673 = arith.index_cast %parallel_loop3A_655 : i32 to index
        %parallel_loop3A_674 = tpu.vector_load %arg5[%parallel_loop3A_671, %parallel_loop3A_672, %parallel_loop3A_673] {strides = array<i32>} : memref<4x8x1024xf32, #tpu.memory_space<vmem>>, vector<1x1x16xf32>,
        %parallel_loop3A_675 = vector.shape_cast %parallel_loop3A_674 : vector<1x1x16xf32> to vector<16xf32>
        %parallel_loop3A_676 = vector.shape_cast %parallel_loop3A_668 : vector<16xf32> to vector<1x1x16xf32>
        tpu.vector_store %arg5[%parallel_loop3A_671, %parallel_loop3A_672, %parallel_loop3A_673], %parallel_loop3A_676 {strides = array<i32>} : memref<4x8x1024xf32, #tpu.memory_space<vmem>>, vector<1x1x16xf32>,
        %parallel_loop3A_677 = arith.constant 1 : i32
        %parallel_loop3A_678 = arith.constant 0 : i32
        %parallel_loop3A_679 = arith.index_cast %parallel_loop3A_677 : i32 to index
        %parallel_loop3A_680 = arith.index_cast %parallel_loop3A_678 : i32 to index
        %parallel_loop3A_681 = arith.index_cast %parallel_loop3A_655 : i32 to index
        %parallel_loop3A_682 = tpu.vector_load %arg5[%parallel_loop3A_679, %parallel_loop3A_680, %parallel_loop3A_681] {strides = array<i32>} : memref<4x8x1024xf32, #tpu.memory_space<vmem>>, vector<1x1x16xf32>,
        %parallel_loop3A_683 = vector.shape_cast %parallel_loop3A_682 : vector<1x1x16xf32> to vector<16xf32>
        %parallel_loop3A_684 = arith.addf %parallel_loop3A_683, %parallel_loop3A_660 : vector<16xf32>
        %parallel_loop3A_685 = arith.constant 1 : i32
        %parallel_loop3A_686 = arith.constant 0 : i32
        %parallel_loop3A_687 = arith.index_cast %parallel_loop3A_685 : i32 to index
        %parallel_loop3A_688 = arith.index_cast %parallel_loop3A_686 : i32 to index
        %parallel_loop3A_689 = arith.index_cast %parallel_loop3A_655 : i32 to index
        %parallel_loop3A_690 = tpu.vector_load %arg5[%parallel_loop3A_687, %parallel_loop3A_688, %parallel_loop3A_689] {strides = array<i32>} : memref<4x8x1024xf32, #tpu.memory_space<vmem>>, vector<1x1x16xf32>,
        %parallel_loop3A_691 = vector.shape_cast %parallel_loop3A_690 : vector<1x1x16xf32> to vector<16xf32>
        %parallel_loop3A_692 = vector.shape_cast %parallel_loop3A_684 : vector<16xf32> to vector<1x1x16xf32>
        tpu.vector_store %arg5[%parallel_loop3A_687, %parallel_loop3A_688, %parallel_loop3A_689], %parallel_loop3A_692 {strides = array<i32>} : memref<4x8x1024xf32, #tpu.memory_space<vmem>>, vector<1x1x16xf32>,
        %parallel_loop3A_693 = arith.constant 2 : i32
        %parallel_loop3A_694 = arith.constant 0 : i32
        %parallel_loop3A_695 = arith.index_cast %parallel_loop3A_693 : i32 to index
        %parallel_loop3A_696 = arith.index_cast %parallel_loop3A_694 : i32 to index
        %parallel_loop3A_697 = arith.index_cast %parallel_loop3A_655 : i32 to index
        %parallel_loop3A_698 = tpu.vector_load %arg5[%parallel_loop3A_695, %parallel_loop3A_696, %parallel_loop3A_697] {strides = array<i32>} : memref<4x8x1024xf32, #tpu.memory_space<vmem>>, vector<1x1x16xf32>,
        %parallel_loop3A_699 = vector.shape_cast %parallel_loop3A_698 : vector<1x1x16xf32> to vector<16xf32>
        %parallel_loop3A_700 = arith.addf %parallel_loop3A_699, %parallel_loop3A_660 : vector<16xf32>
        %parallel_loop3A_701 = arith.constant 2 : i32
        %parallel_loop3A_702 = arith.constant 0 : i32
        %parallel_loop3A_703 = arith.index_cast %parallel_loop3A_701 : i32 to index
        %parallel_loop3A_704 = arith.index_cast %parallel_loop3A_702 : i32 to index
        %parallel_loop3A_705 = arith.index_cast %parallel_loop3A_655 : i32 to index
        %parallel_loop3A_706 = tpu.vector_load %arg5[%parallel_loop3A_703, %parallel_loop3A_704, %parallel_loop3A_705] {strides = array<i32>} : memref<4x8x1024xf32, #tpu.memory_space<vmem>>, vector<1x1x16xf32>,
        %parallel_loop3A_707 = vector.shape_cast %parallel_loop3A_706 : vector<1x1x16xf32> to vector<16xf32>
        %parallel_loop3A_708 = vector.shape_cast %parallel_loop3A_700 : vector<16xf32> to vector<1x1x16xf32>
        tpu.vector_store %arg5[%parallel_loop3A_703, %parallel_loop3A_704, %parallel_loop3A_705], %parallel_loop3A_708 {strides = array<i32>} : memref<4x8x1024xf32, #tpu.memory_space<vmem>>, vector<1x1x16xf32>,
        %parallel_loop3A_709 = arith.constant 3 : i32
        %parallel_loop3A_710 = arith.constant 0 : i32
        %parallel_loop3A_711 = arith.index_cast %parallel_loop3A_709 : i32 to index
        %parallel_loop3A_712 = arith.index_cast %parallel_loop3A_710 : i32 to index
        %parallel_loop3A_713 = arith.index_cast %parallel_loop3A_655 : i32 to index
        %parallel_loop3A_714 = tpu.vector_load %arg5[%parallel_loop3A_711, %parallel_loop3A_712, %parallel_loop3A_713] {strides = array<i32>} : memref<4x8x1024xf32, #tpu.memory_space<vmem>>, vector<1x1x16xf32>,
        %parallel_loop3A_715 = vector.shape_cast %parallel_loop3A_714 : vector<1x1x16xf32> to vector<16xf32>
        %parallel_loop3A_716 = arith.addf %parallel_loop3A_715, %parallel_loop3A_660 : vector<16xf32>
        %parallel_loop3A_717 = arith.constant 3 : i32
        %parallel_loop3A_718 = arith.constant 0 : i32
        %parallel_loop3A_719 = arith.index_cast %parallel_loop3A_717 : i32 to index
        %parallel_loop3A_720 = arith.index_cast %parallel_loop3A_718 : i32 to index
        %parallel_loop3A_721 = arith.index_cast %parallel_loop3A_655 : i32 to index
        %parallel_loop3A_722 = tpu.vector_load %arg5[%parallel_loop3A_719, %parallel_loop3A_720, %parallel_loop3A_721] {strides = array<i32>} : memref<4x8x1024xf32, #tpu.memory_space<vmem>>, vector<1x1x16xf32>,
        %parallel_loop3A_723 = vector.shape_cast %parallel_loop3A_722 : vector<1x1x16xf32> to vector<16xf32>
        %parallel_loop3A_724 = vector.shape_cast %parallel_loop3A_716 : vector<16xf32> to vector<1x1x16xf32>
        tpu.vector_store %arg5[%parallel_loop3A_719, %parallel_loop3A_720, %parallel_loop3A_721], %parallel_loop3A_724 {strides = array<i32>} : memref<4x8x1024xf32, #tpu.memory_space<vmem>>, vector<1x1x16xf32>,
        %parallel_loop3A_725 = arith.constant 1 : i32
        %parallel_loop3A_726 = arith.index_cast %parallel_loop3A_725 : i32 to index
        %parallel_loop3A_727 = arith.index_cast %parallel_loop3A_655 : i32 to index
        %parallel_loop3A_728 = tpu.vector_load %arg7[%parallel_loop3A_726, %parallel_loop3A_727] {strides = array<i32>} : memref<8x1024xf32, #tpu.memory_space<vmem>>, vector<1x16xf32>,
        %parallel_loop3A_729 = vector.shape_cast %parallel_loop3A_728 : vector<1x16xf32> to vector<16xf32>
        %parallel_loop3A_730 = arith.constant 0 : i32
        %parallel_loop3A_731 = arith.constant 1 : i32
        %parallel_loop3A_732 = arith.index_cast %parallel_loop3A_730 : i32 to index
        %parallel_loop3A_733 = arith.index_cast %parallel_loop3A_731 : i32 to index
        %parallel_loop3A_734 = arith.index_cast %parallel_loop3A_655 : i32 to index
        %parallel_loop3A_735 = tpu.vector_load %arg5[%parallel_loop3A_732, %parallel_loop3A_733, %parallel_loop3A_734] {strides = array<i32>} : memref<4x8x1024xf32, #tpu.memory_space<vmem>>, vector<1x1x16xf32>,
        %parallel_loop3A_736 = vector.shape_cast %parallel_loop3A_735 : vector<1x1x16xf32> to vector<16xf32>
        %parallel_loop3A_737 = arith.addf %parallel_loop3A_736, %parallel_loop3A_729 : vector<16xf32>
        %parallel_loop3A_738 = arith.constant 0 : i32
        %parallel_loop3A_739 = arith.constant 1 : i32
        %parallel_loop3A_740 = arith.index_cast %parallel_loop3A_738 : i32 to index
        %parallel_loop3A_741 = arith.index_cast %parallel_loop3A_739 : i32 to index
        %parallel_loop3A_742 = arith.index_cast %parallel_loop3A_655 : i32 to index
        %parallel_loop3A_743 = tpu.vector_load %arg5[%parallel_loop3A_740, %parallel_loop3A_741, %parallel_loop3A_742] {strides = array<i32>} : memref<4x8x1024xf32, #tpu.memory_space<vmem>>, vector<1x1x16xf32>,
        %parallel_loop3A_744 = vector.shape_cast %parallel_loop3A_743 : vector<1x1x16xf32> to vector<16xf32>
        %parallel_loop3A_745 = vector.shape_cast %parallel_loop3A_737 : vector<16xf32> to vector<1x1x16xf32>
        tpu.vector_store %arg5[%parallel_loop3A_740, %parallel_loop3A_741, %parallel_loop3A_742], %parallel_loop3A_745 {strides = array<i32>} : memref<4x8x1024xf32, #tpu.memory_space<vmem>>, vector<1x1x16xf32>,
        %parallel_loop3A_746 = arith.constant 1 : i32
        %parallel_loop3A_747 = arith.constant 1 : i32
        %parallel_loop3A_748 = arith.index_cast %parallel_loop3A_746 : i32 to index
        %parallel_loop3A_749 = arith.index_cast %parallel_loop3A_747 : i32 to index
        %parallel_loop3A_750 = arith.index_cast %parallel_loop3A_655 : i32 to index
        %parallel_loop3A_751 = tpu.vector_load %arg5[%parallel_loop3A_748, %parallel_loop3A_749, %parallel_loop3A_750] {strides = array<i32>} : memref<4x8x1024xf32, #tpu.memory_space<vmem>>, vector<1x1x16xf32>,
        %parallel_loop3A_752 = vector.shape_cast %parallel_loop3A_751 : vector<1x1x16xf32> to vector<16xf32>
        %parallel_loop3A_753 = arith.addf %parallel_loop3A_752, %parallel_loop3A_729 : vector<16xf32>
        %parallel_loop3A_754 = arith.constant 1 : i32
        %parallel_loop3A_755 = arith.constant 1 : i32
        %parallel_loop3A_756 = arith.index_cast %parallel_loop3A_754 : i32 to index
        %parallel_loop3A_757 = arith.index_cast %parallel_loop3A_755 : i32 to index
        %parallel_loop3A_758 = arith.index_cast %parallel_loop3A_655 : i32 to index
        %parallel_loop3A_759 = tpu.vector_load %arg5[%parallel_loop3A_756, %parallel_loop3A_757, %parallel_loop3A_758] {strides = array<i32>} : memref<4x8x1024xf32, #tpu.memory_space<vmem>>, vector<1x1x16xf32>,
        %parallel_loop3A_760 = vector.shape_cast %parallel_loop3A_759 : vector<1x1x16xf32> to vector<16xf32>
        %parallel_loop3A_761 = vector.shape_cast %parallel_loop3A_753 : vector<16xf32> to vector<1x1x16xf32>
        tpu.vector_store %arg5[%parallel_loop3A_756, %parallel_loop3A_757, %parallel_loop3A_758], %parallel_loop3A_761 {strides = array<i32>} : memref<4x8x1024xf32, #tpu.memory_space<vmem>>, vector<1x1x16xf32>,
        %parallel_loop3A_762 = arith.constant 2 : i32
        %parallel_loop3A_763 = arith.constant 1 : i32
        %parallel_loop3A_764 = arith.index_cast %parallel_loop3A_762 : i32 to index
        %parallel_loop3A_765 = arith.index_cast %parallel_loop3A_763 : i32 to index
        %parallel_loop3A_766 = arith.index_cast %parallel_loop3A_655 : i32 to index
        %parallel_loop3A_767 = tpu.vector_load %arg5[%parallel_loop3A_764, %parallel_loop3A_765, %parallel_loop3A_766] {strides = array<i32>} : memref<4x8x1024xf32, #tpu.memory_space<vmem>>, vector<1x1x16xf32>,
        %parallel_loop3A_768 = vector.shape_cast %parallel_loop3A_767 : vector<1x1x16xf32> to vector<16xf32>
        %parallel_loop3A_769 = arith.addf %parallel_loop3A_768, %parallel_loop3A_729 : vector<16xf32>
        %parallel_loop3A_770 = arith.constant 2 : i32
        %parallel_loop3A_771 = arith.constant 1 : i32
        %parallel_loop3A_772 = arith.index_cast %parallel_loop3A_770 : i32 to index
        %parallel_loop3A_773 = arith.index_cast %parallel_loop3A_771 : i32 to index
        %parallel_loop3A_774 = arith.index_cast %parallel_loop3A_655 : i32 to index
        %parallel_loop3A_775 = tpu.vector_load %arg5[%parallel_loop3A_772, %parallel_loop3A_773, %parallel_loop3A_774] {strides = array<i32>} : memref<4x8x1024xf32, #tpu.memory_space<vmem>>, vector<1x1x16xf32>,
        %parallel_loop3A_776 = vector.shape_cast %parallel_loop3A_775 : vector<1x1x16xf32> to vector<16xf32>
        %parallel_loop3A_777 = vector.shape_cast %parallel_loop3A_769 : vector<16xf32> to vector<1x1x16xf32>
        tpu.vector_store %arg5[%parallel_loop3A_772, %parallel_loop3A_773, %parallel_loop3A_774], %parallel_loop3A_777 {strides = array<i32>} : memref<4x8x1024xf32, #tpu.memory_space<vmem>>, vector<1x1x16xf32>,
        %parallel_loop3A_778 = arith.constant 3 : i32
        %parallel_loop3A_779 = arith.constant 1 : i32
        %parallel_loop3A_780 = arith.index_cast %parallel_loop3A_778 : i32 to index
        %parallel_loop3A_781 = arith.index_cast %parallel_loop3A_779 : i32 to index
        %parallel_loop3A_782 = arith.index_cast %parallel_loop3A_655 : i32 to index
        %parallel_loop3A_783 = tpu.vector_load %arg5[%parallel_loop3A_780, %parallel_loop3A_781, %parallel_loop3A_782] {strides = array<i32>} : memref<4x8x1024xf32, #tpu.memory_space<vmem>>, vector<1x1x16xf32>,
        %parallel_loop3A_784 = vector.shape_cast %parallel_loop3A_783 : vector<1x1x16xf32> to vector<16xf32>
        %parallel_loop3A_785 = arith.addf %parallel_loop3A_784, %parallel_loop3A_729 : vector<16xf32>
        %parallel_loop3A_786 = arith.constant 3 : i32
        %parallel_loop3A_787 = arith.constant 1 : i32
        %parallel_loop3A_788 = arith.index_cast %parallel_loop3A_786 : i32 to index
        %parallel_loop3A_789 = arith.index_cast %parallel_loop3A_787 : i32 to index
        %parallel_loop3A_790 = arith.index_cast %parallel_loop3A_655 : i32 to index
        %parallel_loop3A_791 = tpu.vector_load %arg5[%parallel_loop3A_788, %parallel_loop3A_789, %parallel_loop3A_790] {strides = array<i32>} : memref<4x8x1024xf32, #tpu.memory_space<vmem>>, vector<1x1x16xf32>,
        %parallel_loop3A_792 = vector.shape_cast %parallel_loop3A_791 : vector<1x1x16xf32> to vector<16xf32>
        %parallel_loop3A_793 = vector.shape_cast %parallel_loop3A_785 : vector<16xf32> to vector<1x1x16xf32>
        tpu.vector_store %arg5[%parallel_loop3A_788, %parallel_loop3A_789, %parallel_loop3A_790], %parallel_loop3A_793 {strides = array<i32>} : memref<4x8x1024xf32, #tpu.memory_space<vmem>>, vector<1x1x16xf32>,
        %parallel_loop3A_794 = arith.constant 2 : i32
        %parallel_loop3A_795 = arith.index_cast %parallel_loop3A_794 : i32 to index
        %parallel_loop3A_796 = arith.index_cast %parallel_loop3A_655 : i32 to index
        %parallel_loop3A_797 = tpu.vector_load %arg7[%parallel_loop3A_795, %parallel_loop3A_796] {strides = array<i32>} : memref<8x1024xf32, #tpu.memory_space<vmem>>, vector<1x16xf32>,
        %parallel_loop3A_798 = vector.shape_cast %parallel_loop3A_797 : vector<1x16xf32> to vector<16xf32>
        %parallel_loop3A_799 = arith.constant 0 : i32
        %parallel_loop3A_800 = arith.constant 2 : i32
        %parallel_loop3A_801 = arith.index_cast %parallel_loop3A_799 : i32 to index
        %parallel_loop3A_802 = arith.index_cast %parallel_loop3A_800 : i32 to index
        %parallel_loop3A_803 = arith.index_cast %parallel_loop3A_655 : i32 to index
        %parallel_loop3A_804 = tpu.vector_load %arg5[%parallel_loop3A_801, %parallel_loop3A_802, %parallel_loop3A_803] {strides = array<i32>} : memref<4x8x1024xf32, #tpu.memory_space<vmem>>, vector<1x1x16xf32>,
        %parallel_loop3A_805 = vector.shape_cast %parallel_loop3A_804 : vector<1x1x16xf32> to vector<16xf32>
        %parallel_loop3A_806 = arith.addf %parallel_loop3A_805, %parallel_loop3A_798 : vector<16xf32>
        %parallel_loop3A_807 = arith.constant 0 : i32
        %parallel_loop3A_808 = arith.constant 2 : i32
        %parallel_loop3A_809 = arith.index_cast %parallel_loop3A_807 : i32 to index
        %parallel_loop3A_810 = arith.index_cast %parallel_loop3A_808 : i32 to index
        %parallel_loop3A_811 = arith.index_cast %parallel_loop3A_655 : i32 to index
        %parallel_loop3A_812 = tpu.vector_load %arg5[%parallel_loop3A_809, %parallel_loop3A_810, %parallel_loop3A_811] {strides = array<i32>} : memref<4x8x1024xf32, #tpu.memory_space<vmem>>, vector<1x1x16xf32>,
        %parallel_loop3A_813 = vector.shape_cast %parallel_loop3A_812 : vector<1x1x16xf32> to vector<16xf32>
        %parallel_loop3A_814 = vector.shape_cast %parallel_loop3A_806 : vector<16xf32> to vector<1x1x16xf32>
        tpu.vector_store %arg5[%parallel_loop3A_809, %parallel_loop3A_810, %parallel_loop3A_811], %parallel_loop3A_814 {strides = array<i32>} : memref<4x8x1024xf32, #tpu.memory_space<vmem>>, vector<1x1x16xf32>,
        %parallel_loop3A_815 = arith.constant 1 : i32
        %parallel_loop3A_816 = arith.constant 2 : i32
        %parallel_loop3A_817 = arith.index_cast %parallel_loop3A_815 : i32 to index
        %parallel_loop3A_818 = arith.index_cast %parallel_loop3A_816 : i32 to index
        %parallel_loop3A_819 = arith.index_cast %parallel_loop3A_655 : i32 to index
        %parallel_loop3A_820 = tpu.vector_load %arg5[%parallel_loop3A_817, %parallel_loop3A_818, %parallel_loop3A_819] {strides = array<i32>} : memref<4x8x1024xf32, #tpu.memory_space<vmem>>, vector<1x1x16xf32>,
        %parallel_loop3A_821 = vector.shape_cast %parallel_loop3A_820 : vector<1x1x16xf32> to vector<16xf32>
        %parallel_loop3A_822 = arith.addf %parallel_loop3A_821, %parallel_loop3A_798 : vector<16xf32>
        %parallel_loop3A_823 = arith.constant 1 : i32
        %parallel_loop3A_824 = arith.constant 2 : i32
        %parallel_loop3A_825 = arith.index_cast %parallel_loop3A_823 : i32 to index
        %parallel_loop3A_826 = arith.index_cast %parallel_loop3A_824 : i32 to index
        %parallel_loop3A_827 = arith.index_cast %parallel_loop3A_655 : i32 to index
        %parallel_loop3A_828 = tpu.vector_load %arg5[%parallel_loop3A_825, %parallel_loop3A_826, %parallel_loop3A_827] {strides = array<i32>} : memref<4x8x1024xf32, #tpu.memory_space<vmem>>, vector<1x1x16xf32>,
        %parallel_loop3A_829 = vector.shape_cast %parallel_loop3A_828 : vector<1x1x16xf32> to vector<16xf32>
        %parallel_loop3A_830 = vector.shape_cast %parallel_loop3A_822 : vector<16xf32> to vector<1x1x16xf32>
        tpu.vector_store %arg5[%parallel_loop3A_825, %parallel_loop3A_826, %parallel_loop3A_827], %parallel_loop3A_830 {strides = array<i32>} : memref<4x8x1024xf32, #tpu.memory_space<vmem>>, vector<1x1x16xf32>,
        %parallel_loop3A_831 = arith.constant 2 : i32
        %parallel_loop3A_832 = arith.constant 2 : i32
        %parallel_loop3A_833 = arith.index_cast %parallel_loop3A_831 : i32 to index
        %parallel_loop3A_834 = arith.index_cast %parallel_loop3A_832 : i32 to index
        %parallel_loop3A_835 = arith.index_cast %parallel_loop3A_655 : i32 to index
        %parallel_loop3A_836 = tpu.vector_load %arg5[%parallel_loop3A_833, %parallel_loop3A_834, %parallel_loop3A_835] {strides = array<i32>} : memref<4x8x1024xf32, #tpu.memory_space<vmem>>, vector<1x1x16xf32>,
        %parallel_loop3A_837 = vector.shape_cast %parallel_loop3A_836 : vector<1x1x16xf32> to vector<16xf32>
        %parallel_loop3A_838 = arith.addf %parallel_loop3A_837, %parallel_loop3A_798 : vector<16xf32>
        %parallel_loop3A_839 = arith.constant 2 : i32
        %parallel_loop3A_840 = arith.constant 2 : i32
        %parallel_loop3A_841 = arith.index_cast %parallel_loop3A_839 : i32 to index
        %parallel_loop3A_842 = arith.index_cast %parallel_loop3A_840 : i32 to index
        %parallel_loop3A_843 = arith.index_cast %parallel_loop3A_655 : i32 to index
        %parallel_loop3A_844 = tpu.vector_load %arg5[%parallel_loop3A_841, %parallel_loop3A_842, %parallel_loop3A_843] {strides = array<i32>} : memref<4x8x1024xf32, #tpu.memory_space<vmem>>, vector<1x1x16xf32>,
        %parallel_loop3A_845 = vector.shape_cast %parallel_loop3A_844 : vector<1x1x16xf32> to vector<16xf32>
        %parallel_loop3A_846 = vector.shape_cast %parallel_loop3A_838 : vector<16xf32> to vector<1x1x16xf32>
        tpu.vector_store %arg5[%parallel_loop3A_841, %parallel_loop3A_842, %parallel_loop3A_843], %parallel_loop3A_846 {strides = array<i32>} : memref<4x8x1024xf32, #tpu.memory_space<vmem>>, vector<1x1x16xf32>,
        %parallel_loop3A_847 = arith.constant 3 : i32
        %parallel_loop3A_848 = arith.constant 2 : i32
        %parallel_loop3A_849 = arith.index_cast %parallel_loop3A_847 : i32 to index
        %parallel_loop3A_850 = arith.index_cast %parallel_loop3A_848 : i32 to index
        %parallel_loop3A_851 = arith.index_cast %parallel_loop3A_655 : i32 to index
        %parallel_loop3A_852 = tpu.vector_load %arg5[%parallel_loop3A_849, %parallel_loop3A_850, %parallel_loop3A_851] {strides = array<i32>} : memref<4x8x1024xf32, #tpu.memory_space<vmem>>, vector<1x1x16xf32>,
        %parallel_loop3A_853 = vector.shape_cast %parallel_loop3A_852 : vector<1x1x16xf32> to vector<16xf32>
        %parallel_loop3A_854 = arith.addf %parallel_loop3A_853, %parallel_loop3A_798 : vector<16xf32>
        %parallel_loop3A_855 = arith.constant 3 : i32
        %parallel_loop3A_856 = arith.constant 2 : i32
        %parallel_loop3A_857 = arith.index_cast %parallel_loop3A_855 : i32 to index
        %parallel_loop3A_858 = arith.index_cast %parallel_loop3A_856 : i32 to index
        %parallel_loop3A_859 = arith.index_cast %parallel_loop3A_655 : i32 to index
        %parallel_loop3A_860 = tpu.vector_load %arg5[%parallel_loop3A_857, %parallel_loop3A_858, %parallel_loop3A_859] {strides = array<i32>} : memref<4x8x1024xf32, #tpu.memory_space<vmem>>, vector<1x1x16xf32>,
        %parallel_loop3A_861 = vector.shape_cast %parallel_loop3A_860 : vector<1x1x16xf32> to vector<16xf32>
        %parallel_loop3A_862 = vector.shape_cast %parallel_loop3A_854 : vector<16xf32> to vector<1x1x16xf32>
        tpu.vector_store %arg5[%parallel_loop3A_857, %parallel_loop3A_858, %parallel_loop3A_859], %parallel_loop3A_862 {strides = array<i32>} : memref<4x8x1024xf32, #tpu.memory_space<vmem>>, vector<1x1x16xf32>,
        %parallel_loop3A_863 = arith.constant 3 : i32
        %parallel_loop3A_864 = arith.index_cast %parallel_loop3A_863 : i32 to index
        %parallel_loop3A_865 = arith.index_cast %parallel_loop3A_655 : i32 to index
        %parallel_loop3A_866 = tpu.vector_load %arg7[%parallel_loop3A_864, %parallel_loop3A_865] {strides = array<i32>} : memref<8x1024xf32, #tpu.memory_space<vmem>>, vector<1x16xf32>,
        %parallel_loop3A_867 = vector.shape_cast %parallel_loop3A_866 : vector<1x16xf32> to vector<16xf32>
        %parallel_loop3A_868 = arith.constant 0 : i32
        %parallel_loop3A_869 = arith.constant 3 : i32
        %parallel_loop3A_870 = arith.index_cast %parallel_loop3A_868 : i32 to index
        %parallel_loop3A_871 = arith.index_cast %parallel_loop3A_869 : i32 to index
        %parallel_loop3A_872 = arith.index_cast %parallel_loop3A_655 : i32 to index
        %parallel_loop3A_873 = tpu.vector_load %arg5[%parallel_loop3A_870, %parallel_loop3A_871, %parallel_loop3A_872] {strides = array<i32>} : memref<4x8x1024xf32, #tpu.memory_space<vmem>>, vector<1x1x16xf32>,
        %parallel_loop3A_874 = vector.shape_cast %parallel_loop3A_873 : vector<1x1x16xf32> to vector<16xf32>
        %parallel_loop3A_875 = arith.addf %parallel_loop3A_874, %parallel_loop3A_867 : vector<16xf32>
        %parallel_loop3A_876 = arith.constant 0 : i32
        %parallel_loop3A_877 = arith.constant 3 : i32
        %parallel_loop3A_878 = arith.index_cast %parallel_loop3A_876 : i32 to index
        %parallel_loop3A_879 = arith.index_cast %parallel_loop3A_877 : i32 to index
        %parallel_loop3A_880 = arith.index_cast %parallel_loop3A_655 : i32 to index
        %parallel_loop3A_881 = tpu.vector_load %arg5[%parallel_loop3A_878, %parallel_loop3A_879, %parallel_loop3A_880] {strides = array<i32>} : memref<4x8x1024xf32, #tpu.memory_space<vmem>>, vector<1x1x16xf32>,
        %parallel_loop3A_882 = vector.shape_cast %parallel_loop3A_881 : vector<1x1x16xf32> to vector<16xf32>
        %parallel_loop3A_883 = vector.shape_cast %parallel_loop3A_875 : vector<16xf32> to vector<1x1x16xf32>
        tpu.vector_store %arg5[%parallel_loop3A_878, %parallel_loop3A_879, %parallel_loop3A_880], %parallel_loop3A_883 {strides = array<i32>} : memref<4x8x1024xf32, #tpu.memory_space<vmem>>, vector<1x1x16xf32>,
        %parallel_loop3A_884 = arith.constant 1 : i32
        %parallel_loop3A_885 = arith.constant 3 : i32
        %parallel_loop3A_886 = arith.index_cast %parallel_loop3A_884 : i32 to index
        %parallel_loop3A_887 = arith.index_cast %parallel_loop3A_885 : i32 to index
        %parallel_loop3A_888 = arith.index_cast %parallel_loop3A_655 : i32 to index
        %parallel_loop3A_889 = tpu.vector_load %arg5[%parallel_loop3A_886, %parallel_loop3A_887, %parallel_loop3A_888] {strides = array<i32>} : memref<4x8x1024xf32, #tpu.memory_space<vmem>>, vector<1x1x16xf32>,
        %parallel_loop3A_890 = vector.shape_cast %parallel_loop3A_889 : vector<1x1x16xf32> to vector<16xf32>
        %parallel_loop3A_891 = arith.addf %parallel_loop3A_890, %parallel_loop3A_867 : vector<16xf32>
        %parallel_loop3A_892 = arith.constant 1 : i32
        %parallel_loop3A_893 = arith.constant 3 : i32
        %parallel_loop3A_894 = arith.index_cast %parallel_loop3A_892 : i32 to index
        %parallel_loop3A_895 = arith.index_cast %parallel_loop3A_893 : i32 to index
        %parallel_loop3A_896 = arith.index_cast %parallel_loop3A_655 : i32 to index
        %parallel_loop3A_897 = tpu.vector_load %arg5[%parallel_loop3A_894, %parallel_loop3A_895, %parallel_loop3A_896] {strides = array<i32>} : memref<4x8x1024xf32, #tpu.memory_space<vmem>>, vector<1x1x16xf32>,
        %parallel_loop3A_898 = vector.shape_cast %parallel_loop3A_897 : vector<1x1x16xf32> to vector<16xf32>
        %parallel_loop3A_899 = vector.shape_cast %parallel_loop3A_891 : vector<16xf32> to vector<1x1x16xf32>
        tpu.vector_store %arg5[%parallel_loop3A_894, %parallel_loop3A_895, %parallel_loop3A_896], %parallel_loop3A_899 {strides = array<i32>} : memref<4x8x1024xf32, #tpu.memory_space<vmem>>, vector<1x1x16xf32>,
        %parallel_loop3A_900 = arith.constant 2 : i32
        %parallel_loop3A_901 = arith.constant 3 : i32
        %parallel_loop3A_902 = arith.index_cast %parallel_loop3A_900 : i32 to index
        %parallel_loop3A_903 = arith.index_cast %parallel_loop3A_901 : i32 to index
        %parallel_loop3A_904 = arith.index_cast %parallel_loop3A_655 : i32 to index
        %parallel_loop3A_905 = tpu.vector_load %arg5[%parallel_loop3A_902, %parallel_loop3A_903, %parallel_loop3A_904] {strides = array<i32>} : memref<4x8x1024xf32, #tpu.memory_space<vmem>>, vector<1x1x16xf32>,
        %parallel_loop3A_906 = vector.shape_cast %parallel_loop3A_905 : vector<1x1x16xf32> to vector<16xf32>
        %parallel_loop3A_907 = arith.addf %parallel_loop3A_906, %parallel_loop3A_867 : vector<16xf32>
        %parallel_loop3A_908 = arith.constant 2 : i32
        %parallel_loop3A_909 = arith.constant 3 : i32
        %parallel_loop3A_910 = arith.index_cast %parallel_loop3A_908 : i32 to index
        %parallel_loop3A_911 = arith.index_cast %parallel_loop3A_909 : i32 to index
        %parallel_loop3A_912 = arith.index_cast %parallel_loop3A_655 : i32 to index
        %parallel_loop3A_913 = tpu.vector_load %arg5[%parallel_loop3A_910, %parallel_loop3A_911, %parallel_loop3A_912] {strides = array<i32>} : memref<4x8x1024xf32, #tpu.memory_space<vmem>>, vector<1x1x16xf32>,
        %parallel_loop3A_914 = vector.shape_cast %parallel_loop3A_913 : vector<1x1x16xf32> to vector<16xf32>
        %parallel_loop3A_915 = vector.shape_cast %parallel_loop3A_907 : vector<16xf32> to vector<1x1x16xf32>
        tpu.vector_store %arg5[%parallel_loop3A_910, %parallel_loop3A_911, %parallel_loop3A_912], %parallel_loop3A_915 {strides = array<i32>} : memref<4x8x1024xf32, #tpu.memory_space<vmem>>, vector<1x1x16xf32>,
        %parallel_loop3A_916 = arith.constant 3 : i32
        %parallel_loop3A_917 = arith.constant 3 : i32
        %parallel_loop3A_918 = arith.index_cast %parallel_loop3A_916 : i32 to index
        %parallel_loop3A_919 = arith.index_cast %parallel_loop3A_917 : i32 to index
        %parallel_loop3A_920 = arith.index_cast %parallel_loop3A_655 : i32 to index
        %parallel_loop3A_921 = tpu.vector_load %arg5[%parallel_loop3A_918, %parallel_loop3A_919, %parallel_loop3A_920] {strides = array<i32>} : memref<4x8x1024xf32, #tpu.memory_space<vmem>>, vector<1x1x16xf32>,
        %parallel_loop3A_922 = vector.shape_cast %parallel_loop3A_921 : vector<1x1x16xf32> to vector<16xf32>
        %parallel_loop3A_923 = arith.addf %parallel_loop3A_922, %parallel_loop3A_867 : vector<16xf32>
        %parallel_loop3A_924 = arith.constant 3 : i32
        %parallel_loop3A_925 = arith.constant 3 : i32
        %parallel_loop3A_926 = arith.index_cast %parallel_loop3A_924 : i32 to index
        %parallel_loop3A_927 = arith.index_cast %parallel_loop3A_925 : i32 to index
        %parallel_loop3A_928 = arith.index_cast %parallel_loop3A_655 : i32 to index
        %parallel_loop3A_929 = tpu.vector_load %arg5[%parallel_loop3A_926, %parallel_loop3A_927, %parallel_loop3A_928] {strides = array<i32>} : memref<4x8x1024xf32, #tpu.memory_space<vmem>>, vector<1x1x16xf32>,
        %parallel_loop3A_930 = vector.shape_cast %parallel_loop3A_929 : vector<1x1x16xf32> to vector<16xf32>
        %parallel_loop3A_931 = vector.shape_cast %parallel_loop3A_923 : vector<16xf32> to vector<1x1x16xf32>
        tpu.vector_store %arg5[%parallel_loop3A_926, %parallel_loop3A_927, %parallel_loop3A_928], %parallel_loop3A_931 {strides = array<i32>} : memref<4x8x1024xf32, #tpu.memory_space<vmem>>, vector<1x1x16xf32>,
        %parallel_loop3A_932 = arith.constant 4 : i32
        %parallel_loop3A_933 = arith.index_cast %parallel_loop3A_932 : i32 to index
        %parallel_loop3A_934 = arith.index_cast %parallel_loop3A_655 : i32 to index
        %parallel_loop3A_935 = tpu.vector_load %arg7[%parallel_loop3A_933, %parallel_loop3A_934] {strides = array<i32>} : memref<8x1024xf32, #tpu.memory_space<vmem>>, vector<1x16xf32>,
        %parallel_loop3A_936 = vector.shape_cast %parallel_loop3A_935 : vector<1x16xf32> to vector<16xf32>
        %parallel_loop3A_937 = arith.constant 0 : i32
        %parallel_loop3A_938 = arith.constant 4 : i32
        %parallel_loop3A_939 = arith.index_cast %parallel_loop3A_937 : i32 to index
        %parallel_loop3A_940 = arith.index_cast %parallel_loop3A_938 : i32 to index
        %parallel_loop3A_941 = arith.index_cast %parallel_loop3A_655 : i32 to index
        %parallel_loop3A_942 = tpu.vector_load %arg5[%parallel_loop3A_939, %parallel_loop3A_940, %parallel_loop3A_941] {strides = array<i32>} : memref<4x8x1024xf32, #tpu.memory_space<vmem>>, vector<1x1x16xf32>,
        %parallel_loop3A_943 = vector.shape_cast %parallel_loop3A_942 : vector<1x1x16xf32> to vector<16xf32>
        %parallel_loop3A_944 = arith.addf %parallel_loop3A_943, %parallel_loop3A_936 : vector<16xf32>
        %parallel_loop3A_945 = arith.constant 0 : i32
        %parallel_loop3A_946 = arith.constant 4 : i32
        %parallel_loop3A_947 = arith.index_cast %parallel_loop3A_945 : i32 to index
        %parallel_loop3A_948 = arith.index_cast %parallel_loop3A_946 : i32 to index
        %parallel_loop3A_949 = arith.index_cast %parallel_loop3A_655 : i32 to index
        %parallel_loop3A_950 = tpu.vector_load %arg5[%parallel_loop3A_947, %parallel_loop3A_948, %parallel_loop3A_949] {strides = array<i32>} : memref<4x8x1024xf32, #tpu.memory_space<vmem>>, vector<1x1x16xf32>,
        %parallel_loop3A_951 = vector.shape_cast %parallel_loop3A_950 : vector<1x1x16xf32> to vector<16xf32>
        %parallel_loop3A_952 = vector.shape_cast %parallel_loop3A_944 : vector<16xf32> to vector<1x1x16xf32>
        tpu.vector_store %arg5[%parallel_loop3A_947, %parallel_loop3A_948, %parallel_loop3A_949], %parallel_loop3A_952 {strides = array<i32>} : memref<4x8x1024xf32, #tpu.memory_space<vmem>>, vector<1x1x16xf32>,
        %parallel_loop3A_953 = arith.constant 1 : i32
        %parallel_loop3A_954 = arith.constant 4 : i32
        %parallel_loop3A_955 = arith.index_cast %parallel_loop3A_953 : i32 to index
        %parallel_loop3A_956 = arith.index_cast %parallel_loop3A_954 : i32 to index
        %parallel_loop3A_957 = arith.index_cast %parallel_loop3A_655 : i32 to index
        %parallel_loop3A_958 = tpu.vector_load %arg5[%parallel_loop3A_955, %parallel_loop3A_956, %parallel_loop3A_957] {strides = array<i32>} : memref<4x8x1024xf32, #tpu.memory_space<vmem>>, vector<1x1x16xf32>,
        %parallel_loop3A_959 = vector.shape_cast %parallel_loop3A_958 : vector<1x1x16xf32> to vector<16xf32>
        %parallel_loop3A_960 = arith.addf %parallel_loop3A_959, %parallel_loop3A_936 : vector<16xf32>
        %parallel_loop3A_961 = arith.constant 1 : i32
        %parallel_loop3A_962 = arith.constant 4 : i32
        %parallel_loop3A_963 = arith.index_cast %parallel_loop3A_961 : i32 to index
        %parallel_loop3A_964 = arith.index_cast %parallel_loop3A_962 : i32 to index
        %parallel_loop3A_965 = arith.index_cast %parallel_loop3A_655 : i32 to index
        %parallel_loop3A_966 = tpu.vector_load %arg5[%parallel_loop3A_963, %parallel_loop3A_964, %parallel_loop3A_965] {strides = array<i32>} : memref<4x8x1024xf32, #tpu.memory_space<vmem>>, vector<1x1x16xf32>,
        %parallel_loop3A_967 = vector.shape_cast %parallel_loop3A_966 : vector<1x1x16xf32> to vector<16xf32>
        %parallel_loop3A_968 = vector.shape_cast %parallel_loop3A_960 : vector<16xf32> to vector<1x1x16xf32>
        tpu.vector_store %arg5[%parallel_loop3A_963, %parallel_loop3A_964, %parallel_loop3A_965], %parallel_loop3A_968 {strides = array<i32>} : memref<4x8x1024xf32, #tpu.memory_space<vmem>>, vector<1x1x16xf32>,
        %parallel_loop3A_969 = arith.constant 2 : i32
        %parallel_loop3A_970 = arith.constant 4 : i32
        %parallel_loop3A_971 = arith.index_cast %parallel_loop3A_969 : i32 to index
        %parallel_loop3A_972 = arith.index_cast %parallel_loop3A_970 : i32 to index
        %parallel_loop3A_973 = arith.index_cast %parallel_loop3A_655 : i32 to index
        %parallel_loop3A_974 = tpu.vector_load %arg5[%parallel_loop3A_971, %parallel_loop3A_972, %parallel_loop3A_973] {strides = array<i32>} : memref<4x8x1024xf32, #tpu.memory_space<vmem>>, vector<1x1x16xf32>,
        %parallel_loop3A_975 = vector.shape_cast %parallel_loop3A_974 : vector<1x1x16xf32> to vector<16xf32>
        %parallel_loop3A_976 = arith.addf %parallel_loop3A_975, %parallel_loop3A_936 : vector<16xf32>
        %parallel_loop3A_977 = arith.constant 2 : i32
        %parallel_loop3A_978 = arith.constant 4 : i32
        %parallel_loop3A_979 = arith.index_cast %parallel_loop3A_977 : i32 to index
        %parallel_loop3A_980 = arith.index_cast %parallel_loop3A_978 : i32 to index
        %parallel_loop3A_981 = arith.index_cast %parallel_loop3A_655 : i32 to index
        %parallel_loop3A_982 = tpu.vector_load %arg5[%parallel_loop3A_979, %parallel_loop3A_980, %parallel_loop3A_981] {strides = array<i32>} : memref<4x8x1024xf32, #tpu.memory_space<vmem>>, vector<1x1x16xf32>,
        %parallel_loop3A_983 = vector.shape_cast %parallel_loop3A_982 : vector<1x1x16xf32> to vector<16xf32>
        %parallel_loop3A_984 = vector.shape_cast %parallel_loop3A_976 : vector<16xf32> to vector<1x1x16xf32>
        tpu.vector_store %arg5[%parallel_loop3A_979, %parallel_loop3A_980, %parallel_loop3A_981], %parallel_loop3A_984 {strides = array<i32>} : memref<4x8x1024xf32, #tpu.memory_space<vmem>>, vector<1x1x16xf32>,
        %parallel_loop3A_985 = arith.constant 3 : i32
        %parallel_loop3A_986 = arith.constant 4 : i32
        %parallel_loop3A_987 = arith.index_cast %parallel_loop3A_985 : i32 to index
        %parallel_loop3A_988 = arith.index_cast %parallel_loop3A_986 : i32 to index
        %parallel_loop3A_989 = arith.index_cast %parallel_loop3A_655 : i32 to index
        %parallel_loop3A_990 = tpu.vector_load %arg5[%parallel_loop3A_987, %parallel_loop3A_988, %parallel_loop3A_989] {strides = array<i32>} : memref<4x8x1024xf32, #tpu.memory_space<vmem>>, vector<1x1x16xf32>,
        %parallel_loop3A_991 = vector.shape_cast %parallel_loop3A_990 : vector<1x1x16xf32> to vector<16xf32>
        %parallel_loop3A_992 = arith.addf %parallel_loop3A_991, %parallel_loop3A_936 : vector<16xf32>
        %parallel_loop3A_993 = arith.constant 3 : i32
        %parallel_loop3A_994 = arith.constant 4 : i32
        %parallel_loop3A_995 = arith.index_cast %parallel_loop3A_993 : i32 to index
        %parallel_loop3A_996 = arith.index_cast %parallel_loop3A_994 : i32 to index
        %parallel_loop3A_997 = arith.index_cast %parallel_loop3A_655 : i32 to index
        %parallel_loop3A_998 = tpu.vector_load %arg5[%parallel_loop3A_995, %parallel_loop3A_996, %parallel_loop3A_997] {strides = array<i32>} : memref<4x8x1024xf32, #tpu.memory_space<vmem>>, vector<1x1x16xf32>,
        %parallel_loop3A_999 = vector.shape_cast %parallel_loop3A_998 : vector<1x1x16xf32> to vector<16xf32>
        %parallel_loop3A_1000 = vector.shape_cast %parallel_loop3A_992 : vector<16xf32> to vector<1x1x16xf32>
        tpu.vector_store %arg5[%parallel_loop3A_995, %parallel_loop3A_996, %parallel_loop3A_997], %parallel_loop3A_1000 {strides = array<i32>} : memref<4x8x1024xf32, #tpu.memory_space<vmem>>, vector<1x1x16xf32>,
        %parallel_loop3A_1001 = arith.constant 5 : i32
        %parallel_loop3A_1002 = arith.index_cast %parallel_loop3A_1001 : i32 to index
        %parallel_loop3A_1003 = arith.index_cast %parallel_loop3A_655 : i32 to index
        %parallel_loop3A_1004 = tpu.vector_load %arg7[%parallel_loop3A_1002, %parallel_loop3A_1003] {strides = array<i32>} : memref<8x1024xf32, #tpu.memory_space<vmem>>, vector<1x16xf32>,
        %parallel_loop3A_1005 = vector.shape_cast %parallel_loop3A_1004 : vector<1x16xf32> to vector<16xf32>
        %parallel_loop3A_1006 = arith.constant 0 : i32
        %parallel_loop3A_1007 = arith.constant 5 : i32
        %parallel_loop3A_1008 = arith.index_cast %parallel_loop3A_1006 : i32 to index
        %parallel_loop3A_1009 = arith.index_cast %parallel_loop3A_1007 : i32 to index
        %parallel_loop3A_1010 = arith.index_cast %parallel_loop3A_655 : i32 to index
        %parallel_loop3A_1011 = tpu.vector_load %arg5[%parallel_loop3A_1008, %parallel_loop3A_1009, %parallel_loop3A_1010] {strides = array<i32>} : memref<4x8x1024xf32, #tpu.memory_space<vmem>>, vector<1x1x16xf32>,
        %parallel_loop3A_1012 = vector.shape_cast %parallel_loop3A_1011 : vector<1x1x16xf32> to vector<16xf32>
        %parallel_loop3A_1013 = arith.addf %parallel_loop3A_1012, %parallel_loop3A_1005 : vector<16xf32>
        %parallel_loop3A_1014 = arith.constant 0 : i32
        %parallel_loop3A_1015 = arith.constant 5 : i32
        %parallel_loop3A_1016 = arith.index_cast %parallel_loop3A_1014 : i32 to index
        %parallel_loop3A_1017 = arith.index_cast %parallel_loop3A_1015 : i32 to index
        %parallel_loop3A_1018 = arith.index_cast %parallel_loop3A_655 : i32 to index
        %parallel_loop3A_1019 = tpu.vector_load %arg5[%parallel_loop3A_1016, %parallel_loop3A_1017, %parallel_loop3A_1018] {strides = array<i32>} : memref<4x8x1024xf32, #tpu.memory_space<vmem>>, vector<1x1x16xf32>,
        %parallel_loop3A_1020 = vector.shape_cast %parallel_loop3A_1019 : vector<1x1x16xf32> to vector<16xf32>
        %parallel_loop3A_1021 = vector.shape_cast %parallel_loop3A_1013 : vector<16xf32> to vector<1x1x16xf32>
        tpu.vector_store %arg5[%parallel_loop3A_1016, %parallel_loop3A_1017, %parallel_loop3A_1018], %parallel_loop3A_1021 {strides = array<i32>} : memref<4x8x1024xf32, #tpu.memory_space<vmem>>, vector<1x1x16xf32>,
        %parallel_loop3A_1022 = arith.constant 1 : i32
        %parallel_loop3A_1023 = arith.constant 5 : i32
        %parallel_loop3A_1024 = arith.index_cast %parallel_loop3A_1022 : i32 to index
        %parallel_loop3A_1025 = arith.index_cast %parallel_loop3A_1023 : i32 to index
        %parallel_loop3A_1026 = arith.index_cast %parallel_loop3A_655 : i32 to index
        %parallel_loop3A_1027 = tpu.vector_load %arg5[%parallel_loop3A_1024, %parallel_loop3A_1025, %parallel_loop3A_1026] {strides = array<i32>} : memref<4x8x1024xf32, #tpu.memory_space<vmem>>, vector<1x1x16xf32>,
        %parallel_loop3A_1028 = vector.shape_cast %parallel_loop3A_1027 : vector<1x1x16xf32> to vector<16xf32>
        %parallel_loop3A_1029 = arith.addf %parallel_loop3A_1028, %parallel_loop3A_1005 : vector<16xf32>
        %parallel_loop3A_1030 = arith.constant 1 : i32
        %parallel_loop3A_1031 = arith.constant 5 : i32
        %parallel_loop3A_1032 = arith.index_cast %parallel_loop3A_1030 : i32 to index
        %parallel_loop3A_1033 = arith.index_cast %parallel_loop3A_1031 : i32 to index
        %parallel_loop3A_1034 = arith.index_cast %parallel_loop3A_655 : i32 to index
        %parallel_loop3A_1035 = tpu.vector_load %arg5[%parallel_loop3A_1032, %parallel_loop3A_1033, %parallel_loop3A_1034] {strides = array<i32>} : memref<4x8x1024xf32, #tpu.memory_space<vmem>>, vector<1x1x16xf32>,
        %parallel_loop3A_1036 = vector.shape_cast %parallel_loop3A_1035 : vector<1x1x16xf32> to vector<16xf32>
        %parallel_loop3A_1037 = vector.shape_cast %parallel_loop3A_1029 : vector<16xf32> to vector<1x1x16xf32>
        tpu.vector_store %arg5[%parallel_loop3A_1032, %parallel_loop3A_1033, %parallel_loop3A_1034], %parallel_loop3A_1037 {strides = array<i32>} : memref<4x8x1024xf32, #tpu.memory_space<vmem>>, vector<1x1x16xf32>,
        %parallel_loop3A_1038 = arith.constant 2 : i32
        %parallel_loop3A_1039 = arith.constant 5 : i32
        %parallel_loop3A_1040 = arith.index_cast %parallel_loop3A_1038 : i32 to index
        %parallel_loop3A_1041 = arith.index_cast %parallel_loop3A_1039 : i32 to index
        %parallel_loop3A_1042 = arith.index_cast %parallel_loop3A_655 : i32 to index
        %parallel_loop3A_1043 = tpu.vector_load %arg5[%parallel_loop3A_1040, %parallel_loop3A_1041, %parallel_loop3A_1042] {strides = array<i32>} : memref<4x8x1024xf32, #tpu.memory_space<vmem>>, vector<1x1x16xf32>,
        %parallel_loop3A_1044 = vector.shape_cast %parallel_loop3A_1043 : vector<1x1x16xf32> to vector<16xf32>
        %parallel_loop3A_1045 = arith.addf %parallel_loop3A_1044, %parallel_loop3A_1005 : vector<16xf32>
        %parallel_loop3A_1046 = arith.constant 2 : i32
        %parallel_loop3A_1047 = arith.constant 5 : i32
        %parallel_loop3A_1048 = arith.index_cast %parallel_loop3A_1046 : i32 to index
        %parallel_loop3A_1049 = arith.index_cast %parallel_loop3A_1047 : i32 to index
        %parallel_loop3A_1050 = arith.index_cast %parallel_loop3A_655 : i32 to index
        %parallel_loop3A_1051 = tpu.vector_load %arg5[%parallel_loop3A_1048, %parallel_loop3A_1049, %parallel_loop3A_1050] {strides = array<i32>} : memref<4x8x1024xf32, #tpu.memory_space<vmem>>, vector<1x1x16xf32>,
        %parallel_loop3A_1052 = vector.shape_cast %parallel_loop3A_1051 : vector<1x1x16xf32> to vector<16xf32>
        %parallel_loop3A_1053 = vector.shape_cast %parallel_loop3A_1045 : vector<16xf32> to vector<1x1x16xf32>
        tpu.vector_store %arg5[%parallel_loop3A_1048, %parallel_loop3A_1049, %parallel_loop3A_1050], %parallel_loop3A_1053 {strides = array<i32>} : memref<4x8x1024xf32, #tpu.memory_space<vmem>>, vector<1x1x16xf32>,
        %parallel_loop3A_1054 = arith.constant 3 : i32
        %parallel_loop3A_1055 = arith.constant 5 : i32
        %parallel_loop3A_1056 = arith.index_cast %parallel_loop3A_1054 : i32 to index
        %parallel_loop3A_1057 = arith.index_cast %parallel_loop3A_1055 : i32 to index
        %parallel_loop3A_1058 = arith.index_cast %parallel_loop3A_655 : i32 to index
        %parallel_loop3A_1059 = tpu.vector_load %arg5[%parallel_loop3A_1056, %parallel_loop3A_1057, %parallel_loop3A_1058] {strides = array<i32>} : memref<4x8x1024xf32, #tpu.memory_space<vmem>>, vector<1x1x16xf32>,
        %parallel_loop3A_1060 = vector.shape_cast %parallel_loop3A_1059 : vector<1x1x16xf32> to vector<16xf32>
        %parallel_loop3A_1061 = arith.addf %parallel_loop3A_1060, %parallel_loop3A_1005 : vector<16xf32>
        %parallel_loop3A_1062 = arith.constant 3 : i32
        %parallel_loop3A_1063 = arith.constant 5 : i32
        %parallel_loop3A_1064 = arith.index_cast %parallel_loop3A_1062 : i32 to index
        %parallel_loop3A_1065 = arith.index_cast %parallel_loop3A_1063 : i32 to index
        %parallel_loop3A_1066 = arith.index_cast %parallel_loop3A_655 : i32 to index
        %parallel_loop3A_1067 = tpu.vector_load %arg5[%parallel_loop3A_1064, %parallel_loop3A_1065, %parallel_loop3A_1066] {strides = array<i32>} : memref<4x8x1024xf32, #tpu.memory_space<vmem>>, vector<1x1x16xf32>,
        %parallel_loop3A_1068 = vector.shape_cast %parallel_loop3A_1067 : vector<1x1x16xf32> to vector<16xf32>
        %parallel_loop3A_1069 = vector.shape_cast %parallel_loop3A_1061 : vector<16xf32> to vector<1x1x16xf32>
        tpu.vector_store %arg5[%parallel_loop3A_1064, %parallel_loop3A_1065, %parallel_loop3A_1066], %parallel_loop3A_1069 {strides = array<i32>} : memref<4x8x1024xf32, #tpu.memory_space<vmem>>, vector<1x1x16xf32>,
        %parallel_loop3A_1070 = arith.constant 6 : i32
        %parallel_loop3A_1071 = arith.index_cast %parallel_loop3A_1070 : i32 to index
        %parallel_loop3A_1072 = arith.index_cast %parallel_loop3A_655 : i32 to index
        %parallel_loop3A_1073 = tpu.vector_load %arg7[%parallel_loop3A_1071, %parallel_loop3A_1072] {strides = array<i32>} : memref<8x1024xf32, #tpu.memory_space<vmem>>, vector<1x16xf32>,
        %parallel_loop3A_1074 = vector.shape_cast %parallel_loop3A_1073 : vector<1x16xf32> to vector<16xf32>
        %parallel_loop3A_1075 = arith.constant 0 : i32
        %parallel_loop3A_1076 = arith.constant 6 : i32
        %parallel_loop3A_1077 = arith.index_cast %parallel_loop3A_1075 : i32 to index
        %parallel_loop3A_1078 = arith.index_cast %parallel_loop3A_1076 : i32 to index
        %parallel_loop3A_1079 = arith.index_cast %parallel_loop3A_655 : i32 to index
        %parallel_loop3A_1080 = tpu.vector_load %arg5[%parallel_loop3A_1077, %parallel_loop3A_1078, %parallel_loop3A_1079] {strides = array<i32>} : memref<4x8x1024xf32, #tpu.memory_space<vmem>>, vector<1x1x16xf32>,
        %parallel_loop3A_1081 = vector.shape_cast %parallel_loop3A_1080 : vector<1x1x16xf32> to vector<16xf32>
        %parallel_loop3A_1082 = arith.addf %parallel_loop3A_1081, %parallel_loop3A_1074 : vector<16xf32>
        %parallel_loop3A_1083 = arith.constant 0 : i32
        %parallel_loop3A_1084 = arith.constant 6 : i32
        %parallel_loop3A_1085 = arith.index_cast %parallel_loop3A_1083 : i32 to index
        %parallel_loop3A_1086 = arith.index_cast %parallel_loop3A_1084 : i32 to index
        %parallel_loop3A_1087 = arith.index_cast %parallel_loop3A_655 : i32 to index
        %parallel_loop3A_1088 = tpu.vector_load %arg5[%parallel_loop3A_1085, %parallel_loop3A_1086, %parallel_loop3A_1087] {strides = array<i32>} : memref<4x8x1024xf32, #tpu.memory_space<vmem>>, vector<1x1x16xf32>,
        %parallel_loop3A_1089 = vector.shape_cast %parallel_loop3A_1088 : vector<1x1x16xf32> to vector<16xf32>
        %parallel_loop3A_1090 = vector.shape_cast %parallel_loop3A_1082 : vector<16xf32> to vector<1x1x16xf32>
        tpu.vector_store %arg5[%parallel_loop3A_1085, %parallel_loop3A_1086, %parallel_loop3A_1087], %parallel_loop3A_1090 {strides = array<i32>} : memref<4x8x1024xf32, #tpu.memory_space<vmem>>, vector<1x1x16xf32>,
        %parallel_loop3A_1091 = arith.constant 1 : i32
        %parallel_loop3A_1092 = arith.constant 6 : i32
        %parallel_loop3A_1093 = arith.index_cast %parallel_loop3A_1091 : i32 to index
        %parallel_loop3A_1094 = arith.index_cast %parallel_loop3A_1092 : i32 to index
        %parallel_loop3A_1095 = arith.index_cast %parallel_loop3A_655 : i32 to index
        %parallel_loop3A_1096 = tpu.vector_load %arg5[%parallel_loop3A_1093, %parallel_loop3A_1094, %parallel_loop3A_1095] {strides = array<i32>} : memref<4x8x1024xf32, #tpu.memory_space<vmem>>, vector<1x1x16xf32>,
        %parallel_loop3A_1097 = vector.shape_cast %parallel_loop3A_1096 : vector<1x1x16xf32> to vector<16xf32>
        %parallel_loop3A_1098 = arith.addf %parallel_loop3A_1097, %parallel_loop3A_1074 : vector<16xf32>
        %parallel_loop3A_1099 = arith.constant 1 : i32
        %parallel_loop3A_1100 = arith.constant 6 : i32
        %parallel_loop3A_1101 = arith.index_cast %parallel_loop3A_1099 : i32 to index
        %parallel_loop3A_1102 = arith.index_cast %parallel_loop3A_1100 : i32 to index
        %parallel_loop3A_1103 = arith.index_cast %parallel_loop3A_655 : i32 to index
        %parallel_loop3A_1104 = tpu.vector_load %arg5[%parallel_loop3A_1101, %parallel_loop3A_1102, %parallel_loop3A_1103] {strides = array<i32>} : memref<4x8x1024xf32, #tpu.memory_space<vmem>>, vector<1x1x16xf32>,
        %parallel_loop3A_1105 = vector.shape_cast %parallel_loop3A_1104 : vector<1x1x16xf32> to vector<16xf32>
        %parallel_loop3A_1106 = vector.shape_cast %parallel_loop3A_1098 : vector<16xf32> to vector<1x1x16xf32>
        tpu.vector_store %arg5[%parallel_loop3A_1101, %parallel_loop3A_1102, %parallel_loop3A_1103], %parallel_loop3A_1106 {strides = array<i32>} : memref<4x8x1024xf32, #tpu.memory_space<vmem>>, vector<1x1x16xf32>,
        %parallel_loop3A_1107 = arith.constant 2 : i32
        %parallel_loop3A_1108 = arith.constant 6 : i32
        %parallel_loop3A_1109 = arith.index_cast %parallel_loop3A_1107 : i32 to index
        %parallel_loop3A_1110 = arith.index_cast %parallel_loop3A_1108 : i32 to index
        %parallel_loop3A_1111 = arith.index_cast %parallel_loop3A_655 : i32 to index
        %parallel_loop3A_1112 = tpu.vector_load %arg5[%parallel_loop3A_1109, %parallel_loop3A_1110, %parallel_loop3A_1111] {strides = array<i32>} : memref<4x8x1024xf32, #tpu.memory_space<vmem>>, vector<1x1x16xf32>,
        %parallel_loop3A_1113 = vector.shape_cast %parallel_loop3A_1112 : vector<1x1x16xf32> to vector<16xf32>
        %parallel_loop3A_1114 = arith.addf %parallel_loop3A_1113, %parallel_loop3A_1074 : vector<16xf32>
        %parallel_loop3A_1115 = arith.constant 2 : i32
        %parallel_loop3A_1116 = arith.constant 6 : i32
        %parallel_loop3A_1117 = arith.index_cast %parallel_loop3A_1115 : i32 to index
        %parallel_loop3A_1118 = arith.index_cast %parallel_loop3A_1116 : i32 to index
        %parallel_loop3A_1119 = arith.index_cast %parallel_loop3A_655 : i32 to index
        %parallel_loop3A_1120 = tpu.vector_load %arg5[%parallel_loop3A_1117, %parallel_loop3A_1118, %parallel_loop3A_1119] {strides = array<i32>} : memref<4x8x1024xf32, #tpu.memory_space<vmem>>, vector<1x1x16xf32>,
        %parallel_loop3A_1121 = vector.shape_cast %parallel_loop3A_1120 : vector<1x1x16xf32> to vector<16xf32>
        %parallel_loop3A_1122 = vector.shape_cast %parallel_loop3A_1114 : vector<16xf32> to vector<1x1x16xf32>
        tpu.vector_store %arg5[%parallel_loop3A_1117, %parallel_loop3A_1118, %parallel_loop3A_1119], %parallel_loop3A_1122 {strides = array<i32>} : memref<4x8x1024xf32, #tpu.memory_space<vmem>>, vector<1x1x16xf32>,
        %parallel_loop3A_1123 = arith.constant 3 : i32
        %parallel_loop3A_1124 = arith.constant 6 : i32
        %parallel_loop3A_1125 = arith.index_cast %parallel_loop3A_1123 : i32 to index
        %parallel_loop3A_1126 = arith.index_cast %parallel_loop3A_1124 : i32 to index
        %parallel_loop3A_1127 = arith.index_cast %parallel_loop3A_655 : i32 to index
        %parallel_loop3A_1128 = tpu.vector_load %arg5[%parallel_loop3A_1125, %parallel_loop3A_1126, %parallel_loop3A_1127] {strides = array<i32>} : memref<4x8x1024xf32, #tpu.memory_space<vmem>>, vector<1x1x16xf32>,
        %parallel_loop3A_1129 = vector.shape_cast %parallel_loop3A_1128 : vector<1x1x16xf32> to vector<16xf32>
        %parallel_loop3A_1130 = arith.addf %parallel_loop3A_1129, %parallel_loop3A_1074 : vector<16xf32>
        %parallel_loop3A_1131 = arith.constant 3 : i32
        %parallel_loop3A_1132 = arith.constant 6 : i32
        %parallel_loop3A_1133 = arith.index_cast %parallel_loop3A_1131 : i32 to index
        %parallel_loop3A_1134 = arith.index_cast %parallel_loop3A_1132 : i32 to index
        %parallel_loop3A_1135 = arith.index_cast %parallel_loop3A_655 : i32 to index
        %parallel_loop3A_1136 = tpu.vector_load %arg5[%parallel_loop3A_1133, %parallel_loop3A_1134, %parallel_loop3A_1135] {strides = array<i32>} : memref<4x8x1024xf32, #tpu.memory_space<vmem>>, vector<1x1x16xf32>,
        %parallel_loop3A_1137 = vector.shape_cast %parallel_loop3A_1136 : vector<1x1x16xf32> to vector<16xf32>
        %parallel_loop3A_1138 = vector.shape_cast %parallel_loop3A_1130 : vector<16xf32> to vector<1x1x16xf32>
        tpu.vector_store %arg5[%parallel_loop3A_1133, %parallel_loop3A_1134, %parallel_loop3A_1135], %parallel_loop3A_1138 {strides = array<i32>} : memref<4x8x1024xf32, #tpu.memory_space<vmem>>, vector<1x1x16xf32>,
        %parallel_loop3A_1139 = arith.constant 7 : i32
        %parallel_loop3A_1140 = arith.index_cast %parallel_loop3A_1139 : i32 to index
        %parallel_loop3A_1141 = arith.index_cast %parallel_loop3A_655 : i32 to index
        %parallel_loop3A_1142 = tpu.vector_load %arg7[%parallel_loop3A_1140, %parallel_loop3A_1141] {strides = array<i32>} : memref<8x1024xf32, #tpu.memory_space<vmem>>, vector<1x16xf32>,
        %parallel_loop3A_1143 = vector.shape_cast %parallel_loop3A_1142 : vector<1x16xf32> to vector<16xf32>
        %parallel_loop3A_1144 = arith.constant 0 : i32
        %parallel_loop3A_1145 = arith.constant 7 : i32
        %parallel_loop3A_1146 = arith.index_cast %parallel_loop3A_1144 : i32 to index
        %parallel_loop3A_1147 = arith.index_cast %parallel_loop3A_1145 : i32 to index
        %parallel_loop3A_1148 = arith.index_cast %parallel_loop3A_655 : i32 to index
        %parallel_loop3A_1149 = tpu.vector_load %arg5[%parallel_loop3A_1146, %parallel_loop3A_1147, %parallel_loop3A_1148] {strides = array<i32>} : memref<4x8x1024xf32, #tpu.memory_space<vmem>>, vector<1x1x16xf32>,
        %parallel_loop3A_1150 = vector.shape_cast %parallel_loop3A_1149 : vector<1x1x16xf32> to vector<16xf32>
        %parallel_loop3A_1151 = arith.addf %parallel_loop3A_1150, %parallel_loop3A_1143 : vector<16xf32>
        %parallel_loop3A_1152 = arith.constant 0 : i32
        %parallel_loop3A_1153 = arith.constant 7 : i32
        %parallel_loop3A_1154 = arith.index_cast %parallel_loop3A_1152 : i32 to index
        %parallel_loop3A_1155 = arith.index_cast %parallel_loop3A_1153 : i32 to index
        %parallel_loop3A_1156 = arith.index_cast %parallel_loop3A_655 : i32 to index
        %parallel_loop3A_1157 = tpu.vector_load %arg5[%parallel_loop3A_1154, %parallel_loop3A_1155, %parallel_loop3A_1156] {strides = array<i32>} : memref<4x8x1024xf32, #tpu.memory_space<vmem>>, vector<1x1x16xf32>,
        %parallel_loop3A_1158 = vector.shape_cast %parallel_loop3A_1157 : vector<1x1x16xf32> to vector<16xf32>
        %parallel_loop3A_1159 = vector.shape_cast %parallel_loop3A_1151 : vector<16xf32> to vector<1x1x16xf32>
        tpu.vector_store %arg5[%parallel_loop3A_1154, %parallel_loop3A_1155, %parallel_loop3A_1156], %parallel_loop3A_1159 {strides = array<i32>} : memref<4x8x1024xf32, #tpu.memory_space<vmem>>, vector<1x1x16xf32>,
        %parallel_loop3A_1160 = arith.constant 1 : i32
        %parallel_loop3A_1161 = arith.constant 7 : i32
        %parallel_loop3A_1162 = arith.index_cast %parallel_loop3A_1160 : i32 to index
        %parallel_loop3A_1163 = arith.index_cast %parallel_loop3A_1161 : i32 to index
        %parallel_loop3A_1164 = arith.index_cast %parallel_loop3A_655 : i32 to index
        %parallel_loop3A_1165 = tpu.vector_load %arg5[%parallel_loop3A_1162, %parallel_loop3A_1163, %parallel_loop3A_1164] {strides = array<i32>} : memref<4x8x1024xf32, #tpu.memory_space<vmem>>, vector<1x1x16xf32>,
        %parallel_loop3A_1166 = vector.shape_cast %parallel_loop3A_1165 : vector<1x1x16xf32> to vector<16xf32>
        %parallel_loop3A_1167 = arith.addf %parallel_loop3A_1166, %parallel_loop3A_1143 : vector<16xf32>
        %parallel_loop3A_1168 = arith.constant 1 : i32
        %parallel_loop3A_1169 = arith.constant 7 : i32
        %parallel_loop3A_1170 = arith.index_cast %parallel_loop3A_1168 : i32 to index
        %parallel_loop3A_1171 = arith.index_cast %parallel_loop3A_1169 : i32 to index
        %parallel_loop3A_1172 = arith.index_cast %parallel_loop3A_655 : i32 to index
        %parallel_loop3A_1173 = tpu.vector_load %arg5[%parallel_loop3A_1170, %parallel_loop3A_1171, %parallel_loop3A_1172] {strides = array<i32>} : memref<4x8x1024xf32, #tpu.memory_space<vmem>>, vector<1x1x16xf32>,
        %parallel_loop3A_1174 = vector.shape_cast %parallel_loop3A_1173 : vector<1x1x16xf32> to vector<16xf32>
        %parallel_loop3A_1175 = vector.shape_cast %parallel_loop3A_1167 : vector<16xf32> to vector<1x1x16xf32>
        tpu.vector_store %arg5[%parallel_loop3A_1170, %parallel_loop3A_1171, %parallel_loop3A_1172], %parallel_loop3A_1175 {strides = array<i32>} : memref<4x8x1024xf32, #tpu.memory_space<vmem>>, vector<1x1x16xf32>,
        %parallel_loop3A_1176 = arith.constant 2 : i32
        %parallel_loop3A_1177 = arith.constant 7 : i32
        %parallel_loop3A_1178 = arith.index_cast %parallel_loop3A_1176 : i32 to index
        %parallel_loop3A_1179 = arith.index_cast %parallel_loop3A_1177 : i32 to index
        %parallel_loop3A_1180 = arith.index_cast %parallel_loop3A_655 : i32 to index
        %parallel_loop3A_1181 = tpu.vector_load %arg5[%parallel_loop3A_1178, %parallel_loop3A_1179, %parallel_loop3A_1180] {strides = array<i32>} : memref<4x8x1024xf32, #tpu.memory_space<vmem>>, vector<1x1x16xf32>,
        %parallel_loop3A_1182 = vector.shape_cast %parallel_loop3A_1181 : vector<1x1x16xf32> to vector<16xf32>
        %parallel_loop3A_1183 = arith.addf %parallel_loop3A_1182, %parallel_loop3A_1143 : vector<16xf32>
        %parallel_loop3A_1184 = arith.constant 2 : i32
        %parallel_loop3A_1185 = arith.constant 7 : i32
        %parallel_loop3A_1186 = arith.index_cast %parallel_loop3A_1184 : i32 to index
        %parallel_loop3A_1187 = arith.index_cast %parallel_loop3A_1185 : i32 to index
        %parallel_loop3A_1188 = arith.index_cast %parallel_loop3A_655 : i32 to index
        %parallel_loop3A_1189 = tpu.vector_load %arg5[%parallel_loop3A_1186, %parallel_loop3A_1187, %parallel_loop3A_1188] {strides = array<i32>} : memref<4x8x1024xf32, #tpu.memory_space<vmem>>, vector<1x1x16xf32>,
        %parallel_loop3A_1190 = vector.shape_cast %parallel_loop3A_1189 : vector<1x1x16xf32> to vector<16xf32>
        %parallel_loop3A_1191 = vector.shape_cast %parallel_loop3A_1183 : vector<16xf32> to vector<1x1x16xf32>
        tpu.vector_store %arg5[%parallel_loop3A_1186, %parallel_loop3A_1187, %parallel_loop3A_1188], %parallel_loop3A_1191 {strides = array<i32>} : memref<4x8x1024xf32, #tpu.memory_space<vmem>>, vector<1x1x16xf32>,
        %parallel_loop3A_1192 = arith.constant 3 : i32
        %parallel_loop3A_1193 = arith.constant 7 : i32
        %parallel_loop3A_1194 = arith.index_cast %parallel_loop3A_1192 : i32 to index
        %parallel_loop3A_1195 = arith.index_cast %parallel_loop3A_1193 : i32 to index
        %parallel_loop3A_1196 = arith.index_cast %parallel_loop3A_655 : i32 to index
        %parallel_loop3A_1197 = tpu.vector_load %arg5[%parallel_loop3A_1194, %parallel_loop3A_1195, %parallel_loop3A_1196] {strides = array<i32>} : memref<4x8x1024xf32, #tpu.memory_space<vmem>>, vector<1x1x16xf32>,
        %parallel_loop3A_1198 = vector.shape_cast %parallel_loop3A_1197 : vector<1x1x16xf32> to vector<16xf32>
        %parallel_loop3A_1199 = arith.addf %parallel_loop3A_1198, %parallel_loop3A_1143 : vector<16xf32>
        %parallel_loop3A_1200 = arith.constant 3 : i32
        %parallel_loop3A_1201 = arith.constant 7 : i32
        %parallel_loop3A_1202 = arith.index_cast %parallel_loop3A_1200 : i32 to index
        %parallel_loop3A_1203 = arith.index_cast %parallel_loop3A_1201 : i32 to index
        %parallel_loop3A_1204 = arith.index_cast %parallel_loop3A_655 : i32 to index
        %parallel_loop3A_1205 = tpu.vector_load %arg5[%parallel_loop3A_1202, %parallel_loop3A_1203, %parallel_loop3A_1204] {strides = array<i32>} : memref<4x8x1024xf32, #tpu.memory_space<vmem>>, vector<1x1x16xf32>,
        %parallel_loop3A_1206 = vector.shape_cast %parallel_loop3A_1205 : vector<1x1x16xf32> to vector<16xf32>
        %parallel_loop3A_1207 = vector.shape_cast %parallel_loop3A_1199 : vector<16xf32> to vector<1x1x16xf32>
        tpu.vector_store %arg5[%parallel_loop3A_1202, %parallel_loop3A_1203, %parallel_loop3A_1204], %parallel_loop3A_1207 {strides = array<i32>} : memref<4x8x1024xf32, #tpu.memory_space<vmem>>, vector<1x1x16xf32>,
      } {sc.loop_unroll_factor = 2 : i64, sc.parallel_access}
      %mul3A_252 = arith.constant 8 : i32
      %mul3A_253 = arith.muli %mul3A_165, %mul3A_252 : i32
      %add3A_254 = arith.addi %mul3A_2, %mul3A_253 : i32
      %dma_start3A_255 = arith.constant 0 : i32
      %dma_start3A_256 = arith.constant 0 : i32
      %dma_start3A_257 = arith.constant 0 : i32
      %dma_start3A_258 = arith.constant 0 : i32
      %dma_start3A_259 = tpu.memref_slice %arg5[%dma_start3A_255, %dma_start3A_257, %dma_start3A_258] : memref<4x8x1024xf32, #tpu.memory_space<vmem>> -> memref<1x8x1024xf32, #tpu.memory_space<vmem>>
      %dma_start3A_260 = tpu.memref_squeeze %dma_start3A_259 : memref<1x8x1024xf32, #tpu.memory_space<vmem>> -> memref<8x1024xf32, #tpu.memory_space<vmem>>
      %dma_start3A_261 = arith.constant 0 : i32
      %dma_start3A_262 = tpu.memref_slice %arg4[%dma_start3A_256, %add3A_254, %dma_start3A_261] : memref<4x8192x1024xf32, #tpu.memory_space<hbm>> -> memref<1x8x1024xf32, #tpu.memory_space<hbm>>
      %dma_start3A_263 = tpu.memref_squeeze %dma_start3A_262 : memref<1x8x1024xf32, #tpu.memory_space<hbm>> -> memref<8x1024xf32, #tpu.memory_space<hbm>>
      %dma_start3A_264 = arith.constant 0 : i32
      %dma_start3A_265 = tpu.memref_slice %arg4[%dma_start3A_256, %add3A_254, %dma_start3A_264] : memref<4x8192x1024xf32, #tpu.memory_space<hbm>> -> memref<1x8x1024xf32, #tpu.memory_space<hbm>>
      %dma_start3A_266 = tpu.memref_squeeze %dma_start3A_265 : memref<1x8x1024xf32, #tpu.memory_space<hbm>> -> memref<8x1024xf32, #tpu.memory_space<hbm>>
      %dma_start3A_267 = arith.constant 0 : i32
      %dma_start3A_268 = arith.constant 0 : i32
      %dma_start3A_269 = tpu.memref_slice %arg5[%dma_start3A_255, %dma_start3A_267, %dma_start3A_268] : memref<4x8x1024xf32, #tpu.memory_space<vmem>> -> memref<1x8x1024xf32, #tpu.memory_space<vmem>>
      %dma_start3A_270 = tpu.memref_squeeze %dma_start3A_269 : memref<1x8x1024xf32, #tpu.memory_space<vmem>> -> memref<8x1024xf32, #tpu.memory_space<vmem>>
      tpu.enqueue_dma source(%dma_start3A_270 : memref<8x1024xf32, #tpu.memory_space<vmem>>) target(%dma_start3A_266 : memref<8x1024xf32, #tpu.memory_space<hbm>>) target_semaphore(%arg13 : memref<!tpu.dma_semaphore, #tpu.memory_space<semaphore_mem>>)
      %mul3A_271 = arith.constant 8 : i32
      %mul3A_272 = arith.muli %mul3A_165, %mul3A_271 : i32
      %add3A_273 = arith.addi %mul3A_2, %mul3A_272 : i32
      %dma_start3A_274 = arith.constant 1 : i32
      %dma_start3A_275 = arith.constant 1 : i32
      %dma_start3A_276 = arith.constant 0 : i32
      %dma_start3A_277 = arith.constant 0 : i32
      %dma_start3A_278 = tpu.memref_slice %arg5[%dma_start3A_274, %dma_start3A_276, %dma_start3A_277] : memref<4x8x1024xf32, #tpu.memory_space<vmem>> -> memref<1x8x1024xf32, #tpu.memory_space<vmem>>
      %dma_start3A_279 = tpu.memref_squeeze %dma_start3A_278 : memref<1x8x1024xf32, #tpu.memory_space<vmem>> -> memref<8x1024xf32, #tpu.memory_space<vmem>>
      %dma_start3A_280 = arith.constant 0 : i32
      %dma_start3A_281 = tpu.memref_slice %arg4[%dma_start3A_275, %add3A_273, %dma_start3A_280] : memref<4x8192x1024xf32, #tpu.memory_space<hbm>> -> memref<1x8x1024xf32, #tpu.memory_space<hbm>>
      %dma_start3A_282 = tpu.memref_squeeze %dma_start3A_281 : memref<1x8x1024xf32, #tpu.memory_space<hbm>> -> memref<8x1024xf32, #tpu.memory_space<hbm>>
      %dma_start3A_283 = arith.constant 0 : i32
      %dma_start3A_284 = tpu.memref_slice %arg4[%dma_start3A_275, %add3A_273, %dma_start3A_283] : memref<4x8192x1024xf32, #tpu.memory_space<hbm>> -> memref<1x8x1024xf32, #tpu.memory_space<hbm>>
      %dma_start3A_285 = tpu.memref_squeeze %dma_start3A_284 : memref<1x8x1024xf32, #tpu.memory_space<hbm>> -> memref<8x1024xf32, #tpu.memory_space<hbm>>
      %dma_start3A_286 = arith.constant 0 : i32
      %dma_start3A_287 = arith.constant 0 : i32
      %dma_start3A_288 = tpu.memref_slice %arg5[%dma_start3A_274, %dma_start3A_286, %dma_start3A_287] : memref<4x8x1024xf32, #tpu.memory_space<vmem>> -> memref<1x8x1024xf32, #tpu.memory_space<vmem>>
      %dma_start3A_289 = tpu.memref_squeeze %dma_start3A_288 : memref<1x8x1024xf32, #tpu.memory_space<vmem>> -> memref<8x1024xf32, #tpu.memory_space<vmem>>
      tpu.enqueue_dma source(%dma_start3A_289 : memref<8x1024xf32, #tpu.memory_space<vmem>>) target(%dma_start3A_285 : memref<8x1024xf32, #tpu.memory_space<hbm>>) target_semaphore(%arg13 : memref<!tpu.dma_semaphore, #tpu.memory_space<semaphore_mem>>)
      %mul3A_290 = arith.constant 8 : i32
      %mul3A_291 = arith.muli %mul3A_165, %mul3A_290 : i32
      %add3A_292 = arith.addi %mul3A_2, %mul3A_291 : i32
      %dma_start3A_293 = arith.constant 2 : i32
      %dma_start3A_294 = arith.constant 2 : i32
      %dma_start3A_295 = arith.constant 0 : i32
      %dma_start3A_296 = arith.constant 0 : i32
      %dma_start3A_297 = tpu.memref_slice %arg5[%dma_start3A_293, %dma_start3A_295, %dma_start3A_296] : memref<4x8x1024xf32, #tpu.memory_space<vmem>> -> memref<1x8x1024xf32, #tpu.memory_space<vmem>>
      %dma_start3A_298 = tpu.memref_squeeze %dma_start3A_297 : memref<1x8x1024xf32, #tpu.memory_space<vmem>> -> memref<8x1024xf32, #tpu.memory_space<vmem>>
      %dma_start3A_299 = arith.constant 0 : i32
      %dma_start3A_300 = tpu.memref_slice %arg4[%dma_start3A_294, %add3A_292, %dma_start3A_299] : memref<4x8192x1024xf32, #tpu.memory_space<hbm>> -> memref<1x8x1024xf32, #tpu.memory_space<hbm>>
      %dma_start3A_301 = tpu.memref_squeeze %dma_start3A_300 : memref<1x8x1024xf32, #tpu.memory_space<hbm>> -> memref<8x1024xf32, #tpu.memory_space<hbm>>
      %dma_start3A_302 = arith.constant 0 : i32
      %dma_start3A_303 = tpu.memref_slice %arg4[%dma_start3A_294, %add3A_292, %dma_start3A_302] : memref<4x8192x1024xf32, #tpu.memory_space<hbm>> -> memref<1x8x1024xf32, #tpu.memory_space<hbm>>
      %dma_start3A_304 = tpu.memref_squeeze %dma_start3A_303 : memref<1x8x1024xf32, #tpu.memory_space<hbm>> -> memref<8x1024xf32, #tpu.memory_space<hbm>>
      %dma_start3A_305 = arith.constant 0 : i32
      %dma_start3A_306 = arith.constant 0 : i32
      %dma_start3A_307 = tpu.memref_slice %arg5[%dma_start3A_293, %dma_start3A_305, %dma_start3A_306] : memref<4x8x1024xf32, #tpu.memory_space<vmem>> -> memref<1x8x1024xf32, #tpu.memory_space<vmem>>
      %dma_start3A_308 = tpu.memref_squeeze %dma_start3A_307 : memref<1x8x1024xf32, #tpu.memory_space<vmem>> -> memref<8x1024xf32, #tpu.memory_space<vmem>>
      tpu.enqueue_dma source(%dma_start3A_308 : memref<8x1024xf32, #tpu.memory_space<vmem>>) target(%dma_start3A_304 : memref<8x1024xf32, #tpu.memory_space<hbm>>) target_semaphore(%arg13 : memref<!tpu.dma_semaphore, #tpu.memory_space<semaphore_mem>>)
      %mul3A_309 = arith.constant 8 : i32
      %mul3A_310 = arith.muli %mul3A_165, %mul3A_309 : i32
      %add3A_311 = arith.addi %mul3A_2, %mul3A_310 : i32
      %dma_start3A_312 = arith.constant 3 : i32
      %dma_start3A_313 = arith.constant 3 : i32
      %dma_start3A_314 = arith.constant 0 : i32
      %dma_start3A_315 = arith.constant 0 : i32
      %dma_start3A_316 = tpu.memref_slice %arg5[%dma_start3A_312, %dma_start3A_314, %dma_start3A_315] : memref<4x8x1024xf32, #tpu.memory_space<vmem>> -> memref<1x8x1024xf32, #tpu.memory_space<vmem>>
      %dma_start3A_317 = tpu.memref_squeeze %dma_start3A_316 : memref<1x8x1024xf32, #tpu.memory_space<vmem>> -> memref<8x1024xf32, #tpu.memory_space<vmem>>
      %dma_start3A_318 = arith.constant 0 : i32
      %dma_start3A_319 = tpu.memref_slice %arg4[%dma_start3A_313, %add3A_311, %dma_start3A_318] : memref<4x8192x1024xf32, #tpu.memory_space<hbm>> -> memref<1x8x1024xf32, #tpu.memory_space<hbm>>
      %dma_start3A_320 = tpu.memref_squeeze %dma_start3A_319 : memref<1x8x1024xf32, #tpu.memory_space<hbm>> -> memref<8x1024xf32, #tpu.memory_space<hbm>>
      %dma_start3A_321 = arith.constant 0 : i32
      %dma_start3A_322 = tpu.memref_slice %arg4[%dma_start3A_313, %add3A_311, %dma_start3A_321] : memref<4x8192x1024xf32, #tpu.memory_space<hbm>> -> memref<1x8x1024xf32, #tpu.memory_space<hbm>>
      %dma_start3A_323 = tpu.memref_squeeze %dma_start3A_322 : memref<1x8x1024xf32, #tpu.memory_space<hbm>> -> memref<8x1024xf32, #tpu.memory_space<hbm>>
      %dma_start3A_324 = arith.constant 0 : i32
      %dma_start3A_325 = arith.constant 0 : i32
      %dma_start3A_326 = tpu.memref_slice %arg5[%dma_start3A_312, %dma_start3A_324, %dma_start3A_325] : memref<4x8x1024xf32, #tpu.memory_space<vmem>> -> memref<1x8x1024xf32, #tpu.memory_space<vmem>>
      %dma_start3A_327 = tpu.memref_squeeze %dma_start3A_326 : memref<1x8x1024xf32, #tpu.memory_space<vmem>> -> memref<8x1024xf32, #tpu.memory_space<vmem>>
      tpu.enqueue_dma source(%dma_start3A_327 : memref<8x1024xf32, #tpu.memory_space<vmem>>) target(%dma_start3A_323 : memref<8x1024xf32, #tpu.memory_space<hbm>>) target_semaphore(%arg13 : memref<!tpu.dma_semaphore, #tpu.memory_space<semaphore_mem>>)
      %mul3A_328 = arith.constant 8 : i32
      %mul3A_329 = arith.muli %add3A_167, %mul3A_328 : i32
      %add3A_330 = arith.addi %mul3A_2, %mul3A_329 : i32
      %dma_wait3A_331 = arith.constant 0 : i32
      %dma_wait3A_332 = tpu.memref_slice %arg3[%add3A_330, %dma_wait3A_331] : memref<8192x1024xf32, #tpu.memory_space<hbm>> -> memref<8x1024xf32, #tpu.memory_space<hbm>>
      %dma_wait3A_333 = arith.constant 0 : i32
      %dma_wait3A_334 = tpu.memref_slice %arg3[%add3A_330, %dma_wait3A_333] : memref<8192x1024xf32, #tpu.memory_space<hbm>> -> memref<8x1024xf32, #tpu.memory_space<hbm>>
      tpu.wait_dma2 semaphore(%arg12 : memref<!tpu.dma_semaphore, #tpu.memory_space<semaphore_mem>>) src(%dma_wait3A_334 : memref<8x1024xf32, #tpu.memory_space<hbm>>) dst(%arg8 : memref<8x1024xf32, #tpu.memory_space<vmem>>)
      %mul3A_335 = arith.constant 8 : i32
      %mul3A_336 = arith.muli %add3A_167, %mul3A_335 : i32
      %add3A_337 = arith.addi %mul3A_2, %mul3A_336 : i32
      %dma_wait3A_338 = arith.constant 0 : i32
      %dma_wait3A_339 = arith.constant 0 : i32
      %dma_wait3A_340 = arith.constant 0 : i32
      %dma_wait3A_341 = arith.constant 0 : i32
      %dma_wait3A_342 = tpu.memref_slice %arg6[%dma_wait3A_339, %dma_wait3A_340, %dma_wait3A_341] : memref<4x8x1024xf32, #tpu.memory_space<vmem>> -> memref<1x8x1024xf32, #tpu.memory_space<vmem>>
      %dma_wait3A_343 = tpu.memref_squeeze %dma_wait3A_342 : memref<1x8x1024xf32, #tpu.memory_space<vmem>> -> memref<8x1024xf32, #tpu.memory_space<vmem>>
      %dma_wait3A_344 = arith.constant 0 : i32
      %dma_wait3A_345 = tpu.memref_slice %arg2[%dma_wait3A_338, %add3A_337, %dma_wait3A_344] : memref<4x8192x1024xf32, #tpu.memory_space<hbm>> -> memref<1x8x1024xf32, #tpu.memory_space<hbm>>
      %dma_wait3A_346 = tpu.memref_squeeze %dma_wait3A_345 : memref<1x8x1024xf32, #tpu.memory_space<hbm>> -> memref<8x1024xf32, #tpu.memory_space<hbm>>
      %dma_wait3A_347 = arith.constant 0 : i32
      %dma_wait3A_348 = arith.constant 0 : i32
      %dma_wait3A_349 = tpu.memref_slice %arg6[%dma_wait3A_339, %dma_wait3A_347, %dma_wait3A_348] : memref<4x8x1024xf32, #tpu.memory_space<vmem>> -> memref<1x8x1024xf32, #tpu.memory_space<vmem>>
      %dma_wait3A_350 = tpu.memref_squeeze %dma_wait3A_349 : memref<1x8x1024xf32, #tpu.memory_space<vmem>> -> memref<8x1024xf32, #tpu.memory_space<vmem>>
      %dma_wait3A_351 = arith.constant 0 : i32
      %dma_wait3A_352 = tpu.memref_slice %arg2[%dma_wait3A_338, %add3A_337, %dma_wait3A_351] : memref<4x8192x1024xf32, #tpu.memory_space<hbm>> -> memref<1x8x1024xf32, #tpu.memory_space<hbm>>
      %dma_wait3A_353 = tpu.memref_squeeze %dma_wait3A_352 : memref<1x8x1024xf32, #tpu.memory_space<hbm>> -> memref<8x1024xf32, #tpu.memory_space<hbm>>
      tpu.wait_dma2 semaphore(%arg10 : memref<!tpu.dma_semaphore, #tpu.memory_space<semaphore_mem>>) src(%dma_wait3A_353 : memref<8x1024xf32, #tpu.memory_space<hbm>>) dst(%dma_wait3A_350 : memref<8x1024xf32, #tpu.memory_space<vmem>>)
      %mul3A_354 = arith.constant 8 : i32
      %mul3A_355 = arith.muli %add3A_167, %mul3A_354 : i32
      %add3A_356 = arith.addi %mul3A_2, %mul3A_355 : i32
      %dma_wait3A_357 = arith.constant 1 : i32
      %dma_wait3A_358 = arith.constant 1 : i32
      %dma_wait3A_359 = arith.constant 0 : i32
      %dma_wait3A_360 = arith.constant 0 : i32
      %dma_wait3A_361 = tpu.memref_slice %arg6[%dma_wait3A_358, %dma_wait3A_359, %dma_wait3A_360] : memref<4x8x1024xf32, #tpu.memory_space<vmem>> -> memref<1x8x1024xf32, #tpu.memory_space<vmem>>
      %dma_wait3A_362 = tpu.memref_squeeze %dma_wait3A_361 : memref<1x8x1024xf32, #tpu.memory_space<vmem>> -> memref<8x1024xf32, #tpu.memory_space<vmem>>
      %dma_wait3A_363 = arith.constant 0 : i32
      %dma_wait3A_364 = tpu.memref_slice %arg2[%dma_wait3A_357, %add3A_356, %dma_wait3A_363] : memref<4x8192x1024xf32, #tpu.memory_space<hbm>> -> memref<1x8x1024xf32, #tpu.memory_space<hbm>>
      %dma_wait3A_365 = tpu.memref_squeeze %dma_wait3A_364 : memref<1x8x1024xf32, #tpu.memory_space<hbm>> -> memref<8x1024xf32, #tpu.memory_space<hbm>>
      %dma_wait3A_366 = arith.constant 0 : i32
      %dma_wait3A_367 = arith.constant 0 : i32
      %dma_wait3A_368 = tpu.memref_slice %arg6[%dma_wait3A_358, %dma_wait3A_366, %dma_wait3A_367] : memref<4x8x1024xf32, #tpu.memory_space<vmem>> -> memref<1x8x1024xf32, #tpu.memory_space<vmem>>
      %dma_wait3A_369 = tpu.memref_squeeze %dma_wait3A_368 : memref<1x8x1024xf32, #tpu.memory_space<vmem>> -> memref<8x1024xf32, #tpu.memory_space<vmem>>
      %dma_wait3A_370 = arith.constant 0 : i32
      %dma_wait3A_371 = tpu.memref_slice %arg2[%dma_wait3A_357, %add3A_356, %dma_wait3A_370] : memref<4x8192x1024xf32, #tpu.memory_space<hbm>> -> memref<1x8x1024xf32, #tpu.memory_space<hbm>>
      %dma_wait3A_372 = tpu.memref_squeeze %dma_wait3A_371 : memref<1x8x1024xf32, #tpu.memory_space<hbm>> -> memref<8x1024xf32, #tpu.memory_space<hbm>>
      tpu.wait_dma2 semaphore(%arg10 : memref<!tpu.dma_semaphore, #tpu.memory_space<semaphore_mem>>) src(%dma_wait3A_372 : memref<8x1024xf32, #tpu.memory_space<hbm>>) dst(%dma_wait3A_369 : memref<8x1024xf32, #tpu.memory_space<vmem>>)
      %mul3A_373 = arith.constant 8 : i32
      %mul3A_374 = arith.muli %add3A_167, %mul3A_373 : i32
      %add3A_375 = arith.addi %mul3A_2, %mul3A_374 : i32
      %dma_wait3A_376 = arith.constant 2 : i32
      %dma_wait3A_377 = arith.constant 2 : i32
      %dma_wait3A_378 = arith.constant 0 : i32
      %dma_wait3A_379 = arith.constant 0 : i32
      %dma_wait3A_380 = tpu.memref_slice %arg6[%dma_wait3A_377, %dma_wait3A_378, %dma_wait3A_379] : memref<4x8x1024xf32, #tpu.memory_space<vmem>> -> memref<1x8x1024xf32, #tpu.memory_space<vmem>>
      %dma_wait3A_381 = tpu.memref_squeeze %dma_wait3A_380 : memref<1x8x1024xf32, #tpu.memory_space<vmem>> -> memref<8x1024xf32, #tpu.memory_space<vmem>>
      %dma_wait3A_382 = arith.constant 0 : i32
      %dma_wait3A_383 = tpu.memref_slice %arg2[%dma_wait3A_376, %add3A_375, %dma_wait3A_382] : memref<4x8192x1024xf32, #tpu.memory_space<hbm>> -> memref<1x8x1024xf32, #tpu.memory_space<hbm>>
      %dma_wait3A_384 = tpu.memref_squeeze %dma_wait3A_383 : memref<1x8x1024xf32, #tpu.memory_space<hbm>> -> memref<8x1024xf32, #tpu.memory_space<hbm>>
      %dma_wait3A_385 = arith.constant 0 : i32
      %dma_wait3A_386 = arith.constant 0 : i32
      %dma_wait3A_387 = tpu.memref_slice %arg6[%dma_wait3A_377, %dma_wait3A_385, %dma_wait3A_386] : memref<4x8x1024xf32, #tpu.memory_space<vmem>> -> memref<1x8x1024xf32, #tpu.memory_space<vmem>>
      %dma_wait3A_388 = tpu.memref_squeeze %dma_wait3A_387 : memref<1x8x1024xf32, #tpu.memory_space<vmem>> -> memref<8x1024xf32, #tpu.memory_space<vmem>>
      %dma_wait3A_389 = arith.constant 0 : i32
      %dma_wait3A_390 = tpu.memref_slice %arg2[%dma_wait3A_376, %add3A_375, %dma_wait3A_389] : memref<4x8192x1024xf32, #tpu.memory_space<hbm>> -> memref<1x8x1024xf32, #tpu.memory_space<hbm>>
      %dma_wait3A_391 = tpu.memref_squeeze %dma_wait3A_390 : memref<1x8x1024xf32, #tpu.memory_space<hbm>> -> memref<8x1024xf32, #tpu.memory_space<hbm>>
      tpu.wait_dma2 semaphore(%arg10 : memref<!tpu.dma_semaphore, #tpu.memory_space<semaphore_mem>>) src(%dma_wait3A_391 : memref<8x1024xf32, #tpu.memory_space<hbm>>) dst(%dma_wait3A_388 : memref<8x1024xf32, #tpu.memory_space<vmem>>)
      %mul3A_392 = arith.constant 8 : i32
      %mul3A_393 = arith.muli %add3A_167, %mul3A_392 : i32
      %add3A_394 = arith.addi %mul3A_2, %mul3A_393 : i32
      %dma_wait3A_395 = arith.constant 3 : i32
      %dma_wait3A_396 = arith.constant 3 : i32
      %dma_wait3A_397 = arith.constant 0 : i32
      %dma_wait3A_398 = arith.constant 0 : i32
      %dma_wait3A_399 = tpu.memref_slice %arg6[%dma_wait3A_396, %dma_wait3A_397, %dma_wait3A_398] : memref<4x8x1024xf32, #tpu.memory_space<vmem>> -> memref<1x8x1024xf32, #tpu.memory_space<vmem>>
      %dma_wait3A_400 = tpu.memref_squeeze %dma_wait3A_399 : memref<1x8x1024xf32, #tpu.memory_space<vmem>> -> memref<8x1024xf32, #tpu.memory_space<vmem>>
      %dma_wait3A_401 = arith.constant 0 : i32
      %dma_wait3A_402 = tpu.memref_slice %arg2[%dma_wait3A_395, %add3A_394, %dma_wait3A_401] : memref<4x8192x1024xf32, #tpu.memory_space<hbm>> -> memref<1x8x1024xf32, #tpu.memory_space<hbm>>
      %dma_wait3A_403 = tpu.memref_squeeze %dma_wait3A_402 : memref<1x8x1024xf32, #tpu.memory_space<hbm>> -> memref<8x1024xf32, #tpu.memory_space<hbm>>
      %dma_wait3A_404 = arith.constant 0 : i32
      %dma_wait3A_405 = arith.constant 0 : i32
      %dma_wait3A_406 = tpu.memref_slice %arg6[%dma_wait3A_396, %dma_wait3A_404, %dma_wait3A_405] : memref<4x8x1024xf32, #tpu.memory_space<vmem>> -> memref<1x8x1024xf32, #tpu.memory_space<vmem>>
      %dma_wait3A_407 = tpu.memref_squeeze %dma_wait3A_406 : memref<1x8x1024xf32, #tpu.memory_space<vmem>> -> memref<8x1024xf32, #tpu.memory_space<vmem>>
      %dma_wait3A_408 = arith.constant 0 : i32
      %dma_wait3A_409 = tpu.memref_slice %arg2[%dma_wait3A_395, %add3A_394, %dma_wait3A_408] : memref<4x8192x1024xf32, #tpu.memory_space<hbm>> -> memref<1x8x1024xf32, #tpu.memory_space<hbm>>
      %dma_wait3A_410 = tpu.memref_squeeze %dma_wait3A_409 : memref<1x8x1024xf32, #tpu.memory_space<hbm>> -> memref<8x1024xf32, #tpu.memory_space<hbm>>
      tpu.wait_dma2 semaphore(%arg10 : memref<!tpu.dma_semaphore, #tpu.memory_space<semaphore_mem>>) src(%dma_wait3A_410 : memref<8x1024xf32, #tpu.memory_space<hbm>>) dst(%dma_wait3A_407 : memref<8x1024xf32, #tpu.memory_space<vmem>>)
      %parallel_loop3A_411 = arith.constant 0 : i32
      %parallel_loop3A_412 = arith.constant 64 : i32
      %parallel_loop3A_413 = arith.constant 1 : i32
      scf.for %parallel_loop3A_653 = %parallel_loop3A_411 to %parallel_loop3A_412 step %parallel_loop3A_413  : i32 {
        %parallel_loop3A_654 = arith.constant 16 : i32
        %parallel_loop3A_655 = arith.muli %parallel_loop3A_653, %parallel_loop3A_654 : i32
        %parallel_loop3A_656 = arith.constant 0 : i32
        %parallel_loop3A_657 = arith.index_cast %parallel_loop3A_656 : i32 to index
        %parallel_loop3A_658 = arith.index_cast %parallel_loop3A_655 : i32 to index
        %parallel_loop3A_659 = tpu.vector_load %arg8[%parallel_loop3A_657, %parallel_loop3A_658] {strides = array<i32>} : memref<8x1024xf32, #tpu.memory_space<vmem>>, vector<1x16xf32>,
        %parallel_loop3A_660 = vector.shape_cast %parallel_loop3A_659 : vector<1x16xf32> to vector<16xf32>
        %parallel_loop3A_661 = arith.constant 0 : i32
        %parallel_loop3A_662 = arith.constant 0 : i32
        %parallel_loop3A_663 = arith.index_cast %parallel_loop3A_661 : i32 to index
        %parallel_loop3A_664 = arith.index_cast %parallel_loop3A_662 : i32 to index
        %parallel_loop3A_665 = arith.index_cast %parallel_loop3A_655 : i32 to index
        %parallel_loop3A_666 = tpu.vector_load %arg6[%parallel_loop3A_663, %parallel_loop3A_664, %parallel_loop3A_665] {strides = array<i32>} : memref<4x8x1024xf32, #tpu.memory_space<vmem>>, vector<1x1x16xf32>,
        %parallel_loop3A_667 = vector.shape_cast %parallel_loop3A_666 : vector<1x1x16xf32> to vector<16xf32>
        %parallel_loop3A_668 = arith.addf %parallel_loop3A_667, %parallel_loop3A_660 : vector<16xf32>
        %parallel_loop3A_669 = arith.constant 0 : i32
        %parallel_loop3A_670 = arith.constant 0 : i32
        %parallel_loop3A_671 = arith.index_cast %parallel_loop3A_669 : i32 to index
        %parallel_loop3A_672 = arith.index_cast %parallel_loop3A_670 : i32 to index
        %parallel_loop3A_673 = arith.index_cast %parallel_loop3A_655 : i32 to index
        %parallel_loop3A_674 = tpu.vector_load %arg6[%parallel_loop3A_671, %parallel_loop3A_672, %parallel_loop3A_673] {strides = array<i32>} : memref<4x8x1024xf32, #tpu.memory_space<vmem>>, vector<1x1x16xf32>,
        %parallel_loop3A_675 = vector.shape_cast %parallel_loop3A_674 : vector<1x1x16xf32> to vector<16xf32>
        %parallel_loop3A_676 = vector.shape_cast %parallel_loop3A_668 : vector<16xf32> to vector<1x1x16xf32>
        tpu.vector_store %arg6[%parallel_loop3A_671, %parallel_loop3A_672, %parallel_loop3A_673], %parallel_loop3A_676 {strides = array<i32>} : memref<4x8x1024xf32, #tpu.memory_space<vmem>>, vector<1x1x16xf32>,
        %parallel_loop3A_677 = arith.constant 1 : i32
        %parallel_loop3A_678 = arith.constant 0 : i32
        %parallel_loop3A_679 = arith.index_cast %parallel_loop3A_677 : i32 to index
        %parallel_loop3A_680 = arith.index_cast %parallel_loop3A_678 : i32 to index
        %parallel_loop3A_681 = arith.index_cast %parallel_loop3A_655 : i32 to index
        %parallel_loop3A_682 = tpu.vector_load %arg6[%parallel_loop3A_679, %parallel_loop3A_680, %parallel_loop3A_681] {strides = array<i32>} : memref<4x8x1024xf32, #tpu.memory_space<vmem>>, vector<1x1x16xf32>,
        %parallel_loop3A_683 = vector.shape_cast %parallel_loop3A_682 : vector<1x1x16xf32> to vector<16xf32>
        %parallel_loop3A_684 = arith.addf %parallel_loop3A_683, %parallel_loop3A_660 : vector<16xf32>
        %parallel_loop3A_685 = arith.constant 1 : i32
        %parallel_loop3A_686 = arith.constant 0 : i32
        %parallel_loop3A_687 = arith.index_cast %parallel_loop3A_685 : i32 to index
        %parallel_loop3A_688 = arith.index_cast %parallel_loop3A_686 : i32 to index
        %parallel_loop3A_689 = arith.index_cast %parallel_loop3A_655 : i32 to index
        %parallel_loop3A_690 = tpu.vector_load %arg6[%parallel_loop3A_687, %parallel_loop3A_688, %parallel_loop3A_689] {strides = array<i32>} : memref<4x8x1024xf32, #tpu.memory_space<vmem>>, vector<1x1x16xf32>,
        %parallel_loop3A_691 = vector.shape_cast %parallel_loop3A_690 : vector<1x1x16xf32> to vector<16xf32>
        %parallel_loop3A_692 = vector.shape_cast %parallel_loop3A_684 : vector<16xf32> to vector<1x1x16xf32>
        tpu.vector_store %arg6[%parallel_loop3A_687, %parallel_loop3A_688, %parallel_loop3A_689], %parallel_loop3A_692 {strides = array<i32>} : memref<4x8x1024xf32, #tpu.memory_space<vmem>>, vector<1x1x16xf32>,
        %parallel_loop3A_693 = arith.constant 2 : i32
        %parallel_loop3A_694 = arith.constant 0 : i32
        %parallel_loop3A_695 = arith.index_cast %parallel_loop3A_693 : i32 to index
        %parallel_loop3A_696 = arith.index_cast %parallel_loop3A_694 : i32 to index
        %parallel_loop3A_697 = arith.index_cast %parallel_loop3A_655 : i32 to index
        %parallel_loop3A_698 = tpu.vector_load %arg6[%parallel_loop3A_695, %parallel_loop3A_696, %parallel_loop3A_697] {strides = array<i32>} : memref<4x8x1024xf32, #tpu.memory_space<vmem>>, vector<1x1x16xf32>,
        %parallel_loop3A_699 = vector.shape_cast %parallel_loop3A_698 : vector<1x1x16xf32> to vector<16xf32>
        %parallel_loop3A_700 = arith.addf %parallel_loop3A_699, %parallel_loop3A_660 : vector<16xf32>
        %parallel_loop3A_701 = arith.constant 2 : i32
        %parallel_loop3A_702 = arith.constant 0 : i32
        %parallel_loop3A_703 = arith.index_cast %parallel_loop3A_701 : i32 to index
        %parallel_loop3A_704 = arith.index_cast %parallel_loop3A_702 : i32 to index
        %parallel_loop3A_705 = arith.index_cast %parallel_loop3A_655 : i32 to index
        %parallel_loop3A_706 = tpu.vector_load %arg6[%parallel_loop3A_703, %parallel_loop3A_704, %parallel_loop3A_705] {strides = array<i32>} : memref<4x8x1024xf32, #tpu.memory_space<vmem>>, vector<1x1x16xf32>,
        %parallel_loop3A_707 = vector.shape_cast %parallel_loop3A_706 : vector<1x1x16xf32> to vector<16xf32>
        %parallel_loop3A_708 = vector.shape_cast %parallel_loop3A_700 : vector<16xf32> to vector<1x1x16xf32>
        tpu.vector_store %arg6[%parallel_loop3A_703, %parallel_loop3A_704, %parallel_loop3A_705], %parallel_loop3A_708 {strides = array<i32>} : memref<4x8x1024xf32, #tpu.memory_space<vmem>>, vector<1x1x16xf32>,
        %parallel_loop3A_709 = arith.constant 3 : i32
        %parallel_loop3A_710 = arith.constant 0 : i32
        %parallel_loop3A_711 = arith.index_cast %parallel_loop3A_709 : i32 to index
        %parallel_loop3A_712 = arith.index_cast %parallel_loop3A_710 : i32 to index
        %parallel_loop3A_713 = arith.index_cast %parallel_loop3A_655 : i32 to index
        %parallel_loop3A_714 = tpu.vector_load %arg6[%parallel_loop3A_711, %parallel_loop3A_712, %parallel_loop3A_713] {strides = array<i32>} : memref<4x8x1024xf32, #tpu.memory_space<vmem>>, vector<1x1x16xf32>,
        %parallel_loop3A_715 = vector.shape_cast %parallel_loop3A_714 : vector<1x1x16xf32> to vector<16xf32>
        %parallel_loop3A_716 = arith.addf %parallel_loop3A_715, %parallel_loop3A_660 : vector<16xf32>
        %parallel_loop3A_717 = arith.constant 3 : i32
        %parallel_loop3A_718 = arith.constant 0 : i32
        %parallel_loop3A_719 = arith.index_cast %parallel_loop3A_717 : i32 to index
        %parallel_loop3A_720 = arith.index_cast %parallel_loop3A_718 : i32 to index
        %parallel_loop3A_721 = arith.index_cast %parallel_loop3A_655 : i32 to index
        %parallel_loop3A_722 = tpu.vector_load %arg6[%parallel_loop3A_719, %parallel_loop3A_720, %parallel_loop3A_721] {strides = array<i32>} : memref<4x8x1024xf32, #tpu.memory_space<vmem>>, vector<1x1x16xf32>,
        %parallel_loop3A_723 = vector.shape_cast %parallel_loop3A_722 : vector<1x1x16xf32> to vector<16xf32>
        %parallel_loop3A_724 = vector.shape_cast %parallel_loop3A_716 : vector<16xf32> to vector<1x1x16xf32>
        tpu.vector_store %arg6[%parallel_loop3A_719, %parallel_loop3A_720, %parallel_loop3A_721], %parallel_loop3A_724 {strides = array<i32>} : memref<4x8x1024xf32, #tpu.memory_space<vmem>>, vector<1x1x16xf32>,
        %parallel_loop3A_725 = arith.constant 1 : i32
        %parallel_loop3A_726 = arith.index_cast %parallel_loop3A_725 : i32 to index
        %parallel_loop3A_727 = arith.index_cast %parallel_loop3A_655 : i32 to index
        %parallel_loop3A_728 = tpu.vector_load %arg8[%parallel_loop3A_726, %parallel_loop3A_727] {strides = array<i32>} : memref<8x1024xf32, #tpu.memory_space<vmem>>, vector<1x16xf32>,
        %parallel_loop3A_729 = vector.shape_cast %parallel_loop3A_728 : vector<1x16xf32> to vector<16xf32>
        %parallel_loop3A_730 = arith.constant 0 : i32
        %parallel_loop3A_731 = arith.constant 1 : i32
        %parallel_loop3A_732 = arith.index_cast %parallel_loop3A_730 : i32 to index
        %parallel_loop3A_733 = arith.index_cast %parallel_loop3A_731 : i32 to index
        %parallel_loop3A_734 = arith.index_cast %parallel_loop3A_655 : i32 to index
        %parallel_loop3A_735 = tpu.vector_load %arg6[%parallel_loop3A_732, %parallel_loop3A_733, %parallel_loop3A_734] {strides = array<i32>} : memref<4x8x1024xf32, #tpu.memory_space<vmem>>, vector<1x1x16xf32>,
        %parallel_loop3A_736 = vector.shape_cast %parallel_loop3A_735 : vector<1x1x16xf32> to vector<16xf32>
        %parallel_loop3A_737 = arith.addf %parallel_loop3A_736, %parallel_loop3A_729 : vector<16xf32>
        %parallel_loop3A_738 = arith.constant 0 : i32
        %parallel_loop3A_739 = arith.constant 1 : i32
        %parallel_loop3A_740 = arith.index_cast %parallel_loop3A_738 : i32 to index
        %parallel_loop3A_741 = arith.index_cast %parallel_loop3A_739 : i32 to index
        %parallel_loop3A_742 = arith.index_cast %parallel_loop3A_655 : i32 to index
        %parallel_loop3A_743 = tpu.vector_load %arg6[%parallel_loop3A_740, %parallel_loop3A_741, %parallel_loop3A_742] {strides = array<i32>} : memref<4x8x1024xf32, #tpu.memory_space<vmem>>, vector<1x1x16xf32>,
        %parallel_loop3A_744 = vector.shape_cast %parallel_loop3A_743 : vector<1x1x16xf32> to vector<16xf32>
        %parallel_loop3A_745 = vector.shape_cast %parallel_loop3A_737 : vector<16xf32> to vector<1x1x16xf32>
        tpu.vector_store %arg6[%parallel_loop3A_740, %parallel_loop3A_741, %parallel_loop3A_742], %parallel_loop3A_745 {strides = array<i32>} : memref<4x8x1024xf32, #tpu.memory_space<vmem>>, vector<1x1x16xf32>,
        %parallel_loop3A_746 = arith.constant 1 : i32
        %parallel_loop3A_747 = arith.constant 1 : i32
        %parallel_loop3A_748 = arith.index_cast %parallel_loop3A_746 : i32 to index
        %parallel_loop3A_749 = arith.index_cast %parallel_loop3A_747 : i32 to index
        %parallel_loop3A_750 = arith.index_cast %parallel_loop3A_655 : i32 to index
        %parallel_loop3A_751 = tpu.vector_load %arg6[%parallel_loop3A_748, %parallel_loop3A_749, %parallel_loop3A_750] {strides = array<i32>} : memref<4x8x1024xf32, #tpu.memory_space<vmem>>, vector<1x1x16xf32>,
        %parallel_loop3A_752 = vector.shape_cast %parallel_loop3A_751 : vector<1x1x16xf32> to vector<16xf32>
        %parallel_loop3A_753 = arith.addf %parallel_loop3A_752, %parallel_loop3A_729 : vector<16xf32>
        %parallel_loop3A_754 = arith.constant 1 : i32
        %parallel_loop3A_755 = arith.constant 1 : i32
        %parallel_loop3A_756 = arith.index_cast %parallel_loop3A_754 : i32 to index
        %parallel_loop3A_757 = arith.index_cast %parallel_loop3A_755 : i32 to index
        %parallel_loop3A_758 = arith.index_cast %parallel_loop3A_655 : i32 to index
        %parallel_loop3A_759 = tpu.vector_load %arg6[%parallel_loop3A_756, %parallel_loop3A_757, %parallel_loop3A_758] {strides = array<i32>} : memref<4x8x1024xf32, #tpu.memory_space<vmem>>, vector<1x1x16xf32>,
        %parallel_loop3A_760 = vector.shape_cast %parallel_loop3A_759 : vector<1x1x16xf32> to vector<16xf32>
        %parallel_loop3A_761 = vector.shape_cast %parallel_loop3A_753 : vector<16xf32> to vector<1x1x16xf32>
        tpu.vector_store %arg6[%parallel_loop3A_756, %parallel_loop3A_757, %parallel_loop3A_758], %parallel_loop3A_761 {strides = array<i32>} : memref<4x8x1024xf32, #tpu.memory_space<vmem>>, vector<1x1x16xf32>,
        %parallel_loop3A_762 = arith.constant 2 : i32
        %parallel_loop3A_763 = arith.constant 1 : i32
        %parallel_loop3A_764 = arith.index_cast %parallel_loop3A_762 : i32 to index
        %parallel_loop3A_765 = arith.index_cast %parallel_loop3A_763 : i32 to index
        %parallel_loop3A_766 = arith.index_cast %parallel_loop3A_655 : i32 to index
        %parallel_loop3A_767 = tpu.vector_load %arg6[%parallel_loop3A_764, %parallel_loop3A_765, %parallel_loop3A_766] {strides = array<i32>} : memref<4x8x1024xf32, #tpu.memory_space<vmem>>, vector<1x1x16xf32>,
        %parallel_loop3A_768 = vector.shape_cast %parallel_loop3A_767 : vector<1x1x16xf32> to vector<16xf32>
        %parallel_loop3A_769 = arith.addf %parallel_loop3A_768, %parallel_loop3A_729 : vector<16xf32>
        %parallel_loop3A_770 = arith.constant 2 : i32
        %parallel_loop3A_771 = arith.constant 1 : i32
        %parallel_loop3A_772 = arith.index_cast %parallel_loop3A_770 : i32 to index
        %parallel_loop3A_773 = arith.index_cast %parallel_loop3A_771 : i32 to index
        %parallel_loop3A_774 = arith.index_cast %parallel_loop3A_655 : i32 to index
        %parallel_loop3A_775 = tpu.vector_load %arg6[%parallel_loop3A_772, %parallel_loop3A_773, %parallel_loop3A_774] {strides = array<i32>} : memref<4x8x1024xf32, #tpu.memory_space<vmem>>, vector<1x1x16xf32>,
        %parallel_loop3A_776 = vector.shape_cast %parallel_loop3A_775 : vector<1x1x16xf32> to vector<16xf32>
        %parallel_loop3A_777 = vector.shape_cast %parallel_loop3A_769 : vector<16xf32> to vector<1x1x16xf32>
        tpu.vector_store %arg6[%parallel_loop3A_772, %parallel_loop3A_773, %parallel_loop3A_774], %parallel_loop3A_777 {strides = array<i32>} : memref<4x8x1024xf32, #tpu.memory_space<vmem>>, vector<1x1x16xf32>,
        %parallel_loop3A_778 = arith.constant 3 : i32
        %parallel_loop3A_779 = arith.constant 1 : i32
        %parallel_loop3A_780 = arith.index_cast %parallel_loop3A_778 : i32 to index
        %parallel_loop3A_781 = arith.index_cast %parallel_loop3A_779 : i32 to index
        %parallel_loop3A_782 = arith.index_cast %parallel_loop3A_655 : i32 to index
        %parallel_loop3A_783 = tpu.vector_load %arg6[%parallel_loop3A_780, %parallel_loop3A_781, %parallel_loop3A_782] {strides = array<i32>} : memref<4x8x1024xf32, #tpu.memory_space<vmem>>, vector<1x1x16xf32>,
        %parallel_loop3A_784 = vector.shape_cast %parallel_loop3A_783 : vector<1x1x16xf32> to vector<16xf32>
        %parallel_loop3A_785 = arith.addf %parallel_loop3A_784, %parallel_loop3A_729 : vector<16xf32>
        %parallel_loop3A_786 = arith.constant 3 : i32
        %parallel_loop3A_787 = arith.constant 1 : i32
        %parallel_loop3A_788 = arith.index_cast %parallel_loop3A_786 : i32 to index
        %parallel_loop3A_789 = arith.index_cast %parallel_loop3A_787 : i32 to index
        %parallel_loop3A_790 = arith.index_cast %parallel_loop3A_655 : i32 to index
        %parallel_loop3A_791 = tpu.vector_load %arg6[%parallel_loop3A_788, %parallel_loop3A_789, %parallel_loop3A_790] {strides = array<i32>} : memref<4x8x1024xf32, #tpu.memory_space<vmem>>, vector<1x1x16xf32>,
        %parallel_loop3A_792 = vector.shape_cast %parallel_loop3A_791 : vector<1x1x16xf32> to vector<16xf32>
        %parallel_loop3A_793 = vector.shape_cast %parallel_loop3A_785 : vector<16xf32> to vector<1x1x16xf32>
        tpu.vector_store %arg6[%parallel_loop3A_788, %parallel_loop3A_789, %parallel_loop3A_790], %parallel_loop3A_793 {strides = array<i32>} : memref<4x8x1024xf32, #tpu.memory_space<vmem>>, vector<1x1x16xf32>,
        %parallel_loop3A_794 = arith.constant 2 : i32
        %parallel_loop3A_795 = arith.index_cast %parallel_loop3A_794 : i32 to index
        %parallel_loop3A_796 = arith.index_cast %parallel_loop3A_655 : i32 to index
        %parallel_loop3A_797 = tpu.vector_load %arg8[%parallel_loop3A_795, %parallel_loop3A_796] {strides = array<i32>} : memref<8x1024xf32, #tpu.memory_space<vmem>>, vector<1x16xf32>,
        %parallel_loop3A_798 = vector.shape_cast %parallel_loop3A_797 : vector<1x16xf32> to vector<16xf32>
        %parallel_loop3A_799 = arith.constant 0 : i32
        %parallel_loop3A_800 = arith.constant 2 : i32
        %parallel_loop3A_801 = arith.index_cast %parallel_loop3A_799 : i32 to index
        %parallel_loop3A_802 = arith.index_cast %parallel_loop3A_800 : i32 to index
        %parallel_loop3A_803 = arith.index_cast %parallel_loop3A_655 : i32 to index
        %parallel_loop3A_804 = tpu.vector_load %arg6[%parallel_loop3A_801, %parallel_loop3A_802, %parallel_loop3A_803] {strides = array<i32>} : memref<4x8x1024xf32, #tpu.memory_space<vmem>>, vector<1x1x16xf32>,
        %parallel_loop3A_805 = vector.shape_cast %parallel_loop3A_804 : vector<1x1x16xf32> to vector<16xf32>
        %parallel_loop3A_806 = arith.addf %parallel_loop3A_805, %parallel_loop3A_798 : vector<16xf32>
        %parallel_loop3A_807 = arith.constant 0 : i32
        %parallel_loop3A_808 = arith.constant 2 : i32
        %parallel_loop3A_809 = arith.index_cast %parallel_loop3A_807 : i32 to index
        %parallel_loop3A_810 = arith.index_cast %parallel_loop3A_808 : i32 to index
        %parallel_loop3A_811 = arith.index_cast %parallel_loop3A_655 : i32 to index
        %parallel_loop3A_812 = tpu.vector_load %arg6[%parallel_loop3A_809, %parallel_loop3A_810, %parallel_loop3A_811] {strides = array<i32>} : memref<4x8x1024xf32, #tpu.memory_space<vmem>>, vector<1x1x16xf32>,
        %parallel_loop3A_813 = vector.shape_cast %parallel_loop3A_812 : vector<1x1x16xf32> to vector<16xf32>
        %parallel_loop3A_814 = vector.shape_cast %parallel_loop3A_806 : vector<16xf32> to vector<1x1x16xf32>
        tpu.vector_store %arg6[%parallel_loop3A_809, %parallel_loop3A_810, %parallel_loop3A_811], %parallel_loop3A_814 {strides = array<i32>} : memref<4x8x1024xf32, #tpu.memory_space<vmem>>, vector<1x1x16xf32>,
        %parallel_loop3A_815 = arith.constant 1 : i32
        %parallel_loop3A_816 = arith.constant 2 : i32
        %parallel_loop3A_817 = arith.index_cast %parallel_loop3A_815 : i32 to index
        %parallel_loop3A_818 = arith.index_cast %parallel_loop3A_816 : i32 to index
        %parallel_loop3A_819 = arith.index_cast %parallel_loop3A_655 : i32 to index
        %parallel_loop3A_820 = tpu.vector_load %arg6[%parallel_loop3A_817, %parallel_loop3A_818, %parallel_loop3A_819] {strides = array<i32>} : memref<4x8x1024xf32, #tpu.memory_space<vmem>>, vector<1x1x16xf32>,
        %parallel_loop3A_821 = vector.shape_cast %parallel_loop3A_820 : vector<1x1x16xf32> to vector<16xf32>
        %parallel_loop3A_822 = arith.addf %parallel_loop3A_821, %parallel_loop3A_798 : vector<16xf32>
        %parallel_loop3A_823 = arith.constant 1 : i32
        %parallel_loop3A_824 = arith.constant 2 : i32
        %parallel_loop3A_825 = arith.index_cast %parallel_loop3A_823 : i32 to index
        %parallel_loop3A_826 = arith.index_cast %parallel_loop3A_824 : i32 to index
        %parallel_loop3A_827 = arith.index_cast %parallel_loop3A_655 : i32 to index
        %parallel_loop3A_828 = tpu.vector_load %arg6[%parallel_loop3A_825, %parallel_loop3A_826, %parallel_loop3A_827] {strides = array<i32>} : memref<4x8x1024xf32, #tpu.memory_space<vmem>>, vector<1x1x16xf32>,
        %parallel_loop3A_829 = vector.shape_cast %parallel_loop3A_828 : vector<1x1x16xf32> to vector<16xf32>
        %parallel_loop3A_830 = vector.shape_cast %parallel_loop3A_822 : vector<16xf32> to vector<1x1x16xf32>
        tpu.vector_store %arg6[%parallel_loop3A_825, %parallel_loop3A_826, %parallel_loop3A_827], %parallel_loop3A_830 {strides = array<i32>} : memref<4x8x1024xf32, #tpu.memory_space<vmem>>, vector<1x1x16xf32>,
        %parallel_loop3A_831 = arith.constant 2 : i32
        %parallel_loop3A_832 = arith.constant 2 : i32
        %parallel_loop3A_833 = arith.index_cast %parallel_loop3A_831 : i32 to index
        %parallel_loop3A_834 = arith.index_cast %parallel_loop3A_832 : i32 to index
        %parallel_loop3A_835 = arith.index_cast %parallel_loop3A_655 : i32 to index
        %parallel_loop3A_836 = tpu.vector_load %arg6[%parallel_loop3A_833, %parallel_loop3A_834, %parallel_loop3A_835] {strides = array<i32>} : memref<4x8x1024xf32, #tpu.memory_space<vmem>>, vector<1x1x16xf32>,
        %parallel_loop3A_837 = vector.shape_cast %parallel_loop3A_836 : vector<1x1x16xf32> to vector<16xf32>
        %parallel_loop3A_838 = arith.addf %parallel_loop3A_837, %parallel_loop3A_798 : vector<16xf32>
        %parallel_loop3A_839 = arith.constant 2 : i32
        %parallel_loop3A_840 = arith.constant 2 : i32
        %parallel_loop3A_841 = arith.index_cast %parallel_loop3A_839 : i32 to index
        %parallel_loop3A_842 = arith.index_cast %parallel_loop3A_840 : i32 to index
        %parallel_loop3A_843 = arith.index_cast %parallel_loop3A_655 : i32 to index
        %parallel_loop3A_844 = tpu.vector_load %arg6[%parallel_loop3A_841, %parallel_loop3A_842, %parallel_loop3A_843] {strides = array<i32>} : memref<4x8x1024xf32, #tpu.memory_space<vmem>>, vector<1x1x16xf32>,
        %parallel_loop3A_845 = vector.shape_cast %parallel_loop3A_844 : vector<1x1x16xf32> to vector<16xf32>
        %parallel_loop3A_846 = vector.shape_cast %parallel_loop3A_838 : vector<16xf32> to vector<1x1x16xf32>
        tpu.vector_store %arg6[%parallel_loop3A_841, %parallel_loop3A_842, %parallel_loop3A_843], %parallel_loop3A_846 {strides = array<i32>} : memref<4x8x1024xf32, #tpu.memory_space<vmem>>, vector<1x1x16xf32>,
        %parallel_loop3A_847 = arith.constant 3 : i32
        %parallel_loop3A_848 = arith.constant 2 : i32
        %parallel_loop3A_849 = arith.index_cast %parallel_loop3A_847 : i32 to index
        %parallel_loop3A_850 = arith.index_cast %parallel_loop3A_848 : i32 to index
        %parallel_loop3A_851 = arith.index_cast %parallel_loop3A_655 : i32 to index
        %parallel_loop3A_852 = tpu.vector_load %arg6[%parallel_loop3A_849, %parallel_loop3A_850, %parallel_loop3A_851] {strides = array<i32>} : memref<4x8x1024xf32, #tpu.memory_space<vmem>>, vector<1x1x16xf32>,
        %parallel_loop3A_853 = vector.shape_cast %parallel_loop3A_852 : vector<1x1x16xf32> to vector<16xf32>
        %parallel_loop3A_854 = arith.addf %parallel_loop3A_853, %parallel_loop3A_798 : vector<16xf32>
        %parallel_loop3A_855 = arith.constant 3 : i32
        %parallel_loop3A_856 = arith.constant 2 : i32
        %parallel_loop3A_857 = arith.index_cast %parallel_loop3A_855 : i32 to index
        %parallel_loop3A_858 = arith.index_cast %parallel_loop3A_856 : i32 to index
        %parallel_loop3A_859 = arith.index_cast %parallel_loop3A_655 : i32 to index
        %parallel_loop3A_860 = tpu.vector_load %arg6[%parallel_loop3A_857, %parallel_loop3A_858, %parallel_loop3A_859] {strides = array<i32>} : memref<4x8x1024xf32, #tpu.memory_space<vmem>>, vector<1x1x16xf32>,
        %parallel_loop3A_861 = vector.shape_cast %parallel_loop3A_860 : vector<1x1x16xf32> to vector<16xf32>
        %parallel_loop3A_862 = vector.shape_cast %parallel_loop3A_854 : vector<16xf32> to vector<1x1x16xf32>
        tpu.vector_store %arg6[%parallel_loop3A_857, %parallel_loop3A_858, %parallel_loop3A_859], %parallel_loop3A_862 {strides = array<i32>} : memref<4x8x1024xf32, #tpu.memory_space<vmem>>, vector<1x1x16xf32>,
        %parallel_loop3A_863 = arith.constant 3 : i32
        %parallel_loop3A_864 = arith.index_cast %parallel_loop3A_863 : i32 to index
        %parallel_loop3A_865 = arith.index_cast %parallel_loop3A_655 : i32 to index
        %parallel_loop3A_866 = tpu.vector_load %arg8[%parallel_loop3A_864, %parallel_loop3A_865] {strides = array<i32>} : memref<8x1024xf32, #tpu.memory_space<vmem>>, vector<1x16xf32>,
        %parallel_loop3A_867 = vector.shape_cast %parallel_loop3A_866 : vector<1x16xf32> to vector<16xf32>
        %parallel_loop3A_868 = arith.constant 0 : i32
        %parallel_loop3A_869 = arith.constant 3 : i32
        %parallel_loop3A_870 = arith.index_cast %parallel_loop3A_868 : i32 to index
        %parallel_loop3A_871 = arith.index_cast %parallel_loop3A_869 : i32 to index
        %parallel_loop3A_872 = arith.index_cast %parallel_loop3A_655 : i32 to index
        %parallel_loop3A_873 = tpu.vector_load %arg6[%parallel_loop3A_870, %parallel_loop3A_871, %parallel_loop3A_872] {strides = array<i32>} : memref<4x8x1024xf32, #tpu.memory_space<vmem>>, vector<1x1x16xf32>,
        %parallel_loop3A_874 = vector.shape_cast %parallel_loop3A_873 : vector<1x1x16xf32> to vector<16xf32>
        %parallel_loop3A_875 = arith.addf %parallel_loop3A_874, %parallel_loop3A_867 : vector<16xf32>
        %parallel_loop3A_876 = arith.constant 0 : i32
        %parallel_loop3A_877 = arith.constant 3 : i32
        %parallel_loop3A_878 = arith.index_cast %parallel_loop3A_876 : i32 to index
        %parallel_loop3A_879 = arith.index_cast %parallel_loop3A_877 : i32 to index
        %parallel_loop3A_880 = arith.index_cast %parallel_loop3A_655 : i32 to index
        %parallel_loop3A_881 = tpu.vector_load %arg6[%parallel_loop3A_878, %parallel_loop3A_879, %parallel_loop3A_880] {strides = array<i32>} : memref<4x8x1024xf32, #tpu.memory_space<vmem>>, vector<1x1x16xf32>,
        %parallel_loop3A_882 = vector.shape_cast %parallel_loop3A_881 : vector<1x1x16xf32> to vector<16xf32>
        %parallel_loop3A_883 = vector.shape_cast %parallel_loop3A_875 : vector<16xf32> to vector<1x1x16xf32>
        tpu.vector_store %arg6[%parallel_loop3A_878, %parallel_loop3A_879, %parallel_loop3A_880], %parallel_loop3A_883 {strides = array<i32>} : memref<4x8x1024xf32, #tpu.memory_space<vmem>>, vector<1x1x16xf32>,
        %parallel_loop3A_884 = arith.constant 1 : i32
        %parallel_loop3A_885 = arith.constant 3 : i32
        %parallel_loop3A_886 = arith.index_cast %parallel_loop3A_884 : i32 to index
        %parallel_loop3A_887 = arith.index_cast %parallel_loop3A_885 : i32 to index
        %parallel_loop3A_888 = arith.index_cast %parallel_loop3A_655 : i32 to index
        %parallel_loop3A_889 = tpu.vector_load %arg6[%parallel_loop3A_886, %parallel_loop3A_887, %parallel_loop3A_888] {strides = array<i32>} : memref<4x8x1024xf32, #tpu.memory_space<vmem>>, vector<1x1x16xf32>,
        %parallel_loop3A_890 = vector.shape_cast %parallel_loop3A_889 : vector<1x1x16xf32> to vector<16xf32>
        %parallel_loop3A_891 = arith.addf %parallel_loop3A_890, %parallel_loop3A_867 : vector<16xf32>
        %parallel_loop3A_892 = arith.constant 1 : i32
        %parallel_loop3A_893 = arith.constant 3 : i32
        %parallel_loop3A_894 = arith.index_cast %parallel_loop3A_892 : i32 to index
        %parallel_loop3A_895 = arith.index_cast %parallel_loop3A_893 : i32 to index
        %parallel_loop3A_896 = arith.index_cast %parallel_loop3A_655 : i32 to index
        %parallel_loop3A_897 = tpu.vector_load %arg6[%parallel_loop3A_894, %parallel_loop3A_895, %parallel_loop3A_896] {strides = array<i32>} : memref<4x8x1024xf32, #tpu.memory_space<vmem>>, vector<1x1x16xf32>,
        %parallel_loop3A_898 = vector.shape_cast %parallel_loop3A_897 : vector<1x1x16xf32> to vector<16xf32>
        %parallel_loop3A_899 = vector.shape_cast %parallel_loop3A_891 : vector<16xf32> to vector<1x1x16xf32>
        tpu.vector_store %arg6[%parallel_loop3A_894, %parallel_loop3A_895, %parallel_loop3A_896], %parallel_loop3A_899 {strides = array<i32>} : memref<4x8x1024xf32, #tpu.memory_space<vmem>>, vector<1x1x16xf32>,
        %parallel_loop3A_900 = arith.constant 2 : i32
        %parallel_loop3A_901 = arith.constant 3 : i32
        %parallel_loop3A_902 = arith.index_cast %parallel_loop3A_900 : i32 to index
        %parallel_loop3A_903 = arith.index_cast %parallel_loop3A_901 : i32 to index
        %parallel_loop3A_904 = arith.index_cast %parallel_loop3A_655 : i32 to index
        %parallel_loop3A_905 = tpu.vector_load %arg6[%parallel_loop3A_902, %parallel_loop3A_903, %parallel_loop3A_904] {strides = array<i32>} : memref<4x8x1024xf32, #tpu.memory_space<vmem>>, vector<1x1x16xf32>,
        %parallel_loop3A_906 = vector.shape_cast %parallel_loop3A_905 : vector<1x1x16xf32> to vector<16xf32>
        %parallel_loop3A_907 = arith.addf %parallel_loop3A_906, %parallel_loop3A_867 : vector<16xf32>
        %parallel_loop3A_908 = arith.constant 2 : i32
        %parallel_loop3A_909 = arith.constant 3 : i32
        %parallel_loop3A_910 = arith.index_cast %parallel_loop3A_908 : i32 to index
        %parallel_loop3A_911 = arith.index_cast %parallel_loop3A_909 : i32 to index
        %parallel_loop3A_912 = arith.index_cast %parallel_loop3A_655 : i32 to index
        %parallel_loop3A_913 = tpu.vector_load %arg6[%parallel_loop3A_910, %parallel_loop3A_911, %parallel_loop3A_912] {strides = array<i32>} : memref<4x8x1024xf32, #tpu.memory_space<vmem>>, vector<1x1x16xf32>,
        %parallel_loop3A_914 = vector.shape_cast %parallel_loop3A_913 : vector<1x1x16xf32> to vector<16xf32>
        %parallel_loop3A_915 = vector.shape_cast %parallel_loop3A_907 : vector<16xf32> to vector<1x1x16xf32>
        tpu.vector_store %arg6[%parallel_loop3A_910, %parallel_loop3A_911, %parallel_loop3A_912], %parallel_loop3A_915 {strides = array<i32>} : memref<4x8x1024xf32, #tpu.memory_space<vmem>>, vector<1x1x16xf32>,
        %parallel_loop3A_916 = arith.constant 3 : i32
        %parallel_loop3A_917 = arith.constant 3 : i32
        %parallel_loop3A_918 = arith.index_cast %parallel_loop3A_916 : i32 to index
        %parallel_loop3A_919 = arith.index_cast %parallel_loop3A_917 : i32 to index
        %parallel_loop3A_920 = arith.index_cast %parallel_loop3A_655 : i32 to index
        %parallel_loop3A_921 = tpu.vector_load %arg6[%parallel_loop3A_918, %parallel_loop3A_919, %parallel_loop3A_920] {strides = array<i32>} : memref<4x8x1024xf32, #tpu.memory_space<vmem>>, vector<1x1x16xf32>,
        %parallel_loop3A_922 = vector.shape_cast %parallel_loop3A_921 : vector<1x1x16xf32> to vector<16xf32>
        %parallel_loop3A_923 = arith.addf %parallel_loop3A_922, %parallel_loop3A_867 : vector<16xf32>
        %parallel_loop3A_924 = arith.constant 3 : i32
        %parallel_loop3A_925 = arith.constant 3 : i32
        %parallel_loop3A_926 = arith.index_cast %parallel_loop3A_924 : i32 to index
        %parallel_loop3A_927 = arith.index_cast %parallel_loop3A_925 : i32 to index
        %parallel_loop3A_928 = arith.index_cast %parallel_loop3A_655 : i32 to index
        %parallel_loop3A_929 = tpu.vector_load %arg6[%parallel_loop3A_926, %parallel_loop3A_927, %parallel_loop3A_928] {strides = array<i32>} : memref<4x8x1024xf32, #tpu.memory_space<vmem>>, vector<1x1x16xf32>,
        %parallel_loop3A_930 = vector.shape_cast %parallel_loop3A_929 : vector<1x1x16xf32> to vector<16xf32>
        %parallel_loop3A_931 = vector.shape_cast %parallel_loop3A_923 : vector<16xf32> to vector<1x1x16xf32>
        tpu.vector_store %arg6[%parallel_loop3A_926, %parallel_loop3A_927, %parallel_loop3A_928], %parallel_loop3A_931 {strides = array<i32>} : memref<4x8x1024xf32, #tpu.memory_space<vmem>>, vector<1x1x16xf32>,
        %parallel_loop3A_932 = arith.constant 4 : i32
        %parallel_loop3A_933 = arith.index_cast %parallel_loop3A_932 : i32 to index
        %parallel_loop3A_934 = arith.index_cast %parallel_loop3A_655 : i32 to index
        %parallel_loop3A_935 = tpu.vector_load %arg8[%parallel_loop3A_933, %parallel_loop3A_934] {strides = array<i32>} : memref<8x1024xf32, #tpu.memory_space<vmem>>, vector<1x16xf32>,
        %parallel_loop3A_936 = vector.shape_cast %parallel_loop3A_935 : vector<1x16xf32> to vector<16xf32>
        %parallel_loop3A_937 = arith.constant 0 : i32
        %parallel_loop3A_938 = arith.constant 4 : i32
        %parallel_loop3A_939 = arith.index_cast %parallel_loop3A_937 : i32 to index
        %parallel_loop3A_940 = arith.index_cast %parallel_loop3A_938 : i32 to index
        %parallel_loop3A_941 = arith.index_cast %parallel_loop3A_655 : i32 to index
        %parallel_loop3A_942 = tpu.vector_load %arg6[%parallel_loop3A_939, %parallel_loop3A_940, %parallel_loop3A_941] {strides = array<i32>} : memref<4x8x1024xf32, #tpu.memory_space<vmem>>, vector<1x1x16xf32>,
        %parallel_loop3A_943 = vector.shape_cast %parallel_loop3A_942 : vector<1x1x16xf32> to vector<16xf32>
        %parallel_loop3A_944 = arith.addf %parallel_loop3A_943, %parallel_loop3A_936 : vector<16xf32>
        %parallel_loop3A_945 = arith.constant 0 : i32
        %parallel_loop3A_946 = arith.constant 4 : i32
        %parallel_loop3A_947 = arith.index_cast %parallel_loop3A_945 : i32 to index
        %parallel_loop3A_948 = arith.index_cast %parallel_loop3A_946 : i32 to index
        %parallel_loop3A_949 = arith.index_cast %parallel_loop3A_655 : i32 to index
        %parallel_loop3A_950 = tpu.vector_load %arg6[%parallel_loop3A_947, %parallel_loop3A_948, %parallel_loop3A_949] {strides = array<i32>} : memref<4x8x1024xf32, #tpu.memory_space<vmem>>, vector<1x1x16xf32>,
        %parallel_loop3A_951 = vector.shape_cast %parallel_loop3A_950 : vector<1x1x16xf32> to vector<16xf32>
        %parallel_loop3A_952 = vector.shape_cast %parallel_loop3A_944 : vector<16xf32> to vector<1x1x16xf32>
        tpu.vector_store %arg6[%parallel_loop3A_947, %parallel_loop3A_948, %parallel_loop3A_949], %parallel_loop3A_952 {strides = array<i32>} : memref<4x8x1024xf32, #tpu.memory_space<vmem>>, vector<1x1x16xf32>,
        %parallel_loop3A_953 = arith.constant 1 : i32
        %parallel_loop3A_954 = arith.constant 4 : i32
        %parallel_loop3A_955 = arith.index_cast %parallel_loop3A_953 : i32 to index
        %parallel_loop3A_956 = arith.index_cast %parallel_loop3A_954 : i32 to index
        %parallel_loop3A_957 = arith.index_cast %parallel_loop3A_655 : i32 to index
        %parallel_loop3A_958 = tpu.vector_load %arg6[%parallel_loop3A_955, %parallel_loop3A_956, %parallel_loop3A_957] {strides = array<i32>} : memref<4x8x1024xf32, #tpu.memory_space<vmem>>, vector<1x1x16xf32>,
        %parallel_loop3A_959 = vector.shape_cast %parallel_loop3A_958 : vector<1x1x16xf32> to vector<16xf32>
        %parallel_loop3A_960 = arith.addf %parallel_loop3A_959, %parallel_loop3A_936 : vector<16xf32>
        %parallel_loop3A_961 = arith.constant 1 : i32
        %parallel_loop3A_962 = arith.constant 4 : i32
        %parallel_loop3A_963 = arith.index_cast %parallel_loop3A_961 : i32 to index
        %parallel_loop3A_964 = arith.index_cast %parallel_loop3A_962 : i32 to index
        %parallel_loop3A_965 = arith.index_cast %parallel_loop3A_655 : i32 to index
        %parallel_loop3A_966 = tpu.vector_load %arg6[%parallel_loop3A_963, %parallel_loop3A_964, %parallel_loop3A_965] {strides = array<i32>} : memref<4x8x1024xf32, #tpu.memory_space<vmem>>, vector<1x1x16xf32>,
        %parallel_loop3A_967 = vector.shape_cast %parallel_loop3A_966 : vector<1x1x16xf32> to vector<16xf32>
        %parallel_loop3A_968 = vector.shape_cast %parallel_loop3A_960 : vector<16xf32> to vector<1x1x16xf32>
        tpu.vector_store %arg6[%parallel_loop3A_963, %parallel_loop3A_964, %parallel_loop3A_965], %parallel_loop3A_968 {strides = array<i32>} : memref<4x8x1024xf32, #tpu.memory_space<vmem>>, vector<1x1x16xf32>,
        %parallel_loop3A_969 = arith.constant 2 : i32
        %parallel_loop3A_970 = arith.constant 4 : i32
        %parallel_loop3A_971 = arith.index_cast %parallel_loop3A_969 : i32 to index
        %parallel_loop3A_972 = arith.index_cast %parallel_loop3A_970 : i32 to index
        %parallel_loop3A_973 = arith.index_cast %parallel_loop3A_655 : i32 to index
        %parallel_loop3A_974 = tpu.vector_load %arg6[%parallel_loop3A_971, %parallel_loop3A_972, %parallel_loop3A_973] {strides = array<i32>} : memref<4x8x1024xf32, #tpu.memory_space<vmem>>, vector<1x1x16xf32>,
        %parallel_loop3A_975 = vector.shape_cast %parallel_loop3A_974 : vector<1x1x16xf32> to vector<16xf32>
        %parallel_loop3A_976 = arith.addf %parallel_loop3A_975, %parallel_loop3A_936 : vector<16xf32>
        %parallel_loop3A_977 = arith.constant 2 : i32
        %parallel_loop3A_978 = arith.constant 4 : i32
        %parallel_loop3A_979 = arith.index_cast %parallel_loop3A_977 : i32 to index
        %parallel_loop3A_980 = arith.index_cast %parallel_loop3A_978 : i32 to index
        %parallel_loop3A_981 = arith.index_cast %parallel_loop3A_655 : i32 to index
        %parallel_loop3A_982 = tpu.vector_load %arg6[%parallel_loop3A_979, %parallel_loop3A_980, %parallel_loop3A_981] {strides = array<i32>} : memref<4x8x1024xf32, #tpu.memory_space<vmem>>, vector<1x1x16xf32>,
        %parallel_loop3A_983 = vector.shape_cast %parallel_loop3A_982 : vector<1x1x16xf32> to vector<16xf32>
        %parallel_loop3A_984 = vector.shape_cast %parallel_loop3A_976 : vector<16xf32> to vector<1x1x16xf32>
        tpu.vector_store %arg6[%parallel_loop3A_979, %parallel_loop3A_980, %parallel_loop3A_981], %parallel_loop3A_984 {strides = array<i32>} : memref<4x8x1024xf32, #tpu.memory_space<vmem>>, vector<1x1x16xf32>,
        %parallel_loop3A_985 = arith.constant 3 : i32
        %parallel_loop3A_986 = arith.constant 4 : i32
        %parallel_loop3A_987 = arith.index_cast %parallel_loop3A_985 : i32 to index
        %parallel_loop3A_988 = arith.index_cast %parallel_loop3A_986 : i32 to index
        %parallel_loop3A_989 = arith.index_cast %parallel_loop3A_655 : i32 to index
        %parallel_loop3A_990 = tpu.vector_load %arg6[%parallel_loop3A_987, %parallel_loop3A_988, %parallel_loop3A_989] {strides = array<i32>} : memref<4x8x1024xf32, #tpu.memory_space<vmem>>, vector<1x1x16xf32>,
        %parallel_loop3A_991 = vector.shape_cast %parallel_loop3A_990 : vector<1x1x16xf32> to vector<16xf32>
        %parallel_loop3A_992 = arith.addf %parallel_loop3A_991, %parallel_loop3A_936 : vector<16xf32>
        %parallel_loop3A_993 = arith.constant 3 : i32
        %parallel_loop3A_994 = arith.constant 4 : i32
        %parallel_loop3A_995 = arith.index_cast %parallel_loop3A_993 : i32 to index
        %parallel_loop3A_996 = arith.index_cast %parallel_loop3A_994 : i32 to index
        %parallel_loop3A_997 = arith.index_cast %parallel_loop3A_655 : i32 to index
        %parallel_loop3A_998 = tpu.vector_load %arg6[%parallel_loop3A_995, %parallel_loop3A_996, %parallel_loop3A_997] {strides = array<i32>} : memref<4x8x1024xf32, #tpu.memory_space<vmem>>, vector<1x1x16xf32>,
        %parallel_loop3A_999 = vector.shape_cast %parallel_loop3A_998 : vector<1x1x16xf32> to vector<16xf32>
        %parallel_loop3A_1000 = vector.shape_cast %parallel_loop3A_992 : vector<16xf32> to vector<1x1x16xf32>
        tpu.vector_store %arg6[%parallel_loop3A_995, %parallel_loop3A_996, %parallel_loop3A_997], %parallel_loop3A_1000 {strides = array<i32>} : memref<4x8x1024xf32, #tpu.memory_space<vmem>>, vector<1x1x16xf32>,
        %parallel_loop3A_1001 = arith.constant 5 : i32
        %parallel_loop3A_1002 = arith.index_cast %parallel_loop3A_1001 : i32 to index
        %parallel_loop3A_1003 = arith.index_cast %parallel_loop3A_655 : i32 to index
        %parallel_loop3A_1004 = tpu.vector_load %arg8[%parallel_loop3A_1002, %parallel_loop3A_1003] {strides = array<i32>} : memref<8x1024xf32, #tpu.memory_space<vmem>>, vector<1x16xf32>,
        %parallel_loop3A_1005 = vector.shape_cast %parallel_loop3A_1004 : vector<1x16xf32> to vector<16xf32>
        %parallel_loop3A_1006 = arith.constant 0 : i32
        %parallel_loop3A_1007 = arith.constant 5 : i32
        %parallel_loop3A_1008 = arith.index_cast %parallel_loop3A_1006 : i32 to index
        %parallel_loop3A_1009 = arith.index_cast %parallel_loop3A_1007 : i32 to index
        %parallel_loop3A_1010 = arith.index_cast %parallel_loop3A_655 : i32 to index
        %parallel_loop3A_1011 = tpu.vector_load %arg6[%parallel_loop3A_1008, %parallel_loop3A_1009, %parallel_loop3A_1010] {strides = array<i32>} : memref<4x8x1024xf32, #tpu.memory_space<vmem>>, vector<1x1x16xf32>,
        %parallel_loop3A_1012 = vector.shape_cast %parallel_loop3A_1011 : vector<1x1x16xf32> to vector<16xf32>
        %parallel_loop3A_1013 = arith.addf %parallel_loop3A_1012, %parallel_loop3A_1005 : vector<16xf32>
        %parallel_loop3A_1014 = arith.constant 0 : i32
        %parallel_loop3A_1015 = arith.constant 5 : i32
        %parallel_loop3A_1016 = arith.index_cast %parallel_loop3A_1014 : i32 to index
        %parallel_loop3A_1017 = arith.index_cast %parallel_loop3A_1015 : i32 to index
        %parallel_loop3A_1018 = arith.index_cast %parallel_loop3A_655 : i32 to index
        %parallel_loop3A_1019 = tpu.vector_load %arg6[%parallel_loop3A_1016, %parallel_loop3A_1017, %parallel_loop3A_1018] {strides = array<i32>} : memref<4x8x1024xf32, #tpu.memory_space<vmem>>, vector<1x1x16xf32>,
        %parallel_loop3A_1020 = vector.shape_cast %parallel_loop3A_1019 : vector<1x1x16xf32> to vector<16xf32>
        %parallel_loop3A_1021 = vector.shape_cast %parallel_loop3A_1013 : vector<16xf32> to vector<1x1x16xf32>
        tpu.vector_store %arg6[%parallel_loop3A_1016, %parallel_loop3A_1017, %parallel_loop3A_1018], %parallel_loop3A_1021 {strides = array<i32>} : memref<4x8x1024xf32, #tpu.memory_space<vmem>>, vector<1x1x16xf32>,
        %parallel_loop3A_1022 = arith.constant 1 : i32
        %parallel_loop3A_1023 = arith.constant 5 : i32
        %parallel_loop3A_1024 = arith.index_cast %parallel_loop3A_1022 : i32 to index
        %parallel_loop3A_1025 = arith.index_cast %parallel_loop3A_1023 : i32 to index
        %parallel_loop3A_1026 = arith.index_cast %parallel_loop3A_655 : i32 to index
        %parallel_loop3A_1027 = tpu.vector_load %arg6[%parallel_loop3A_1024, %parallel_loop3A_1025, %parallel_loop3A_1026] {strides = array<i32>} : memref<4x8x1024xf32, #tpu.memory_space<vmem>>, vector<1x1x16xf32>,
        %parallel_loop3A_1028 = vector.shape_cast %parallel_loop3A_1027 : vector<1x1x16xf32> to vector<16xf32>
        %parallel_loop3A_1029 = arith.addf %parallel_loop3A_1028, %parallel_loop3A_1005 : vector<16xf32>
        %parallel_loop3A_1030 = arith.constant 1 : i32
        %parallel_loop3A_1031 = arith.constant 5 : i32
        %parallel_loop3A_1032 = arith.index_cast %parallel_loop3A_1030 : i32 to index
        %parallel_loop3A_1033 = arith.index_cast %parallel_loop3A_1031 : i32 to index
        %parallel_loop3A_1034 = arith.index_cast %parallel_loop3A_655 : i32 to index
        %parallel_loop3A_1035 = tpu.vector_load %arg6[%parallel_loop3A_1032, %parallel_loop3A_1033, %parallel_loop3A_1034] {strides = array<i32>} : memref<4x8x1024xf32, #tpu.memory_space<vmem>>, vector<1x1x16xf32>,
        %parallel_loop3A_1036 = vector.shape_cast %parallel_loop3A_1035 : vector<1x1x16xf32> to vector<16xf32>
        %parallel_loop3A_1037 = vector.shape_cast %parallel_loop3A_1029 : vector<16xf32> to vector<1x1x16xf32>
        tpu.vector_store %arg6[%parallel_loop3A_1032, %parallel_loop3A_1033, %parallel_loop3A_1034], %parallel_loop3A_1037 {strides = array<i32>} : memref<4x8x1024xf32, #tpu.memory_space<vmem>>, vector<1x1x16xf32>,
        %parallel_loop3A_1038 = arith.constant 2 : i32
        %parallel_loop3A_1039 = arith.constant 5 : i32
        %parallel_loop3A_1040 = arith.index_cast %parallel_loop3A_1038 : i32 to index
        %parallel_loop3A_1041 = arith.index_cast %parallel_loop3A_1039 : i32 to index
        %parallel_loop3A_1042 = arith.index_cast %parallel_loop3A_655 : i32 to index
        %parallel_loop3A_1043 = tpu.vector_load %arg6[%parallel_loop3A_1040, %parallel_loop3A_1041, %parallel_loop3A_1042] {strides = array<i32>} : memref<4x8x1024xf32, #tpu.memory_space<vmem>>, vector<1x1x16xf32>,
        %parallel_loop3A_1044 = vector.shape_cast %parallel_loop3A_1043 : vector<1x1x16xf32> to vector<16xf32>
        %parallel_loop3A_1045 = arith.addf %parallel_loop3A_1044, %parallel_loop3A_1005 : vector<16xf32>
        %parallel_loop3A_1046 = arith.constant 2 : i32
        %parallel_loop3A_1047 = arith.constant 5 : i32
        %parallel_loop3A_1048 = arith.index_cast %parallel_loop3A_1046 : i32 to index
        %parallel_loop3A_1049 = arith.index_cast %parallel_loop3A_1047 : i32 to index
        %parallel_loop3A_1050 = arith.index_cast %parallel_loop3A_655 : i32 to index
        %parallel_loop3A_1051 = tpu.vector_load %arg6[%parallel_loop3A_1048, %parallel_loop3A_1049, %parallel_loop3A_1050] {strides = array<i32>} : memref<4x8x1024xf32, #tpu.memory_space<vmem>>, vector<1x1x16xf32>,
        %parallel_loop3A_1052 = vector.shape_cast %parallel_loop3A_1051 : vector<1x1x16xf32> to vector<16xf32>
        %parallel_loop3A_1053 = vector.shape_cast %parallel_loop3A_1045 : vector<16xf32> to vector<1x1x16xf32>
        tpu.vector_store %arg6[%parallel_loop3A_1048, %parallel_loop3A_1049, %parallel_loop3A_1050], %parallel_loop3A_1053 {strides = array<i32>} : memref<4x8x1024xf32, #tpu.memory_space<vmem>>, vector<1x1x16xf32>,
        %parallel_loop3A_1054 = arith.constant 3 : i32
        %parallel_loop3A_1055 = arith.constant 5 : i32
        %parallel_loop3A_1056 = arith.index_cast %parallel_loop3A_1054 : i32 to index
        %parallel_loop3A_1057 = arith.index_cast %parallel_loop3A_1055 : i32 to index
        %parallel_loop3A_1058 = arith.index_cast %parallel_loop3A_655 : i32 to index
        %parallel_loop3A_1059 = tpu.vector_load %arg6[%parallel_loop3A_1056, %parallel_loop3A_1057, %parallel_loop3A_1058] {strides = array<i32>} : memref<4x8x1024xf32, #tpu.memory_space<vmem>>, vector<1x1x16xf32>,
        %parallel_loop3A_1060 = vector.shape_cast %parallel_loop3A_1059 : vector<1x1x16xf32> to vector<16xf32>
        %parallel_loop3A_1061 = arith.addf %parallel_loop3A_1060, %parallel_loop3A_1005 : vector<16xf32>
        %parallel_loop3A_1062 = arith.constant 3 : i32
        %parallel_loop3A_1063 = arith.constant 5 : i32
        %parallel_loop3A_1064 = arith.index_cast %parallel_loop3A_1062 : i32 to index
        %parallel_loop3A_1065 = arith.index_cast %parallel_loop3A_1063 : i32 to index
        %parallel_loop3A_1066 = arith.index_cast %parallel_loop3A_655 : i32 to index
        %parallel_loop3A_1067 = tpu.vector_load %arg6[%parallel_loop3A_1064, %parallel_loop3A_1065, %parallel_loop3A_1066] {strides = array<i32>} : memref<4x8x1024xf32, #tpu.memory_space<vmem>>, vector<1x1x16xf32>,
        %parallel_loop3A_1068 = vector.shape_cast %parallel_loop3A_1067 : vector<1x1x16xf32> to vector<16xf32>
        %parallel_loop3A_1069 = vector.shape_cast %parallel_loop3A_1061 : vector<16xf32> to vector<1x1x16xf32>
        tpu.vector_store %arg6[%parallel_loop3A_1064, %parallel_loop3A_1065, %parallel_loop3A_1066], %parallel_loop3A_1069 {strides = array<i32>} : memref<4x8x1024xf32, #tpu.memory_space<vmem>>, vector<1x1x16xf32>,
        %parallel_loop3A_1070 = arith.constant 6 : i32
        %parallel_loop3A_1071 = arith.index_cast %parallel_loop3A_1070 : i32 to index
        %parallel_loop3A_1072 = arith.index_cast %parallel_loop3A_655 : i32 to index
        %parallel_loop3A_1073 = tpu.vector_load %arg8[%parallel_loop3A_1071, %parallel_loop3A_1072] {strides = array<i32>} : memref<8x1024xf32, #tpu.memory_space<vmem>>, vector<1x16xf32>,
        %parallel_loop3A_1074 = vector.shape_cast %parallel_loop3A_1073 : vector<1x16xf32> to vector<16xf32>
        %parallel_loop3A_1075 = arith.constant 0 : i32
        %parallel_loop3A_1076 = arith.constant 6 : i32
        %parallel_loop3A_1077 = arith.index_cast %parallel_loop3A_1075 : i32 to index
        %parallel_loop3A_1078 = arith.index_cast %parallel_loop3A_1076 : i32 to index
        %parallel_loop3A_1079 = arith.index_cast %parallel_loop3A_655 : i32 to index
        %parallel_loop3A_1080 = tpu.vector_load %arg6[%parallel_loop3A_1077, %parallel_loop3A_1078, %parallel_loop3A_1079] {strides = array<i32>} : memref<4x8x1024xf32, #tpu.memory_space<vmem>>, vector<1x1x16xf32>,
        %parallel_loop3A_1081 = vector.shape_cast %parallel_loop3A_1080 : vector<1x1x16xf32> to vector<16xf32>
        %parallel_loop3A_1082 = arith.addf %parallel_loop3A_1081, %parallel_loop3A_1074 : vector<16xf32>
        %parallel_loop3A_1083 = arith.constant 0 : i32
        %parallel_loop3A_1084 = arith.constant 6 : i32
        %parallel_loop3A_1085 = arith.index_cast %parallel_loop3A_1083 : i32 to index
        %parallel_loop3A_1086 = arith.index_cast %parallel_loop3A_1084 : i32 to index
        %parallel_loop3A_1087 = arith.index_cast %parallel_loop3A_655 : i32 to index
        %parallel_loop3A_1088 = tpu.vector_load %arg6[%parallel_loop3A_1085, %parallel_loop3A_1086, %parallel_loop3A_1087] {strides = array<i32>} : memref<4x8x1024xf32, #tpu.memory_space<vmem>>, vector<1x1x16xf32>,
        %parallel_loop3A_1089 = vector.shape_cast %parallel_loop3A_1088 : vector<1x1x16xf32> to vector<16xf32>
        %parallel_loop3A_1090 = vector.shape_cast %parallel_loop3A_1082 : vector<16xf32> to vector<1x1x16xf32>
        tpu.vector_store %arg6[%parallel_loop3A_1085, %parallel_loop3A_1086, %parallel_loop3A_1087], %parallel_loop3A_1090 {strides = array<i32>} : memref<4x8x1024xf32, #tpu.memory_space<vmem>>, vector<1x1x16xf32>,
        %parallel_loop3A_1091 = arith.constant 1 : i32
        %parallel_loop3A_1092 = arith.constant 6 : i32
        %parallel_loop3A_1093 = arith.index_cast %parallel_loop3A_1091 : i32 to index
        %parallel_loop3A_1094 = arith.index_cast %parallel_loop3A_1092 : i32 to index
        %parallel_loop3A_1095 = arith.index_cast %parallel_loop3A_655 : i32 to index
        %parallel_loop3A_1096 = tpu.vector_load %arg6[%parallel_loop3A_1093, %parallel_loop3A_1094, %parallel_loop3A_1095] {strides = array<i32>} : memref<4x8x1024xf32, #tpu.memory_space<vmem>>, vector<1x1x16xf32>,
        %parallel_loop3A_1097 = vector.shape_cast %parallel_loop3A_1096 : vector<1x1x16xf32> to vector<16xf32>
        %parallel_loop3A_1098 = arith.addf %parallel_loop3A_1097, %parallel_loop3A_1074 : vector<16xf32>
        %parallel_loop3A_1099 = arith.constant 1 : i32
        %parallel_loop3A_1100 = arith.constant 6 : i32
        %parallel_loop3A_1101 = arith.index_cast %parallel_loop3A_1099 : i32 to index
        %parallel_loop3A_1102 = arith.index_cast %parallel_loop3A_1100 : i32 to index
        %parallel_loop3A_1103 = arith.index_cast %parallel_loop3A_655 : i32 to index
        %parallel_loop3A_1104 = tpu.vector_load %arg6[%parallel_loop3A_1101, %parallel_loop3A_1102, %parallel_loop3A_1103] {strides = array<i32>} : memref<4x8x1024xf32, #tpu.memory_space<vmem>>, vector<1x1x16xf32>,
        %parallel_loop3A_1105 = vector.shape_cast %parallel_loop3A_1104 : vector<1x1x16xf32> to vector<16xf32>
        %parallel_loop3A_1106 = vector.shape_cast %parallel_loop3A_1098 : vector<16xf32> to vector<1x1x16xf32>
        tpu.vector_store %arg6[%parallel_loop3A_1101, %parallel_loop3A_1102, %parallel_loop3A_1103], %parallel_loop3A_1106 {strides = array<i32>} : memref<4x8x1024xf32, #tpu.memory_space<vmem>>, vector<1x1x16xf32>,
        %parallel_loop3A_1107 = arith.constant 2 : i32
        %parallel_loop3A_1108 = arith.constant 6 : i32
        %parallel_loop3A_1109 = arith.index_cast %parallel_loop3A_1107 : i32 to index
        %parallel_loop3A_1110 = arith.index_cast %parallel_loop3A_1108 : i32 to index
        %parallel_loop3A_1111 = arith.index_cast %parallel_loop3A_655 : i32 to index
        %parallel_loop3A_1112 = tpu.vector_load %arg6[%parallel_loop3A_1109, %parallel_loop3A_1110, %parallel_loop3A_1111] {strides = array<i32>} : memref<4x8x1024xf32, #tpu.memory_space<vmem>>, vector<1x1x16xf32>,
        %parallel_loop3A_1113 = vector.shape_cast %parallel_loop3A_1112 : vector<1x1x16xf32> to vector<16xf32>
        %parallel_loop3A_1114 = arith.addf %parallel_loop3A_1113, %parallel_loop3A_1074 : vector<16xf32>
        %parallel_loop3A_1115 = arith.constant 2 : i32
        %parallel_loop3A_1116 = arith.constant 6 : i32
        %parallel_loop3A_1117 = arith.index_cast %parallel_loop3A_1115 : i32 to index
        %parallel_loop3A_1118 = arith.index_cast %parallel_loop3A_1116 : i32 to index
        %parallel_loop3A_1119 = arith.index_cast %parallel_loop3A_655 : i32 to index
        %parallel_loop3A_1120 = tpu.vector_load %arg6[%parallel_loop3A_1117, %parallel_loop3A_1118, %parallel_loop3A_1119] {strides = array<i32>} : memref<4x8x1024xf32, #tpu.memory_space<vmem>>, vector<1x1x16xf32>,
        %parallel_loop3A_1121 = vector.shape_cast %parallel_loop3A_1120 : vector<1x1x16xf32> to vector<16xf32>
        %parallel_loop3A_1122 = vector.shape_cast %parallel_loop3A_1114 : vector<16xf32> to vector<1x1x16xf32>
        tpu.vector_store %arg6[%parallel_loop3A_1117, %parallel_loop3A_1118, %parallel_loop3A_1119], %parallel_loop3A_1122 {strides = array<i32>} : memref<4x8x1024xf32, #tpu.memory_space<vmem>>, vector<1x1x16xf32>,
        %parallel_loop3A_1123 = arith.constant 3 : i32
        %parallel_loop3A_1124 = arith.constant 6 : i32
        %parallel_loop3A_1125 = arith.index_cast %parallel_loop3A_1123 : i32 to index
        %parallel_loop3A_1126 = arith.index_cast %parallel_loop3A_1124 : i32 to index
        %parallel_loop3A_1127 = arith.index_cast %parallel_loop3A_655 : i32 to index
        %parallel_loop3A_1128 = tpu.vector_load %arg6[%parallel_loop3A_1125, %parallel_loop3A_1126, %parallel_loop3A_1127] {strides = array<i32>} : memref<4x8x1024xf32, #tpu.memory_space<vmem>>, vector<1x1x16xf32>,
        %parallel_loop3A_1129 = vector.shape_cast %parallel_loop3A_1128 : vector<1x1x16xf32> to vector<16xf32>
        %parallel_loop3A_1130 = arith.addf %parallel_loop3A_1129, %parallel_loop3A_1074 : vector<16xf32>
        %parallel_loop3A_1131 = arith.constant 3 : i32
        %parallel_loop3A_1132 = arith.constant 6 : i32
        %parallel_loop3A_1133 = arith.index_cast %parallel_loop3A_1131 : i32 to index
        %parallel_loop3A_1134 = arith.index_cast %parallel_loop3A_1132 : i32 to index
        %parallel_loop3A_1135 = arith.index_cast %parallel_loop3A_655 : i32 to index
        %parallel_loop3A_1136 = tpu.vector_load %arg6[%parallel_loop3A_1133, %parallel_loop3A_1134, %parallel_loop3A_1135] {strides = array<i32>} : memref<4x8x1024xf32, #tpu.memory_space<vmem>>, vector<1x1x16xf32>,
        %parallel_loop3A_1137 = vector.shape_cast %parallel_loop3A_1136 : vector<1x1x16xf32> to vector<16xf32>
        %parallel_loop3A_1138 = vector.shape_cast %parallel_loop3A_1130 : vector<16xf32> to vector<1x1x16xf32>
        tpu.vector_store %arg6[%parallel_loop3A_1133, %parallel_loop3A_1134, %parallel_loop3A_1135], %parallel_loop3A_1138 {strides = array<i32>} : memref<4x8x1024xf32, #tpu.memory_space<vmem>>, vector<1x1x16xf32>,
        %parallel_loop3A_1139 = arith.constant 7 : i32
        %parallel_loop3A_1140 = arith.index_cast %parallel_loop3A_1139 : i32 to index
        %parallel_loop3A_1141 = arith.index_cast %parallel_loop3A_655 : i32 to index
        %parallel_loop3A_1142 = tpu.vector_load %arg8[%parallel_loop3A_1140, %parallel_loop3A_1141] {strides = array<i32>} : memref<8x1024xf32, #tpu.memory_space<vmem>>, vector<1x16xf32>,
        %parallel_loop3A_1143 = vector.shape_cast %parallel_loop3A_1142 : vector<1x16xf32> to vector<16xf32>
        %parallel_loop3A_1144 = arith.constant 0 : i32
        %parallel_loop3A_1145 = arith.constant 7 : i32
        %parallel_loop3A_1146 = arith.index_cast %parallel_loop3A_1144 : i32 to index
        %parallel_loop3A_1147 = arith.index_cast %parallel_loop3A_1145 : i32 to index
        %parallel_loop3A_1148 = arith.index_cast %parallel_loop3A_655 : i32 to index
        %parallel_loop3A_1149 = tpu.vector_load %arg6[%parallel_loop3A_1146, %parallel_loop3A_1147, %parallel_loop3A_1148] {strides = array<i32>} : memref<4x8x1024xf32, #tpu.memory_space<vmem>>, vector<1x1x16xf32>,
        %parallel_loop3A_1150 = vector.shape_cast %parallel_loop3A_1149 : vector<1x1x16xf32> to vector<16xf32>
        %parallel_loop3A_1151 = arith.addf %parallel_loop3A_1150, %parallel_loop3A_1143 : vector<16xf32>
        %parallel_loop3A_1152 = arith.constant 0 : i32
        %parallel_loop3A_1153 = arith.constant 7 : i32
        %parallel_loop3A_1154 = arith.index_cast %parallel_loop3A_1152 : i32 to index
        %parallel_loop3A_1155 = arith.index_cast %parallel_loop3A_1153 : i32 to index
        %parallel_loop3A_1156 = arith.index_cast %parallel_loop3A_655 : i32 to index
        %parallel_loop3A_1157 = tpu.vector_load %arg6[%parallel_loop3A_1154, %parallel_loop3A_1155, %parallel_loop3A_1156] {strides = array<i32>} : memref<4x8x1024xf32, #tpu.memory_space<vmem>>, vector<1x1x16xf32>,
        %parallel_loop3A_1158 = vector.shape_cast %parallel_loop3A_1157 : vector<1x1x16xf32> to vector<16xf32>
        %parallel_loop3A_1159 = vector.shape_cast %parallel_loop3A_1151 : vector<16xf32> to vector<1x1x16xf32>
        tpu.vector_store %arg6[%parallel_loop3A_1154, %parallel_loop3A_1155, %parallel_loop3A_1156], %parallel_loop3A_1159 {strides = array<i32>} : memref<4x8x1024xf32, #tpu.memory_space<vmem>>, vector<1x1x16xf32>,
        %parallel_loop3A_1160 = arith.constant 1 : i32
        %parallel_loop3A_1161 = arith.constant 7 : i32
        %parallel_loop3A_1162 = arith.index_cast %parallel_loop3A_1160 : i32 to index
        %parallel_loop3A_1163 = arith.index_cast %parallel_loop3A_1161 : i32 to index
        %parallel_loop3A_1164 = arith.index_cast %parallel_loop3A_655 : i32 to index
        %parallel_loop3A_1165 = tpu.vector_load %arg6[%parallel_loop3A_1162, %parallel_loop3A_1163, %parallel_loop3A_1164] {strides = array<i32>} : memref<4x8x1024xf32, #tpu.memory_space<vmem>>, vector<1x1x16xf32>,
        %parallel_loop3A_1166 = vector.shape_cast %parallel_loop3A_1165 : vector<1x1x16xf32> to vector<16xf32>
        %parallel_loop3A_1167 = arith.addf %parallel_loop3A_1166, %parallel_loop3A_1143 : vector<16xf32>
        %parallel_loop3A_1168 = arith.constant 1 : i32
        %parallel_loop3A_1169 = arith.constant 7 : i32
        %parallel_loop3A_1170 = arith.index_cast %parallel_loop3A_1168 : i32 to index
        %parallel_loop3A_1171 = arith.index_cast %parallel_loop3A_1169 : i32 to index
        %parallel_loop3A_1172 = arith.index_cast %parallel_loop3A_655 : i32 to index
        %parallel_loop3A_1173 = tpu.vector_load %arg6[%parallel_loop3A_1170, %parallel_loop3A_1171, %parallel_loop3A_1172] {strides = array<i32>} : memref<4x8x1024xf32, #tpu.memory_space<vmem>>, vector<1x1x16xf32>,
        %parallel_loop3A_1174 = vector.shape_cast %parallel_loop3A_1173 : vector<1x1x16xf32> to vector<16xf32>
        %parallel_loop3A_1175 = vector.shape_cast %parallel_loop3A_1167 : vector<16xf32> to vector<1x1x16xf32>
        tpu.vector_store %arg6[%parallel_loop3A_1170, %parallel_loop3A_1171, %parallel_loop3A_1172], %parallel_loop3A_1175 {strides = array<i32>} : memref<4x8x1024xf32, #tpu.memory_space<vmem>>, vector<1x1x16xf32>,
        %parallel_loop3A_1176 = arith.constant 2 : i32
        %parallel_loop3A_1177 = arith.constant 7 : i32
        %parallel_loop3A_1178 = arith.index_cast %parallel_loop3A_1176 : i32 to index
        %parallel_loop3A_1179 = arith.index_cast %parallel_loop3A_1177 : i32 to index
        %parallel_loop3A_1180 = arith.index_cast %parallel_loop3A_655 : i32 to index
        %parallel_loop3A_1181 = tpu.vector_load %arg6[%parallel_loop3A_1178, %parallel_loop3A_1179, %parallel_loop3A_1180] {strides = array<i32>} : memref<4x8x1024xf32, #tpu.memory_space<vmem>>, vector<1x1x16xf32>,
        %parallel_loop3A_1182 = vector.shape_cast %parallel_loop3A_1181 : vector<1x1x16xf32> to vector<16xf32>
        %parallel_loop3A_1183 = arith.addf %parallel_loop3A_1182, %parallel_loop3A_1143 : vector<16xf32>
        %parallel_loop3A_1184 = arith.constant 2 : i32
        %parallel_loop3A_1185 = arith.constant 7 : i32
        %parallel_loop3A_1186 = arith.index_cast %parallel_loop3A_1184 : i32 to index
        %parallel_loop3A_1187 = arith.index_cast %parallel_loop3A_1185 : i32 to index
        %parallel_loop3A_1188 = arith.index_cast %parallel_loop3A_655 : i32 to index
        %parallel_loop3A_1189 = tpu.vector_load %arg6[%parallel_loop3A_1186, %parallel_loop3A_1187, %parallel_loop3A_1188] {strides = array<i32>} : memref<4x8x1024xf32, #tpu.memory_space<vmem>>, vector<1x1x16xf32>,
        %parallel_loop3A_1190 = vector.shape_cast %parallel_loop3A_1189 : vector<1x1x16xf32> to vector<16xf32>
        %parallel_loop3A_1191 = vector.shape_cast %parallel_loop3A_1183 : vector<16xf32> to vector<1x1x16xf32>
        tpu.vector_store %arg6[%parallel_loop3A_1186, %parallel_loop3A_1187, %parallel_loop3A_1188], %parallel_loop3A_1191 {strides = array<i32>} : memref<4x8x1024xf32, #tpu.memory_space<vmem>>, vector<1x1x16xf32>,
        %parallel_loop3A_1192 = arith.constant 3 : i32
        %parallel_loop3A_1193 = arith.constant 7 : i32
        %parallel_loop3A_1194 = arith.index_cast %parallel_loop3A_1192 : i32 to index
        %parallel_loop3A_1195 = arith.index_cast %parallel_loop3A_1193 : i32 to index
        %parallel_loop3A_1196 = arith.index_cast %parallel_loop3A_655 : i32 to index
        %parallel_loop3A_1197 = tpu.vector_load %arg6[%parallel_loop3A_1194, %parallel_loop3A_1195, %parallel_loop3A_1196] {strides = array<i32>} : memref<4x8x1024xf32, #tpu.memory_space<vmem>>, vector<1x1x16xf32>,
        %parallel_loop3A_1198 = vector.shape_cast %parallel_loop3A_1197 : vector<1x1x16xf32> to vector<16xf32>
        %parallel_loop3A_1199 = arith.addf %parallel_loop3A_1198, %parallel_loop3A_1143 : vector<16xf32>
        %parallel_loop3A_1200 = arith.constant 3 : i32
        %parallel_loop3A_1201 = arith.constant 7 : i32
        %parallel_loop3A_1202 = arith.index_cast %parallel_loop3A_1200 : i32 to index
        %parallel_loop3A_1203 = arith.index_cast %parallel_loop3A_1201 : i32 to index
        %parallel_loop3A_1204 = arith.index_cast %parallel_loop3A_655 : i32 to index
        %parallel_loop3A_1205 = tpu.vector_load %arg6[%parallel_loop3A_1202, %parallel_loop3A_1203, %parallel_loop3A_1204] {strides = array<i32>} : memref<4x8x1024xf32, #tpu.memory_space<vmem>>, vector<1x1x16xf32>,
        %parallel_loop3A_1206 = vector.shape_cast %parallel_loop3A_1205 : vector<1x1x16xf32> to vector<16xf32>
        %parallel_loop3A_1207 = vector.shape_cast %parallel_loop3A_1199 : vector<16xf32> to vector<1x1x16xf32>
        tpu.vector_store %arg6[%parallel_loop3A_1202, %parallel_loop3A_1203, %parallel_loop3A_1204], %parallel_loop3A_1207 {strides = array<i32>} : memref<4x8x1024xf32, #tpu.memory_space<vmem>>, vector<1x1x16xf32>,
      } {sc.loop_unroll_factor = 2 : i64, sc.parallel_access}
      %mul3A_414 = arith.constant 8 : i32
      %mul3A_415 = arith.muli %add3A_167, %mul3A_414 : i32
      %add3A_416 = arith.addi %mul3A_2, %mul3A_415 : i32
      %dma_start3A_417 = arith.constant 0 : i32
      %dma_start3A_418 = arith.constant 0 : i32
      %dma_start3A_419 = arith.constant 0 : i32
      %dma_start3A_420 = arith.constant 0 : i32
      %dma_start3A_421 = tpu.memref_slice %arg6[%dma_start3A_417, %dma_start3A_419, %dma_start3A_420] : memref<4x8x1024xf32, #tpu.memory_space<vmem>> -> memref<1x8x1024xf32, #tpu.memory_space<vmem>>
      %dma_start3A_422 = tpu.memref_squeeze %dma_start3A_421 : memref<1x8x1024xf32, #tpu.memory_space<vmem>> -> memref<8x1024xf32, #tpu.memory_space<vmem>>
      %dma_start3A_423 = arith.constant 0 : i32
      %dma_start3A_424 = tpu.memref_slice %arg4[%dma_start3A_418, %add3A_416, %dma_start3A_423] : memref<4x8192x1024xf32, #tpu.memory_space<hbm>> -> memref<1x8x1024xf32, #tpu.memory_space<hbm>>
      %dma_start3A_425 = tpu.memref_squeeze %dma_start3A_424 : memref<1x8x1024xf32, #tpu.memory_space<hbm>> -> memref<8x1024xf32, #tpu.memory_space<hbm>>
      %dma_start3A_426 = arith.constant 0 : i32
      %dma_start3A_427 = tpu.memref_slice %arg4[%dma_start3A_418, %add3A_416, %dma_start3A_426] : memref<4x8192x1024xf32, #tpu.memory_space<hbm>> -> memref<1x8x1024xf32, #tpu.memory_space<hbm>>
      %dma_start3A_428 = tpu.memref_squeeze %dma_start3A_427 : memref<1x8x1024xf32, #tpu.memory_space<hbm>> -> memref<8x1024xf32, #tpu.memory_space<hbm>>
      %dma_start3A_429 = arith.constant 0 : i32
      %dma_start3A_430 = arith.constant 0 : i32
      %dma_start3A_431 = tpu.memref_slice %arg6[%dma_start3A_417, %dma_start3A_429, %dma_start3A_430] : memref<4x8x1024xf32, #tpu.memory_space<vmem>> -> memref<1x8x1024xf32, #tpu.memory_space<vmem>>
      %dma_start3A_432 = tpu.memref_squeeze %dma_start3A_431 : memref<1x8x1024xf32, #tpu.memory_space<vmem>> -> memref<8x1024xf32, #tpu.memory_space<vmem>>
      tpu.enqueue_dma source(%dma_start3A_432 : memref<8x1024xf32, #tpu.memory_space<vmem>>) target(%dma_start3A_428 : memref<8x1024xf32, #tpu.memory_space<hbm>>) target_semaphore(%arg14 : memref<!tpu.dma_semaphore, #tpu.memory_space<semaphore_mem>>)
      %mul3A_433 = arith.constant 8 : i32
      %mul3A_434 = arith.muli %add3A_167, %mul3A_433 : i32
      %add3A_435 = arith.addi %mul3A_2, %mul3A_434 : i32
      %dma_start3A_436 = arith.constant 1 : i32
      %dma_start3A_437 = arith.constant 1 : i32
      %dma_start3A_438 = arith.constant 0 : i32
      %dma_start3A_439 = arith.constant 0 : i32
      %dma_start3A_440 = tpu.memref_slice %arg6[%dma_start3A_436, %dma_start3A_438, %dma_start3A_439] : memref<4x8x1024xf32, #tpu.memory_space<vmem>> -> memref<1x8x1024xf32, #tpu.memory_space<vmem>>
      %dma_start3A_441 = tpu.memref_squeeze %dma_start3A_440 : memref<1x8x1024xf32, #tpu.memory_space<vmem>> -> memref<8x1024xf32, #tpu.memory_space<vmem>>
      %dma_start3A_442 = arith.constant 0 : i32
      %dma_start3A_443 = tpu.memref_slice %arg4[%dma_start3A_437, %add3A_435, %dma_start3A_442] : memref<4x8192x1024xf32, #tpu.memory_space<hbm>> -> memref<1x8x1024xf32, #tpu.memory_space<hbm>>
      %dma_start3A_444 = tpu.memref_squeeze %dma_start3A_443 : memref<1x8x1024xf32, #tpu.memory_space<hbm>> -> memref<8x1024xf32, #tpu.memory_space<hbm>>
      %dma_start3A_445 = arith.constant 0 : i32
      %dma_start3A_446 = tpu.memref_slice %arg4[%dma_start3A_437, %add3A_435, %dma_start3A_445] : memref<4x8192x1024xf32, #tpu.memory_space<hbm>> -> memref<1x8x1024xf32, #tpu.memory_space<hbm>>
      %dma_start3A_447 = tpu.memref_squeeze %dma_start3A_446 : memref<1x8x1024xf32, #tpu.memory_space<hbm>> -> memref<8x1024xf32, #tpu.memory_space<hbm>>
      %dma_start3A_448 = arith.constant 0 : i32
      %dma_start3A_449 = arith.constant 0 : i32
      %dma_start3A_450 = tpu.memref_slice %arg6[%dma_start3A_436, %dma_start3A_448, %dma_start3A_449] : memref<4x8x1024xf32, #tpu.memory_space<vmem>> -> memref<1x8x1024xf32, #tpu.memory_space<vmem>>
      %dma_start3A_451 = tpu.memref_squeeze %dma_start3A_450 : memref<1x8x1024xf32, #tpu.memory_space<vmem>> -> memref<8x1024xf32, #tpu.memory_space<vmem>>
      tpu.enqueue_dma source(%dma_start3A_451 : memref<8x1024xf32, #tpu.memory_space<vmem>>) target(%dma_start3A_447 : memref<8x1024xf32, #tpu.memory_space<hbm>>) target_semaphore(%arg14 : memref<!tpu.dma_semaphore, #tpu.memory_space<semaphore_mem>>)
      %mul3A_452 = arith.constant 8 : i32
      %mul3A_453 = arith.muli %add3A_167, %mul3A_452 : i32
      %add3A_454 = arith.addi %mul3A_2, %mul3A_453 : i32
      %dma_start3A_455 = arith.constant 2 : i32
      %dma_start3A_456 = arith.constant 2 : i32
      %dma_start3A_457 = arith.constant 0 : i32
      %dma_start3A_458 = arith.constant 0 : i32
      %dma_start3A_459 = tpu.memref_slice %arg6[%dma_start3A_455, %dma_start3A_457, %dma_start3A_458] : memref<4x8x1024xf32, #tpu.memory_space<vmem>> -> memref<1x8x1024xf32, #tpu.memory_space<vmem>>
      %dma_start3A_460 = tpu.memref_squeeze %dma_start3A_459 : memref<1x8x1024xf32, #tpu.memory_space<vmem>> -> memref<8x1024xf32, #tpu.memory_space<vmem>>
      %dma_start3A_461 = arith.constant 0 : i32
      %dma_start3A_462 = tpu.memref_slice %arg4[%dma_start3A_456, %add3A_454, %dma_start3A_461] : memref<4x8192x1024xf32, #tpu.memory_space<hbm>> -> memref<1x8x1024xf32, #tpu.memory_space<hbm>>
      %dma_start3A_463 = tpu.memref_squeeze %dma_start3A_462 : memref<1x8x1024xf32, #tpu.memory_space<hbm>> -> memref<8x1024xf32, #tpu.memory_space<hbm>>
      %dma_start3A_464 = arith.constant 0 : i32
      %dma_start3A_465 = tpu.memref_slice %arg4[%dma_start3A_456, %add3A_454, %dma_start3A_464] : memref<4x8192x1024xf32, #tpu.memory_space<hbm>> -> memref<1x8x1024xf32, #tpu.memory_space<hbm>>
      %dma_start3A_466 = tpu.memref_squeeze %dma_start3A_465 : memref<1x8x1024xf32, #tpu.memory_space<hbm>> -> memref<8x1024xf32, #tpu.memory_space<hbm>>
      %dma_start3A_467 = arith.constant 0 : i32
      %dma_start3A_468 = arith.constant 0 : i32
      %dma_start3A_469 = tpu.memref_slice %arg6[%dma_start3A_455, %dma_start3A_467, %dma_start3A_468] : memref<4x8x1024xf32, #tpu.memory_space<vmem>> -> memref<1x8x1024xf32, #tpu.memory_space<vmem>>
      %dma_start3A_470 = tpu.memref_squeeze %dma_start3A_469 : memref<1x8x1024xf32, #tpu.memory_space<vmem>> -> memref<8x1024xf32, #tpu.memory_space<vmem>>
      tpu.enqueue_dma source(%dma_start3A_470 : memref<8x1024xf32, #tpu.memory_space<vmem>>) target(%dma_start3A_466 : memref<8x1024xf32, #tpu.memory_space<hbm>>) target_semaphore(%arg14 : memref<!tpu.dma_semaphore, #tpu.memory_space<semaphore_mem>>)
      %mul3A_471 = arith.constant 8 : i32
      %mul3A_472 = arith.muli %add3A_167, %mul3A_471 : i32
      %add3A_473 = arith.addi %mul3A_2, %mul3A_472 : i32
      %dma_start3A_474 = arith.constant 3 : i32
      %dma_start3A_475 = arith.constant 3 : i32
      %dma_start3A_476 = arith.constant 0 : i32
      %dma_start3A_477 = arith.constant 0 : i32
      %dma_start3A_478 = tpu.memref_slice %arg6[%dma_start3A_474, %dma_start3A_476, %dma_start3A_477] : memref<4x8x1024xf32, #tpu.memory_space<vmem>> -> memref<1x8x1024xf32, #tpu.memory_space<vmem>>
      %dma_start3A_479 = tpu.memref_squeeze %dma_start3A_478 : memref<1x8x1024xf32, #tpu.memory_space<vmem>> -> memref<8x1024xf32, #tpu.memory_space<vmem>>
      %dma_start3A_480 = arith.constant 0 : i32
      %dma_start3A_481 = tpu.memref_slice %arg4[%dma_start3A_475, %add3A_473, %dma_start3A_480] : memref<4x8192x1024xf32, #tpu.memory_space<hbm>> -> memref<1x8x1024xf32, #tpu.memory_space<hbm>>
      %dma_start3A_482 = tpu.memref_squeeze %dma_start3A_481 : memref<1x8x1024xf32, #tpu.memory_space<hbm>> -> memref<8x1024xf32, #tpu.memory_space<hbm>>
      %dma_start3A_483 = arith.constant 0 : i32
      %dma_start3A_484 = tpu.memref_slice %arg4[%dma_start3A_475, %add3A_473, %dma_start3A_483] : memref<4x8192x1024xf32, #tpu.memory_space<hbm>> -> memref<1x8x1024xf32, #tpu.memory_space<hbm>>
      %dma_start3A_485 = tpu.memref_squeeze %dma_start3A_484 : memref<1x8x1024xf32, #tpu.memory_space<hbm>> -> memref<8x1024xf32, #tpu.memory_space<hbm>>
      %dma_start3A_486 = arith.constant 0 : i32
      %dma_start3A_487 = arith.constant 0 : i32
      %dma_start3A_488 = tpu.memref_slice %arg6[%dma_start3A_474, %dma_start3A_486, %dma_start3A_487] : memref<4x8x1024xf32, #tpu.memory_space<vmem>> -> memref<1x8x1024xf32, #tpu.memory_space<vmem>>
      %dma_start3A_489 = tpu.memref_squeeze %dma_start3A_488 : memref<1x8x1024xf32, #tpu.memory_space<vmem>> -> memref<8x1024xf32, #tpu.memory_space<vmem>>
      tpu.enqueue_dma source(%dma_start3A_489 : memref<8x1024xf32, #tpu.memory_space<vmem>>) target(%dma_start3A_485 : memref<8x1024xf32, #tpu.memory_space<hbm>>) target_semaphore(%arg14 : memref<!tpu.dma_semaphore, #tpu.memory_space<semaphore_mem>>)
      %mul3A_490 = arith.constant 8 : i32
      %mul3A_491 = arith.muli %mul3A_165, %mul3A_490 : i32
      %add3A_492 = arith.addi %mul3A_2, %mul3A_491 : i32
      %dma_wait3A_493 = arith.constant 0 : i32
      %dma_wait3A_494 = arith.constant 0 : i32
      %dma_wait3A_495 = arith.constant 0 : i32
      %dma_wait3A_496 = arith.constant 0 : i32
      %dma_wait3A_497 = tpu.memref_slice %arg5[%dma_wait3A_493, %dma_wait3A_495, %dma_wait3A_496] : memref<4x8x1024xf32, #tpu.memory_space<vmem>> -> memref<1x8x1024xf32, #tpu.memory_space<vmem>>
      %dma_wait3A_498 = tpu.memref_squeeze %dma_wait3A_497 : memref<1x8x1024xf32, #tpu.memory_space<vmem>> -> memref<8x1024xf32, #tpu.memory_space<vmem>>
      %dma_wait3A_499 = arith.constant 0 : i32
      %dma_wait3A_500 = tpu.memref_slice %arg4[%dma_wait3A_494, %add3A_492, %dma_wait3A_499] : memref<4x8192x1024xf32, #tpu.memory_space<hbm>> -> memref<1x8x1024xf32, #tpu.memory_space<hbm>>
      %dma_wait3A_501 = tpu.memref_squeeze %dma_wait3A_500 : memref<1x8x1024xf32, #tpu.memory_space<hbm>> -> memref<8x1024xf32, #tpu.memory_space<hbm>>
      %dma_wait3A_502 = arith.constant 0 : i32
      %dma_wait3A_503 = tpu.memref_slice %arg4[%dma_wait3A_494, %add3A_492, %dma_wait3A_502] : memref<4x8192x1024xf32, #tpu.memory_space<hbm>> -> memref<1x8x1024xf32, #tpu.memory_space<hbm>>
      %dma_wait3A_504 = tpu.memref_squeeze %dma_wait3A_503 : memref<1x8x1024xf32, #tpu.memory_space<hbm>> -> memref<8x1024xf32, #tpu.memory_space<hbm>>
      %dma_wait3A_505 = arith.constant 0 : i32
      %dma_wait3A_506 = arith.constant 0 : i32
      %dma_wait3A_507 = tpu.memref_slice %arg5[%dma_wait3A_493, %dma_wait3A_505, %dma_wait3A_506] : memref<4x8x1024xf32, #tpu.memory_space<vmem>> -> memref<1x8x1024xf32, #tpu.memory_space<vmem>>
      %dma_wait3A_508 = tpu.memref_squeeze %dma_wait3A_507 : memref<1x8x1024xf32, #tpu.memory_space<vmem>> -> memref<8x1024xf32, #tpu.memory_space<vmem>>
      tpu.wait_dma2 semaphore(%arg13 : memref<!tpu.dma_semaphore, #tpu.memory_space<semaphore_mem>>) src(%dma_wait3A_508 : memref<8x1024xf32, #tpu.memory_space<vmem>>) dst(%dma_wait3A_504 : memref<8x1024xf32, #tpu.memory_space<hbm>>)
      %mul3A_509 = arith.constant 8 : i32
      %mul3A_510 = arith.muli %mul3A_165, %mul3A_509 : i32
      %add3A_511 = arith.addi %mul3A_2, %mul3A_510 : i32
      %dma_wait3A_512 = arith.constant 1 : i32
      %dma_wait3A_513 = arith.constant 1 : i32
      %dma_wait3A_514 = arith.constant 0 : i32
      %dma_wait3A_515 = arith.constant 0 : i32
      %dma_wait3A_516 = tpu.memref_slice %arg5[%dma_wait3A_512, %dma_wait3A_514, %dma_wait3A_515] : memref<4x8x1024xf32, #tpu.memory_space<vmem>> -> memref<1x8x1024xf32, #tpu.memory_space<vmem>>
      %dma_wait3A_517 = tpu.memref_squeeze %dma_wait3A_516 : memref<1x8x1024xf32, #tpu.memory_space<vmem>> -> memref<8x1024xf32, #tpu.memory_space<vmem>>
      %dma_wait3A_518 = arith.constant 0 : i32
      %dma_wait3A_519 = tpu.memref_slice %arg4[%dma_wait3A_513, %add3A_511, %dma_wait3A_518] : memref<4x8192x1024xf32, #tpu.memory_space<hbm>> -> memref<1x8x1024xf32, #tpu.memory_space<hbm>>
      %dma_wait3A_520 = tpu.memref_squeeze %dma_wait3A_519 : memref<1x8x1024xf32, #tpu.memory_space<hbm>> -> memref<8x1024xf32, #tpu.memory_space<hbm>>
      %dma_wait3A_521 = arith.constant 0 : i32
      %dma_wait3A_522 = tpu.memref_slice %arg4[%dma_wait3A_513, %add3A_511, %dma_wait3A_521] : memref<4x8192x1024xf32, #tpu.memory_space<hbm>> -> memref<1x8x1024xf32, #tpu.memory_space<hbm>>
      %dma_wait3A_523 = tpu.memref_squeeze %dma_wait3A_522 : memref<1x8x1024xf32, #tpu.memory_space<hbm>> -> memref<8x1024xf32, #tpu.memory_space<hbm>>
      %dma_wait3A_524 = arith.constant 0 : i32
      %dma_wait3A_525 = arith.constant 0 : i32
      %dma_wait3A_526 = tpu.memref_slice %arg5[%dma_wait3A_512, %dma_wait3A_524, %dma_wait3A_525] : memref<4x8x1024xf32, #tpu.memory_space<vmem>> -> memref<1x8x1024xf32, #tpu.memory_space<vmem>>
      %dma_wait3A_527 = tpu.memref_squeeze %dma_wait3A_526 : memref<1x8x1024xf32, #tpu.memory_space<vmem>> -> memref<8x1024xf32, #tpu.memory_space<vmem>>
      tpu.wait_dma2 semaphore(%arg13 : memref<!tpu.dma_semaphore, #tpu.memory_space<semaphore_mem>>) src(%dma_wait3A_527 : memref<8x1024xf32, #tpu.memory_space<vmem>>) dst(%dma_wait3A_523 : memref<8x1024xf32, #tpu.memory_space<hbm>>)
      %mul3A_528 = arith.constant 8 : i32
      %mul3A_529 = arith.muli %mul3A_165, %mul3A_528 : i32
      %add3A_530 = arith.addi %mul3A_2, %mul3A_529 : i32
      %dma_wait3A_531 = arith.constant 2 : i32
      %dma_wait3A_532 = arith.constant 2 : i32
      %dma_wait3A_533 = arith.constant 0 : i32
      %dma_wait3A_534 = arith.constant 0 : i32
      %dma_wait3A_535 = tpu.memref_slice %arg5[%dma_wait3A_531, %dma_wait3A_533, %dma_wait3A_534] : memref<4x8x1024xf32, #tpu.memory_space<vmem>> -> memref<1x8x1024xf32, #tpu.memory_space<vmem>>
      %dma_wait3A_536 = tpu.memref_squeeze %dma_wait3A_535 : memref<1x8x1024xf32, #tpu.memory_space<vmem>> -> memref<8x1024xf32, #tpu.memory_space<vmem>>
      %dma_wait3A_537 = arith.constant 0 : i32
      %dma_wait3A_538 = tpu.memref_slice %arg4[%dma_wait3A_532, %add3A_530, %dma_wait3A_537] : memref<4x8192x1024xf32, #tpu.memory_space<hbm>> -> memref<1x8x1024xf32, #tpu.memory_space<hbm>>
      %dma_wait3A_539 = tpu.memref_squeeze %dma_wait3A_538 : memref<1x8x1024xf32, #tpu.memory_space<hbm>> -> memref<8x1024xf32, #tpu.memory_space<hbm>>
      %dma_wait3A_540 = arith.constant 0 : i32
      %dma_wait3A_541 = tpu.memref_slice %arg4[%dma_wait3A_532, %add3A_530, %dma_wait3A_540] : memref<4x8192x1024xf32, #tpu.memory_space<hbm>> -> memref<1x8x1024xf32, #tpu.memory_space<hbm>>
      %dma_wait3A_542 = tpu.memref_squeeze %dma_wait3A_541 : memref<1x8x1024xf32, #tpu.memory_space<hbm>> -> memref<8x1024xf32, #tpu.memory_space<hbm>>
      %dma_wait3A_543 = arith.constant 0 : i32
      %dma_wait3A_544 = arith.constant 0 : i32
      %dma_wait3A_545 = tpu.memref_slice %arg5[%dma_wait3A_531, %dma_wait3A_543, %dma_wait3A_544] : memref<4x8x1024xf32, #tpu.memory_space<vmem>> -> memref<1x8x1024xf32, #tpu.memory_space<vmem>>
      %dma_wait3A_546 = tpu.memref_squeeze %dma_wait3A_545 : memref<1x8x1024xf32, #tpu.memory_space<vmem>> -> memref<8x1024xf32, #tpu.memory_space<vmem>>
      tpu.wait_dma2 semaphore(%arg13 : memref<!tpu.dma_semaphore, #tpu.memory_space<semaphore_mem>>) src(%dma_wait3A_546 : memref<8x1024xf32, #tpu.memory_space<vmem>>) dst(%dma_wait3A_542 : memref<8x1024xf32, #tpu.memory_space<hbm>>)
      %mul3A_547 = arith.constant 8 : i32
      %mul3A_548 = arith.muli %mul3A_165, %mul3A_547 : i32
      %add3A_549 = arith.addi %mul3A_2, %mul3A_548 : i32
      %dma_wait3A_550 = arith.constant 3 : i32
      %dma_wait3A_551 = arith.constant 3 : i32
      %dma_wait3A_552 = arith.constant 0 : i32
      %dma_wait3A_553 = arith.constant 0 : i32
      %dma_wait3A_554 = tpu.memref_slice %arg5[%dma_wait3A_550, %dma_wait3A_552, %dma_wait3A_553] : memref<4x8x1024xf32, #tpu.memory_space<vmem>> -> memref<1x8x1024xf32, #tpu.memory_space<vmem>>
      %dma_wait3A_555 = tpu.memref_squeeze %dma_wait3A_554 : memref<1x8x1024xf32, #tpu.memory_space<vmem>> -> memref<8x1024xf32, #tpu.memory_space<vmem>>
      %dma_wait3A_556 = arith.constant 0 : i32
      %dma_wait3A_557 = tpu.memref_slice %arg4[%dma_wait3A_551, %add3A_549, %dma_wait3A_556] : memref<4x8192x1024xf32, #tpu.memory_space<hbm>> -> memref<1x8x1024xf32, #tpu.memory_space<hbm>>
      %dma_wait3A_558 = tpu.memref_squeeze %dma_wait3A_557 : memref<1x8x1024xf32, #tpu.memory_space<hbm>> -> memref<8x1024xf32, #tpu.memory_space<hbm>>
      %dma_wait3A_559 = arith.constant 0 : i32
      %dma_wait3A_560 = tpu.memref_slice %arg4[%dma_wait3A_551, %add3A_549, %dma_wait3A_559] : memref<4x8192x1024xf32, #tpu.memory_space<hbm>> -> memref<1x8x1024xf32, #tpu.memory_space<hbm>>
      %dma_wait3A_561 = tpu.memref_squeeze %dma_wait3A_560 : memref<1x8x1024xf32, #tpu.memory_space<hbm>> -> memref<8x1024xf32, #tpu.memory_space<hbm>>
      %dma_wait3A_562 = arith.constant 0 : i32
      %dma_wait3A_563 = arith.constant 0 : i32
      %dma_wait3A_564 = tpu.memref_slice %arg5[%dma_wait3A_550, %dma_wait3A_562, %dma_wait3A_563] : memref<4x8x1024xf32, #tpu.memory_space<vmem>> -> memref<1x8x1024xf32, #tpu.memory_space<vmem>>
      %dma_wait3A_565 = tpu.memref_squeeze %dma_wait3A_564 : memref<1x8x1024xf32, #tpu.memory_space<vmem>> -> memref<8x1024xf32, #tpu.memory_space<vmem>>
      tpu.wait_dma2 semaphore(%arg13 : memref<!tpu.dma_semaphore, #tpu.memory_space<semaphore_mem>>) src(%dma_wait3A_565 : memref<8x1024xf32, #tpu.memory_space<vmem>>) dst(%dma_wait3A_561 : memref<8x1024xf32, #tpu.memory_space<hbm>>)
      %add3A_566 = arith.constant 2 : i32
      %add3A_567 = arith.addi %mul3A_165, %add3A_566 : i32
      %lt3A = arith.constant 32 : i32
      %lt3A_568 = arith.cmpi slt, %add3A_567, %lt3A : i32
      %convert_element_type3A = arith.extui %lt3A_568 : i1 to i32
      %cond3A = arith.constant 0 : i32
      %cond3A_569 = arith.cmpi ne, %convert_element_type3A, %cond3A : i32
      scf.if %cond3A_569 {
        %add3A_653 = arith.constant 2 : i32
        %add3A_654 = arith.addi %mul3A_165, %add3A_653 : i32
        %mul3A_655 = arith.constant 8 : i32
        %mul3A_656 = arith.muli %add3A_654, %mul3A_655 : i32
        %add3A_657 = arith.addi %mul3A_2, %mul3A_656 : i32
        %dma_start3A_658 = arith.constant 0 : i32
        %dma_start3A_659 = tpu.memref_slice %arg3[%add3A_657, %dma_start3A_658] : memref<8192x1024xf32, #tpu.memory_space<hbm>> -> memref<8x1024xf32, #tpu.memory_space<hbm>>
        %dma_start3A_660 = arith.constant 0 : i32
        %dma_start3A_661 = tpu.memref_slice %arg3[%add3A_657, %dma_start3A_660] : memref<8192x1024xf32, #tpu.memory_space<hbm>> -> memref<8x1024xf32, #tpu.memory_space<hbm>>
        tpu.enqueue_dma source(%dma_start3A_661 : memref<8x1024xf32, #tpu.memory_space<hbm>>) target(%arg7 : memref<8x1024xf32, #tpu.memory_space<vmem>>) target_semaphore(%arg11 : memref<!tpu.dma_semaphore, #tpu.memory_space<semaphore_mem>>)
        %mul3A_662 = arith.constant 8 : i32
        %mul3A_663 = arith.muli %add3A_654, %mul3A_662 : i32
        %add3A_664 = arith.addi %mul3A_2, %mul3A_663 : i32
        %dma_start3A_665 = arith.constant 0 : i32
        %dma_start3A_666 = arith.constant 0 : i32
        %dma_start3A_667 = arith.constant 0 : i32
        %dma_start3A_668 = arith.constant 0 : i32
        %dma_start3A_669 = tpu.memref_slice %arg5[%dma_start3A_666, %dma_start3A_667, %dma_start3A_668] : memref<4x8x1024xf32, #tpu.memory_space<vmem>> -> memref<1x8x1024xf32, #tpu.memory_space<vmem>>
        %dma_start3A_670 = tpu.memref_squeeze %dma_start3A_669 : memref<1x8x1024xf32, #tpu.memory_space<vmem>> -> memref<8x1024xf32, #tpu.memory_space<vmem>>
        %dma_start3A_671 = arith.constant 0 : i32
        %dma_start3A_672 = tpu.memref_slice %arg2[%dma_start3A_665, %add3A_664, %dma_start3A_671] : memref<4x8192x1024xf32, #tpu.memory_space<hbm>> -> memref<1x8x1024xf32, #tpu.memory_space<hbm>>
        %dma_start3A_673 = tpu.memref_squeeze %dma_start3A_672 : memref<1x8x1024xf32, #tpu.memory_space<hbm>> -> memref<8x1024xf32, #tpu.memory_space<hbm>>
        %dma_start3A_674 = arith.constant 0 : i32
        %dma_start3A_675 = arith.constant 0 : i32
        %dma_start3A_676 = tpu.memref_slice %arg5[%dma_start3A_666, %dma_start3A_674, %dma_start3A_675] : memref<4x8x1024xf32, #tpu.memory_space<vmem>> -> memref<1x8x1024xf32, #tpu.memory_space<vmem>>
        %dma_start3A_677 = tpu.memref_squeeze %dma_start3A_676 : memref<1x8x1024xf32, #tpu.memory_space<vmem>> -> memref<8x1024xf32, #tpu.memory_space<vmem>>
        %dma_start3A_678 = arith.constant 0 : i32
        %dma_start3A_679 = tpu.memref_slice %arg2[%dma_start3A_665, %add3A_664, %dma_start3A_678] : memref<4x8192x1024xf32, #tpu.memory_space<hbm>> -> memref<1x8x1024xf32, #tpu.memory_space<hbm>>
        %dma_start3A_680 = tpu.memref_squeeze %dma_start3A_679 : memref<1x8x1024xf32, #tpu.memory_space<hbm>> -> memref<8x1024xf32, #tpu.memory_space<hbm>>
        tpu.enqueue_dma source(%dma_start3A_680 : memref<8x1024xf32, #tpu.memory_space<hbm>>) target(%dma_start3A_677 : memref<8x1024xf32, #tpu.memory_space<vmem>>) target_semaphore(%arg9 : memref<!tpu.dma_semaphore, #tpu.memory_space<semaphore_mem>>)
        %mul3A_681 = arith.constant 8 : i32
        %mul3A_682 = arith.muli %add3A_654, %mul3A_681 : i32
        %add3A_683 = arith.addi %mul3A_2, %mul3A_682 : i32
        %dma_start3A_684 = arith.constant 1 : i32
        %dma_start3A_685 = arith.constant 1 : i32
        %dma_start3A_686 = arith.constant 0 : i32
        %dma_start3A_687 = arith.constant 0 : i32
        %dma_start3A_688 = tpu.memref_slice %arg5[%dma_start3A_685, %dma_start3A_686, %dma_start3A_687] : memref<4x8x1024xf32, #tpu.memory_space<vmem>> -> memref<1x8x1024xf32, #tpu.memory_space<vmem>>
        %dma_start3A_689 = tpu.memref_squeeze %dma_start3A_688 : memref<1x8x1024xf32, #tpu.memory_space<vmem>> -> memref<8x1024xf32, #tpu.memory_space<vmem>>
        %dma_start3A_690 = arith.constant 0 : i32
        %dma_start3A_691 = tpu.memref_slice %arg2[%dma_start3A_684, %add3A_683, %dma_start3A_690] : memref<4x8192x1024xf32, #tpu.memory_space<hbm>> -> memref<1x8x1024xf32, #tpu.memory_space<hbm>>
        %dma_start3A_692 = tpu.memref_squeeze %dma_start3A_691 : memref<1x8x1024xf32, #tpu.memory_space<hbm>> -> memref<8x1024xf32, #tpu.memory_space<hbm>>
        %dma_start3A_693 = arith.constant 0 : i32
        %dma_start3A_694 = arith.constant 0 : i32
        %dma_start3A_695 = tpu.memref_slice %arg5[%dma_start3A_685, %dma_start3A_693, %dma_start3A_694] : memref<4x8x1024xf32, #tpu.memory_space<vmem>> -> memref<1x8x1024xf32, #tpu.memory_space<vmem>>
        %dma_start3A_696 = tpu.memref_squeeze %dma_start3A_695 : memref<1x8x1024xf32, #tpu.memory_space<vmem>> -> memref<8x1024xf32, #tpu.memory_space<vmem>>
        %dma_start3A_697 = arith.constant 0 : i32
        %dma_start3A_698 = tpu.memref_slice %arg2[%dma_start3A_684, %add3A_683, %dma_start3A_697] : memref<4x8192x1024xf32, #tpu.memory_space<hbm>> -> memref<1x8x1024xf32, #tpu.memory_space<hbm>>
        %dma_start3A_699 = tpu.memref_squeeze %dma_start3A_698 : memref<1x8x1024xf32, #tpu.memory_space<hbm>> -> memref<8x1024xf32, #tpu.memory_space<hbm>>
        tpu.enqueue_dma source(%dma_start3A_699 : memref<8x1024xf32, #tpu.memory_space<hbm>>) target(%dma_start3A_696 : memref<8x1024xf32, #tpu.memory_space<vmem>>) target_semaphore(%arg9 : memref<!tpu.dma_semaphore, #tpu.memory_space<semaphore_mem>>)
        %mul3A_700 = arith.constant 8 : i32
        %mul3A_701 = arith.muli %add3A_654, %mul3A_700 : i32
        %add3A_702 = arith.addi %mul3A_2, %mul3A_701 : i32
        %dma_start3A_703 = arith.constant 2 : i32
        %dma_start3A_704 = arith.constant 2 : i32
        %dma_start3A_705 = arith.constant 0 : i32
        %dma_start3A_706 = arith.constant 0 : i32
        %dma_start3A_707 = tpu.memref_slice %arg5[%dma_start3A_704, %dma_start3A_705, %dma_start3A_706] : memref<4x8x1024xf32, #tpu.memory_space<vmem>> -> memref<1x8x1024xf32, #tpu.memory_space<vmem>>
        %dma_start3A_708 = tpu.memref_squeeze %dma_start3A_707 : memref<1x8x1024xf32, #tpu.memory_space<vmem>> -> memref<8x1024xf32, #tpu.memory_space<vmem>>
        %dma_start3A_709 = arith.constant 0 : i32
        %dma_start3A_710 = tpu.memref_slice %arg2[%dma_start3A_703, %add3A_702, %dma_start3A_709] : memref<4x8192x1024xf32, #tpu.memory_space<hbm>> -> memref<1x8x1024xf32, #tpu.memory_space<hbm>>
        %dma_start3A_711 = tpu.memref_squeeze %dma_start3A_710 : memref<1x8x1024xf32, #tpu.memory_space<hbm>> -> memref<8x1024xf32, #tpu.memory_space<hbm>>
        %dma_start3A_712 = arith.constant 0 : i32
        %dma_start3A_713 = arith.constant 0 : i32
        %dma_start3A_714 = tpu.memref_slice %arg5[%dma_start3A_704, %dma_start3A_712, %dma_start3A_713] : memref<4x8x1024xf32, #tpu.memory_space<vmem>> -> memref<1x8x1024xf32, #tpu.memory_space<vmem>>
        %dma_start3A_715 = tpu.memref_squeeze %dma_start3A_714 : memref<1x8x1024xf32, #tpu.memory_space<vmem>> -> memref<8x1024xf32, #tpu.memory_space<vmem>>
        %dma_start3A_716 = arith.constant 0 : i32
        %dma_start3A_717 = tpu.memref_slice %arg2[%dma_start3A_703, %add3A_702, %dma_start3A_716] : memref<4x8192x1024xf32, #tpu.memory_space<hbm>> -> memref<1x8x1024xf32, #tpu.memory_space<hbm>>
        %dma_start3A_718 = tpu.memref_squeeze %dma_start3A_717 : memref<1x8x1024xf32, #tpu.memory_space<hbm>> -> memref<8x1024xf32, #tpu.memory_space<hbm>>
        tpu.enqueue_dma source(%dma_start3A_718 : memref<8x1024xf32, #tpu.memory_space<hbm>>) target(%dma_start3A_715 : memref<8x1024xf32, #tpu.memory_space<vmem>>) target_semaphore(%arg9 : memref<!tpu.dma_semaphore, #tpu.memory_space<semaphore_mem>>)
        %mul3A_719 = arith.constant 8 : i32
        %mul3A_720 = arith.muli %add3A_654, %mul3A_719 : i32
        %add3A_721 = arith.addi %mul3A_2, %mul3A_720 : i32
        %dma_start3A_722 = arith.constant 3 : i32
        %dma_start3A_723 = arith.constant 3 : i32
        %dma_start3A_724 = arith.constant 0 : i32
        %dma_start3A_725 = arith.constant 0 : i32
        %dma_start3A_726 = tpu.memref_slice %arg5[%dma_start3A_723, %dma_start3A_724, %dma_start3A_725] : memref<4x8x1024xf32, #tpu.memory_space<vmem>> -> memref<1x8x1024xf32, #tpu.memory_space<vmem>>
        %dma_start3A_727 = tpu.memref_squeeze %dma_start3A_726 : memref<1x8x1024xf32, #tpu.memory_space<vmem>> -> memref<8x1024xf32, #tpu.memory_space<vmem>>
        %dma_start3A_728 = arith.constant 0 : i32
        %dma_start3A_729 = tpu.memref_slice %arg2[%dma_start3A_722, %add3A_721, %dma_start3A_728] : memref<4x8192x1024xf32, #tpu.memory_space<hbm>> -> memref<1x8x1024xf32, #tpu.memory_space<hbm>>
        %dma_start3A_730 = tpu.memref_squeeze %dma_start3A_729 : memref<1x8x1024xf32, #tpu.memory_space<hbm>> -> memref<8x1024xf32, #tpu.memory_space<hbm>>
        %dma_start3A_731 = arith.constant 0 : i32
        %dma_start3A_732 = arith.constant 0 : i32
        %dma_start3A_733 = tpu.memref_slice %arg5[%dma_start3A_723, %dma_start3A_731, %dma_start3A_732] : memref<4x8x1024xf32, #tpu.memory_space<vmem>> -> memref<1x8x1024xf32, #tpu.memory_space<vmem>>
        %dma_start3A_734 = tpu.memref_squeeze %dma_start3A_733 : memref<1x8x1024xf32, #tpu.memory_space<vmem>> -> memref<8x1024xf32, #tpu.memory_space<vmem>>
        %dma_start3A_735 = arith.constant 0 : i32
        %dma_start3A_736 = tpu.memref_slice %arg2[%dma_start3A_722, %add3A_721, %dma_start3A_735] : memref<4x8192x1024xf32, #tpu.memory_space<hbm>> -> memref<1x8x1024xf32, #tpu.memory_space<hbm>>
        %dma_start3A_737 = tpu.memref_squeeze %dma_start3A_736 : memref<1x8x1024xf32, #tpu.memory_space<hbm>> -> memref<8x1024xf32, #tpu.memory_space<hbm>>
        tpu.enqueue_dma source(%dma_start3A_737 : memref<8x1024xf32, #tpu.memory_space<hbm>>) target(%dma_start3A_734 : memref<8x1024xf32, #tpu.memory_space<vmem>>) target_semaphore(%arg9 : memref<!tpu.dma_semaphore, #tpu.memory_space<semaphore_mem>>)
      } else {
      }
      %mul3A_570 = arith.constant 8 : i32
      %mul3A_571 = arith.muli %add3A_167, %mul3A_570 : i32
      %add3A_572 = arith.addi %mul3A_2, %mul3A_571 : i32
      %dma_wait3A_573 = arith.constant 0 : i32
      %dma_wait3A_574 = arith.constant 0 : i32
      %dma_wait3A_575 = arith.constant 0 : i32
      %dma_wait3A_576 = arith.constant 0 : i32
      %dma_wait3A_577 = tpu.memref_slice %arg6[%dma_wait3A_573, %dma_wait3A_575, %dma_wait3A_576] : memref<4x8x1024xf32, #tpu.memory_space<vmem>> -> memref<1x8x1024xf32, #tpu.memory_space<vmem>>
      %dma_wait3A_578 = tpu.memref_squeeze %dma_wait3A_577 : memref<1x8x1024xf32, #tpu.memory_space<vmem>> -> memref<8x1024xf32, #tpu.memory_space<vmem>>
      %dma_wait3A_579 = arith.constant 0 : i32
      %dma_wait3A_580 = tpu.memref_slice %arg4[%dma_wait3A_574, %add3A_572, %dma_wait3A_579] : memref<4x8192x1024xf32, #tpu.memory_space<hbm>> -> memref<1x8x1024xf32, #tpu.memory_space<hbm>>
      %dma_wait3A_581 = tpu.memref_squeeze %dma_wait3A_580 : memref<1x8x1024xf32, #tpu.memory_space<hbm>> -> memref<8x1024xf32, #tpu.memory_space<hbm>>
      %dma_wait3A_582 = arith.constant 0 : i32
      %dma_wait3A_583 = tpu.memref_slice %arg4[%dma_wait3A_574, %add3A_572, %dma_wait3A_582] : memref<4x8192x1024xf32, #tpu.memory_space<hbm>> -> memref<1x8x1024xf32, #tpu.memory_space<hbm>>
      %dma_wait3A_584 = tpu.memref_squeeze %dma_wait3A_583 : memref<1x8x1024xf32, #tpu.memory_space<hbm>> -> memref<8x1024xf32, #tpu.memory_space<hbm>>
      %dma_wait3A_585 = arith.constant 0 : i32
      %dma_wait3A_586 = arith.constant 0 : i32
      %dma_wait3A_587 = tpu.memref_slice %arg6[%dma_wait3A_573, %dma_wait3A_585, %dma_wait3A_586] : memref<4x8x1024xf32, #tpu.memory_space<vmem>> -> memref<1x8x1024xf32, #tpu.memory_space<vmem>>
      %dma_wait3A_588 = tpu.memref_squeeze %dma_wait3A_587 : memref<1x8x1024xf32, #tpu.memory_space<vmem>> -> memref<8x1024xf32, #tpu.memory_space<vmem>>
      tpu.wait_dma2 semaphore(%arg14 : memref<!tpu.dma_semaphore, #tpu.memory_space<semaphore_mem>>) src(%dma_wait3A_588 : memref<8x1024xf32, #tpu.memory_space<vmem>>) dst(%dma_wait3A_584 : memref<8x1024xf32, #tpu.memory_space<hbm>>)
      %mul3A_589 = arith.constant 8 : i32
      %mul3A_590 = arith.muli %add3A_167, %mul3A_589 : i32
      %add3A_591 = arith.addi %mul3A_2, %mul3A_590 : i32
      %dma_wait3A_592 = arith.constant 1 : i32
      %dma_wait3A_593 = arith.constant 1 : i32
      %dma_wait3A_594 = arith.constant 0 : i32
      %dma_wait3A_595 = arith.constant 0 : i32
      %dma_wait3A_596 = tpu.memref_slice %arg6[%dma_wait3A_592, %dma_wait3A_594, %dma_wait3A_595] : memref<4x8x1024xf32, #tpu.memory_space<vmem>> -> memref<1x8x1024xf32, #tpu.memory_space<vmem>>
      %dma_wait3A_597 = tpu.memref_squeeze %dma_wait3A_596 : memref<1x8x1024xf32, #tpu.memory_space<vmem>> -> memref<8x1024xf32, #tpu.memory_space<vmem>>
      %dma_wait3A_598 = arith.constant 0 : i32
      %dma_wait3A_599 = tpu.memref_slice %arg4[%dma_wait3A_593, %add3A_591, %dma_wait3A_598] : memref<4x8192x1024xf32, #tpu.memory_space<hbm>> -> memref<1x8x1024xf32, #tpu.memory_space<hbm>>
      %dma_wait3A_600 = tpu.memref_squeeze %dma_wait3A_599 : memref<1x8x1024xf32, #tpu.memory_space<hbm>> -> memref<8x1024xf32, #tpu.memory_space<hbm>>
      %dma_wait3A_601 = arith.constant 0 : i32
      %dma_wait3A_602 = tpu.memref_slice %arg4[%dma_wait3A_593, %add3A_591, %dma_wait3A_601] : memref<4x8192x1024xf32, #tpu.memory_space<hbm>> -> memref<1x8x1024xf32, #tpu.memory_space<hbm>>
      %dma_wait3A_603 = tpu.memref_squeeze %dma_wait3A_602 : memref<1x8x1024xf32, #tpu.memory_space<hbm>> -> memref<8x1024xf32, #tpu.memory_space<hbm>>
      %dma_wait3A_604 = arith.constant 0 : i32
      %dma_wait3A_605 = arith.constant 0 : i32
      %dma_wait3A_606 = tpu.memref_slice %arg6[%dma_wait3A_592, %dma_wait3A_604, %dma_wait3A_605] : memref<4x8x1024xf32, #tpu.memory_space<vmem>> -> memref<1x8x1024xf32, #tpu.memory_space<vmem>>
      %dma_wait3A_607 = tpu.memref_squeeze %dma_wait3A_606 : memref<1x8x1024xf32, #tpu.memory_space<vmem>> -> memref<8x1024xf32, #tpu.memory_space<vmem>>
      tpu.wait_dma2 semaphore(%arg14 : memref<!tpu.dma_semaphore, #tpu.memory_space<semaphore_mem>>) src(%dma_wait3A_607 : memref<8x1024xf32, #tpu.memory_space<vmem>>) dst(%dma_wait3A_603 : memref<8x1024xf32, #tpu.memory_space<hbm>>)
      %mul3A_608 = arith.constant 8 : i32
      %mul3A_609 = arith.muli %add3A_167, %mul3A_608 : i32
      %add3A_610 = arith.addi %mul3A_2, %mul3A_609 : i32
      %dma_wait3A_611 = arith.constant 2 : i32
      %dma_wait3A_612 = arith.constant 2 : i32
      %dma_wait3A_613 = arith.constant 0 : i32
      %dma_wait3A_614 = arith.constant 0 : i32
      %dma_wait3A_615 = tpu.memref_slice %arg6[%dma_wait3A_611, %dma_wait3A_613, %dma_wait3A_614] : memref<4x8x1024xf32, #tpu.memory_space<vmem>> -> memref<1x8x1024xf32, #tpu.memory_space<vmem>>
      %dma_wait3A_616 = tpu.memref_squeeze %dma_wait3A_615 : memref<1x8x1024xf32, #tpu.memory_space<vmem>> -> memref<8x1024xf32, #tpu.memory_space<vmem>>
      %dma_wait3A_617 = arith.constant 0 : i32
      %dma_wait3A_618 = tpu.memref_slice %arg4[%dma_wait3A_612, %add3A_610, %dma_wait3A_617] : memref<4x8192x1024xf32, #tpu.memory_space<hbm>> -> memref<1x8x1024xf32, #tpu.memory_space<hbm>>
      %dma_wait3A_619 = tpu.memref_squeeze %dma_wait3A_618 : memref<1x8x1024xf32, #tpu.memory_space<hbm>> -> memref<8x1024xf32, #tpu.memory_space<hbm>>
      %dma_wait3A_620 = arith.constant 0 : i32
      %dma_wait3A_621 = tpu.memref_slice %arg4[%dma_wait3A_612, %add3A_610, %dma_wait3A_620] : memref<4x8192x1024xf32, #tpu.memory_space<hbm>> -> memref<1x8x1024xf32, #tpu.memory_space<hbm>>
      %dma_wait3A_622 = tpu.memref_squeeze %dma_wait3A_621 : memref<1x8x1024xf32, #tpu.memory_space<hbm>> -> memref<8x1024xf32, #tpu.memory_space<hbm>>
      %dma_wait3A_623 = arith.constant 0 : i32
      %dma_wait3A_624 = arith.constant 0 : i32
      %dma_wait3A_625 = tpu.memref_slice %arg6[%dma_wait3A_611, %dma_wait3A_623, %dma_wait3A_624] : memref<4x8x1024xf32, #tpu.memory_space<vmem>> -> memref<1x8x1024xf32, #tpu.memory_space<vmem>>
      %dma_wait3A_626 = tpu.memref_squeeze %dma_wait3A_625 : memref<1x8x1024xf32, #tpu.memory_space<vmem>> -> memref<8x1024xf32, #tpu.memory_space<vmem>>
      tpu.wait_dma2 semaphore(%arg14 : memref<!tpu.dma_semaphore, #tpu.memory_space<semaphore_mem>>) src(%dma_wait3A_626 : memref<8x1024xf32, #tpu.memory_space<vmem>>) dst(%dma_wait3A_622 : memref<8x1024xf32, #tpu.memory_space<hbm>>)
      %mul3A_627 = arith.constant 8 : i32
      %mul3A_628 = arith.muli %add3A_167, %mul3A_627 : i32
      %add3A_629 = arith.addi %mul3A_2, %mul3A_628 : i32
      %dma_wait3A_630 = arith.constant 3 : i32
      %dma_wait3A_631 = arith.constant 3 : i32
      %dma_wait3A_632 = arith.constant 0 : i32
      %dma_wait3A_633 = arith.constant 0 : i32
      %dma_wait3A_634 = tpu.memref_slice %arg6[%dma_wait3A_630, %dma_wait3A_632, %dma_wait3A_633] : memref<4x8x1024xf32, #tpu.memory_space<vmem>> -> memref<1x8x1024xf32, #tpu.memory_space<vmem>>
      %dma_wait3A_635 = tpu.memref_squeeze %dma_wait3A_634 : memref<1x8x1024xf32, #tpu.memory_space<vmem>> -> memref<8x1024xf32, #tpu.memory_space<vmem>>
      %dma_wait3A_636 = arith.constant 0 : i32
      %dma_wait3A_637 = tpu.memref_slice %arg4[%dma_wait3A_631, %add3A_629, %dma_wait3A_636] : memref<4x8192x1024xf32, #tpu.memory_space<hbm>> -> memref<1x8x1024xf32, #tpu.memory_space<hbm>>
      %dma_wait3A_638 = tpu.memref_squeeze %dma_wait3A_637 : memref<1x8x1024xf32, #tpu.memory_space<hbm>> -> memref<8x1024xf32, #tpu.memory_space<hbm>>
      %dma_wait3A_639 = arith.constant 0 : i32
      %dma_wait3A_640 = tpu.memref_slice %arg4[%dma_wait3A_631, %add3A_629, %dma_wait3A_639] : memref<4x8192x1024xf32, #tpu.memory_space<hbm>> -> memref<1x8x1024xf32, #tpu.memory_space<hbm>>
      %dma_wait3A_641 = tpu.memref_squeeze %dma_wait3A_640 : memref<1x8x1024xf32, #tpu.memory_space<hbm>> -> memref<8x1024xf32, #tpu.memory_space<hbm>>
      %dma_wait3A_642 = arith.constant 0 : i32
      %dma_wait3A_643 = arith.constant 0 : i32
      %dma_wait3A_644 = tpu.memref_slice %arg6[%dma_wait3A_630, %dma_wait3A_642, %dma_wait3A_643] : memref<4x8x1024xf32, #tpu.memory_space<vmem>> -> memref<1x8x1024xf32, #tpu.memory_space<vmem>>
      %dma_wait3A_645 = tpu.memref_squeeze %dma_wait3A_644 : memref<1x8x1024xf32, #tpu.memory_space<vmem>> -> memref<8x1024xf32, #tpu.memory_space<vmem>>
      tpu.wait_dma2 semaphore(%arg14 : memref<!tpu.dma_semaphore, #tpu.memory_space<semaphore_mem>>) src(%dma_wait3A_645 : memref<8x1024xf32, #tpu.memory_space<vmem>>) dst(%dma_wait3A_641 : memref<8x1024xf32, #tpu.memory_space<hbm>>)
      %add3A_646 = arith.constant 2 : i32
      %add3A_647 = arith.addi %add3A_167, %add3A_646 : i32
      %lt3A_648 = arith.constant 32 : i32
      %lt3A_649 = arith.cmpi slt, %add3A_647, %lt3A_648 : i32
      %convert_element_type3A_650 = arith.extui %lt3A_649 : i1 to i32
      %cond3A_651 = arith.constant 0 : i32
      %cond3A_652 = arith.cmpi ne, %convert_element_type3A_650, %cond3A_651 : i32
      scf.if %cond3A_652 {
        %add3A_653 = arith.constant 2 : i32
        %add3A_654 = arith.addi %add3A_167, %add3A_653 : i32
        %mul3A_655 = arith.constant 8 : i32
        %mul3A_656 = arith.muli %add3A_654, %mul3A_655 : i32
        %add3A_657 = arith.addi %mul3A_2, %mul3A_656 : i32
        %dma_start3A_658 = arith.constant 0 : i32
        %dma_start3A_659 = tpu.memref_slice %arg3[%add3A_657, %dma_start3A_658] : memref<8192x1024xf32, #tpu.memory_space<hbm>> -> memref<8x1024xf32, #tpu.memory_space<hbm>>
        %dma_start3A_660 = arith.constant 0 : i32
        %dma_start3A_661 = tpu.memref_slice %arg3[%add3A_657, %dma_start3A_660] : memref<8192x1024xf32, #tpu.memory_space<hbm>> -> memref<8x1024xf32, #tpu.memory_space<hbm>>
        tpu.enqueue_dma source(%dma_start3A_661 : memref<8x1024xf32, #tpu.memory_space<hbm>>) target(%arg8 : memref<8x1024xf32, #tpu.memory_space<vmem>>) target_semaphore(%arg12 : memref<!tpu.dma_semaphore, #tpu.memory_space<semaphore_mem>>)
        %mul3A_662 = arith.constant 8 : i32
        %mul3A_663 = arith.muli %add3A_654, %mul3A_662 : i32
        %add3A_664 = arith.addi %mul3A_2, %mul3A_663 : i32
        %dma_start3A_665 = arith.constant 0 : i32
        %dma_start3A_666 = arith.constant 0 : i32
        %dma_start3A_667 = arith.constant 0 : i32
        %dma_start3A_668 = arith.constant 0 : i32
        %dma_start3A_669 = tpu.memref_slice %arg6[%dma_start3A_666, %dma_start3A_667, %dma_start3A_668] : memref<4x8x1024xf32, #tpu.memory_space<vmem>> -> memref<1x8x1024xf32, #tpu.memory_space<vmem>>
        %dma_start3A_670 = tpu.memref_squeeze %dma_start3A_669 : memref<1x8x1024xf32, #tpu.memory_space<vmem>> -> memref<8x1024xf32, #tpu.memory_space<vmem>>
        %dma_start3A_671 = arith.constant 0 : i32
        %dma_start3A_672 = tpu.memref_slice %arg2[%dma_start3A_665, %add3A_664, %dma_start3A_671] : memref<4x8192x1024xf32, #tpu.memory_space<hbm>> -> memref<1x8x1024xf32, #tpu.memory_space<hbm>>
        %dma_start3A_673 = tpu.memref_squeeze %dma_start3A_672 : memref<1x8x1024xf32, #tpu.memory_space<hbm>> -> memref<8x1024xf32, #tpu.memory_space<hbm>>
        %dma_start3A_674 = arith.constant 0 : i32
        %dma_start3A_675 = arith.constant 0 : i32
        %dma_start3A_676 = tpu.memref_slice %arg6[%dma_start3A_666, %dma_start3A_674, %dma_start3A_675] : memref<4x8x1024xf32, #tpu.memory_space<vmem>> -> memref<1x8x1024xf32, #tpu.memory_space<vmem>>
        %dma_start3A_677 = tpu.memref_squeeze %dma_start3A_676 : memref<1x8x1024xf32, #tpu.memory_space<vmem>> -> memref<8x1024xf32, #tpu.memory_space<vmem>>
        %dma_start3A_678 = arith.constant 0 : i32
        %dma_start3A_679 = tpu.memref_slice %arg2[%dma_start3A_665, %add3A_664, %dma_start3A_678] : memref<4x8192x1024xf32, #tpu.memory_space<hbm>> -> memref<1x8x1024xf32, #tpu.memory_space<hbm>>
        %dma_start3A_680 = tpu.memref_squeeze %dma_start3A_679 : memref<1x8x1024xf32, #tpu.memory_space<hbm>> -> memref<8x1024xf32, #tpu.memory_space<hbm>>
        tpu.enqueue_dma source(%dma_start3A_680 : memref<8x1024xf32, #tpu.memory_space<hbm>>) target(%dma_start3A_677 : memref<8x1024xf32, #tpu.memory_space<vmem>>) target_semaphore(%arg10 : memref<!tpu.dma_semaphore, #tpu.memory_space<semaphore_mem>>)
        %mul3A_681 = arith.constant 8 : i32
        %mul3A_682 = arith.muli %add3A_654, %mul3A_681 : i32
        %add3A_683 = arith.addi %mul3A_2, %mul3A_682 : i32
        %dma_start3A_684 = arith.constant 1 : i32
        %dma_start3A_685 = arith.constant 1 : i32
        %dma_start3A_686 = arith.constant 0 : i32
        %dma_start3A_687 = arith.constant 0 : i32
        %dma_start3A_688 = tpu.memref_slice %arg6[%dma_start3A_685, %dma_start3A_686, %dma_start3A_687] : memref<4x8x1024xf32, #tpu.memory_space<vmem>> -> memref<1x8x1024xf32, #tpu.memory_space<vmem>>
        %dma_start3A_689 = tpu.memref_squeeze %dma_start3A_688 : memref<1x8x1024xf32, #tpu.memory_space<vmem>> -> memref<8x1024xf32, #tpu.memory_space<vmem>>
        %dma_start3A_690 = arith.constant 0 : i32
        %dma_start3A_691 = tpu.memref_slice %arg2[%dma_start3A_684, %add3A_683, %dma_start3A_690] : memref<4x8192x1024xf32, #tpu.memory_space<hbm>> -> memref<1x8x1024xf32, #tpu.memory_space<hbm>>
        %dma_start3A_692 = tpu.memref_squeeze %dma_start3A_691 : memref<1x8x1024xf32, #tpu.memory_space<hbm>> -> memref<8x1024xf32, #tpu.memory_space<hbm>>
        %dma_start3A_693 = arith.constant 0 : i32
        %dma_start3A_694 = arith.constant 0 : i32
        %dma_start3A_695 = tpu.memref_slice %arg6[%dma_start3A_685, %dma_start3A_693, %dma_start3A_694] : memref<4x8x1024xf32, #tpu.memory_space<vmem>> -> memref<1x8x1024xf32, #tpu.memory_space<vmem>>
        %dma_start3A_696 = tpu.memref_squeeze %dma_start3A_695 : memref<1x8x1024xf32, #tpu.memory_space<vmem>> -> memref<8x1024xf32, #tpu.memory_space<vmem>>
        %dma_start3A_697 = arith.constant 0 : i32
        %dma_start3A_698 = tpu.memref_slice %arg2[%dma_start3A_684, %add3A_683, %dma_start3A_697] : memref<4x8192x1024xf32, #tpu.memory_space<hbm>> -> memref<1x8x1024xf32, #tpu.memory_space<hbm>>
        %dma_start3A_699 = tpu.memref_squeeze %dma_start3A_698 : memref<1x8x1024xf32, #tpu.memory_space<hbm>> -> memref<8x1024xf32, #tpu.memory_space<hbm>>
        tpu.enqueue_dma source(%dma_start3A_699 : memref<8x1024xf32, #tpu.memory_space<hbm>>) target(%dma_start3A_696 : memref<8x1024xf32, #tpu.memory_space<vmem>>) target_semaphore(%arg10 : memref<!tpu.dma_semaphore, #tpu.memory_space<semaphore_mem>>)
        %mul3A_700 = arith.constant 8 : i32
        %mul3A_701 = arith.muli %add3A_654, %mul3A_700 : i32
        %add3A_702 = arith.addi %mul3A_2, %mul3A_701 : i32
        %dma_start3A_703 = arith.constant 2 : i32
        %dma_start3A_704 = arith.constant 2 : i32
        %dma_start3A_705 = arith.constant 0 : i32
        %dma_start3A_706 = arith.constant 0 : i32
        %dma_start3A_707 = tpu.memref_slice %arg6[%dma_start3A_704, %dma_start3A_705, %dma_start3A_706] : memref<4x8x1024xf32, #tpu.memory_space<vmem>> -> memref<1x8x1024xf32, #tpu.memory_space<vmem>>
        %dma_start3A_708 = tpu.memref_squeeze %dma_start3A_707 : memref<1x8x1024xf32, #tpu.memory_space<vmem>> -> memref<8x1024xf32, #tpu.memory_space<vmem>>
        %dma_start3A_709 = arith.constant 0 : i32
        %dma_start3A_710 = tpu.memref_slice %arg2[%dma_start3A_703, %add3A_702, %dma_start3A_709] : memref<4x8192x1024xf32, #tpu.memory_space<hbm>> -> memref<1x8x1024xf32, #tpu.memory_space<hbm>>
        %dma_start3A_711 = tpu.memref_squeeze %dma_start3A_710 : memref<1x8x1024xf32, #tpu.memory_space<hbm>> -> memref<8x1024xf32, #tpu.memory_space<hbm>>
        %dma_start3A_712 = arith.constant 0 : i32
        %dma_start3A_713 = arith.constant 0 : i32
        %dma_start3A_714 = tpu.memref_slice %arg6[%dma_start3A_704, %dma_start3A_712, %dma_start3A_713] : memref<4x8x1024xf32, #tpu.memory_space<vmem>> -> memref<1x8x1024xf32, #tpu.memory_space<vmem>>
        %dma_start3A_715 = tpu.memref_squeeze %dma_start3A_714 : memref<1x8x1024xf32, #tpu.memory_space<vmem>> -> memref<8x1024xf32, #tpu.memory_space<vmem>>
        %dma_start3A_716 = arith.constant 0 : i32
        %dma_start3A_717 = tpu.memref_slice %arg2[%dma_start3A_703, %add3A_702, %dma_start3A_716] : memref<4x8192x1024xf32, #tpu.memory_space<hbm>> -> memref<1x8x1024xf32, #tpu.memory_space<hbm>>
        %dma_start3A_718 = tpu.memref_squeeze %dma_start3A_717 : memref<1x8x1024xf32, #tpu.memory_space<hbm>> -> memref<8x1024xf32, #tpu.memory_space<hbm>>
        tpu.enqueue_dma source(%dma_start3A_718 : memref<8x1024xf32, #tpu.memory_space<hbm>>) target(%dma_start3A_715 : memref<8x1024xf32, #tpu.memory_space<vmem>>) target_semaphore(%arg10 : memref<!tpu.dma_semaphore, #tpu.memory_space<semaphore_mem>>)
        %mul3A_719 = arith.constant 8 : i32
        %mul3A_720 = arith.muli %add3A_654, %mul3A_719 : i32
        %add3A_721 = arith.addi %mul3A_2, %mul3A_720 : i32
        %dma_start3A_722 = arith.constant 3 : i32
        %dma_start3A_723 = arith.constant 3 : i32
        %dma_start3A_724 = arith.constant 0 : i32
        %dma_start3A_725 = arith.constant 0 : i32
        %dma_start3A_726 = tpu.memref_slice %arg6[%dma_start3A_723, %dma_start3A_724, %dma_start3A_725] : memref<4x8x1024xf32, #tpu.memory_space<vmem>> -> memref<1x8x1024xf32, #tpu.memory_space<vmem>>
        %dma_start3A_727 = tpu.memref_squeeze %dma_start3A_726 : memref<1x8x1024xf32, #tpu.memory_space<vmem>> -> memref<8x1024xf32, #tpu.memory_space<vmem>>
        %dma_start3A_728 = arith.constant 0 : i32
        %dma_start3A_729 = tpu.memref_slice %arg2[%dma_start3A_722, %add3A_721, %dma_start3A_728] : memref<4x8192x1024xf32, #tpu.memory_space<hbm>> -> memref<1x8x1024xf32, #tpu.memory_space<hbm>>
        %dma_start3A_730 = tpu.memref_squeeze %dma_start3A_729 : memref<1x8x1024xf32, #tpu.memory_space<hbm>> -> memref<8x1024xf32, #tpu.memory_space<hbm>>
        %dma_start3A_731 = arith.constant 0 : i32
        %dma_start3A_732 = arith.constant 0 : i32
        %dma_start3A_733 = tpu.memref_slice %arg6[%dma_start3A_723, %dma_start3A_731, %dma_start3A_732] : memref<4x8x1024xf32, #tpu.memory_space<vmem>> -> memref<1x8x1024xf32, #tpu.memory_space<vmem>>
        %dma_start3A_734 = tpu.memref_squeeze %dma_start3A_733 : memref<1x8x1024xf32, #tpu.memory_space<vmem>> -> memref<8x1024xf32, #tpu.memory_space<vmem>>
        %dma_start3A_735 = arith.constant 0 : i32
        %dma_start3A_736 = tpu.memref_slice %arg2[%dma_start3A_722, %add3A_721, %dma_start3A_735] : memref<4x8192x1024xf32, #tpu.memory_space<hbm>> -> memref<1x8x1024xf32, #tpu.memory_space<hbm>>
        %dma_start3A_737 = tpu.memref_squeeze %dma_start3A_736 : memref<1x8x1024xf32, #tpu.memory_space<hbm>> -> memref<8x1024xf32, #tpu.memory_space<hbm>>
        tpu.enqueue_dma source(%dma_start3A_737 : memref<8x1024xf32, #tpu.memory_space<hbm>>) target(%dma_start3A_734 : memref<8x1024xf32, #tpu.memory_space<vmem>>) target_semaphore(%arg10 : memref<!tpu.dma_semaphore, #tpu.memory_space<semaphore_mem>>)
      } else {
      }
    }
    %scan3A_162 = arith.constant 16 : i32
    return
  }
}

</mosaic_0001>

<sc_bundles>
// kernel: kernel.3.cloned.1.call-start
scs
__scs_entry_jumppad:
0x0: {  	(pc) =	sbr.rel $0x88, $3  }
0x1: {  	(tag) =	ssettag $0x0;
	lr =	simm.s32 $0x1  }
0x2: {  	[smem:$0x3F9F] =	sst lr;
	_ =	strace $0xD0000000  }
0x3: {  	_ = 	snop  }
0x4: {  	_ = 	snop  }
0x5: {  	_ = 	snop  }
0x6: {  	_ = 	snop  }
0x7: {  	_ = 	snop  }
__scs_overlays_trampoline_lowered:
0x8: {  	[smem:$0x3FAE] =	sst s0  }
0x9: {  	[smem:$0x3FAF] =	sst s1  }
0xa: {  	[smem:$0x3FB0] =	sst s2  }
0xb: {  	[smem:$0x3FB1] =	sst s3  }
0xc: {  	[smem:$0x3FB2] =	sst s4  }
0xd: {  	[smem:$0x3FB3] =	sst s5  }
0xe: {  	[smem:$0x3FB4] =	sst s6  }
0xf: {  	[smem:$0x3FB5] =	sst s7  }
0x10: {  	[smem:$0x3FB6] =	sst s8  }
0x11: {  	[smem:$0x3FB7] =	sst s9;
	s0 =	simm.s32 @!p0 $0x0  }
0x12: {  	s1 =	sld [smem:$0x3F9D];
	s0 =	simm.s32 @p0 $0x1  }
0x13: {  	[smem:$0x3FB8] =	sst s0;
	s0 =	simm.s32 @!p1 $0x0  }
0x14: {  	s2 =	sld [smem:$0x3F9C];
	s0 =	simm.s32 @p1 $0x1  }
0x15: {  	[smem:$0x3FB9] =	sst s0;
	s0 =	simm.s32 @!p2 $0x0  }
0x16: {  	s3 =	sld [smem:$0x3FDB];
	s0 =	simm.s32 @p2 $0x1  }
0x17: {  	s4 =	simm.s32 $0x1BF5;
	[smem:$0x3FBB] =	sst s0  }
0x18: {  	s0 =	sld [smem:$0x3F9E];
	_ =	swait.ge [sflag:s4], $0x0  }
0x19: {  	s7 =	sld [smem:$0x3F9F]  }
0x1a: {  	s8 =	sadd.s32 $0xFFFFE003, lr  }
0x1b: {  	s9 =	sadd.s32 $0xFFFFFEF7, lr;
	s5 =	simm.s32 $0xFFFFFFFF;
	p2 =	slt.u32 s8, $0xFFFFF086  }
0x1c: {  	p1 =	slt.u32 s9, $0xF7A;
	s5 =	simm.s32 @!p2 $0x0  }
0x1d: {  	s5 =	simm.s32 @p1 $0x1;
	p0 =	seq.s32 s7, s2  }
0x1e: {  	s7 =	smul.u32 @!p0 $0xF7A, s2;
	p2 =	seq.s32 @!p0 s5, $0x0  }
0x1f: {  	s9 =	smul.u32 $0xF7A, s1;
	s8 =	simm.s32 @!p0 $0x1BF5;
	p2 =	por !p2, p0  }
0x20: {  	[sflag:s8] =	ssyncset.s32 @!p0 $0xFFFFF086;
	s6 =	sadd.s32 @!p0 s3, s7;
	s7 =	simm.s32 @!p0 $0x108  }
0x21: {  	s3 =	sadd.s32 s3, s9;
	s6 =	sadd.s32 @!p0 $0x88, s6;
	s7 =	simm.s32 @p2 $0x1082  }
0x22: {  	[simem:s7], [sflag:s8] =	dma.local @!p0 [hbm:s6], $0xF7A  }
0x23: {  	s9 =	sor.u32 $0xD0000000, s2;
	s6 =	simm.s32 $0x108;
	_ =	swait.ge @!p0 [sflag:s8], $0x0  }
0x24: {  	s3 =	sadd.s32 $0x88, s3;
	s6 =	simm.s32 @!p1 $0x1082;
	[sflag:s4] =	ssyncset.s32 $0xFFFFF086  }
0x25: {  	[simem:s6], [sflag:s4] =	dma.local [hbm:s3], $0xF7A  }
0x26: {  	[smem:$0x3F9F] =	sst s1;
	(tag) =	ssettag s2;
	_ =	strace s9  }
0x27: {  	s1 =	sld [smem:$0x3FAF]  }
0x28: {  	s2 =	sld [smem:$0x3FB0]  }
0x29: {  	s4 =	sld [smem:$0x3FB2]  }
0x2a: {  	p0 =	seq.s32 s5, $0x0;
	s5 =	sld [smem:$0x3FB3]  }
0x2b: {  	s6 =	sld [smem:$0x3FB4]  }
0x2c: {  	s7 =	sld [smem:$0x3FB5]  }
0x2d: {  	s3 =	simm.s32 $0x108;
	s8 =	sld [smem:$0x3FB6]  }
0x2e: {  	s3 =	simm.s32 @!p0 $0x1082;
	s9 =	sld [smem:$0x3FB7]  }
0x2f: {  	lr =	sadd.s32 s0, s3;
	s0 =	sld [smem:$0x3FAE]  }
0x30: {  	s3 =	sld [smem:$0x3FB1]  }
0x31: {  	[smem:$0x3FBA] =	sst s10  }
0x32: {  	s10 =	sld [smem:$0x3FB8];
	_ =	sdelay $0x3  }
0x33: {  	p0 =	seq.s32 s10, $0x1;
	s10 =	sld [smem:$0x3FBA];
	_ =	sdelay $0x3  }
0x34: {  	[smem:$0x3FBA] =	sst s10  }
0x35: {  	s10 =	sld [smem:$0x3FB9];
	_ =	sdelay $0x3  }
0x36: {  	p1 =	seq.s32 s10, $0x1;
	s10 =	sld [smem:$0x3FBA];
	_ =	sdelay $0x3  }
0x37: {  	[smem:$0x3FBA] =	sst s10  }
0x38: {  	s10 =	sld [smem:$0x3FBB]  }
0x39: {  	_ = 	snop;
	(pc) =	sbr.ind lr, $3  }
0x3a: {  	_ = 	snop  }
0x3b: {  	_ = 	snop  }
0x3c: {  	p2 =	seq.s32 s10, $0x1;
	s10 =	sld [smem:$0x3FBA]  }
0x3d: {  	_ =	shalt  }
0x3e: {  	_ =	shalt  }
0x3f: {  	_ =	shalt  }
0x40: {  	_ =	shalt  }
0x41: {  	_ =	shalt  }
0x42: {  	_ =	shalt  }
0x43: {  	_ =	shalt  }
0x44: {  	_ =	shalt  }
0x45: {  	_ =	shalt  }
0x46: {  	_ =	shalt  }
0x47: {  	_ =	shalt  }
0x48: {  	_ =	shalt  }
0x49: {  	_ =	shalt  }
0x4a: {  	_ =	shalt  }
0x4b: {  	_ =	shalt  }
0x4c: {  	_ =	shalt  }
0x4d: {  	_ =	shalt  }
0x4e: {  	_ =	shalt  }
0x4f: {  	_ =	shalt  }
0x50: {  	_ =	shalt  }
0x51: {  	_ =	shalt  }
0x52: {  	_ =	shalt  }
0x53: {  	_ =	shalt  }
0x54: {  	_ =	shalt  }
0x55: {  	_ =	shalt  }
0x56: {  	_ =	shalt  }
0x57: {  	_ =	shalt  }
0x58: {  	_ =	shalt  }
0x59: {  	_ =	shalt  }
0x5a: {  	_ =	shalt  }
0x5b: {  	_ =	shalt  }
0x5c: {  	_ =	shalt  }
0x5d: {  	_ =	shalt  }
0x5e: {  	_ =	shalt  }
0x5f: {  	_ =	shalt  }
0x60: {  	_ =	shalt  }
0x61: {  	_ =	shalt  }
0x62: {  	_ =	shalt  }
0x63: {  	_ =	shalt  }
0x64: {  	_ =	shalt  }
0x65: {  	_ =	shalt  }
0x66: {  	_ =	shalt  }
0x67: {  	_ =	shalt  }
0x68: {  	_ =	shalt  }
0x69: {  	_ =	shalt  }
0x6a: {  	_ =	shalt  }
0x6b: {  	_ =	shalt  }
0x6c: {  	_ =	shalt  }
0x6d: {  	_ =	shalt  }
0x6e: {  	_ =	shalt  }
0x6f: {  	_ =	shalt  }
0x70: {  	_ =	shalt  }
0x71: {  	_ =	shalt  }
0x72: {  	_ =	shalt  }
0x73: {  	_ =	shalt  }
0x74: {  	_ =	shalt  }
0x75: {  	_ =	shalt  }
0x76: {  	_ =	shalt  }
0x77: {  	_ =	shalt  }
0x78: {  	_ =	shalt  }
0x79: {  	_ =	shalt  }
0x7a: {  	_ =	shalt  }
0x7b: {  	_ =	shalt  }
0x7c: {  	_ =	shalt  }
0x7d: {  	_ =	shalt  }
0x7e: {  	_ =	shalt  }
0x7f: {  	_ =	shalt  }
0x80: {  	_ =	shalt  }
0x81: {  	_ =	shalt  }
0x82: {  	_ =	shalt  }
0x83: {  	_ =	shalt  }
0x84: {  	_ =	shalt  }
0x85: {  	_ =	shalt  }
0x86: {  	_ =	shalt  }
0x87: {  	_ =	shalt  }
.Lfunc_end0:
.L_simem_size_0:
called_computation_lowered:
.L_overlay_start_0:
0x88: {  	s2 =	sld [smem:$0x3FD9]  }
0x89: {  	s3 =	sld [smem:$0x3FFE];
	_ =	sdelay $0x1  }
0x8a: {  	s1 =	srdreg.scid  }
0x8b: {  	s0 =	sand.u32 $0x1, s1  }
0x8c: {  	s18 =	sshll.u32 s0, $0xA;
	s2 =	sadd.s32 s3, s2  }
0x8d: {  	s2 =	sadd.s32 s2, s18  }
0x8e: {  	[smem:$0x3FC6] =	sst s2  }
0x8f: {  	_ = 	snop  }
0x90: {  	s2 =	sld [smem:$0x3FC9]  }
0x91: {  	s19 =	sld [smem:$0x3FC8]  }
0x92: {  	s4 =	sld [smem:$0x3FD0];
	(tm) =	ssettm $0x1  }
0x93: {  	s5 =	sld [smem:$0x3FFB];
	_ =	sdelay $0x3  }
0x94: {  	_ =	strace s5  }
0x95: {  	s5 =	sld [smem:$0x3FFC];
	_ =	sdelay $0x3  }
0x96: {  	_ =	strace s5  }
0x97: {  	s5 =	sld [smem:$0x3FFD];
	_ =	sdelay $0x3  }
0x98: {  	_ =	strace s5  }
0x99: {  	_ =	strace $0x8FFFFFFF  }
0x9a: {  	s20 =	sld [smem:$0x3FDB];
	_ =	sdelay $0x1  }
0x9b: {  	s6 =	simm.s32 $_scs_section_size  }
0x9c: {  	s7 =	simm.s32 $_size__tile_overlayer_lowered;
	s8 =	simm.s32 $_tile_overlayer_lowered  }
0x9d: {  	s23 =	simm.s32 $0x1BFF;
	s22 =	sshll.u32 s8, $0x1;
	s5 =	sadd.s32 s6, s20  }
0x9e: {  	s9 =	simm.s32 $0x0;
	s21 =	sshll.u32 s7, $0x1;
	s7 =	sadd.s32 s22, s5  }
0x9f: {  	[timem:s9], [sflag:s23] =	dma.local [hbm:s7], s21  }
0xa0: {  	_ =	swait.ge [sflag:s23], s21  }
0xa1: {  	s6 =	ssub.s32 $0x0, s21;
	[sflag:s23] =	ssyncset.done $0x0  }
0xa2: {  	[sflag:s23] =	ssyncadd.s32 s6;
	_ =	sdelay $0x1  }
0xa3: {  	s24 =	simm.s32 $0x1B8B  }
0xa4: {  	_ =	swait.ge [sflag:s24], $0x1  }
0xa5: {  	[sflag:s24] =	ssyncset.done $0x0  }
0xa6: {  	s25 =	simm.s32 $0x1B8E;
	[sflag:s24] =	ssyncadd.s32 $0xFFFFFFFF  }
0xa7: {  	s26 =	simm.s32 $execute0_lowered;
	[smem:$0x3FD2] =	sst s25  }
0xa8: {  	s6 =	sshll.u32 s26, $0x1;
	_ =	strace $0x80000046;
	[dreg:$0x1] =	wrdreg $0xFFFFFFFF  }
0xa9: {  	s28 =	simm.s32 $_size_execute0_lowered;
	s5 =	sadd.s32 s5, s6;
	[dreg:$0x0] =	wrdreg $0x0  }
0xaa: {  	s6 =	sshll.u32 s28, $0x1;
	[dreg:$0x2] =	wrdreg s5  }
0xab: {  	[dreg:$0x3] =	wrdreg s6  }
0xac: {  	[dreg:$0x4] =	wrdreg $0xC0  }
0xad: {  	_ =	task [dreg:s9], $0x5FFFF  }
0xae: {  	[dreg:$0x1] =	wrdreg $0xFFFFFFFF  }
0xaf: {  	[dreg:$0x0] =	wrdreg $0x60  }
0xb0: {  	[dreg:$0x2] =	wrdreg s2  }
0xb1: {  	[dreg:$0x3] =	wrdreg s19  }
0xb2: {  	[dreg:$0x4] =	wrdreg s4  }
0xb3: {  	[dreg:$0x5] =	wrdreg $0x9  }
0xb4: {  	_ =	task.clear_ibuf [dreg:s9], $0x6FFFF;
	_ =	strace $0x90000046  }
0xb5: {  	s29 =	simm.s32 $0x9;
	_ =	strace $0x80000048  }
0xb6: {  	_ =	swait.ge [sflag:s29], $0x1  }
0xb7: {  	[sflag:s29] =	ssyncadd.s32 $0xFFFFFFFF  }
0xb8: {  	_ =	strace $0x90000048  }
0xb9: {  	_ =	sfence  }
0xba: {  	s30 =	sld [smem:$0x0];
	_ =	sdelay $0x2  }
0xbb: {  	s31 =	sshll.u32 s1, $0xD;
	s1 =	sshrl.u32 s1, $0x2  }
0xbc: {  	s3 =	sand.u32 $0x4000, s31;
	s1 =	sadd.s32 s1, s30  }
0xbd: {  	s0 =	sor.u32 s3, s0;
	s1 =	sshll.u32 s1, $0x11  }
0xbe: {  	s0 =	sor.u32 s1, s0  }
0xbf: {  	s0 =	sadd.s32 $0x8F2B, s0  }
0xc0: {  	[sflag:s0] =	ssyncadd.remote.s32 $0x1  }
0xc1: {  	_ =	sfence.sel $0xFFFF  }
0xc2: {  	[dreg:$0x0] =	wrdreg $0xFFFFFFFF;
	(pc) =	sbr.abs _section_cstart, $3  }
0xc3: {  	[dreg:$0x1] =	wrdreg $0xFFFFFFFF  }
0xc4: {  	_ =	task.clear_ibuf [dreg:s9], $0x2FFFF;
	_ =	strace $0x9FFFFFFF  }
0xc5: {  	(tm) =	ssettm $0x7FFFFFFF  }
tec
execute0_lowered:
.L_overlay_start_1:
0x0: {  	(tag) =	ssettag $0x1  }
0x1: {  	s3 =	rddreg [dreg:$0x0]  }
0x2: {  	s4 =	rddreg [dreg:$0x1];
	s0 =	srdreg.scid  }
0x3: {  	s5 =	rddreg [dreg:$0x2];
	s1 =	stileid.u32  }
0x4: {  	s8 =	simm.s32 $0x0;
	s0 =	sand.u32 $0x1, s0;
	s1 =	sshll.u32 s1, $0x9  }
0x5: {  	[smem:$0x7FF] =	sst s8;
	s28 =	sadd.s32 $0x100000, s5;
	s29 =	sadd.s32 $0x200000, s5  }
0x6: {  	s2 =	sshll.u32 s0, $0x8;
	_ =	strace $0x80000047;
	[smem:$0x7F8] =	sst s28  }
0x7: {  	s30 =	sadd.s32 $0x300000, s5;
	[smem:$0x7F9] =	sst s29;
	s1 =	sor.u32 s2, s1  }
0x8: {  	[smem:$0x7FA] =	sst s30;
	s6 =	sshll.u32 s1, $0x7  }
0x9: {  	s7 =	sadd.s32 s4, s6;
	[smem:$0x7EE] =	sst s6  }
0xa: {  	s21 =	sadd.s32 s3, s6;
	s6 =	sor.u32 $0x400, s6;
	[smem:$0x7EC] =	sst s7  }
0xb: {  	s0 =	ssub.s32 $0x2, s0;
	s1 =	sshrl.u32 s1, $0x3;
	[smem:$0x7F2] =	sst s6  }
0xc: {  	s20 =	sshrl.u32 s0, $0x1;
	s31 =	sor.u32 $0x2, s1;
	[smem:$0x7F6] =	sst s21  }
0xd: {  	s0 =	ssub.s32 s0, s20;
	s1 =	sor.u32 $0x3, s1;
	[smem:$0x7FB] =	sst s31  }
0xe: {  	s0 =	smax.u32 s0, $0x1;
	[smem:$0x7FC] =	sst s1  }
0xf: {  	s22 =	sadd.s32 $0x100000, s21;
	[smem:$0x7FD] =	sst s0  }
0x10: {  	s23 =	sadd.s32 $0x200000, s21;
	[smem:$0x7ED] =	sst s22  }
0x11: {  	s24 =	sadd.s32 $0x300000, s21;
	[smem:$0x7EF] =	sst s23  }
0x12: {  	s4 =	sadd.s32 s4, s6;
	[smem:$0x7F0] =	sst s24  }
.Ltmp0:
0x13: {  	s3 =	sadd.s32 s3, s6;
	[smem:$0x7F1] =	sst s4;
	(pc) =	sbr.rel .LBB2_1-.Ltmp0, $4  }
0x14: {  	s9 =	simm.s32 $0x8000;
	s25 =	sadd.s32 $0x100400, s21;
	[smem:$0x7F3] =	sst s3  }
0x15: {  	s10 =	simm.s32 $0xA000;
	s26 =	sadd.s32 $0x200400, s21;
	[smem:$0x7F4] =	sst s25  }
0x16: {  	s11 =	simm.s32 $0xC000;
	s2 =	sadd.s32 $0x300400, s21;
	[smem:$0x7F5] =	sst s26  }
0x17: {  	s12 =	simm.s32 $0xE000;
	s1 =	simm.s32 $0x0;
	[smem:$0x7F7] =	sst s2  }
.LBB2_8:
0x18: {  	s1 =	sld [smem:$0x7EA]  }
0x19: {  	s0 =	sld [smem:$0x7FD];
	_ =	sdelay $0x1  }
0x1a: {  	s1 =	sadd.s32 $0x1, s1  }
0x1b: {  	p0 =	sne.s32 s1, s0  }
.Ltmp1:
0x1c: {  	_ = 	snop;
	(pc) =	sbr.rel @!p0 .LBB2_9-.Ltmp1, $1  }
0x1d: {  	_ =	sdelay $0x3  }
.LBB2_1:
0x1e: {  	s0 =	sld [smem:$0x7EC]  }
0x1f: {  	[smem:$0x7EA] =	sst s1  }
0x20: {  	s16 =	simm.s32 $0x10000;
	s17 =	sld [smem:$0x7F6]  }
0x21: {  	[tilespmem:s16], [sflag:$0x3] =	stream.linear.gather [hbm4b:s0+s8], $0x2000, $0x38;
	[tilespmem:$0x14000] =	vst v63  }
0x22: {  	s18 =	sld [smem:$0x7ED]  }
0x23: {  	[tilespmem:s8], [sflag:$0x1] =	stream.linear.gather [hbm4b:s17+s8], $0x2000, $0x38;
	[tilespmem:$0x14000] =	vst v63  }
0x24: {  	s19 =	simm.s32 $0x2000;
	s20 =	sld [smem:$0x7EF]  }
0x25: {  	[tilespmem:s19], [sflag:$0x1] =	stream.linear.gather [hbm4b:s18+s8], $0x2000, $0x38;
	[tilespmem:$0x14000] =	vst v63  }
0x26: {  	s21 =	simm.s32 $0x4000;
	s22 =	sld [smem:$0x7F0]  }
0x27: {  	[tilespmem:s21], [sflag:$0x1] =	stream.linear.gather [hbm4b:s20+s8], $0x2000, $0x38;
	[tilespmem:$0x14000] =	vst v63  }
0x28: {  	s23 =	simm.s32 $0x6000;
	s24 =	sld [smem:$0x7F1]  }
0x29: {  	[tilespmem:s23], [sflag:$0x1] =	stream.linear.gather [hbm4b:s22+s8], $0x2000, $0x38;
	[tilespmem:$0x14000] =	vst v63  }
0x2a: {  	s25 =	simm.s32 $0x12000;
	s26 =	sld [smem:$0x7F3]  }
0x2b: {  	[tilespmem:s25], [sflag:$0x4] =	stream.linear.gather [hbm4b:s24+s8], $0x2000, $0x38;
	[tilespmem:$0x14000] =	vst v63  }
0x2c: {  	s28 =	sld [smem:$0x7F4]  }
0x2d: {  	[tilespmem:s9], [sflag:$0x2] =	stream.linear.gather [hbm4b:s26+s8], $0x2000, $0x38;
	[tilespmem:$0x14000] =	vst v63  }
0x2e: {  	s29 =	sld [smem:$0x7F5]  }
0x2f: {  	[tilespmem:s10], [sflag:$0x2] =	stream.linear.gather [hbm4b:s28+s8], $0x2000, $0x38;
	[tilespmem:$0x14000] =	vst v63  }
0x30: {  	s30 =	sld [smem:$0x7F7];
	s31 =	simm.s32 $0x0  }
0x31: {  	[tilespmem:s11], [sflag:$0x2] =	stream.linear.gather [hbm4b:s29+s8], $0x2000, $0x38;
	[tilespmem:$0x14000] =	vst v63  }
0x32: {  	[smem:$0x7EB] =	sst s31  }
0x33: {  	[tilespmem:s12], [sflag:$0x2] =	stream.linear.gather [hbm4b:s30+s8], $0x2000, $0x38;
	[tilespmem:$0x14000] =	vst v63  }
.LBB2_2:
0x34: {  	s0 =	simm.s32 $0x3  }
0x35: {  	_ =	swait.ge [sflag:s0], $0x2000  }
0x36: {  	[sflag:s0] =	ssyncset.done $0x0  }
0x37: {  	s17 =	simm.s32 $0x1;
	[sflag:s0] =	ssyncadd.s32 $0xFFFFE000  }
0x38: {  	_ =	swait.ge [sflag:s17], $0x2000  }
0x39: {  	[sflag:s17] =	ssyncset.done $0x0  }
0x3a: {  	[sflag:s17] =	ssyncadd.s32 $0xFFFFE000  }
0x3b: {  	_ =	swait.ge [sflag:s17], $0x2000  }
0x3c: {  	[sflag:s17] =	ssyncset.done $0x0  }
0x3d: {  	[sflag:s17] =	ssyncadd.s32 $0xFFFFE000  }
0x3e: {  	_ =	swait.ge [sflag:s17], $0x2000  }
0x3f: {  	[sflag:s17] =	ssyncset.done $0x0  }
0x40: {  	s1 =	simm.s32 $0x0;
	[sflag:s17] =	ssyncadd.s32 $0xFFFFE000  }
0x41: {  	s21 =	sand.u32 $0x60, s1;
	_ =	swait.ge [sflag:s17], $0x2000  }
0x42: {  	s31 =	sand.u32 $0x1C00, s1;
	s30 =	sor.u32 $0x10, s21;
	[sflag:s17] =	ssyncset.done $0x0  }
0x43: {  	s2 =	sor.u32 s31, s30;
	[sflag:s17] =	ssyncadd.s32 $0xFFFFE000  }
0x44: {  	v0 =	vld [tilespmem:s2+$0x10000]  }
0x45: {  	v1 =	vld [tilespmem:s2+$0x0];
	_ =	sdelay $0x4  }
0x46: {  	v1 =	vadd.f32 v1, v0  }
0x47: {  	s1 =	sor.u32 $0x2000, s31  }
0x48: {  	s18 =	sor.u32 s30, s1;
	[tilespmem:s2+$0x0] =	vst v1  }
0x49: {  	v1 =	vld [tilespmem:s18+$0x0];
	_ =	sdelay $0x4  }
0x4a: {  	v1 =	vadd.f32 v1, v0  }
0x4b: {  	s3 =	sor.u32 $0x4000, s31  }
0x4c: {  	s4 =	sor.u32 s30, s3;
	[tilespmem:s18+$0x0] =	vst v1  }
0x4d: {  	v1 =	vld [tilespmem:s4+$0x0];
	_ =	sdelay $0x2  }
0x4e: {  	s0 =	sor.u32 s21, s31  }
0x4f: {  	v2 =	vld [tilespmem:s0+$0x10000]  }
0x50: {  	v3 =	vld [tilespmem:s0+$0x0];
	v1 =	vadd.f32 v1, v0  }
0x51: {  	s5 =	sor.u32 $0x6000, s31  }
0x52: {  	s19 =	sor.u32 s30, s5;
	[tilespmem:s4+$0x0] =	vst v1  }
0x53: {  	v1 =	vld [tilespmem:s19+$0x0];
	_ =	sdelay $0x1  }
0x54: {  	v3 =	vadd.f32 v3, v2;
	_ =	sdelay $0x1  }
0x55: {  	s1 =	sor.u32 s21, s1;
	[tilespmem:s0+$0x0] =	vst v3  }
0x56: {  	v3 =	vld [tilespmem:s1+$0x0];
	v0 =	vadd.f32 v1, v0;
	_ =	sdelay $0x1  }
0x57: {  	[tilespmem:s19+$0x0] =	vst v0  }
0x58: {  	v0 =	vld [tilespmem:s2+$0x10080]  }
0x59: {  	v1 =	vld [tilespmem:s2+$0x80]  }
0x5a: {  	v3 =	vadd.f32 v3, v2;
	_ =	sdelay $0x1  }
0x5b: {  	s3 =	sor.u32 s21, s3;
	[tilespmem:s1+$0x0] =	vst v3  }
0x5c: {  	v3 =	vld [tilespmem:s3+$0x0]  }
0x5d: {  	v1 =	vadd.f32 v1, v0  }
0x5e: {  	s20 =	sor.u32 $0x2080, s31  }
0x5f: {  	s22 =	sor.u32 s30, s20;
	[tilespmem:s2+$0x80] =	vst v1  }
0x60: {  	v1 =	vld [tilespmem:s22+$0x0]  }
0x61: {  	v3 =	vadd.f32 v3, v2;
	_ =	sdelay $0x1  }
0x62: {  	s5 =	sor.u32 s21, s5;
	[tilespmem:s3+$0x0] =	vst v3  }
0x63: {  	v3 =	vld [tilespmem:s5+$0x0]  }
0x64: {  	v1 =	vadd.f32 v1, v0  }
0x65: {  	s23 =	sor.u32 $0x4080, s31  }
0x66: {  	s24 =	sor.u32 s30, s23;
	[tilespmem:s22+$0x0] =	vst v1  }
0x67: {  	v1 =	vld [tilespmem:s24+$0x0]  }
0x68: {  	v2 =	vadd.f32 v3, v2;
	_ =	sdelay $0x1  }
0x69: {  	[tilespmem:s5+$0x0] =	vst v2  }
0x6a: {  	v2 =	vld [tilespmem:s0+$0x10080]  }
0x6b: {  	v3 =	vld [tilespmem:s0+$0x80];
	v1 =	vadd.f32 v1, v0  }
0x6c: {  	s25 =	sor.u32 $0x6080, s31  }
0x6d: {  	s26 =	sor.u32 s30, s25;
	[tilespmem:s24+$0x0] =	vst v1  }
0x6e: {  	v1 =	vld [tilespmem:s26+$0x0];
	_ =	sdelay $0x1  }
0x6f: {  	v3 =	vadd.f32 v3, v2;
	_ =	sdelay $0x1  }
0x70: {  	s1 =	sor.u32 s21, s20;
	[tilespmem:s0+$0x80] =	vst v3  }
0x71: {  	v3 =	vld [tilespmem:s1+$0x0];
	v0 =	vadd.f32 v1, v0;
	_ =	sdelay $0x1  }
0x72: {  	[tilespmem:s26+$0x0] =	vst v0  }
0x73: {  	v0 =	vld [tilespmem:s2+$0x10100]  }
0x74: {  	v1 =	vld [tilespmem:s2+$0x100]  }
0x75: {  	v3 =	vadd.f32 v3, v2;
	_ =	sdelay $0x1  }
0x76: {  	s3 =	sor.u32 s21, s23;
	[tilespmem:s1+$0x0] =	vst v3  }
0x77: {  	v3 =	vld [tilespmem:s3+$0x0]  }
0x78: {  	v1 =	vadd.f32 v1, v0  }
0x79: {  	s28 =	sor.u32 $0x2100, s31  }
0x7a: {  	s6 =	sor.u32 s30, s28;
	[tilespmem:s2+$0x100] =	vst v1  }
0x7b: {  	v1 =	vld [tilespmem:s6+$0x0]  }
0x7c: {  	s10 =	simm.s32 $0x20;
	v3 =	vadd.f32 v3, v2  }
0x7d: {  	s11 =	simm.s32 $0x100;
	s24 =	sand.u32 $0x60, s10  }
0x7e: {  	s9 =	sand.u32 $0x1C00, s11;
	s5 =	sor.u32 s21, s25;
	[tilespmem:s3+$0x0] =	vst v3;
	s26 =	sor.u32 $0x10, s24  }
0x7f: {  	v3 =	vld [tilespmem:s5+$0x0];
	s20 =	sor.u32 s9, s26  }
0x80: {  	v4 =	vld [tilespmem:s20+$0x10000];
	v1 =	vadd.f32 v1, v0  }
0x81: {  	s12 =	sor.u32 $0x4100, s31;
	v5 =	vld [tilespmem:s20+$0x0]  }
0x82: {  	s13 =	sor.u32 s30, s12;
	[tilespmem:s6+$0x0] =	vst v1  }
0x83: {  	v1 =	vld [tilespmem:s13+$0x0]  }
0x84: {  	v2 =	vadd.f32 v3, v2;
	_ =	sdelay $0x1  }
0x85: {  	[tilespmem:s5+$0x0] =	vst v2;
	v2 =	vadd.f32 v5, v4  }
0x86: {  	s14 =	sor.u32 $0x2000, s9;
	v3 =	vld [tilespmem:s0+$0x10100]  }
0x87: {  	s7 =	sor.u32 s26, s14;
	v5 =	vld [tilespmem:s0+$0x100];
	[tilespmem:s20+$0x0] =	vst v2;
	v1 =	vadd.f32 v1, v0  }
0x88: {  	s8 =	sor.u32 $0x6100, s31;
	v2 =	vld [tilespmem:s7+$0x0]  }
0x89: {  	s15 =	sor.u32 s30, s8;
	[tilespmem:s13+$0x0] =	vst v1  }
0x8a: {  	s29 =	sor.u32 s24, s9;
	v1 =	vld [tilespmem:s15+$0x0]  }
0x8b: {  	v6 =	vld [tilespmem:s29+$0x10000]  }
0x8c: {  	v7 =	vld [tilespmem:s29+$0x0];
	v5 =	vadd.f32 v5, v3  }
0x8d: {  	v2 =	vadd.f32 v2, v4  }
0x8e: {  	s4 =	sor.u32 s21, s28;
	s10 =	sor.u32 $0x4000, s9;
	[tilespmem:s0+$0x100] =	vst v5  }
0x8f: {  	s17 =	sor.u32 s26, s10;
	v5 =	vld [tilespmem:s4+$0x0];
	[tilespmem:s7+$0x0] =	vst v2;
	v0 =	vadd.f32 v1, v0  }
0x90: {  	v1 =	vld [tilespmem:s17+$0x0]  }
0x91: {  	v2 =	vadd.f32 v7, v6;
	[tilespmem:s15+$0x0] =	vst v0  }
0x92: {  	v0 =	vld [tilespmem:s2+$0x10180]  }
0x93: {  	s5 =	sor.u32 s24, s14;
	[tilespmem:s29+$0x0] =	vst v2;
	v2 =	vld [tilespmem:s2+$0x180]  }
0x94: {  	v7 =	vld [tilespmem:s5+$0x0];
	v5 =	vadd.f32 v5, v3  }
0x95: {  	v1 =	vadd.f32 v1, v4  }
0x96: {  	s18 =	sor.u32 $0x6000, s9;
	s3 =	sor.u32 s21, s12;
	[tilespmem:s4+$0x0] =	vst v5  }
0x97: {  	s19 =	sor.u32 s26, s18;
	v5 =	vld [tilespmem:s3+$0x0];
	[tilespmem:s17+$0x0] =	vst v1  }
0x98: {  	v1 =	vld [tilespmem:s19+$0x0];
	v2 =	vadd.f32 v2, v0  }
0x99: {  	s22 =	sor.u32 $0x2180, s31;
	v7 =	vadd.f32 v7, v6  }
0x9a: {  	s11 =	sor.u32 s30, s22;
	[tilespmem:s2+$0x180] =	vst v2  }
0x9b: {  	s10 =	sor.u32 s24, s10;
	[tilespmem:s5+$0x0] =	vst v7;
	v2 =	vld [tilespmem:s11+$0x0]  }
0x9c: {  	v5 =	vadd.f32 v5, v3;
	v7 =	vld [tilespmem:s10+$0x0]  }
0x9d: {  	v1 =	vadd.f32 v1, v4  }
0x9e: {  	s23 =	sor.u32 s21, s8;
	[tilespmem:s3+$0x0] =	vst v5  }
0x9f: {  	v4 =	vld [tilespmem:s23+$0x0];
	[tilespmem:s19+$0x0] =	vst v1  }
0xa0: {  	v1 =	vld [tilespmem:s20+$0x10080];
	v2 =	vadd.f32 v2, v0  }
0xa1: {  	s25 =	sor.u32 $0x4180, s31;
	v5 =	vadd.f32 v7, v6;
	v7 =	vld [tilespmem:s20+$0x80]  }
0xa2: {  	s28 =	sor.u32 s30, s25;
	[tilespmem:s11+$0x0] =	vst v2  }
0xa3: {  	s4 =	sor.u32 s24, s18;
	[tilespmem:s10+$0x0] =	vst v5;
	v2 =	vld [tilespmem:s28+$0x0]  }
0xa4: {  	v3 =	vadd.f32 v4, v3;
	v4 =	vld [tilespmem:s4+$0x0];
	_ =	sdelay $0x1  }
0xa5: {  	[tilespmem:s23+$0x0] =	vst v3;
	v3 =	vadd.f32 v7, v1  }
0xa6: {  	s1 =	sor.u32 $0x2080, s9;
	v5 =	vld [tilespmem:s0+$0x10180]  }
0xa7: {  	s10 =	sor.u32 s26, s1;
	v7 =	vld [tilespmem:s0+$0x180];
	[tilespmem:s20+$0x80] =	vst v3;
	v2 =	vadd.f32 v2, v0  }
0xa8: {  	s11 =	sor.u32 $0x6180, s31;
	v3 =	vadd.f32 v4, v6;
	v4 =	vld [tilespmem:s10+$0x0]  }
0xa9: {  	s12 =	sor.u32 s30, s11;
	[tilespmem:s28+$0x0] =	vst v2  }
0xaa: {  	[tilespmem:s4+$0x0] =	vst v3;
	v2 =	vld [tilespmem:s12+$0x0]  }
0xab: {  	v3 =	vld [tilespmem:s29+$0x10080]  }
0xac: {  	v6 =	vadd.f32 v7, v5;
	v7 =	vld [tilespmem:s29+$0x80]  }
0xad: {  	v4 =	vadd.f32 v4, v1  }
0xae: {  	s14 =	sor.u32 $0x4080, s9;
	s13 =	sor.u32 s21, s22;
	[tilespmem:s0+$0x180] =	vst v6  }
0xaf: {  	s15 =	sor.u32 s26, s14;
	v6 =	vld [tilespmem:s13+$0x0];
	[tilespmem:s10+$0x0] =	vst v4;
	v0 =	vadd.f32 v2, v0  }
0xb0: {  	v2 =	vld [tilespmem:s15+$0x0]  }
0xb1: {  	v4 =	vadd.f32 v7, v3;
	[tilespmem:s12+$0x0] =	vst v0  }
0xb2: {  	v0 =	vld [tilespmem:s2+$0x10200]  }
0xb3: {  	s5 =	sor.u32 s24, s1;
	[tilespmem:s29+$0x80] =	vst v4;
	v4 =	vld [tilespmem:s2+$0x200]  }
0xb4: {  	v6 =	vadd.f32 v6, v5;
	v7 =	vld [tilespmem:s5+$0x0]  }
0xb5: {  	v2 =	vadd.f32 v2, v1  }
0xb6: {  	s3 =	sor.u32 s21, s25;
	s17 =	sor.u32 $0x6080, s9;
	[tilespmem:s13+$0x0] =	vst v6  }
0xb7: {  	s18 =	sor.u32 s26, s17;
	v6 =	vld [tilespmem:s3+$0x0];
	[tilespmem:s15+$0x0] =	vst v2  }
0xb8: {  	v2 =	vld [tilespmem:s18+$0x0];
	v4 =	vadd.f32 v4, v0  }
0xb9: {  	s19 =	sor.u32 $0x2200, s31;
	v7 =	vadd.f32 v7, v3  }
0xba: {  	s22 =	sor.u32 s30, s19;
	[tilespmem:s2+$0x200] =	vst v4  }
0xbb: {  	s7 =	sor.u32 s24, s14;
	[tilespmem:s5+$0x0] =	vst v7;
	v4 =	vld [tilespmem:s22+$0x0]  }
0xbc: {  	v6 =	vadd.f32 v6, v5;
	v7 =	vld [tilespmem:s7+$0x0]  }
0xbd: {  	v1 =	vadd.f32 v2, v1  }
0xbe: {  	s23 =	sor.u32 s21, s11;
	[tilespmem:s3+$0x0] =	vst v6  }
0xbf: {  	v2 =	vld [tilespmem:s23+$0x0];
	[tilespmem:s18+$0x0] =	vst v1  }
0xc0: {  	v1 =	vld [tilespmem:s20+$0x10100];
	v4 =	vadd.f32 v4, v0  }
0xc1: {  	s10 =	sor.u32 $0x4200, s31;
	v6 =	vadd.f32 v7, v3;
	v7 =	vld [tilespmem:s20+$0x100]  }
0xc2: {  	s25 =	sor.u32 s30, s10;
	[tilespmem:s22+$0x0] =	vst v4  }
0xc3: {  	v4 =	vld [tilespmem:s25+$0x0]  }
0xc4: {  	s4 =	sor.u32 s24, s17;
	[tilespmem:s7+$0x0] =	vst v6;
	v2 =	vadd.f32 v2, v5  }
0xc5: {  	v5 =	vld [tilespmem:s4+$0x0]  }
0xc6: {  	[tilespmem:s23+$0x0] =	vst v2;
	v2 =	vadd.f32 v7, v1  }
0xc7: {  	s28 =	sor.u32 $0x2100, s9;
	v6 =	vld [tilespmem:s0+$0x10200]  }
0xc8: {  	s11 =	sor.u32 s26, s28;
	s12 =	simm.s32 $0x40;
	v7 =	vld [tilespmem:s0+$0x200];
	[tilespmem:s20+$0x100] =	vst v2;
	v2 =	vadd.f32 v4, v0  }
0xc9: {  	s14 =	sand.u32 $0x60, s12;
	s3 =	sor.u32 $0x6200, s31;
	s18 =	simm.s32 $0x200;
	v4 =	vld [tilespmem:s11+$0x0]  }
0xca: {  	s6 =	sor.u32 $0x10, s14;
	s13 =	sor.u32 s30, s3;
	s17 =	sand.u32 $0x1C00, s18;
	v3 =	vadd.f32 v5, v3;
	[tilespmem:s25+$0x0] =	vst v2  }
0xcb: {  	s15 =	sor.u32 s17, s6;
	v2 =	vld [tilespmem:s13+$0x0]  }
0xcc: {  	v8 =	vld [tilespmem:s15+$0x10000];
	[tilespmem:s4+$0x0] =	vst v3  }
0xcd: {  	v3 =	vld [tilespmem:s29+$0x10100];
	v5 =	vadd.f32 v7, v6  }
0xce: {  	v7 =	vld [tilespmem:s29+$0x100];
	v4 =	vadd.f32 v4, v1  }
0xcf: {  	s19 =	sor.u32 s21, s19;
	s23 =	sor.u32 $0x4100, s9;
	[tilespmem:s0+$0x200] =	vst v5;
	v5 =	vld [tilespmem:s15+$0x0]  }
0xd0: {  	s25 =	sor.u32 s26, s23;
	v9 =	vld [tilespmem:s19+$0x0];
	[tilespmem:s11+$0x0] =	vst v4;
	v0 =	vadd.f32 v2, v0  }
0xd1: {  	s22 =	sor.u32 s14, s17;
	v2 =	vld [tilespmem:s25+$0x0]  }
0xd2: {  	[tilespmem:s13+$0x0] =	vst v0;
	v0 =	vld [tilespmem:s22+$0x10000]  }
0xd3: {  	v4 =	vadd.f32 v7, v3;
	v7 =	vld [tilespmem:s2+$0x10280]  }
0xd4: {  	v5 =	vadd.f32 v5, v8;
	v10 =	vld [tilespmem:s2+$0x280]  }
0xd5: {  	s28 =	sor.u32 s24, s28;
	s12 =	sor.u32 $0x2000, s17;
	[tilespmem:s29+$0x100] =	vst v4;
	v4 =	vadd.f32 v9, v6;
	v9 =	vld [tilespmem:s22+$0x0]  }
0xd6: {  	v11 =	vld [tilespmem:s28+$0x0];
	s13 =	sor.u32 s6, s12;
	[tilespmem:s15+$0x0] =	vst v5;
	v2 =	vadd.f32 v2, v1  }
0xd7: {  	s1 =	sor.u32 s21, s10;
	s10 =	sor.u32 $0x6100, s9;
	[tilespmem:s19+$0x0] =	vst v4;
	v4 =	vld [tilespmem:s13+$0x0]  }
0xd8: {  	s18 =	sor.u32 s26, s10;
	[tilespmem:s25+$0x0] =	vst v2;
	v2 =	vld [tilespmem:s1+$0x0]  }
0xd9: {  	v5 =	vld [tilespmem:s18+$0x0];
	v10 =	vadd.f32 v10, v7  }
0xda: {  	s5 =	sor.u32 $0x2280, s31;
	v9 =	vadd.f32 v9, v0  }
0xdb: {  	s19 =	sor.u32 s30, s5;
	[tilespmem:s2+$0x280] =	vst v10;
	v10 =	vadd.f32 v11, v3  }
0xdc: {  	s12 =	sor.u32 s14, s12;
	[tilespmem:s22+$0x0] =	vst v9;
	v4 =	vadd.f32 v4, v8;
	v9 =	vld [tilespmem:s19+$0x0]  }
0xdd: {  	s8 =	sor.u32 s24, s23;
	s23 =	sor.u32 $0x4000, s17;
	[tilespmem:s28+$0x0] =	vst v10;
	v10 =	vld [tilespmem:s12+$0x0];
	v2 =	vadd.f32 v2, v6  }
0xde: {  	s25 =	sor.u32 s6, s23;
	[tilespmem:s13+$0x0] =	vst v4;
	v4 =	vld [tilespmem:s8+$0x0];
	v1 =	vadd.f32 v5, v1  }
0xdf: {  	s28 =	sor.u32 s21, s3;
	[tilespmem:s1+$0x0] =	vst v2;
	v2 =	vld [tilespmem:s25+$0x0]  }
0xe0: {  	[tilespmem:s18+$0x0] =	vst v1;
	v1 =	vld [tilespmem:s28+$0x0]  }
0xe1: {  	v5 =	vld [tilespmem:s20+$0x10180];
	v9 =	vadd.f32 v9, v7  }
0xe2: {  	s3 =	sor.u32 $0x4280, s31;
	v11 =	vld [tilespmem:s20+$0x180];
	v10 =	vadd.f32 v10, v0  }
0xe3: {  	s7 =	sor.u32 s30, s3;
	[tilespmem:s19+$0x0] =	vst v9;
	v4 =	vadd.f32 v4, v3  }
0xe4: {  	s11 =	sor.u32 s14, s23;
	[tilespmem:s12+$0x0] =	vst v10;
	v2 =	vadd.f32 v2, v8;
	v9 =	vld [tilespmem:s7+$0x0]  }
0xe5: {  	s1 =	smov.u32 s14;
	s14 =	sor.u32 s24, s10;
	s19 =	sor.u32 $0x6000, s17;
	[tilespmem:s8+$0x0] =	vst v4;
	v4 =	vld [tilespmem:s11+$0x0]  }
0xe6: {  	s23 =	sor.u32 s6, s19;
	v1 =	vadd.f32 v1, v6;
	[tilespmem:s25+$0x0] =	vst v2;
	v2 =	vld [tilespmem:s14+$0x0]  }
0xe7: {  	v10 =	vadd.f32 v11, v5;
	v6 =	vld [tilespmem:s23+$0x0]  }
0xe8: {  	s12 =	sor.u32 $0x2180, s9;
	[tilespmem:s28+$0x0] =	vst v1  }
0xe9: {  	s25 =	sor.u32 s26, s12;
	v1 =	vld [tilespmem:s0+$0x10280];
	[tilespmem:s20+$0x180] =	vst v10;
	v9 =	vadd.f32 v9, v7  }
0xea: {  	s4 =	sor.u32 $0x6280, s31;
	v10 =	vld [tilespmem:s25+$0x0];
	v4 =	vadd.f32 v4, v0  }
0xeb: {  	s28 =	sor.u32 s30, s4;
	[tilespmem:s7+$0x0] =	vst v9;
	v9 =	vld [tilespmem:s0+$0x280];
	v2 =	vadd.f32 v2, v3  }
0xec: {  	s10 =	sor.u32 s1, s19;
	[tilespmem:s11+$0x0] =	vst v4;
	v3 =	vadd.f32 v6, v8;
	v4 =	vld [tilespmem:s28+$0x0]  }
0xed: {  	[tilespmem:s14+$0x0] =	vst v2;
	v2 =	vld [tilespmem:s10+$0x0]  }
0xee: {  	s16 =	simm.s32 $0x0;
	[tilespmem:s23+$0x0] =	vst v3;
	v3 =	vld [tilespmem:s29+$0x10180]  }
0xef: {  	s16 =	sand.u32 $0x3, s16;
	v8 =	vadd.f32 v10, v5;
	v6 =	vld [tilespmem:s15+$0x10080]  }
0xf0: {  	s2 =	sshll.u32 s16, $0x5;
	s8 =	sor.u32 $0x4180, s9;
	v10 =	vld [tilespmem:s15+$0x80];
	v9 =	vadd.f32 v9, v1  }
0xf1: {  	s2 =	sadd.s32 $0x0, s2;
	s19 =	sor.u32 s26, s8;
	[tilespmem:s25+$0x0] =	vst v8;
	v8 =	vld [tilespmem:s29+$0x180];
	v4 =	vadd.f32 v4, v7  }
0xf2: {  	s5 =	sor.u32 s21, s5;
	v7 =	vld [tilespmem:s19+$0x0];
	[tilespmem:s0+$0x280] =	vst v9;
	s0 =	sadd.s32 $0x10, s2  }
0xf3: {  	v0 =	vadd.f32 v2, v0;
	[tilespmem:s28+$0x0] =	vst v4;
	v2 =	vld [tilespmem:s5+$0x0];
	s23 =	sor.u32 $0x300, s0  }
0xf4: {  	v4 =	vld [tilespmem:s23+$0x10000]  }
0xf5: {  	[tilespmem:s10+$0x0] =	vst v0;
	v0 =	vadd.f32 v10, v6;
	v9 =	vld [tilespmem:s23+$0x0]  }
0xf6: {  	s25 =	sor.u32 $0x2080, s17;
	v10 =	vld [tilespmem:s22+$0x10080];
	v8 =	vadd.f32 v8, v3  }
0xf7: {  	s28 =	sor.u32 s6, s25;
	v11 =	vld [tilespmem:s22+$0x80];
	[tilespmem:s15+$0x80] =	vst v0;
	v0 =	vadd.f32 v7, v5  }
0xf8: {  	s12 =	sor.u32 s24, s12;
	s14 =	sor.u32 $0x6180, s9;
	[tilespmem:s29+$0x180] =	vst v8;
	v7 =	vld [tilespmem:s28+$0x0]  }
0xf9: {  	s16 =	sor.u32 s26, s14;
	[tilespmem:s19+$0x0] =	vst v0;
	v0 =	vadd.f32 v2, v1;
	v2 =	vld [tilespmem:s12+$0x0]  }
0xfa: {  	v8 =	vld [tilespmem:s16+$0x0];
	v9 =	vadd.f32 v9, v4  }
0xfb: {  	s19 =	sor.u32 s21, s3;
	s3 =	sor.u32 $0x2300, s31;
	[tilespmem:s5+$0x0] =	vst v0  }
0xfc: {  	[tilespmem:s23+$0x0] =	vst v9;
	v0 =	vld [tilespmem:s19+$0x0];
	v9 =	vadd.f32 v11, v10;
	s23 =	sor.u32 s30, s3  }
0xfd: {  	v7 =	vadd.f32 v7, v6;
	v11 =	vld [tilespmem:s23+$0x0]  }
0xfe: {  	s18 =	smov.u32 s1;
	s1 =	sor.u32 s1, s25;
	s25 =	sor.u32 $0x4080, s17;
	v2 =	vadd.f32 v2, v3;
	[tilespmem:s22+$0x80] =	vst v9  }
0xff: {  	[tilespmem:s28+$0x0] =	vst v7;
	v7 =	vld [tilespmem:s1+$0x0];
	v5 =	vadd.f32 v8, v5;
	s28 =	sor.u32 s6, s25  }
0x100: {  	s8 =	sor.u32 s24, s8;
	[tilespmem:s12+$0x0] =	vst v2;
	v2 =	vld [tilespmem:s28+$0x0]  }
0x101: {  	[tilespmem:s16+$0x0] =	vst v5;
	v0 =	vadd.f32 v0, v1;
	v5 =	vld [tilespmem:s8+$0x0]  }
0x102: {  	v8 =	vld [tilespmem:s20+$0x10200];
	v9 =	vadd.f32 v11, v4  }
0x103: {  	s4 =	sor.u32 s21, s4;
	[tilespmem:s19+$0x0] =	vst v0;
	v0 =	vld [tilespmem:s20+$0x200]  }
0x104: {  	s7 =	sor.u32 $0x4300, s31;
	[tilespmem:s23+$0x0] =	vst v9;
	v9 =	vld [tilespmem:s4+$0x0];
	v7 =	vadd.f32 v7, v10  }
0x105: {  	s11 =	sor.u32 s30, s7;
	v2 =	vadd.f32 v2, v6  }
0x106: {  	v11 =	vld [tilespmem:s11+$0x0];
	[tilespmem:s1+$0x0] =	vst v7  }
0x107: {  	s12 =	sor.u32 s18, s25;
	s16 =	sor.u32 $0x6080, s17;
	[tilespmem:s28+$0x0] =	vst v2;
	v2 =	vadd.f32 v5, v3  }
0x108: {  	s19 =	sor.u32 s6, s16;
	v5 =	vld [tilespmem:s12+$0x0];
	v0 =	vadd.f32 v0, v8  }
0x109: {  	s13 =	sor.u32 $0x2200, s9;
	s23 =	sor.u32 s24, s14;
	v7 =	vld [tilespmem:s19+$0x0];
	[tilespmem:s8+$0x0] =	vst v2;
	v1 =	vadd.f32 v9, v1  }
0x10a: {  	s25 =	sor.u32 s26, s13;
	v2 =	vld [tilespmem:s23+$0x0];
	[tilespmem:s20+$0x200] =	vst v0  }
0x10b: {  	s28 =	sor.u32 $0x6300, s31;
	v0 =	vadd.f32 v11, v4;
	[tilespmem:s4+$0x0] =	vst v1;
	v1 =	vld [tilespmem:s25+$0x0]  }
0x10c: {  	s2 =	sor.u32 $0x300, s2;
	[smem:$0x7E3] =	sst s28  }
0x10d: {  	s1 =	sor.u32 s30, s28;
	v5 =	vadd.f32 v5, v10;
	[tilespmem:s11+$0x0] =	vst v0;
	v0 =	vld [tilespmem:s2+$0x10000]  }
0x10e: {  	v6 =	vadd.f32 v7, v6;
	v7 =	vld [tilespmem:s1+$0x0]  }
0x10f: {  	s11 =	sor.u32 s18, s16;
	[tilespmem:s12+$0x0] =	vst v5;
	v5 =	vld [tilespmem:s2+$0x0]  }
0x110: {  	[tilespmem:s19+$0x0] =	vst v6;
	v2 =	vadd.f32 v2, v3;
	v3 =	vld [tilespmem:s11+$0x0];
	v1 =	vadd.f32 v1, v8  }
0x111: {  	s8 =	sor.u32 $0x4200, s9;
	v6 =	vld [tilespmem:s15+$0x10100]  }
0x112: {  	s14 =	sor.u32 s26, s8;
	v9 =	vld [tilespmem:s15+$0x100];
	[tilespmem:s25+$0x0] =	vst v1  }
0x113: {  	[tilespmem:s23+$0x0] =	vst v2;
	v2 =	vadd.f32 v7, v4;
	v4 =	vld [tilespmem:s14+$0x0]  }
0x114: {  	v1 =	vld [tilespmem:s29+$0x10200]  }
0x115: {  	s23 =	sor.u32 $0x380, s0;
	v5 =	vadd.f32 v5, v0;
	v7 =	vld [tilespmem:s29+$0x200];
	[tilespmem:s1+$0x0] =	vst v2  }
0x116: {  	v3 =	vadd.f32 v3, v10;
	v2 =	vld [tilespmem:s23+$0x10000]  }
0x117: {  	s10 =	smov.u32 s17;
	[tilespmem:s2+$0x0] =	vst v5;
	s1 =	sor.u32 s21, s3;
	v5 =	vadd.f32 v9, v6;
	v9 =	vld [tilespmem:s23+$0x0]  }
0x118: {  	s13 =	sor.u32 s24, s13;
	s4 =	smov.u32 s18;
	s16 =	sor.u32 $0x2100, s17;
	v10 =	vld [tilespmem:s1+$0x0];
	[tilespmem:s11+$0x0] =	vst v3;
	v4 =	vadd.f32 v4, v8  }
0x119: {  	s28 =	simm.s32 $0x60;
	s18 =	sor.u32 $0x6200, s9;
	s17 =	sor.u32 s6, s16;
	v3 =	vld [tilespmem:s22+$0x10100];
	[tilespmem:s15+$0x100] =	vst v5  }
0x11a: {  	s19 =	smov.u32 s6;
	s6 =	smov.u32 s22;
	s0 =	simm.s32 $0x300;
	v5 =	vadd.f32 v7, v1;
	v7 =	vld [tilespmem:s17+$0x0];
	[tilespmem:s14+$0x0] =	vst v4  }
0x11b: {  	s2 =	sor.u32 s26, s18;
	v4 =	vld [tilespmem:s22+$0x100];
	[smem:$0x7E4] =	sst s22;
	s22 =	sand.u32 $0x60, s28  }
0x11c: {  	s11 =	sand.u32 $0x1C00, s0;
	v9 =	vadd.f32 v9, v2;
	s28 =	sor.u32 $0x2380, s31;
	[tilespmem:s29+$0x200] =	vst v5;
	v5 =	vld [tilespmem:s2+$0x0];
	s25 =	sor.u32 $0x10, s22  }
0x11d: {  	v11 =	vld [tilespmem:s13+$0x0];
	s5 =	sor.u32 s11, s25;
	[smem:$0x7E5] =	sst s28  }
0x11e: {  	[tilespmem:s23+$0x0] =	vst v9;
	v9 =	vld [tilespmem:s5+$0x10000]  }
0x11f: {  	s14 =	sor.u32 s30, s28;
	v7 =	vadd.f32 v7, v6;
	v13 =	vld [tilespmem:s5+$0x0]  }
0x120: {  	s28 =	sor.u32 s22, s11;
	s23 =	sor.u32 $0x4100, s10;
	v12 =	vld [tilespmem:s14+$0x0]  }
0x121: {  	[tilespmem:s17+$0x0] =	vst v7;
	v7 =	vld [tilespmem:s28+$0x10000];
	s17 =	sor.u32 s19, s23;
	v5 =	vadd.f32 v5, v8  }
0x122: {  	v8 =	vld [tilespmem:s17+$0x0]  }
0x123: {  	v4 =	vadd.f32 v4, v3;
	[tilespmem:s2+$0x0] =	vst v5;
	v5 =	vld [tilespmem:s28+$0x0]  }
0x124: {  	v10 =	vadd.f32 v10, v0;
	v14 =	vld [tilespmem:s20+$0x10280]  }
0x125: {  	s0 =	sor.u32 s4, s16;
	[tilespmem:s6+$0x100] =	vst v4;
	v4 =	vadd.f32 v13, v9;
	v47 =	vld [tilespmem:s20+$0x280]  }
0x126: {  	s7 =	sor.u32 s21, s7;
	s3 =	sor.u32 $0x2000, s11;
	[tilespmem:s1+$0x0] =	vst v10;
	v10 =	vadd.f32 v11, v1;
	v11 =	vld [tilespmem:s0+$0x0]  }
0x127: {  	s16 =	sor.u32 s25, s3;
	v15 =	vld [tilespmem:s7+$0x0];
	[tilespmem:s5+$0x0] =	vst v4;
	v4 =	vadd.f32 v8, v6  }
0x128: {  	s1 =	sor.u32 s24, s8;
	s2 =	sor.u32 $0x6100, s10;
	[tilespmem:s13+$0x0] =	vst v10;
	v8 =	vadd.f32 v12, v2;
	v10 =	vld [tilespmem:s16+$0x0]  }
0x129: {  	[tilespmem:s17+$0x0] =	vst v4;
	v4 =	vadd.f32 v5, v7;
	v5 =	vld [tilespmem:s1+$0x0];
	s17 =	sor.u32 s19, s2  }
0x12a: {  	[tilespmem:s14+$0x0] =	vst v8;
	v8 =	vld [tilespmem:s17+$0x0];
	v48 =	vadd.f32 v47, v14  }
0x12b: {  	s6 =	sor.u32 s22, s3;
	s13 =	sor.u32 $0x2280, s9;
	[tilespmem:s28+$0x0] =	vst v4;
	v4 =	vadd.f32 v11, v3  }
0x12c: {  	v11 =	vadd.f32 v15, v0;
	[tilespmem:s20+$0x280] =	vst v48;
	v50 =	vld [tilespmem:s6+$0x0];
	s20 =	sor.u32 s26, s13  }
0x12d: {  	[tilespmem:s0+$0x0] =	vst v4;
	s0 =	sor.u32 s4, s23;
	v4 =	vadd.f32 v10, v9;
	v10 =	vld [tilespmem:s20+$0x0]  }
0x12e: {  	s12 =	smov.u32 s4;
	s8 =	sor.u32 $0x4380, s31;
	[tilespmem:s7+$0x0] =	vst v11;
	v11 =	vld [tilespmem:s0+$0x0];
	v5 =	vadd.f32 v5, v1  }
0x12f: {  	s14 =	sor.u32 s30, s8;
	s4 =	sor.u32 $0x4000, s11;
	s7 =	sld [smem:$0x7E3];
	[tilespmem:s16+$0x0] =	vst v4;
	v4 =	vadd.f32 v8, v6  }
0x130: {  	v49 =	vld [tilespmem:s14+$0x0];
	s23 =	sor.u32 s25, s4;
	[tilespmem:s1+$0x0] =	vst v5  }
0x131: {  	s18 =	sor.u32 s24, s18;
	v5 =	vld [tilespmem:s23+$0x0];
	[tilespmem:s17+$0x0] =	vst v4;
	v4 =	vadd.f32 v50, v7  }
0x132: {  	s3 =	sor.u32 s21, s7;
	v6 =	vld [tilespmem:s18+$0x0];
	v10 =	vadd.f32 v10, v14  }
0x133: {  	v51 =	vld [tilespmem:s3+$0x0];
	[tilespmem:s6+$0x0] =	vst v4;
	v4 =	vadd.f32 v11, v3  }
0x134: {  	v8 =	vld [tilespmem:s15+$0x10180];
	[tilespmem:s20+$0x0] =	vst v10  }
0x135: {  	s31 =	sor.u32 $0x6380, s31;
	s4 =	sor.u32 s22, s4;
	v11 =	vld [tilespmem:s15+$0x180];
	v10 =	vadd.f32 v49, v2;
	[tilespmem:s0+$0x0] =	vst v4  }
0x136: {  	s1 =	sor.u32 $0x4280, s9;
	v52 =	vld [tilespmem:s4+$0x0];
	[smem:$0x7E6] =	sst s31  }
0x137: {  	s17 =	sor.u32 s26, s1;
	s0 =	sor.u32 s30, s31;
	[tilespmem:s14+$0x0] =	vst v10  }
0x138: {  	s2 =	sor.u32 s12, s2;
	v4 =	vadd.f32 v5, v9;
	v5 =	vld [tilespmem:s17+$0x0];
	[smem:$0x7E8] =	sst s0  }
0x139: {  	s7 =	smov.u32 s25;
	s6 =	sor.u32 $0x6000, s11;
	v1 =	vadd.f32 v6, v1;
	v10 =	vld [tilespmem:s2+$0x0]  }
0x13a: {  	s16 =	sor.u32 s7, s6;
	s31 =	sld [smem:$0x7E4];
	[tilespmem:s23+$0x0] =	vst v4;
	v4 =	vld [tilespmem:s0+$0x0]  }
0x13b: {  	v6 =	vadd.f32 v11, v8;
	[tilespmem:s18+$0x0] =	vst v1;
	v1 =	vld [tilespmem:s16+$0x0]  }
0x13c: {  	s20 =	sor.u32 $0x2180, s10;
	v11 =	vadd.f32 v52, v7;
	v53 =	vld [tilespmem:s29+$0x10280]  }
0x13d: {  	s23 =	sor.u32 s19, s20;
	[tilespmem:s15+$0x180] =	vst v6;
	v6 =	vld [tilespmem:s29+$0x280];
	v5 =	vadd.f32 v5, v14  }
0x13e: {  	s18 =	sor.u32 s22, s6;
	s6 =	sor.u32 $0x6280, s9;
	[tilespmem:s4+$0x0] =	vst v11;
	v3 =	vadd.f32 v10, v3;
	v10 =	vld [tilespmem:s23+$0x0]  }
0x13f: {  	s0 =	sor.u32 s26, s6;
	[tilespmem:s17+$0x0] =	vst v5;
	v5 =	vld [tilespmem:s18+$0x0]  }
0x140: {  	v1 =	vadd.f32 v1, v9;
	[tilespmem:s2+$0x0] =	vst v3;
	v3 =	vld [tilespmem:s0+$0x0]  }
0x141: {  	v9 =	vld [tilespmem:s31+$0x10180]  }
0x142: {  	s30 =	smov.u32 s7;
	s7 =	simm.s32 $0x1;
	v6 =	vadd.f32 v6, v53;
	[tilespmem:s16+$0x0] =	vst v1;
	v1 =	vld [tilespmem:s31+$0x180];
	s16 =	simm.s32 $0x1  }
0x143: {  	s17 =	sand.u32 $0x3, s7;
	v11 =	vld [tilespmem:s5+$0x10080];
	[dreg:$0xf] =	wrdreg s16;
	v10 =	vadd.f32 v10, v8  }
0x144: {  	s2 =	sshll.u32 s17, $0x5;
	[tilespmem:s29+$0x280] =	vst v6;
	v5 =	vadd.f32 v5, v7  }
0x145: {  	s17 =	sor.u32 $0x4180, s10;
	s16 =	sor.u32 s24, s13;
	s13 =	sadd.s32 $0x100, s2;
	v6 =	vld [tilespmem:s5+$0x80];
	[tilespmem:s23+$0x0] =	vst v10  }
0x146: {  	s2 =	sor.u32 s19, s17;
	v7 =	vld [tilespmem:s16+$0x0];
	v3 =	vadd.f32 v3, v14;
	[tilespmem:s18+$0x0] =	vst v5;
	s18 =	sadd.s32 $0x10, s13  }
0x147: {  	v5 =	vld [tilespmem:s2+$0x0];
	[smem:$0x7E7] =	sst s18  }
0x148: {  	s14 =	sor.u32 $0x300, s18;
	[tilespmem:s0+$0x0] =	vst v3;
	v10 =	vld [tilespmem:s28+$0x10080]  }
0x149: {  	v1 =	vadd.f32 v1, v9;
	v54 =	vld [tilespmem:s14+$0x10000]  }
0x14a: {  	v3 =	vadd.f32 v6, v11;
	v6 =	vld [tilespmem:s14+$0x0]  }
0x14b: {  	s25 =	smov.u32 s9;
	s9 =	sor.u32 s12, s20;
	s23 =	sor.u32 $0x2080, s11;
	[tilespmem:s31+$0x180] =	vst v1;
	v1 =	vld [tilespmem:s28+$0x80];
	v7 =	vadd.f32 v7, v53  }
0x14c: {  	s1 =	sor.u32 s24, s1;
	s18 =	sor.u32 s30, s23;
	[tilespmem:s5+$0x80] =	vst v3;
	v3 =	vld [tilespmem:s9+$0x0];
	v5 =	vadd.f32 v5, v8  }
0x14d: {  	v0 =	vadd.f32 v51, v0;
	s0 =	smov.u32 s24;
	s24 =	simm.s32 $0x0;
	[tilespmem:s16+$0x0] =	vst v7;
	v7 =	vld [tilespmem:s18+$0x0];
	s16 =	sor.u32 $0x6180, s10  }
0x14e: {  	[tilespmem:s2+$0x0] =	vst v5;
	s2 =	sor.u32 s24, s24;
	v5 =	vld [tilespmem:s1+$0x0];
	s24 =	sor.u32 s19, s16  }
0x14f: {  	[tilespmem:s3+$0x0] =	vst v0;
	v6 =	vadd.f32 v6, v54;
	s2 =	sor.u32 $0x380, s2;
	v55 =	vld [tilespmem:s24+$0x0]  }
0x150: {  	s4 =	smov.u32 s12;
	s12 =	sor.u32 $0x2300, s25;
	v1 =	vadd.f32 v1, v10;
	v0 =	vld [tilespmem:s2+$0x10000]  }
0x151: {  	[tilespmem:s14+$0x0] =	vst v6;
	v6 =	vld [tilespmem:s2+$0x0];
	v3 =	vadd.f32 v3, v9;
	s14 =	sor.u32 s26, s12  }
0x152: {  	s20 =	sor.u32 s22, s23;
	[tilespmem:s28+$0x80] =	vst v1;
	v1 =	vadd.f32 v7, v11;
	v7 =	vld [tilespmem:s14+$0x0]  }
0x153: {  	s17 =	sor.u32 s4, s17;
	[tilespmem:s9+$0x0] =	vst v3;
	v3 =	vld [tilespmem:s20+$0x0];
	s9 =	sor.u32 $0x4080, s11  }
0x154: {  	v5 =	vadd.f32 v5, v53;
	[tilespmem:s18+$0x0] =	vst v1;
	v1 =	vld [tilespmem:s17+$0x0];
	s3 =	sor.u32 s30, s9  }
0x155: {  	v8 =	vadd.f32 v55, v8;
	v56 =	vld [tilespmem:s3+$0x0]  }
0x156: {  	s18 =	sor.u32 s0, s6;
	[tilespmem:s1+$0x0] =	vst v5;
	v6 =	vadd.f32 v6, v0  }
0x157: {  	[tilespmem:s24+$0x0] =	vst v8;
	v8 =	vld [tilespmem:s18+$0x0];
	v7 =	vadd.f32 v7, v54  }
0x158: {  	s24 =	sor.u32 $0x4300, s25;
	v5 =	vld [tilespmem:s15+$0x10200];
	[tilespmem:s2+$0x0] =	vst v6;
	v3 =	vadd.f32 v3, v10  }
0x159: {  	v6 =	vld [tilespmem:s15+$0x200];
	s2 =	sld [smem:$0x7E5];
	[tilespmem:s14+$0x0] =	vst v7;
	v1 =	vadd.f32 v1, v9;
	s14 =	sor.u32 s26, s24  }
0x15a: {  	s6 =	sor.u32 s22, s9;
	[tilespmem:s20+$0x0] =	vst v3;
	v3 =	vadd.f32 v56, v11;
	v57 =	vld [tilespmem:s14+$0x0]  }
0x15b: {  	s16 =	sor.u32 s4, s16;
	[tilespmem:s17+$0x0] =	vst v1;
	v58 =	vld [tilespmem:s6+$0x0]  }
0x15c: {  	s17 =	sor.u32 $0x6080, s11;
	s2 =	sor.u32 s21, s2;
	v1 =	vadd.f32 v8, v53;
	[tilespmem:s3+$0x0] =	vst v3;
	v3 =	vld [tilespmem:s16+$0x0]  }
0x15d: {  	s29 =	sor.u32 s30, s17;
	v7 =	vld [tilespmem:s2+$0x0]  }
0x15e: {  	s1 =	sor.u32 $0x300, s13;
	v8 =	vld [tilespmem:s29+$0x0];
	v6 =	vadd.f32 v6, v5;
	[tilespmem:s18+$0x0] =	vst v1  }
0x15f: {  	s20 =	sor.u32 $0x2200, s10;
	v1 =	vld [tilespmem:s1+$0x10000]  }
0x160: {  	s23 =	sor.u32 s19, s20;
	[tilespmem:s15+$0x200] =	vst v6;
	v59 =	vld [tilespmem:s1+$0x0];
	v6 =	vadd.f32 v57, v54  }
0x161: {  	v60 =	vld [tilespmem:s23+$0x0];
	v3 =	vadd.f32 v3, v9  }
0x162: {  	[tilespmem:s14+$0x0] =	vst v6;
	v7 =	vadd.f32 v7, v0  }
0x163: {  	v6 =	vadd.f32 v8, v11;
	[tilespmem:s16+$0x0] =	vst v3  }
0x164: {  	[tilespmem:s2+$0x0] =	vst v7;
	v7 =	vadd.f32 v58, v10  }
0x165: {  	s9 =	sor.u32 $0x6300, s25;
	[tilespmem:s29+$0x0] =	vst v6;
	v12 =	vadd.f32 v59, v1  }
0x166: {  	s2 =	sor.u32 s26, s9;
	v3 =	vld [tilespmem:s31+$0x10200];
	v11 =	vadd.f32 v60, v5;
	[tilespmem:s6+$0x0] =	vst v7  }
0x167: {  	s3 =	sor.u32 s21, s8;
	v7 =	vld [tilespmem:s2+$0x0];
	[tilespmem:s1+$0x0] =	vst v12  }
0x168: {  	v9 =	vld [tilespmem:s3+$0x0];
	[tilespmem:s23+$0x0] =	vst v11  }
0x169: {  	v6 =	vld [tilespmem:s5+$0x10100];
	s1 =	sld [smem:$0x7E6]  }
0x16a: {  	s7 =	smov.u32 s10;
	s10 =	smov.u32 s15;
	v61 =	vld [tilespmem:s5+$0x100];
	s6 =	sor.u32 s22, s17  }
0x16b: {  	s8 =	smov.u32 s26;
	s18 =	smov.u32 s25;
	s16 =	sor.u32 $0x4200, s7;
	v8 =	vld [tilespmem:s6+$0x0]  }
0x16c: {  	s26 =	smov.u32 s0;
	s14 =	sor.u32 s19, s16;
	v11 =	vld [tilespmem:s31+$0x200];
	v7 =	vadd.f32 v7, v54;
	s0 =	sor.u32 s21, s1  }
0x16d: {  	s15 =	smov.u32 s19;
	s19 =	simm.s32 $0x100;
	v62 =	vld [tilespmem:s14+$0x0];
	[dreg:$0x11] =	wrdreg s0  }
0x16e: {  	s29 =	smov.u32 s30;
	s13 =	sor.u32 s26, s12;
	s17 =	simm.s32 $0x20;
	[tilespmem:s2+$0x0] =	vst v7  }
0x16f: {  	s12 =	simm.s32 $0x200;
	s25 =	sor.u32 s19, s17;
	s23 =	sld [smem:$0x7E8]  }
0x170: {  	v2 =	vadd.f32 v4, v2;
	s19 =	simm.s32 $0x40;
	s17 =	simm.s32 $0x300;
	s2 =	simm.s32 $0x200  }
0x171: {  	s25 =	sor.u32 $0x380, s25;
	[dreg:$0x5] =	wrdreg s12;
	s1 =	sor.u32 s2, s19  }
0x172: {  	s21 =	sld [smem:$0x7E7];
	s12 =	simm.s32 $0x60;
	s2 =	sor.u32 $0x380, s1;
	[tilespmem:s23+$0x0] =	vst v2  }
0x173: {  	v4 =	vadd.f32 v8, v10;
	v8 =	vld [tilespmem:s13+$0x0];
	s1 =	sor.u32 s17, s12;
	s12 =	sor.u32 s26, s24;
	[dreg:$0x13] =	wrdreg s25  }
0x174: {  	s24 =	sor.u32 $0x2100, s11;
	s0 =	sor.u32 $0x380, s1;
	[dreg:$0x8] =	wrdreg s2  }
0x175: {  	v9 =	vadd.f32 v9, v0;
	s19 =	sor.u32 $0x380, s21;
	s21 =	smov.u32 s4;
	s4 =	sor.u32 s4, s20;
	[tilespmem:s6+$0x0] =	vst v4  }
0x176: {  	s23 =	sor.u32 s26, s9;
	s20 =	smov.u32 s5;
	v2 =	vld [tilespmem:s19+$0x10000];
	[dreg:$0x9] =	wrdreg s0  }
0x177: {  	v10 =	vadd.f32 v61, v6;
	s2 =	simm.s32 $0x300;
	s25 =	smov.u32 s26;
	s17 =	smov.u32 s21;
	[tilespmem:s3+$0x0] =	vst v9  }
0x178: {  	s9 =	sor.u32 s21, s16;
	s26 =	smov.u32 s11;
	v7 =	vld [tilespmem:s19+$0x0];
	[smem:$0x7E9] =	sst s23  }
0x179: {  	v63 =	vadd.f32 v11, v3;
	s21 =	sor.u32 s22, s24;
	s11 =	sor.u32 s30, s24;
	s30 =	simm.s32 $0x6;
	v4 =	vld [tilespmem:s28+$0x10100];
	[tilespmem:s5+$0x100] =	vst v10  }
0x17a: {  	s16 =	smov.u32 s31;
	s6 =	smov.u32 s28;
	v9 =	vld [tilespmem:s28+$0x100];
	[dreg:$0x15] =	wrdreg s30  }
0x17b: {  	s0 =	smov.u32 s22;
	s3 =	simm.s32 $0x80;
	[tilespmem:s31+$0x200] =	vst v63;
	s31 =	simm.s32 $0x300  }
0x17c: {  	v11 =	vadd.f32 v62, v5;
	v8 =	vadd.f32 v8, v1;
	s5 =	smov.u32 s7;
	s7 =	sor.u32 $0x6200, s7;
	v10 =	vld [tilespmem:s11+$0x0];
	[dreg:$0x10] =	wrdreg s31  }
.LBB2_3:
0x17d: {  	[smem:$0x7E4] =	sst s16  }
0x17e: {  	[dreg:$0x17] =	wrdreg s3  }
0x17f: {  	s1 =	sand.u32 $0x60, s3;
	s24 =	sadd.s32 $0x100, s2;
	s3 =	smov.u32 s15  }
0x180: {  	s31 =	smov.u32 s9;
	s16 =	sor.u32 s17, s7;
	s28 =	smov.u32 s18  }
0x181: {  	v12 =	vld [tilespmem:s4+$0x0];
	[tilespmem:s14+$0x0] =	vst v11;
	s14 =	sor.u32 s15, s7;
	s9 =	sand.u32 $0x1C00, s24;
	s30 =	sor.u32 $0x10, s1  }
0x182: {  	s15 =	smov.u32 s17;
	[smem:$0x7DF] =	sst s16;
	[tilespmem:s13+$0x0] =	vst v8;
	s17 =	sor.u32 $0x2380, s18;
	v11 =	vld [tilespmem:s14+$0x0];
	v7 =	vadd.f32 v7, v2  }
0x183: {  	s18 =	rddreg [dreg:$0x17];
	s16 =	sor.u32 s9, s30;
	v13 =	vld [tilespmem:s12+$0x0];
	s23 =	sor.u32 s25, s17  }
0x184: {  	v8 =	vld [tilespmem:s16+$0x10000];
	[dreg:$0x1b] =	wrdreg s23;
	s23 =	sor.u32 s8, s17;
	v9 =	vadd.f32 v9, v4;
	[tilespmem:s19+$0x0] =	vst v7  }
0x185: {  	[smem:$0x7E0] =	sst s6;
	s13 =	sor.u32 s1, s9;
	s22 =	sor.u32 s24, s18;
	v10 =	vadd.f32 v10, v6;
	v14 =	vld [tilespmem:s23+$0x0]  }
0x186: {  	s18 =	smov.u32 s25;
	s25 =	sor.u32 $0x380, s22;
	v15 =	vld [tilespmem:s16+$0x0];
	[tilespmem:s6+$0x100] =	vst v9;
	s6 =	sor.u32 $0x4100, s26;
	v9 =	vadd.f32 v12, v3  }
0x187: {  	[dreg:$0x1d] =	wrdreg s25;
	[tilespmem:s11+$0x0] =	vst v10;
	v7 =	vld [tilespmem:s13+$0x10000];
	s25 =	sor.u32 s29, s6;
	v5 =	vadd.f32 v11, v5  }
0x188: {  	v10 =	vld [tilespmem:s25+$0x0];
	[tilespmem:s4+$0x0] =	vst v9  }
0x189: {  	v9 =	vadd.f32 v13, v1;
	v11 =	vld [tilespmem:s13+$0x0];
	[tilespmem:s14+$0x0] =	vst v5  }
0x18a: {  	v5 =	vld [tilespmem:s10+$0x10280]  }
0x18b: {  	[tilespmem:s12+$0x0] =	vst v9;
	v41 =	vld [tilespmem:s10+$0x280];
	v9 =	vadd.f32 v14, v2  }
0x18c: {  	v40 =	vadd.f32 v15, v8  }
0x18d: {  	s12 =	sor.u32 $0x4380, s28;
	[tilespmem:s23+$0x0] =	vst v9  }
0x18e: {  	s14 =	sor.u32 $0x2000, s9;
	v42 =	vld [tilespmem:s21+$0x0];
	s23 =	sor.u32 s8, s12;
	v9 =	vadd.f32 v10, v6;
	[tilespmem:s16+$0x0] =	vst v40  }
0x18f: {  	s17 =	sor.u32 s18, s12;
	s12 =	sor.u32 s30, s14;
	v11 =	vadd.f32 v11, v7;
	v10 =	vld [tilespmem:s23+$0x0]  }
0x190: {  	s19 =	sor.u32 $0x6100, s26;
	v12 =	vld [tilespmem:s12+$0x0];
	[tilespmem:s25+$0x0] =	vst v9;
	v13 =	vadd.f32 v41, v5  }
0x191: {  	s11 =	rddreg [dreg:$0x15];
	s7 =	sor.u32 s0, s6;
	s6 =	sor.u32 s29, s19;
	v9 =	vld [tilespmem:s31+$0x0];
	[tilespmem:s13+$0x0] =	vst v11  }
0x192: {  	s2 =	smov.u32 s3;
	s3 =	smov.u32 s15;
	v11 =	vld [tilespmem:s6+$0x0];
	[tilespmem:s10+$0x280] =	vst v13;
	s10 =	sld [smem:$0x7E9]  }
0x193: {  	s4 =	sadd.s32 $0x2, s11;
	[dreg:$0x19] =	wrdreg s17;
	s17 =	sor.u32 s1, s14;
	v14 =	vadd.f32 v42, v4  }
0x194: {  	[dreg:$0x15] =	wrdreg s4;
	p0 =	slt.u32 s4, $0x3E;
	s4 =	sor.u32 $0x2280, s5;
	v43 =	vld [tilespmem:s17+$0x0];
	v10 =	vadd.f32 v10, v2  }
0x195: {  	s11 =	smov.u32 s5;
	s5 =	sor.u32 s15, s4;
	s15 =	sor.u32 s2, s4;
	v44 =	vld [tilespmem:s10+$0x0];
	v12 =	vadd.f32 v12, v8;
	[tilespmem:s21+$0x0] =	vst v14  }
0x196: {  	s4 =	sor.u32 $0x4000, s9;
	s25 =	sor.u32 $0x6380, s28;
	v45 =	vld [tilespmem:s15+$0x0];
	[tilespmem:s23+$0x0] =	vst v10  }
0x197: {  	s28 =	smov.u32 s26;
	s26 =	sor.u32 s8, s25;
	s8 =	sld [smem:$0x7DF];
	v9 =	vadd.f32 v9, v3;
	v16 =	vld [tilespmem:s7+$0x0];
	[tilespmem:s12+$0x0] =	vst v12  }
0x198: {  	s22 =	smov.u32 s0;
	[smem:$0x7E1] =	sst s5;
	v6 =	vadd.f32 v11, v6;
	s12 =	sor.u32 s30, s4;
	v10 =	vld [tilespmem:s26+$0x0]  }
0x199: {  	s5 =	smov.u32 s20;
	s14 =	sor.u32 s0, s19;
	s0 =	smov.u32 s11;
	v11 =	vadd.f32 v43, v7;
	[tilespmem:s31+$0x0] =	vst v9;
	v12 =	vld [tilespmem:s12+$0x0]  }
0x19a: {  	s11 =	smov.u32 s30;
	s19 =	sor.u32 s18, s25;
	s18 =	smov.u32 s3;
	v9 =	vld [tilespmem:s8+$0x0];
	[tilespmem:s6+$0x0] =	vst v6;
	v1 =	vadd.f32 v44, v1  }
0x19b: {  	s25 =	smov.u32 s22;
	s22 =	smov.u32 s1;
	s20 =	smov.u32 s10;
	[tilespmem:s17+$0x0] =	vst v11;
	v11 =	vadd.f32 v45, v5;
	v6 =	vld [tilespmem:s5+$0x10180]  }
0x19c: {  	s10 =	sor.u32 $0x4280, s0;
	s23 =	sor.u32 s1, s4;
	s6 =	smov.u32 s2;
	v47 =	vld [tilespmem:s5+$0x180];
	v46 =	vadd.f32 v16, v4;
	[tilespmem:s20+$0x0] =	vst v1  }
0x19d: {  	s3 =	smov.u32 s29;
	s29 =	smov.u32 s16;
	s1 =	sor.u32 s6, s10;
	[tilespmem:s15+$0x0] =	vst v11;
	v1 =	vld [tilespmem:s23+$0x0];
	v2 =	vadd.f32 v10, v2  }
0x19e: {  	s21 =	sor.u32 s18, s10;
	s4 =	smov.u32 s9;
	s30 =	sld [smem:$0x7E4];
	v11 =	vld [tilespmem:s1+$0x0];
	[tilespmem:s7+$0x0] =	vst v46;
	v10 =	vadd.f32 v12, v8  }
0x19f: {  	s16 =	sor.u32 $0x6000, s4;
	v3 =	vadd.f32 v9, v3;
	v48 =	vld [tilespmem:s14+$0x0];
	[tilespmem:s26+$0x0] =	vst v2;
	s26 =	smov.u32 s18;
	s18 =	rddreg [dreg:$0x13]  }
0x1a0: {  	s17 =	smov.u32 s6;
	s6 =	sor.u32 s11, s16;
	[tilespmem:s12+$0x0] =	vst v10;
	v9 =	vld [tilespmem:s18+$0x10000]  }
0x1a1: {  	v10 =	vadd.f32 v47, v6;
	[tilespmem:s8+$0x0] =	vst v3;
	v2 =	vld [tilespmem:s6+$0x0]  }
0x1a2: {  	s20 =	sor.u32 $0x2180, s28;
	v3 =	vadd.f32 v1, v7;
	v1 =	vld [tilespmem:s30+$0x10280]  }
0x1a3: {  	s12 =	sor.u32 s3, s20;
	[tilespmem:s5+$0x180] =	vst v10;
	v10 =	vld [tilespmem:s30+$0x280]  }
0x1a4: {  	s7 =	sor.u32 s22, s16;
	v11 =	vadd.f32 v11, v5;
	[tilespmem:s23+$0x0] =	vst v3;
	v49 =	vld [tilespmem:s12+$0x0]  }
0x1a5: {  	s31 =	smov.u32 s0;
	s0 =	sor.u32 $0x6280, s0;
	s2 =	sld [smem:$0x7E0];
	v3 =	vadd.f32 v48, v4;
	v13 =	vld [tilespmem:s7+$0x0]  }
0x1a6: {  	s15 =	sor.u32 s17, s0;
	[tilespmem:s1+$0x0] =	vst v11;
	v2 =	vadd.f32 v2, v8  }
0x1a7: {  	[tilespmem:s14+$0x0] =	vst v3;
	v8 =	vld [tilespmem:s15+$0x0]  }
0x1a8: {  	s9 =	sor.u32 s25, s20;
	s14 =	rddreg [dreg:$0xf];
	v3 =	vld [tilespmem:s2+$0x10180];
	[tilespmem:s6+$0x0] =	vst v2;
	v2 =	vadd.f32 v10, v1  }
0x1a9: {  	s8 =	sor.u32 s26, s0;
	s0 =	sld [smem:$0x7E1];
	v11 =	vld [tilespmem:s2+$0x180];
	s1 =	sadd.s32 $0x1, s14;
	v10 =	vadd.f32 v49, v6  }
0x1aa: {  	s16 =	sor.u32 $0x4180, s28;
	[dreg:$0xf] =	wrdreg s1;
	s1 =	sand.u32 $0x3, s1;
	v4 =	vld [tilespmem:s29+$0x10080];
	v7 =	vadd.f32 v13, v7;
	[tilespmem:s30+$0x280] =	vst v2  }
0x1ab: {  	s23 =	rddreg [dreg:$0x5];
	s20 =	sshll.u32 s1, $0x5;
	s6 =	sor.u32 s3, s16;
	v50 =	vld [tilespmem:s29+$0x80];
	[tilespmem:s12+$0x0] =	vst v10  }
0x1ac: {  	s30 =	smov.u32 s2;
	s2 =	sadd.s32 s20, s23;
	v10 =	vld [tilespmem:s0+$0x0];
	v5 =	vadd.f32 v8, v5;
	[tilespmem:s7+$0x0] =	vst v7;
	s7 =	rddreg [dreg:$0x10]  }
0x1ad: {  	v8 =	vld [tilespmem:s6+$0x0];
	s20 =	sor.u32 $0x300, s2;
	s2 =	sadd.s32 $0x10, s2;
	s12 =	smov.u32 s7  }
0x1ae: {  	v11 =	vadd.f32 v11, v3;
	v2 =	vld [tilespmem:s13+$0x10080];
	[dreg:$0x5] =	wrdreg s12;
	[tilespmem:s15+$0x0] =	vst v5;
	s12 =	sor.u32 $0x300, s2  }
0x1af: {  	v7 =	vld [tilespmem:s12+$0x10000]  }
0x1b0: {  	s23 =	smov.u32 s13;
	[tilespmem:s30+$0x180] =	vst v11;
	v5 =	vadd.f32 v50, v4;
	v11 =	vld [tilespmem:s12+$0x0]  }
0x1b1: {  	s14 =	smov.u32 s24;
	v51 =	vld [tilespmem:s23+$0x80];
	s15 =	sor.u32 $0x2080, s4;
	v10 =	vadd.f32 v10, v1  }
0x1b2: {  	[dreg:$0x10] =	wrdreg s14;
	s14 =	sor.u32 s22, s15;
	s15 =	sor.u32 s11, s15;
	[tilespmem:s29+$0x80] =	vst v5;
	v5 =	vld [tilespmem:s9+$0x0];
	v8 =	vadd.f32 v8, v6  }
0x1b3: {  	s1 =	sor.u32 s25, s16;
	s16 =	sor.u32 $0x6180, s28;
	[smem:$0x7E2] =	sst s2;
	v52 =	vld [tilespmem:s15+$0x0];
	[tilespmem:s0+$0x0] =	vst v10  }
0x1b4: {  	s2 =	smov.u32 s24;
	s24 =	smov.u32 s4;
	s4 =	sor.u32 s3, s16;
	[tilespmem:s6+$0x0] =	vst v8;
	v8 =	vld [tilespmem:s21+$0x0]  }
0x1b5: {  	v10 =	vld [tilespmem:s4+$0x0];
	v11 =	vadd.f32 v11, v7  }
0x1b6: {  	v12 =	vadd.f32 v51, v2;
	v53 =	vld [tilespmem:s18+$0x0]  }
0x1b7: {  	s7 =	sor.u32 s25, s16;
	s16 =	rddreg [dreg:$0x11];
	v5 =	vadd.f32 v5, v3;
	[tilespmem:s12+$0x0] =	vst v11  }
0x1b8: {  	s0 =	sor.u32 $0x2300, s31;
	v11 =	vld [tilespmem:s16+$0x0];
	[tilespmem:s23+$0x80] =	vst v12;
	v54 =	vadd.f32 v52, v4  }
0x1b9: {  	s6 =	sor.u32 s17, s0;
	v56 =	vld [tilespmem:s14+$0x0];
	[tilespmem:s9+$0x0] =	vst v5;
	v5 =	vadd.f32 v8, v1  }
0x1ba: {  	s10 =	sor.u32 $0x4080, s24;
	v55 =	vld [tilespmem:s6+$0x0];
	[tilespmem:s15+$0x0] =	vst v54;
	v6 =	vadd.f32 v10, v6  }
0x1bb: {  	s15 =	sor.u32 s11, s10;
	v8 =	vld [tilespmem:s1+$0x0];
	v57 =	vadd.f32 v53, v9;
	[tilespmem:s21+$0x0] =	vst v5;
	s21 =	rddreg [dreg:$0x8]  }
0x1bc: {  	v10 =	vld [tilespmem:s15+$0x0];
	[tilespmem:s4+$0x0] =	vst v6;
	s4 =	rddreg [dreg:$0x9]  }
0x1bd: {  	s13 =	sor.u32 s26, s0;
	v6 =	vld [tilespmem:s8+$0x0];
	[tilespmem:s18+$0x0] =	vst v57;
	s0 =	smov.u32 s21;
	s18 =	rddreg [dreg:$0x1d]  }
0x1be: {  	v11 =	vadd.f32 v11, v0;
	[dreg:$0x13] =	wrdreg s0;
	s21 =	smov.u32 s18  }
0x1bf: {  	v0 =	vmov v9;
	v5 =	vld [tilespmem:s5+$0x10200];
	v9 =	vadd.f32 v55, v7;
	[dreg:$0x9] =	wrdreg s21  }
0x1c0: {  	v58 =	vadd.f32 v56, v2;
	v59 =	vld [tilespmem:s5+$0x200];
	s0 =	sor.u32 $0x4300, s31;
	[tilespmem:s16+$0x0] =	vst v11;
	s21 =	rddreg [dreg:$0x1b]  }
0x1c1: {  	v8 =	vadd.f32 v8, v3;
	[tilespmem:s6+$0x0] =	vst v9;
	s6 =	sor.u32 s17, s0;
	v9 =	vld [tilespmem:s21+$0x0]  }
0x1c2: {  	s9 =	sor.u32 s22, s10;
	[tilespmem:s14+$0x0] =	vst v58;
	v10 =	vadd.f32 v10, v4;
	v11 =	vld [tilespmem:s6+$0x0]  }
0x1c3: {  	s12 =	smov.u32 s4;
	s16 =	sor.u32 $0x6080, s24;
	v12 =	vld [tilespmem:s9+$0x0];
	[tilespmem:s1+$0x0] =	vst v8;
	v1 =	vadd.f32 v6, v1  }
0x1c4: {  	[dreg:$0x8] =	wrdreg s12;
	s12 =	smov.u32 s19;
	s14 =	sor.u32 s11, s16;
	[tilespmem:s15+$0x0] =	vst v10;
	v6 =	vld [tilespmem:s7+$0x0]  }
0x1c5: {  	s19 =	smov.u32 s25;
	s18 =	sor.u32 $0x2200, s28;
	[dreg:$0x11] =	wrdreg s12;
	v10 =	vadd.f32 v59, v5;
	v8 =	vld [tilespmem:s14+$0x0];
	[tilespmem:s8+$0x0] =	vst v1  }
0x1c6: {  	s12 =	sor.u32 s26, s0;
	s4 =	sor.u32 s25, s18;
	s0 =	sor.u32 $0x6300, s31;
	v1 =	vld [tilespmem:s20+$0x10000];
	v9 =	vadd.f32 v9, v0  }
0x1c7: {  	s25 =	smov.u32 s26;
	s26 =	sor.u32 s26, s0;
	s15 =	sor.u32 s3, s18;
	[tilespmem:s5+$0x200] =	vst v10;
	v10 =	vld [tilespmem:s20+$0x0];
	v11 =	vadd.f32 v11, v7  }
0x1c8: {  	s18 =	smov.u32 s31;
	s31 =	sor.u32 s17, s0;
	s0 =	rddreg [dreg:$0x19];
	v60 =	vld [tilespmem:s15+$0x0];
	v12 =	vadd.f32 v12, v2;
	[tilespmem:s21+$0x0] =	vst v9  }
0x1c9: {  	v3 =	vadd.f32 v6, v3;
	[tilespmem:s6+$0x0] =	vst v11;
	v9 =	vld [tilespmem:s0+$0x0]  }
0x1ca: {  	s1 =	sor.u32 s22, s16;
	[tilespmem:s9+$0x0] =	vst v12;
	v4 =	vadd.f32 v8, v4;
	v8 =	vld [tilespmem:s31+$0x0]  }
0x1cb: {  	v11 =	vld [tilespmem:s1+$0x0];
	[tilespmem:s7+$0x0] =	vst v3  }
0x1cc: {  	[tilespmem:s14+$0x0] =	vst v4;
	v3 =	vld [tilespmem:s30+$0x10200];
	v4 =	vadd.f32 v10, v1  }
0x1cd: {  	v10 =	vadd.f32 v60, v5;
	v6 =	vld [tilespmem:s29+$0x10100]  }
0x1ce: {  	s16 =	sor.u32 $0x4200, s28;
	s21 =	sld [smem:$0x7E2];
	v61 =	vld [tilespmem:s29+$0x100];
	[tilespmem:s20+$0x0] =	vst v4;
	v4 =	vadd.f32 v9, v0  }
0x1cf: {  	s14 =	sor.u32 s3, s16;
	[tilespmem:s15+$0x0] =	vst v10;
	v9 =	vld [tilespmem:s30+$0x200];
	v7 =	vadd.f32 v8, v7  }
0x1d0: {  	s10 =	smov.u32 s5;
	[smem:$0x7E9] =	sst s26;
	s8 =	smov.u32 s17;
	v8 =	vld [tilespmem:s14+$0x0];
	v2 =	vadd.f32 v11, v2;
	[tilespmem:s0+$0x0] =	vst v4  }
0x1d1: {  	s17 =	smov.u32 s19;
	s9 =	sor.u32 s19, s16;
	s19 =	sor.u32 $0x380, s21;
	[tilespmem:s31+$0x0] =	vst v7;
	v62 =	vld [tilespmem:s13+$0x0]  }
.Ltmp2:
0x1d2: {  	s26 =	smov.u32 s24;
	s24 =	sor.u32 $0x2100, s24;
	[tilespmem:s1+$0x0] =	vst v2;
	v2 =	vld [tilespmem:s19+$0x10000];
	(pc) =	sbr.rel @p0 .LBB2_3-.Ltmp2, $4  }
0x1d3: {  	s5 =	smov.u32 s28;
	s6 =	smov.u32 s23;
	s7 =	sor.u32 $0x6200, s28;
	v10 =	vadd.f32 v61, v6;
	v7 =	vld [tilespmem:s19+$0x0]  }
0x1d4: {  	s21 =	sor.u32 s22, s24;
	s16 =	smov.u32 s30;
	s20 =	smov.u32 s29;
	v4 =	vld [tilespmem:s23+$0x10100];
	v63 =	vadd.f32 v9, v3  }
0x1d5: {  	s31 =	rddreg [dreg:$0x17];
	v9 =	vld [tilespmem:s23+$0x100];
	[tilespmem:s29+$0x100] =	vst v10;
	s29 =	smov.u32 s11;
	s11 =	sor.u32 s11, s24  }
0x1d6: {  	s15 =	smov.u32 s3;
	s0 =	smov.u32 s22;
	s3 =	sadd.s32 $0x20, s31;
	v11 =	vadd.f32 v8, v5;
	v10 =	vld [tilespmem:s11+$0x0];
	[tilespmem:s30+$0x200] =	vst v63;
	v8 =	vadd.f32 v62, v1  }
0x1d7: {  	_ = 	snop  }
0x1d8: {  	s3 =	sor.u32 s15, s7;
	[tilespmem:s14+$0x0] =	vst v11  }
0x1d9: {  	v11 =	vld [tilespmem:s3+$0x0];
	_ =	sdelay $0x2  }
0x1da: {  	v10 =	vadd.f32 v10, v6  }
0x1db: {  	s1 =	sor.u32 $0x4100, s26  }
0x1dc: {  	s2 =	sor.u32 s29, s1;
	[tilespmem:s11+$0x0] =	vst v10;
	v10 =	vld [tilespmem:s4+$0x0];
	v5 =	vadd.f32 v11, v5  }
0x1dd: {  	v11 =	vld [tilespmem:s2+$0x0]  }
0x1de: {  	[tilespmem:s3+$0x0] =	vst v5  }
0x1df: {  	v5 =	vadd.f32 v9, v4;
	v9 =	vld [tilespmem:s10+$0x10280]  }
0x1e0: {  	v12 =	vld [tilespmem:s10+$0x280]  }
0x1e1: {  	[tilespmem:s6+$0x100] =	vst v5;
	v5 =	vadd.f32 v10, v3  }
0x1e2: {  	s28 =	smov.u32 s26;
	v10 =	vld [tilespmem:s21+$0x0];
	v11 =	vadd.f32 v11, v6  }
0x1e3: {  	s26 =	smov.u32 s6;
	s6 =	sor.u32 $0x6100, s28;
	[tilespmem:s4+$0x0] =	vst v5  }
0x1e4: {  	s11 =	sor.u32 s29, s6;
	[tilespmem:s2+$0x0] =	vst v11;
	v5 =	vld [tilespmem:s9+$0x0]  }
0x1e5: {  	v11 =	vld [tilespmem:s11+$0x0];
	v12 =	vadd.f32 v12, v9  }
0x1e6: {  	s14 =	sor.u32 $0x2280, s5  }
0x1e7: {  	s23 =	smov.u32 s29;
	s29 =	smov.u32 s5;
	s5 =	sor.u32 s15, s14;
	[tilespmem:s10+$0x280] =	vst v12;
	v10 =	vadd.f32 v10, v4  }
0x1e8: {  	v12 =	vld [tilespmem:s5+$0x0]  }
0x1e9: {  	s1 =	sor.u32 s0, s1;
	[tilespmem:s21+$0x0] =	vst v10;
	v5 =	vadd.f32 v5, v3  }
0x1ea: {  	v10 =	vld [tilespmem:s1+$0x0];
	v6 =	vadd.f32 v11, v6  }
0x1eb: {  	[tilespmem:s9+$0x0] =	vst v5;
	s9 =	sor.u32 s17, s7  }
0x1ec: {  	[tilespmem:s11+$0x0] =	vst v6;
	v5 =	vld [tilespmem:s9+$0x0]  }
0x1ed: {  	v6 =	vld [tilespmem:s20+$0x10180];
	v11 =	vadd.f32 v12, v9  }
0x1ee: {  	s3 =	sor.u32 $0x4280, s29;
	v39 =	vld [tilespmem:s20+$0x180]  }
0x1ef: {  	s10 =	sor.u32 s15, s3;
	[tilespmem:s5+$0x0] =	vst v11;
	v10 =	vadd.f32 v10, v4  }
0x1f0: {  	v11 =	vld [tilespmem:s10+$0x0]  }
0x1f1: {  	s4 =	sor.u32 s0, s6;
	[tilespmem:s1+$0x0] =	vst v10;
	v3 =	vadd.f32 v5, v3  }
0x1f2: {  	v5 =	vld [tilespmem:s4+$0x0]  }
0x1f3: {  	[tilespmem:s9+$0x0] =	vst v3;
	v3 =	vadd.f32 v39, v6  }
0x1f4: {  	s6 =	sor.u32 $0x2180, s28;
	v10 =	vld [tilespmem:s16+$0x10280]  }
0x1f5: {  	s11 =	sor.u32 s23, s6;
	[tilespmem:s20+$0x180] =	vst v3;
	v3 =	vld [tilespmem:s16+$0x280];
	v11 =	vadd.f32 v11, v9  }
0x1f6: {  	[tilespmem:s13+$0x0] =	vst v8;
	s1 =	sor.u32 $0x6280, s29;
	v8 =	vld [tilespmem:s11+$0x0]  }
0x1f7: {  	s13 =	sor.u32 s15, s1;
	[tilespmem:s10+$0x0] =	vst v11;
	v11 =	vld [tilespmem:s12+$0x0];
	v4 =	vadd.f32 v5, v4  }
0x1f8: {  	v5 =	vld [tilespmem:s13+$0x0]  }
0x1f9: {  	[tilespmem:s4+$0x0] =	vst v4;
	v4 =	vadd.f32 v7, v2  }
0x1fa: {  	v3 =	vadd.f32 v3, v10  }
0x1fb: {  	s7 =	rddreg [dreg:$0xf];
	[tilespmem:s19+$0x0] =	vst v4;
	v8 =	vadd.f32 v8, v6  }
0x1fc: {  	[tilespmem:s16+$0x280] =	vst v3;
	v3 =	vadd.f32 v11, v1  }
0x1fd: {  	s22 =	smov.u32 s15;
	[tilespmem:s11+$0x0] =	vst v8;
	v5 =	vadd.f32 v5, v9  }
0x1fe: {  	v7 =	vld [tilespmem:s26+$0x10180];
	s5 =	sadd.s32 $0x1, s7;
	s7 =	sor.u32 $0x2380, s18;
	s19 =	rddreg [dreg:$0x5];
	[tilespmem:s12+$0x0] =	vst v3  }
0x1ff: {  	s14 =	sor.u32 s17, s14;
	v4 =	vld [tilespmem:s26+$0x180];
	s10 =	sor.u32 s8, s7;
	s15 =	sand.u32 $0x3, s5;
	[tilespmem:s13+$0x0] =	vst v5  }
0x200: {  	v40 =	vld [tilespmem:s10+$0x0];
	s16 =	sshll.u32 s15, $0x5;
	s15 =	sor.u32 $0x4180, s28;
	s11 =	sld [smem:$0x7E9]  }
0x201: {  	s21 =	smov.u32 s0;
	v8 =	vld [tilespmem:s14+$0x0];
	s0 =	sor.u32 s23, s15  }
0x202: {  	s4 =	sadd.s32 s16, s19;
	v9 =	vld [tilespmem:s0+$0x0]  }
0x203: {  	s2 =	sadd.s32 $0x10, s4;
	v5 =	vld [tilespmem:s11+$0x0]  }
0x204: {  	v4 =	vadd.f32 v4, v7;
	s12 =	sor.u32 $0x300, s2  }
0x205: {  	v3 =	vld [tilespmem:s12+$0x10000];
	v11 =	vadd.f32 v40, v2  }
0x206: {  	s9 =	sor.u32 $0x4380, s18;
	s19 =	sor.u32 s21, s6;
	v41 =	vld [tilespmem:s12+$0x0];
	[tilespmem:s26+$0x180] =	vst v4;
	v4 =	vadd.f32 v8, v10  }
0x207: {  	v8 =	vld [tilespmem:s19+$0x0];
	[tilespmem:s10+$0x0] =	vst v11;
	v9 =	vadd.f32 v9, v6;
	s10 =	sor.u32 s8, s9  }
0x208: {  	s24 =	smov.u32 s17;
	[tilespmem:s14+$0x0] =	vst v4;
	s14 =	sor.u32 s17, s3;
	s17 =	sor.u32 $0x6180, s28;
	v4 =	vld [tilespmem:s10+$0x0];
	v1 =	vadd.f32 v5, v1  }
0x209: {  	s16 =	sor.u32 s23, s17;
	[tilespmem:s0+$0x0] =	vst v9  }
0x20a: {  	v9 =	vld [tilespmem:s16+$0x0];
	[tilespmem:s11+$0x0] =	vst v1  }
0x20b: {  	v11 =	vadd.f32 v41, v3;
	v5 =	vld [tilespmem:s14+$0x0];
	s0 =	rddreg [dreg:$0x13]  }
0x20c: {  	s6 =	sor.u32 $0x2300, s29;
	v8 =	vadd.f32 v8, v7;
	v1 =	vld [tilespmem:s0+$0x10000]  }
0x20d: {  	s11 =	sor.u32 s22, s6;
	v4 =	vadd.f32 v4, v2;
	[tilespmem:s12+$0x0] =	vst v11;
	v11 =	vld [tilespmem:s0+$0x0]  }
0x20e: {  	[tilespmem:s19+$0x0] =	vst v8;
	s19 =	sor.u32 s21, s15;
	v42 =	vld [tilespmem:s11+$0x0]  }
0x20f: {  	[tilespmem:s10+$0x0] =	vst v4;
	v4 =	vld [tilespmem:s19+$0x0];
	v6 =	vadd.f32 v9, v6  }
0x210: {  	s3 =	sor.u32 $0x6380, s18;
	v5 =	vadd.f32 v5, v10  }
0x211: {  	s10 =	sor.u32 s8, s3;
	[tilespmem:s16+$0x0] =	vst v6  }
0x212: {  	s1 =	sor.u32 s24, s1;
	[tilespmem:s14+$0x0] =	vst v5;
	v5 =	vld [tilespmem:s10+$0x0];
	v6 =	vadd.f32 v11, v1  }
0x213: {  	v8 =	vld [tilespmem:s1+$0x0];
	v11 =	vadd.f32 v42, v3  }
0x214: {  	s15 =	sor.u32 s25, s7;
	v4 =	vadd.f32 v4, v7;
	[tilespmem:s0+$0x0] =	vst v6  }
0x215: {  	[tilespmem:s11+$0x0] =	vst v11;
	v11 =	vld [tilespmem:s15+$0x0]  }
0x216: {  	s18 =	sor.u32 s21, s17;
	s0 =	rddreg [dreg:$0x11];
	[tilespmem:s19+$0x0] =	vst v4  }
0x217: {  	v2 =	vadd.f32 v5, v2;
	v5 =	vld [tilespmem:s18+$0x0]  }
0x218: {  	v4 =	vadd.f32 v8, v10;
	_ =	sdelay $0x1  }
0x219: {  	[tilespmem:s1+$0x0] =	vst v4;
	v4 =	vadd.f32 v11, v1;
	_ =	sdelay $0x1  }
0x21a: {  	v9 =	vld [tilespmem:s20+$0x10200];
	[tilespmem:s15+$0x0] =	vst v4;
	v4 =	vadd.f32 v5, v7  }
0x21b: {  	v6 =	vld [tilespmem:s20+$0x200]  }
0x21c: {  	[tilespmem:s18+$0x0] =	vst v4  }
0x21d: {  	v4 =	vld [tilespmem:s26+$0x10200]  }
0x21e: {  	v7 =	vld [tilespmem:s26+$0x200]  }
0x21f: {  	s8 =	sor.u32 $0x4300, s29  }
0x220: {  	s16 =	sor.u32 s22, s8;
	v6 =	vadd.f32 v6, v9  }
0x221: {  	v43 =	vld [tilespmem:s16+$0x0];
	s19 =	sor.u32 $0x2200, s28;
	[tilespmem:s10+$0x0] =	vst v2  }
0x222: {  	s10 =	sor.u32 s23, s19;
	[tilespmem:s20+$0x200] =	vst v6  }
0x223: {  	v11 =	vld [tilespmem:s10+$0x0];
	v7 =	vadd.f32 v7, v4;
	_ =	sdelay $0x1  }
0x224: {  	s14 =	sor.u32 s21, s19;
	[tilespmem:s26+$0x200] =	vst v7  }
0x225: {  	v8 =	vadd.f32 v43, v3;
	v7 =	vld [tilespmem:s14+$0x0];
	_ =	sdelay $0x1  }
0x226: {  	[tilespmem:s16+$0x0] =	vst v8;
	v8 =	vadd.f32 v11, v9  }
0x227: {  	s15 =	sor.u32 $0x4200, s28  }
0x228: {  	s16 =	sor.u32 s23, s15;
	[tilespmem:s10+$0x0] =	vst v8  }
0x229: {  	v8 =	vld [tilespmem:s16+$0x0];
	v7 =	vadd.f32 v7, v4;
	_ =	sdelay $0x1  }
0x22a: {  	s12 =	sor.u32 s21, s15;
	[tilespmem:s14+$0x0] =	vst v7  }
0x22b: {  	v7 =	vld [tilespmem:s12+$0x0];
	_ =	sdelay $0x1  }
0x22c: {  	v8 =	vadd.f32 v8, v9  }
0x22d: {  	s17 =	sor.u32 $0x6200, s28  }
0x22e: {  	s18 =	sor.u32 s23, s17;
	[tilespmem:s16+$0x0] =	vst v8  }
0x22f: {  	v8 =	vld [tilespmem:s18+$0x0];
	v7 =	vadd.f32 v7, v4;
	_ =	sdelay $0x1  }
0x230: {  	s7 =	sor.u32 $0x300, s4;
	s4 =	sor.u32 s25, s9;
	s9 =	sor.u32 s21, s17;
	[tilespmem:s12+$0x0] =	vst v7  }
0x231: {  	v7 =	vld [tilespmem:s9+$0x0];
	_ =	sdelay $0x1  }
0x232: {  	v8 =	vadd.f32 v8, v9;
	_ =	sdelay $0x1  }
0x233: {  	[tilespmem:s18+$0x0] =	vst v8  }
0x234: {  	v8 =	vld [tilespmem:s20+$0x280];
	v4 =	vadd.f32 v7, v4  }
0x235: {  	v7 =	vld [tilespmem:s20+$0x10280]  }
0x236: {  	[tilespmem:s9+$0x0] =	vst v4  }
0x237: {  	v4 =	vld [tilespmem:s26+$0x10280]  }
0x238: {  	v9 =	vld [tilespmem:s26+$0x280];
	_ =	sdelay $0x1  }
0x239: {  	v8 =	vadd.f32 v8, v7  }
0x23a: {  	s19 =	sor.u32 $0x2280, s28  }
0x23b: {  	v13 =	vld [tilespmem:s0+$0x0];
	[tilespmem:s20+$0x280] =	vst v8;
	s20 =	sor.u32 s23, s19  }
0x23c: {  	v8 =	vadd.f32 v9, v4;
	v9 =	vld [tilespmem:s20+$0x0];
	_ =	sdelay $0x1  }
0x23d: {  	s9 =	sor.u32 s21, s19;
	[tilespmem:s26+$0x280] =	vst v8  }
0x23e: {  	v8 =	vld [tilespmem:s9+$0x0]  }
0x23f: {  	v10 =	vadd.f32 v13, v0  }
0x240: {  	v9 =	vadd.f32 v9, v7  }
0x241: {  	[tilespmem:s0+$0x0] =	vst v10;
	s26 =	sor.u32 $0x4280, s28  }
0x242: {  	s0 =	sor.u32 s23, s26;
	[tilespmem:s20+$0x0] =	vst v9  }
0x243: {  	v8 =	vadd.f32 v8, v4;
	v9 =	vld [tilespmem:s0+$0x0];
	_ =	sdelay $0x1  }
0x244: {  	s12 =	sor.u32 s21, s26;
	[tilespmem:s9+$0x0] =	vst v8  }
0x245: {  	v8 =	vld [tilespmem:s12+$0x0]  }
0x246: {  	v2 =	vld [tilespmem:s7+$0x10000]  }
0x247: {  	s1 =	sor.u32 $0x6300, s29;
	v6 =	vld [tilespmem:s7+$0x0];
	v9 =	vadd.f32 v9, v7  }
0x248: {  	s13 =	sor.u32 $0x6280, s28;
	s11 =	sor.u32 s22, s1;
	v0 =	vld [tilespmem:s4+$0x0]  }
0x249: {  	v5 =	vld [tilespmem:s11+$0x0];
	s14 =	sor.u32 s23, s13;
	[tilespmem:s0+$0x0] =	vst v9  }
0x24a: {  	v8 =	vadd.f32 v8, v4;
	v9 =	vld [tilespmem:s14+$0x0];
	_ =	sdelay $0x1  }
0x24b: {  	s5 =	sadd.s32 $0x1, s5;
	s9 =	sor.u32 s21, s13;
	[tilespmem:s12+$0x0] =	vst v8  }
0x24c: {  	s5 =	sand.u32 $0x3, s5;
	v8 =	vld [tilespmem:s9+$0x0]  }
0x24d: {  	s5 =	sshll.u32 s5, $0x5;
	s15 =	rddreg [dreg:$0x10]  }
0x24e: {  	s5 =	sadd.s32 s5, s15;
	v7 =	vadd.f32 v9, v7  }
0x24f: {  	s16 =	sadd.s32 $0x10, s5  }
0x250: {  	s17 =	sor.u32 $0x300, s16;
	[tilespmem:s14+$0x0] =	vst v7  }
0x251: {  	v4 =	vadd.f32 v8, v4;
	v7 =	vld [tilespmem:s17+$0x10000]  }
0x252: {  	v8 =	vld [tilespmem:s17+$0x0]  }
0x253: {  	s5 =	sor.u32 $0x300, s5;
	[tilespmem:s9+$0x0] =	vst v4  }
0x254: {  	v4 =	vld [tilespmem:s5+$0x10000]  }
0x255: {  	v6 =	vadd.f32 v6, v2;
	v9 =	vld [tilespmem:s5+$0x0];
	_ =	sdelay $0x1  }
0x256: {  	s6 =	sor.u32 s24, s6;
	[tilespmem:s7+$0x0] =	vst v6;
	v6 =	vadd.f32 v8, v7  }
0x257: {  	s18 =	sor.u32 $0x2300, s28;
	v8 =	vld [tilespmem:s6+$0x0]  }
0x258: {  	s19 =	sor.u32 s23, s18;
	[tilespmem:s17+$0x0] =	vst v6  }
0x259: {  	v6 =	vadd.f32 v9, v4;
	v9 =	vld [tilespmem:s19+$0x0];
	_ =	sdelay $0x1  }
0x25a: {  	s7 =	sor.u32 s21, s18;
	[tilespmem:s5+$0x0] =	vst v6  }
0x25b: {  	v8 =	vadd.f32 v8, v2;
	v6 =	vld [tilespmem:s7+$0x0];
	_ =	sdelay $0x1  }
0x25c: {  	s20 =	sor.u32 s24, s8;
	[tilespmem:s6+$0x0] =	vst v8;
	v8 =	vadd.f32 v9, v7  }
0x25d: {  	s26 =	sor.u32 $0x4300, s28;
	v9 =	vld [tilespmem:s20+$0x0]  }
0x25e: {  	s0 =	sor.u32 s23, s26;
	[tilespmem:s19+$0x0] =	vst v8  }
0x25f: {  	v6 =	vadd.f32 v6, v4;
	v8 =	vld [tilespmem:s0+$0x0];
	_ =	sdelay $0x1  }
0x260: {  	s6 =	sor.u32 s21, s26;
	[tilespmem:s7+$0x0] =	vst v6  }
0x261: {  	v9 =	vadd.f32 v9, v2;
	v6 =	vld [tilespmem:s6+$0x0];
	_ =	sdelay $0x1  }
0x262: {  	s1 =	sor.u32 s24, s1;
	[tilespmem:s20+$0x0] =	vst v9;
	v8 =	vadd.f32 v8, v7  }
0x263: {  	s7 =	sor.u32 $0x6300, s28;
	v9 =	vld [tilespmem:s1+$0x0]  }
0x264: {  	s9 =	sor.u32 s23, s7;
	[tilespmem:s0+$0x0] =	vst v8  }
0x265: {  	v6 =	vadd.f32 v6, v4;
	v8 =	vld [tilespmem:s9+$0x0];
	_ =	sdelay $0x1  }
0x266: {  	v3 =	vadd.f32 v5, v3;
	s5 =	sor.u32 s21, s7;
	[tilespmem:s6+$0x0] =	vst v6  }
0x267: {  	v2 =	vadd.f32 v9, v2;
	v5 =	vld [tilespmem:s5+$0x0]  }
0x268: {  	s2 =	sor.u32 $0x380, s2;
	[tilespmem:s11+$0x0] =	vst v3  }
0x269: {  	v3 =	vld [tilespmem:s2+$0x10000];
	[tilespmem:s1+$0x0] =	vst v2;
	v2 =	vadd.f32 v8, v7  }
0x26a: {  	v6 =	vld [tilespmem:s2+$0x0];
	s10 =	rddreg [dreg:$0x8]  }
0x26b: {  	s11 =	sor.u32 $0x380, s16;
	v7 =	vld [tilespmem:s10+$0x10000];
	[tilespmem:s9+$0x0] =	vst v2  }
0x26c: {  	v2 =	vadd.f32 v5, v4;
	v4 =	vld [tilespmem:s11+$0x10000]  }
0x26d: {  	v5 =	vld [tilespmem:s11+$0x0]  }
0x26e: {  	v8 =	vld [tilespmem:s10+$0x0]  }
0x26f: {  	[tilespmem:s5+$0x0] =	vst v2  }
0x270: {  	v6 =	vadd.f32 v6, v3;
	s7 =	rddreg [dreg:$0x9]  }
0x271: {  	s12 =	sor.u32 $0x2380, s29;
	v2 =	vld [tilespmem:s7+$0x10000]  }
0x272: {  	s13 =	sor.u32 s22, s12;
	[tilespmem:s2+$0x0] =	vst v6;
	v9 =	vld [tilespmem:s7+$0x0];
	v5 =	vadd.f32 v5, v4  }
0x273: {  	s14 =	sor.u32 $0x2380, s28;
	v8 =	vadd.f32 v8, v7;
	v6 =	vld [tilespmem:s13+$0x0]  }
0x274: {  	s15 =	sor.u32 s23, s14;
	[tilespmem:s11+$0x0] =	vst v5  }
0x275: {  	[tilespmem:s10+$0x0] =	vst v8;
	v8 =	vld [tilespmem:s15+$0x0]  }
0x276: {  	s5 =	sor.u32 s24, s12  }
0x277: {  	v5 =	vadd.f32 v9, v2;
	v9 =	vld [tilespmem:s5+$0x0]  }
0x278: {  	v6 =	vadd.f32 v6, v3  }
0x279: {  	s16 =	sor.u32 $0x4380, s29;
	s6 =	sor.u32 s21, s14;
	[tilespmem:s7+$0x0] =	vst v5  }
0x27a: {  	s17 =	sor.u32 s22, s16;
	[tilespmem:s13+$0x0] =	vst v6;
	v5 =	vld [tilespmem:s6+$0x0];
	v6 =	vadd.f32 v8, v4  }
0x27b: {  	s18 =	sor.u32 $0x4380, s28;
	v8 =	vld [tilespmem:s17+$0x0]  }
0x27c: {  	s19 =	sor.u32 s23, s18;
	v9 =	vadd.f32 v9, v7;
	[tilespmem:s15+$0x0] =	vst v6  }
0x27d: {  	v6 =	vld [tilespmem:s19+$0x0]  }
0x27e: {  	s7 =	sor.u32 s24, s16;
	[tilespmem:s5+$0x0] =	vst v9  }
0x27f: {  	v5 =	vadd.f32 v5, v2;
	v9 =	vld [tilespmem:s7+$0x0]  }
0x280: {  	v8 =	vadd.f32 v8, v3  }
0x281: {  	v0 =	vadd.f32 v0, v1;
	s26 =	sor.u32 $0x6380, s29;
	s20 =	sor.u32 s21, s18;
	[tilespmem:s6+$0x0] =	vst v5  }
0x282: {  	s0 =	sor.u32 s22, s26;
	v5 =	vld [tilespmem:s20+$0x0];
	[tilespmem:s17+$0x0] =	vst v8;
	v6 =	vadd.f32 v6, v4  }
0x283: {  	s3 =	sor.u32 s25, s3;
	s8 =	sor.u32 $0x6380, s28;
	[tilespmem:s4+$0x0] =	vst v0;
	v0 =	vld [tilespmem:s0+$0x0]  }
0x284: {  	s9 =	sor.u32 s23, s8;
	v8 =	vadd.f32 v9, v7;
	v9 =	vld [tilespmem:s3+$0x0];
	[tilespmem:s19+$0x0] =	vst v6  }
0x285: {  	v6 =	vld [tilespmem:s9+$0x0]  }
0x286: {  	s10 =	sor.u32 s24, s26;
	[tilespmem:s7+$0x0] =	vst v8  }
0x287: {  	v5 =	vadd.f32 v5, v2;
	v8 =	vld [tilespmem:s10+$0x0]  }
0x288: {  	v0 =	vadd.f32 v0, v3  }
0x289: {  	[tilespmem:s20+$0x0] =	vst v5;
	v1 =	vadd.f32 v9, v1  }
0x28a: {  	s4 =	sor.u32 s21, s8;
	[tilespmem:s0+$0x0] =	vst v0;
	v0 =	vadd.f32 v6, v4  }
0x28b: {  	v5 =	vld [tilespmem:s4+$0x0];
	[tilespmem:s3+$0x0] =	vst v1  }
0x28c: {  	v1 =	vadd.f32 v8, v7;
	[tilespmem:s9+$0x0] =	vst v0  }
0x28d: {  	s0 =	sld [smem:$0x7EB]  }
0x28e: {  	[tilespmem:s10+$0x0] =	vst v1  }
0x28f: {  	s12 =	sld [smem:$0x7EE]  }
0x290: {  	v0 =	vadd.f32 v5, v2;
	s11 =	sshll.u32 s0, $0xB  }
0x291: {  	[smem:$0x7DB] =	sst s11  }
0x292: {  	s13 =	rddreg [dreg:$0x2];
	s1 =	sadd.s32 s12, s11;
	[tilespmem:s4+$0x0] =	vst v0  }
0x293: {  	s15 =	simm.s32 $0x0;
	s14 =	sadd.s32 s13, s1;
	s16 =	sld [smem:$0x7F8]  }
0x294: {  	[hbm4b:s14+s15] =	stream.linear.scatter [tilespmem:s15], [sflag:$0x5], $0x2000, $0x38;
	[tilespmem:$0x14000] =	vst v63  }
0x295: {  	s19 =	sld [smem:$0x7F9]  }
0x296: {  	s18 =	simm.s32 $0x2000;
	s22 =	sld [smem:$0x7FA];
	s17 =	sadd.s32 s1, s16  }
0x297: {  	[hbm4b:s17+s15] =	stream.linear.scatter [tilespmem:s18], [sflag:$0x5], $0x2000, $0x38;
	[tilespmem:$0x14000] =	vst v63  }
0x298: {  	s21 =	simm.s32 $0x4000;
	s20 =	sadd.s32 s1, s19  }
0x299: {  	[hbm4b:s20+s15] =	stream.linear.scatter [tilespmem:s21], [sflag:$0x5], $0x2000, $0x38;
	[tilespmem:$0x14000] =	vst v63  }
0x29a: {  	s25 =	simm.s32 $0x4;
	s23 =	simm.s32 $0x6000;
	s1 =	sadd.s32 s1, s22  }
0x29b: {  	[hbm4b:s1+s15] =	stream.linear.scatter [tilespmem:s23], [sflag:$0x5], $0x2000, $0x38;
	[tilespmem:$0x14000] =	vst v63  }
0x29c: {  	_ =	swait.ge [sflag:s25], $0x2000  }
0x29d: {  	[sflag:s25] =	ssyncset.done $0x0  }
0x29e: {  	s26 =	simm.s32 $0x2;
	[sflag:s25] =	ssyncadd.s32 $0xFFFFE000  }
0x29f: {  	_ =	swait.ge [sflag:s26], $0x2000  }
0x2a0: {  	[sflag:s26] =	ssyncset.done $0x0  }
0x2a1: {  	[sflag:s26] =	ssyncadd.s32 $0xFFFFE000  }
0x2a2: {  	_ =	swait.ge [sflag:s26], $0x2000  }
0x2a3: {  	[sflag:s26] =	ssyncset.done $0x0  }
0x2a4: {  	[sflag:s26] =	ssyncadd.s32 $0xFFFFE000  }
0x2a5: {  	_ =	swait.ge [sflag:s26], $0x2000  }
0x2a6: {  	[sflag:s26] =	ssyncset.done $0x0  }
0x2a7: {  	s24 =	simm.s32 $0x0;
	[sflag:s26] =	ssyncadd.s32 $0xFFFFE000  }
0x2a8: {  	s21 =	sand.u32 $0x60, s24;
	_ =	swait.ge [sflag:s26], $0x2000  }
0x2a9: {  	s18 =	sand.u32 $0x1C00, s24;
	s31 =	sor.u32 $0x10, s21;
	[sflag:s26] =	ssyncset.done $0x0  }
0x2aa: {  	s5 =	sor.u32 s18, s31;
	[sflag:s26] =	ssyncadd.s32 $0xFFFFE000  }
0x2ab: {  	v0 =	vld [tilespmem:s5+$0x12000]  }
0x2ac: {  	v1 =	vld [tilespmem:s5+$0x8000];
	_ =	sdelay $0x4  }
0x2ad: {  	v1 =	vadd.f32 v1, v0  }
0x2ae: {  	s1 =	sor.u32 $0xA000, s18  }
0x2af: {  	s28 =	sor.u32 s31, s1;
	[tilespmem:s5+$0x8000] =	vst v1  }
0x2b0: {  	v1 =	vld [tilespmem:s28+$0x0];
	_ =	sdelay $0x4  }
0x2b1: {  	v1 =	vadd.f32 v1, v0  }
0x2b2: {  	s0 =	sor.u32 $0xC000, s18  }
0x2b3: {  	s6 =	sor.u32 s31, s0;
	[tilespmem:s28+$0x0] =	vst v1  }
0x2b4: {  	v1 =	vld [tilespmem:s6+$0x0]  }
0x2b5: {  	s4 =	sor.u32 s21, s18  }
0x2b6: {  	v2 =	vld [tilespmem:s4+$0x12000]  }
0x2b7: {  	v3 =	vld [tilespmem:s4+$0x8000];
	_ =	sdelay $0x1  }
0x2b8: {  	v1 =	vadd.f32 v1, v0  }
0x2b9: {  	s7 =	sor.u32 $0xE000, s18  }
0x2ba: {  	s8 =	sor.u32 s31, s7;
	[tilespmem:s6+$0x0] =	vst v1  }
0x2bb: {  	v3 =	vadd.f32 v3, v2;
	v1 =	vld [tilespmem:s8+$0x0];
	_ =	sdelay $0x1  }
0x2bc: {  	s1 =	sor.u32 s21, s1;
	[tilespmem:s4+$0x8000] =	vst v3  }
0x2bd: {  	v3 =	vld [tilespmem:s1+$0x0];
	_ =	sdelay $0x1  }
0x2be: {  	v0 =	vadd.f32 v1, v0;
	_ =	sdelay $0x1  }
0x2bf: {  	[tilespmem:s8+$0x0] =	vst v0  }
0x2c0: {  	v3 =	vadd.f32 v3, v2;
	v0 =	vld [tilespmem:s5+$0x12080]  }
0x2c1: {  	v1 =	vld [tilespmem:s5+$0x8080]  }
0x2c2: {  	s9 =	sor.u32 s21, s0;
	[tilespmem:s1+$0x0] =	vst v3  }
0x2c3: {  	v3 =	vld [tilespmem:s9+$0x0];
	_ =	sdelay $0x2  }
0x2c4: {  	v1 =	vadd.f32 v1, v0  }
0x2c5: {  	s10 =	sor.u32 $0xA080, s18  }
0x2c6: {  	s11 =	sor.u32 s31, s10;
	v3 =	vadd.f32 v3, v2;
	[tilespmem:s5+$0x8080] =	vst v1  }
0x2c7: {  	v1 =	vld [tilespmem:s11+$0x0]  }
0x2c8: {  	s6 =	sor.u32 s21, s7;
	[tilespmem:s9+$0x0] =	vst v3  }
0x2c9: {  	v3 =	vld [tilespmem:s6+$0x0];
	_ =	sdelay $0x2  }
0x2ca: {  	v1 =	vadd.f32 v1, v0  }
0x2cb: {  	s12 =	sor.u32 $0xC080, s18  }
0x2cc: {  	s13 =	sor.u32 s31, s12;
	v2 =	vadd.f32 v3, v2;
	[tilespmem:s11+$0x0] =	vst v1  }
0x2cd: {  	v1 =	vld [tilespmem:s13+$0x0]  }
0x2ce: {  	[tilespmem:s6+$0x0] =	vst v2  }
0x2cf: {  	v2 =	vld [tilespmem:s4+$0x12080]  }
0x2d0: {  	v3 =	vld [tilespmem:s4+$0x8080];
	_ =	sdelay $0x1  }
0x2d1: {  	v1 =	vadd.f32 v1, v0  }
0x2d2: {  	s14 =	sor.u32 $0xE080, s18  }
0x2d3: {  	s15 =	sor.u32 s31, s14;
	[tilespmem:s13+$0x0] =	vst v1  }
0x2d4: {  	v3 =	vadd.f32 v3, v2;
	v1 =	vld [tilespmem:s15+$0x0];
	_ =	sdelay $0x1  }
0x2d5: {  	s1 =	sor.u32 s21, s10;
	[tilespmem:s4+$0x8080] =	vst v3  }
0x2d6: {  	v3 =	vld [tilespmem:s1+$0x0];
	_ =	sdelay $0x1  }
0x2d7: {  	v0 =	vadd.f32 v1, v0;
	_ =	sdelay $0x1  }
0x2d8: {  	[tilespmem:s15+$0x0] =	vst v0  }
0x2d9: {  	v3 =	vadd.f32 v3, v2;
	v0 =	vld [tilespmem:s5+$0x12100]  }
0x2da: {  	v1 =	vld [tilespmem:s5+$0x8100]  }
0x2db: {  	s2 =	sor.u32 s21, s12;
	[tilespmem:s1+$0x0] =	vst v3  }
0x2dc: {  	v3 =	vld [tilespmem:s2+$0x0];
	_ =	sdelay $0x2  }
0x2dd: {  	v1 =	vadd.f32 v1, v0  }
0x2de: {  	s16 =	sor.u32 $0xA100, s18  }
0x2df: {  	s22 =	sor.u32 s31, s16;
	v3 =	vadd.f32 v3, v2;
	[tilespmem:s5+$0x8100] =	vst v1  }
0x2e0: {  	s23 =	simm.s32 $0x20;
	v1 =	vld [tilespmem:s22+$0x0]  }
0x2e1: {  	s24 =	simm.s32 $0x100;
	s25 =	sand.u32 $0x60, s23;
	s6 =	sor.u32 s21, s14;
	[tilespmem:s2+$0x0] =	vst v3  }
0x2e2: {  	s29 =	sand.u32 $0x1C00, s24;
	s14 =	sor.u32 $0x10, s25;
	v3 =	vld [tilespmem:s6+$0x0]  }
0x2e3: {  	s19 =	sor.u32 s29, s14  }
0x2e4: {  	v4 =	vld [tilespmem:s19+$0x12000]  }
0x2e5: {  	v5 =	vld [tilespmem:s19+$0x8000];
	v1 =	vadd.f32 v1, v0  }
0x2e6: {  	s26 =	sor.u32 $0xC100, s18  }
0x2e7: {  	s28 =	sor.u32 s31, s26;
	v2 =	vadd.f32 v3, v2;
	[tilespmem:s22+$0x0] =	vst v1  }
0x2e8: {  	v1 =	vld [tilespmem:s28+$0x0]  }
0x2e9: {  	[tilespmem:s6+$0x0] =	vst v2  }
0x2ea: {  	v2 =	vadd.f32 v5, v4;
	v3 =	vld [tilespmem:s4+$0x12100]  }
0x2eb: {  	s0 =	sor.u32 $0xA000, s29;
	v5 =	vld [tilespmem:s4+$0x8100]  }
0x2ec: {  	s1 =	sor.u32 s14, s0;
	[tilespmem:s19+$0x8000] =	vst v2  }
0x2ed: {  	s20 =	sor.u32 s25, s29;
	v2 =	vld [tilespmem:s1+$0x0];
	v1 =	vadd.f32 v1, v0  }
0x2ee: {  	v6 =	vld [tilespmem:s20+$0x12000];
	s2 =	sor.u32 $0xE100, s18  }
0x2ef: {  	v7 =	vld [tilespmem:s20+$0x8000];
	s12 =	sor.u32 s31, s2;
	[tilespmem:s28+$0x0] =	vst v1  }
0x2f0: {  	v5 =	vadd.f32 v5, v3;
	v1 =	vld [tilespmem:s12+$0x0];
	_ =	sdelay $0x1  }
0x2f1: {  	s3 =	sor.u32 s21, s16;
	v2 =	vadd.f32 v2, v4;
	[tilespmem:s4+$0x8100] =	vst v5  }
0x2f2: {  	s13 =	sor.u32 $0xC000, s29;
	v5 =	vld [tilespmem:s3+$0x0]  }
0x2f3: {  	s15 =	sor.u32 s14, s13;
	[tilespmem:s1+$0x0] =	vst v2  }
0x2f4: {  	v2 =	vadd.f32 v7, v6;
	v0 =	vadd.f32 v1, v0;
	v1 =	vld [tilespmem:s15+$0x0];
	_ =	sdelay $0x1  }
0x2f5: {  	s6 =	sor.u32 s25, s0;
	[tilespmem:s20+$0x8000] =	vst v2  }
0x2f6: {  	v7 =	vld [tilespmem:s6+$0x0];
	v5 =	vadd.f32 v5, v3;
	[tilespmem:s12+$0x0] =	vst v0  }
0x2f7: {  	v0 =	vld [tilespmem:s5+$0x12180]  }
0x2f8: {  	s16 =	sor.u32 s21, s26;
	[tilespmem:s3+$0x0] =	vst v5;
	v2 =	vld [tilespmem:s5+$0x8180];
	v1 =	vadd.f32 v1, v4  }
0x2f9: {  	s22 =	sor.u32 $0xE000, s29;
	v5 =	vld [tilespmem:s16+$0x0]  }
0x2fa: {  	s23 =	sor.u32 s14, s22;
	[tilespmem:s15+$0x0] =	vst v1  }
0x2fb: {  	v7 =	vadd.f32 v7, v6;
	v1 =	vld [tilespmem:s23+$0x0];
	_ =	sdelay $0x1  }
0x2fc: {  	s11 =	sor.u32 s25, s13;
	[tilespmem:s6+$0x0] =	vst v7;
	v2 =	vadd.f32 v2, v0  }
0x2fd: {  	s24 =	sor.u32 $0xA180, s18;
	v7 =	vld [tilespmem:s11+$0x0];
	v5 =	vadd.f32 v5, v3  }
0x2fe: {  	s26 =	sor.u32 s31, s24;
	[tilespmem:s5+$0x8180] =	vst v2  }
0x2ff: {  	s28 =	sor.u32 s21, s2;
	[tilespmem:s16+$0x0] =	vst v5;
	v2 =	vld [tilespmem:s26+$0x0];
	v1 =	vadd.f32 v1, v4  }
0x300: {  	v4 =	vld [tilespmem:s28+$0x0]  }
0x301: {  	[tilespmem:s23+$0x0] =	vst v1  }
0x302: {  	v5 =	vadd.f32 v7, v6;
	v1 =	vld [tilespmem:s19+$0x12080]  }
0x303: {  	v7 =	vld [tilespmem:s19+$0x8080]  }
0x304: {  	s3 =	sor.u32 s25, s22;
	[tilespmem:s11+$0x0] =	vst v5;
	v2 =	vadd.f32 v2, v0  }
0x305: {  	s0 =	sor.u32 $0xC180, s18;
	v3 =	vadd.f32 v4, v3;
	v4 =	vld [tilespmem:s3+$0x0]  }
0x306: {  	s1 =	sor.u32 s31, s0;
	[tilespmem:s26+$0x0] =	vst v2  }
0x307: {  	v2 =	vld [tilespmem:s1+$0x0];
	[tilespmem:s28+$0x0] =	vst v3  }
0x308: {  	v3 =	vadd.f32 v7, v1;
	v5 =	vld [tilespmem:s4+$0x12180]  }
0x309: {  	v7 =	vld [tilespmem:s4+$0x8180]  }
0x30a: {  	s2 =	sor.u32 $0xA080, s29;
	[tilespmem:s19+$0x8080] =	vst v3;
	v3 =	vadd.f32 v4, v6  }
0x30b: {  	s11 =	sor.u32 s14, s2  }
0x30c: {  	v2 =	vadd.f32 v2, v0;
	v4 =	vld [tilespmem:s11+$0x0];
	[tilespmem:s3+$0x0] =	vst v3  }
0x30d: {  	s12 =	sor.u32 $0xE180, s18;
	v3 =	vld [tilespmem:s20+$0x12080]  }
0x30e: {  	s13 =	sor.u32 s31, s12;
	[tilespmem:s1+$0x0] =	vst v2;
	v6 =	vadd.f32 v7, v5;
	v7 =	vld [tilespmem:s20+$0x8080]  }
0x30f: {  	v2 =	vld [tilespmem:s13+$0x0]  }
0x310: {  	s15 =	sor.u32 s21, s24;
	[tilespmem:s4+$0x8180] =	vst v6  }
0x311: {  	v4 =	vadd.f32 v4, v1;
	v6 =	vld [tilespmem:s15+$0x0]  }
0x312: {  	s16 =	sor.u32 $0xC080, s29  }
0x313: {  	s22 =	sor.u32 s14, s16;
	[tilespmem:s11+$0x0] =	vst v4;
	v4 =	vadd.f32 v7, v3  }
0x314: {  	v0 =	vadd.f32 v2, v0;
	v2 =	vld [tilespmem:s22+$0x0]  }
0x315: {  	s6 =	sor.u32 s25, s2;
	[tilespmem:s20+$0x8080] =	vst v4  }
0x316: {  	[tilespmem:s13+$0x0] =	vst v0;
	v6 =	vadd.f32 v6, v5;
	v7 =	vld [tilespmem:s6+$0x0]  }
0x317: {  	v0 =	vld [tilespmem:s5+$0x12200]  }
0x318: {  	s7 =	sor.u32 s21, s0;
	v4 =	vld [tilespmem:s5+$0x8200];
	[tilespmem:s15+$0x0] =	vst v6  }
0x319: {  	v2 =	vadd.f32 v2, v1;
	v6 =	vld [tilespmem:s7+$0x0]  }
0x31a: {  	s23 =	sor.u32 $0xE080, s29  }
0x31b: {  	s24 =	sor.u32 s14, s23;
	[tilespmem:s22+$0x0] =	vst v2;
	v7 =	vadd.f32 v7, v3  }
0x31c: {  	v2 =	vld [tilespmem:s24+$0x0]  }
0x31d: {  	s9 =	sor.u32 s25, s16;
	v4 =	vadd.f32 v4, v0;
	[tilespmem:s6+$0x0] =	vst v7  }
0x31e: {  	s26 =	sor.u32 $0xA200, s18;
	v6 =	vadd.f32 v6, v5;
	v7 =	vld [tilespmem:s9+$0x0]  }
0x31f: {  	s13 =	sor.u32 s31, s26;
	[tilespmem:s5+$0x8200] =	vst v4  }
0x320: {  	s15 =	sor.u32 s21, s12;
	v4 =	vld [tilespmem:s13+$0x0];
	[tilespmem:s7+$0x0] =	vst v6  }
0x321: {  	v1 =	vadd.f32 v2, v1;
	v2 =	vld [tilespmem:s15+$0x0];
	_ =	sdelay $0x1  }
0x322: {  	[tilespmem:s24+$0x0] =	vst v1;
	v6 =	vadd.f32 v7, v3  }
0x323: {  	v1 =	vld [tilespmem:s19+$0x12100]  }
0x324: {  	s3 =	sor.u32 s25, s23;
	v4 =	vadd.f32 v4, v0;
	v7 =	vld [tilespmem:s19+$0x8100];
	[tilespmem:s9+$0x0] =	vst v6  }
0x325: {  	s16 =	sor.u32 $0xC200, s18;
	v2 =	vadd.f32 v2, v5;
	v5 =	vld [tilespmem:s3+$0x0]  }
0x326: {  	s22 =	sor.u32 s31, s16;
	[tilespmem:s13+$0x0] =	vst v4  }
0x327: {  	v4 =	vld [tilespmem:s22+$0x0];
	[tilespmem:s15+$0x0] =	vst v2  }
0x328: {  	v6 =	vld [tilespmem:s4+$0x12200]  }
0x329: {  	v2 =	vadd.f32 v7, v1;
	v7 =	vld [tilespmem:s4+$0x8200]  }
0x32a: {  	s23 =	sor.u32 $0xA100, s29;
	v3 =	vadd.f32 v5, v3  }
0x32b: {  	s1 =	sor.u32 s14, s23;
	[tilespmem:s19+$0x8100] =	vst v2  }
0x32c: {  	v2 =	vadd.f32 v4, v0;
	v4 =	vld [tilespmem:s1+$0x0];
	[tilespmem:s3+$0x0] =	vst v3  }
0x32d: {  	s6 =	sor.u32 $0xE200, s18;
	v3 =	vld [tilespmem:s20+$0x12100]  }
0x32e: {  	s2 =	simm.s32 $0x40;
	s12 =	sor.u32 s31, s6;
	[tilespmem:s22+$0x0] =	vst v2;
	v5 =	vadd.f32 v7, v6;
	v7 =	vld [tilespmem:s20+$0x8100]  }
0x32f: {  	s30 =	sand.u32 $0x60, s2;
	s13 =	simm.s32 $0x200;
	v2 =	vld [tilespmem:s12+$0x0]  }
0x330: {  	s24 =	sand.u32 $0x1C00, s13;
	s3 =	sor.u32 $0x10, s30  }
0x331: {  	s28 =	sor.u32 s24, s3  }
0x332: {  	v8 =	vld [tilespmem:s28+$0x12000];
	v4 =	vadd.f32 v4, v1  }
0x333: {  	s10 =	sor.u32 s21, s26;
	s15 =	sor.u32 $0xC100, s29;
	[tilespmem:s4+$0x8200] =	vst v5;
	v5 =	vld [tilespmem:s28+$0x8000];
	v7 =	vadd.f32 v7, v3  }
0x334: {  	s26 =	sor.u32 s14, s15;
	[tilespmem:s1+$0x0] =	vst v4;
	v4 =	vld [tilespmem:s10+$0x0];
	v0 =	vadd.f32 v2, v0  }
0x335: {  	s22 =	sor.u32 s30, s24;
	v2 =	vld [tilespmem:s26+$0x0];
	[tilespmem:s20+$0x8100] =	vst v7  }
0x336: {  	v7 =	vld [tilespmem:s22+$0x8000];
	[tilespmem:s12+$0x0] =	vst v0  }
0x337: {  	v9 =	vld [tilespmem:s5+$0x12280]  }
0x338: {  	v5 =	vadd.f32 v5, v8;
	v10 =	vld [tilespmem:s5+$0x8280]  }
0x339: {  	s0 =	sor.u32 s25, s23;
	s1 =	sor.u32 $0xA000, s24;
	v0 =	vld [tilespmem:s22+$0x12000];
	v4 =	vadd.f32 v4, v6  }
0x33a: {  	s2 =	sor.u32 s3, s1;
	v11 =	vld [tilespmem:s0+$0x0];
	[tilespmem:s28+$0x8000] =	vst v5;
	v2 =	vadd.f32 v2, v1  }
0x33b: {  	s7 =	sor.u32 s21, s16;
	[tilespmem:s10+$0x0] =	vst v4;
	v4 =	vld [tilespmem:s2+$0x0];
	s10 =	sor.u32 $0xE100, s29  }
0x33c: {  	[tilespmem:s26+$0x0] =	vst v2;
	v2 =	vld [tilespmem:s7+$0x0];
	s16 =	sor.u32 s14, s10  }
0x33d: {  	v5 =	vld [tilespmem:s16+$0x0];
	v10 =	vadd.f32 v10, v9  }
0x33e: {  	s9 =	sor.u32 $0xA280, s18;
	v7 =	vadd.f32 v7, v0  }
0x33f: {  	s23 =	sor.u32 s31, s9;
	[tilespmem:s5+$0x8280] =	vst v10;
	v10 =	vadd.f32 v11, v3  }
0x340: {  	s13 =	sor.u32 s30, s1;
	[tilespmem:s22+$0x8000] =	vst v7;
	v4 =	vadd.f32 v4, v8;
	v7 =	vld [tilespmem:s23+$0x0]  }
0x341: {  	s26 =	sor.u32 s25, s15;
	[tilespmem:s0+$0x0] =	vst v10;
	v10 =	vld [tilespmem:s13+$0x0];
	v2 =	vadd.f32 v2, v6;
	s0 =	sor.u32 $0xC000, s24  }
0x342: {  	[tilespmem:s2+$0x0] =	vst v4;
	v4 =	vld [tilespmem:s26+$0x0];
	v1 =	vadd.f32 v5, v1;
	s1 =	sor.u32 s3, s0  }
0x343: {  	s2 =	sor.u32 s21, s6;
	[tilespmem:s7+$0x0] =	vst v2;
	v2 =	vld [tilespmem:s1+$0x0]  }
0x344: {  	[tilespmem:s16+$0x0] =	vst v1;
	v1 =	vld [tilespmem:s2+$0x0]  }
0x345: {  	v5 =	vld [tilespmem:s19+$0x12180];
	v7 =	vadd.f32 v7, v9  }
0x346: {  	s6 =	sor.u32 $0xC280, s18;
	v11 =	vld [tilespmem:s19+$0x8180];
	v10 =	vadd.f32 v10, v0  }
0x347: {  	s11 =	sor.u32 s31, s6;
	[tilespmem:s23+$0x0] =	vst v7;
	v4 =	vadd.f32 v4, v3  }
0x348: {  	s12 =	sor.u32 s30, s0;
	[tilespmem:s13+$0x0] =	vst v10;
	v2 =	vadd.f32 v2, v8;
	v7 =	vld [tilespmem:s11+$0x0]  }
0x349: {  	s10 =	sor.u32 s25, s10;
	s13 =	sor.u32 $0xE000, s24;
	[tilespmem:s26+$0x0] =	vst v4;
	v4 =	vld [tilespmem:s12+$0x0]  }
0x34a: {  	v1 =	vadd.f32 v1, v6;
	s15 =	sor.u32 s3, s13;
	[tilespmem:s1+$0x0] =	vst v2;
	v2 =	vld [tilespmem:s10+$0x0]  }
0x34b: {  	v10 =	vadd.f32 v11, v5;
	v6 =	vld [tilespmem:s15+$0x0]  }
0x34c: {  	s7 =	sor.u32 $0xA180, s29;
	[tilespmem:s2+$0x0] =	vst v1  }
0x34d: {  	s16 =	sor.u32 s14, s7;
	v1 =	vld [tilespmem:s4+$0x12280];
	[tilespmem:s19+$0x8180] =	vst v10;
	v7 =	vadd.f32 v7, v9  }
0x34e: {  	s8 =	sor.u32 $0xE280, s18;
	v10 =	vld [tilespmem:s16+$0x0];
	v4 =	vadd.f32 v4, v0  }
0x34f: {  	s23 =	sor.u32 s31, s8;
	[tilespmem:s11+$0x0] =	vst v7;
	v7 =	vld [tilespmem:s4+$0x8280];
	v2 =	vadd.f32 v2, v3  }
0x350: {  	s26 =	sor.u32 s30, s13;
	[tilespmem:s12+$0x0] =	vst v4;
	v3 =	vadd.f32 v6, v8;
	v4 =	vld [tilespmem:s23+$0x0]  }
0x351: {  	[tilespmem:s10+$0x0] =	vst v2;
	v2 =	vld [tilespmem:s26+$0x0]  }
0x352: {  	s17 =	simm.s32 $0x0;
	[tilespmem:s15+$0x0] =	vst v3;
	v3 =	vld [tilespmem:s20+$0x12180]  }
0x353: {  	s0 =	sand.u32 $0x3, s17;
	v8 =	vadd.f32 v10, v5;
	v6 =	vld [tilespmem:s28+$0x12080]  }
0x354: {  	s5 =	sshll.u32 s0, $0x5;
	s10 =	sor.u32 $0xC180, s29;
	v10 =	vld [tilespmem:s28+$0x8080];
	v7 =	vadd.f32 v7, v1  }
0x355: {  	s5 =	sadd.s32 $0x0, s5;
	s1 =	sor.u32 s14, s10;
	[tilespmem:s16+$0x0] =	vst v8;
	v8 =	vld [tilespmem:s20+$0x8180];
	v4 =	vadd.f32 v4, v9  }
0x356: {  	s9 =	sor.u32 s21, s9;
	[tilespmem:s4+$0x8280] =	vst v7;
	v7 =	vld [tilespmem:s1+$0x0];
	s4 =	sadd.s32 $0x10, s5  }
0x357: {  	v0 =	vadd.f32 v2, v0;
	[tilespmem:s23+$0x0] =	vst v4;
	v2 =	vld [tilespmem:s9+$0x0];
	s2 =	sor.u32 $0x300, s4  }
0x358: {  	v4 =	vld [tilespmem:s2+$0x12000]  }
0x359: {  	[tilespmem:s26+$0x0] =	vst v0;
	v0 =	vadd.f32 v10, v6;
	v9 =	vld [tilespmem:s2+$0x8000]  }
0x35a: {  	s15 =	sor.u32 $0xA080, s24;
	v10 =	vld [tilespmem:s22+$0x12080];
	v8 =	vadd.f32 v8, v3  }
0x35b: {  	s17 =	sor.u32 s3, s15;
	v11 =	vld [tilespmem:s22+$0x8080];
	[tilespmem:s28+$0x8080] =	vst v0;
	v0 =	vadd.f32 v7, v5  }
0x35c: {  	s7 =	sor.u32 s25, s7;
	s16 =	sor.u32 $0xE180, s29;
	[tilespmem:s20+$0x8180] =	vst v8;
	v7 =	vld [tilespmem:s17+$0x0]  }
0x35d: {  	s23 =	sor.u32 s14, s16;
	[tilespmem:s1+$0x0] =	vst v0;
	v0 =	vadd.f32 v2, v1;
	v2 =	vld [tilespmem:s7+$0x0]  }
0x35e: {  	v9 =	vadd.f32 v9, v4;
	v8 =	vld [tilespmem:s23+$0x0]  }
0x35f: {  	s26 =	sor.u32 s21, s6;
	s6 =	sor.u32 $0xA300, s18;
	[tilespmem:s9+$0x0] =	vst v0  }
0x360: {  	s0 =	sor.u32 s31, s6;
	[tilespmem:s2+$0x8000] =	vst v9;
	v9 =	vadd.f32 v11, v10;
	v0 =	vld [tilespmem:s26+$0x0]  }
0x361: {  	v7 =	vadd.f32 v7, v6;
	v11 =	vld [tilespmem:s0+$0x0]  }
0x362: {  	s11 =	sor.u32 s30, s15;
	s1 =	sor.u32 $0xC080, s24;
	[tilespmem:s22+$0x8080] =	vst v9;
	v2 =	vadd.f32 v2, v3  }
0x363: {  	s2 =	sor.u32 s3, s1;
	[tilespmem:s17+$0x0] =	vst v7;
	v7 =	vld [tilespmem:s11+$0x0];
	v5 =	vadd.f32 v8, v5  }
0x364: {  	s10 =	sor.u32 s25, s10;
	[tilespmem:s7+$0x0] =	vst v2;
	v2 =	vld [tilespmem:s2+$0x0]  }
0x365: {  	[tilespmem:s23+$0x0] =	vst v5;
	v0 =	vadd.f32 v0, v1;
	v5 =	vld [tilespmem:s10+$0x0]  }
0x366: {  	v9 =	vadd.f32 v11, v4;
	v8 =	vld [tilespmem:s19+$0x12200]  }
0x367: {  	s12 =	sor.u32 s21, s8;
	s8 =	sor.u32 $0xC300, s18;
	[tilespmem:s26+$0x0] =	vst v0;
	v0 =	vld [tilespmem:s19+$0x8200]  }
0x368: {  	[tilespmem:s0+$0x0] =	vst v9;
	v7 =	vadd.f32 v7, v10;
	s26 =	sor.u32 s31, s8;
	v9 =	vld [tilespmem:s12+$0x0]  }
0x369: {  	v11 =	vld [tilespmem:s26+$0x0];
	v2 =	vadd.f32 v2, v6  }
0x36a: {  	s0 =	sor.u32 s30, s1;
	s1 =	sor.u32 $0xE080, s24;
	[tilespmem:s11+$0x0] =	vst v7  }
0x36b: {  	[tilespmem:s2+$0x0] =	vst v2;
	v2 =	vadd.f32 v5, v3;
	v5 =	vld [tilespmem:s0+$0x0];
	s2 =	sor.u32 s3, s1  }
0x36c: {  	v7 =	vld [tilespmem:s2+$0x0];
	v0 =	vadd.f32 v0, v8  }
0x36d: {  	s17 =	sor.u32 s25, s16;
	s16 =	sor.u32 $0xA200, s29;
	[tilespmem:s10+$0x0] =	vst v2;
	v1 =	vadd.f32 v9, v1  }
0x36e: {  	s23 =	sor.u32 s14, s16;
	v2 =	vld [tilespmem:s17+$0x0];
	[tilespmem:s19+$0x8200] =	vst v0;
	v0 =	vadd.f32 v11, v4  }
0x36f: {  	s5 =	sor.u32 $0x300, s5;
	s11 =	sor.u32 $0xE300, s18;
	[tilespmem:s12+$0x0] =	vst v1;
	v1 =	vld [tilespmem:s23+$0x0]  }
0x370: {  	[tilespmem:s26+$0x0] =	vst v0;
	v0 =	vld [tilespmem:s5+$0x12000];
	v5 =	vadd.f32 v5, v10;
	s26 =	sor.u32 s31, s11  }
0x371: {  	v6 =	vadd.f32 v7, v6;
	v7 =	vld [tilespmem:s26+$0x0]  }
0x372: {  	[tilespmem:s0+$0x0] =	vst v5;
	s0 =	sor.u32 s30, s1;
	v5 =	vld [tilespmem:s5+$0x8000]  }
0x373: {  	[tilespmem:s2+$0x0] =	vst v6;
	v2 =	vadd.f32 v2, v3;
	v3 =	vld [tilespmem:s0+$0x0]  }
0x374: {  	v6 =	vld [tilespmem:s28+$0x12100];
	v1 =	vadd.f32 v1, v8  }
0x375: {  	s13 =	sor.u32 $0xC200, s29;
	v9 =	vld [tilespmem:s28+$0x8100];
	[tilespmem:s17+$0x0] =	vst v2  }
0x376: {  	s1 =	sor.u32 s14, s13;
	[tilespmem:s23+$0x0] =	vst v1;
	v2 =	vld [tilespmem:s20+$0x12200];
	v1 =	vadd.f32 v7, v4  }
0x377: {  	v4 =	vld [tilespmem:s1+$0x0]  }
0x378: {  	s17 =	sor.u32 $0x380, s4;
	v7 =	vld [tilespmem:s20+$0x8200];
	v5 =	vadd.f32 v5, v0;
	[tilespmem:s26+$0x0] =	vst v1  }
0x379: {  	v3 =	vadd.f32 v3, v10;
	v1 =	vld [tilespmem:s17+$0x12000]  }
0x37a: {  	s23 =	sor.u32 s21, s6;
	[tilespmem:s5+$0x8000] =	vst v5;
	v5 =	vadd.f32 v9, v6;
	v9 =	vld [tilespmem:s17+$0x8000]  }
0x37b: {  	s26 =	sor.u32 $0xA100, s24;
	[tilespmem:s0+$0x0] =	vst v3;
	v10 =	vld [tilespmem:s23+$0x0]  }
0x37c: {  	s0 =	sor.u32 s3, s26;
	v3 =	vld [tilespmem:s22+$0x12100];
	[tilespmem:s28+$0x8100] =	vst v5;
	v4 =	vadd.f32 v4, v8  }
0x37d: {  	s9 =	sor.u32 $0xA380, s18;
	s12 =	sor.u32 $0xE200, s29;
	s2 =	simm.s32 $0x60;
	v5 =	vadd.f32 v7, v2;
	v7 =	vld [tilespmem:s0+$0x0]  }
0x37e: {  	s15 =	sand.u32 $0x60, s2;
	s4 =	simm.s32 $0x300;
	s5 =	sor.u32 s14, s12;
	[tilespmem:s1+$0x0] =	vst v4;
	v4 =	vld [tilespmem:s22+$0x8100]  }
0x37f: {  	s16 =	sor.u32 s25, s16;
	s10 =	sand.u32 $0x1C00, s4;
	s6 =	sor.u32 $0x10, s15;
	[tilespmem:s20+$0x8200] =	vst v5;
	v9 =	vadd.f32 v9, v1;
	v5 =	vld [tilespmem:s5+$0x0]  }
0x380: {  	s4 =	sor.u32 s10, s6;
	v11 =	vld [tilespmem:s16+$0x0];
	[smem:$0x7DC] =	sst s9  }
0x381: {  	[tilespmem:s17+$0x8000] =	vst v9;
	v9 =	vld [tilespmem:s4+$0x12000]  }
0x382: {  	s17 =	sor.u32 s31, s9;
	v45 =	vld [tilespmem:s4+$0x8000];
	v7 =	vadd.f32 v7, v6  }
0x383: {  	s2 =	sor.u32 $0xC100, s24;
	s9 =	sor.u32 s15, s10;
	v44 =	vld [tilespmem:s17+$0x0]  }
0x384: {  	[tilespmem:s0+$0x0] =	vst v7;
	v7 =	vld [tilespmem:s9+$0x12000];
	s0 =	sor.u32 s3, s2;
	v5 =	vadd.f32 v5, v8  }
0x385: {  	v8 =	vld [tilespmem:s0+$0x0]  }
0x386: {  	v4 =	vadd.f32 v4, v3;
	[tilespmem:s5+$0x0] =	vst v5;
	v5 =	vld [tilespmem:s9+$0x8000]  }
0x387: {  	v10 =	vadd.f32 v10, v0;
	v14 =	vld [tilespmem:s19+$0x12280]  }
0x388: {  	s7 =	sor.u32 s30, s26;
	[tilespmem:s22+$0x8100] =	vst v4;
	v4 =	vadd.f32 v45, v9;
	v46 =	vld [tilespmem:s19+$0x8280]  }
0x389: {  	s26 =	sor.u32 $0xA000, s10;
	[tilespmem:s23+$0x0] =	vst v10;
	s23 =	sor.u32 s21, s8;
	v10 =	vadd.f32 v11, v2;
	v11 =	vld [tilespmem:s7+$0x0]  }
0x38a: {  	s1 =	sor.u32 s6, s26;
	v15 =	vld [tilespmem:s23+$0x0];
	[tilespmem:s4+$0x8000] =	vst v4;
	v4 =	vadd.f32 v8, v6  }
0x38b: {  	[tilespmem:s16+$0x0] =	vst v10;
	s5 =	sor.u32 $0xE100, s24;
	v10 =	vld [tilespmem:s1+$0x0];
	v8 =	vadd.f32 v44, v1  }
0x38c: {  	[tilespmem:s0+$0x0] =	vst v4;
	v4 =	vadd.f32 v5, v7;
	s0 =	sor.u32 s3, s5  }
0x38d: {  	s16 =	sor.u32 s25, s13;
	[tilespmem:s17+$0x0] =	vst v8;
	v8 =	vld [tilespmem:s0+$0x0];
	v47 =	vadd.f32 v46, v14  }
0x38e: {  	s26 =	sor.u32 s15, s26;
	s13 =	sor.u32 $0xA280, s29;
	v5 =	vld [tilespmem:s16+$0x0];
	[tilespmem:s9+$0x8000] =	vst v4;
	v4 =	vadd.f32 v11, v3  }
0x38f: {  	v11 =	vadd.f32 v15, v0;
	[tilespmem:s19+$0x8280] =	vst v47;
	v49 =	vld [tilespmem:s26+$0x0];
	s19 =	sor.u32 s14, s13  }
0x390: {  	s2 =	sor.u32 s30, s2;
	[tilespmem:s7+$0x0] =	vst v4;
	v4 =	vadd.f32 v10, v9;
	v10 =	vld [tilespmem:s19+$0x0]  }
0x391: {  	s8 =	sor.u32 $0xC380, s18;
	[tilespmem:s23+$0x0] =	vst v11;
	v11 =	vld [tilespmem:s2+$0x0]  }
0x392: {  	s17 =	sor.u32 s31, s8;
	v6 =	vadd.f32 v8, v6  }
0x393: {  	s11 =	sor.u32 s21, s11;
	v48 =	vld [tilespmem:s17+$0x0];
	s7 =	sor.u32 $0xC000, s10;
	v5 =	vadd.f32 v5, v2;
	[tilespmem:s1+$0x0] =	vst v4  }
0x394: {  	s23 =	sor.u32 s6, s7;
	v4 =	vld [tilespmem:s11+$0x0];
	[tilespmem:s0+$0x0] =	vst v6;
	v6 =	vadd.f32 v49, v7  }
0x395: {  	s12 =	sor.u32 s25, s12;
	[tilespmem:s16+$0x0] =	vst v5;
	v5 =	vld [tilespmem:s23+$0x0];
	v10 =	vadd.f32 v10, v14  }
0x396: {  	v8 =	vld [tilespmem:s12+$0x0];
	[tilespmem:s26+$0x0] =	vst v6;
	v6 =	vadd.f32 v11, v3  }
0x397: {  	v50 =	vld [tilespmem:s28+$0x12180];
	[tilespmem:s19+$0x0] =	vst v10  }
0x398: {  	s7 =	sor.u32 s15, s7;
	s16 =	sor.u32 $0xE380, s18;
	v11 =	vld [tilespmem:s28+$0x8180];
	v10 =	vadd.f32 v48, v1;
	[tilespmem:s2+$0x0] =	vst v6  }
0x399: {  	s0 =	sor.u32 $0xC280, s29;
	v51 =	vld [tilespmem:s7+$0x0];
	[smem:$0x7DD] =	sst s16  }
0x39a: {  	s19 =	sor.u32 s14, s0;
	s2 =	sor.u32 s31, s16;
	[tilespmem:s17+$0x0] =	vst v10  }
0x39b: {  	s5 =	sor.u32 s30, s5;
	v5 =	vadd.f32 v5, v9;
	v6 =	vld [tilespmem:s19+$0x0];
	[smem:$0x7DE] =	sst s2  }
0x39c: {  	s18 =	sor.u32 $0xE000, s10;
	v2 =	vadd.f32 v8, v2;
	v10 =	vld [tilespmem:s5+$0x0]  }
0x39d: {  	s26 =	sor.u32 s6, s18;
	[tilespmem:s23+$0x0] =	vst v5;
	v5 =	vld [tilespmem:s2+$0x0]  }
0x39e: {  	v8 =	vadd.f32 v11, v50;
	[tilespmem:s12+$0x0] =	vst v2;
	v2 =	vld [tilespmem:s26+$0x0]  }
0x39f: {  	v11 =	vadd.f32 v51, v7;
	s23 =	sor.u32 $0xA180, s24;
	v52 =	vld [tilespmem:s20+$0x12280]  }
0x3a0: {  	[tilespmem:s28+$0x8180] =	vst v8;
	v8 =	vld [tilespmem:s20+$0x8280];
	s12 =	sor.u32 s3, s23;
	v6 =	vadd.f32 v6, v14  }
0x3a1: {  	s2 =	sor.u32 s15, s18;
	s18 =	sor.u32 $0xE280, s29;
	[tilespmem:s7+$0x0] =	vst v11;
	v3 =	vadd.f32 v10, v3;
	v10 =	vld [tilespmem:s12+$0x0]  }
0x3a2: {  	s17 =	sor.u32 s14, s18;
	[tilespmem:s19+$0x0] =	vst v6;
	v6 =	vld [tilespmem:s2+$0x0]  }
0x3a3: {  	v2 =	vadd.f32 v2, v9;
	[tilespmem:s5+$0x0] =	vst v3;
	v3 =	vld [tilespmem:s17+$0x0]  }
0x3a4: {  	v9 =	vld [tilespmem:s22+$0x12180]  }
0x3a5: {  	s31 =	smov.u32 s14;
	s19 =	simm.s32 $0x1;
	v8 =	vadd.f32 v8, v52;
	[tilespmem:s26+$0x0] =	vst v2;
	v2 =	vld [tilespmem:s22+$0x8180]  }
0x3a6: {  	s16 =	simm.s32 $0x1;
	s14 =	smov.u32 s22;
	v11 =	vld [tilespmem:s4+$0x12080];
	[dreg:$0xa] =	wrdreg s19;
	v10 =	vadd.f32 v10, v50  }
0x3a7: {  	s22 =	sand.u32 $0x3, s16;
	s26 =	sor.u32 s25, s13;
	s19 =	sor.u32 $0xC180, s24;
	[tilespmem:s20+$0x8280] =	vst v8;
	v6 =	vadd.f32 v6, v7;
	v7 =	vld [tilespmem:s4+$0x8080]  }
0x3a8: {  	s1 =	sshll.u32 s22, $0x5;
	s13 =	sor.u32 s3, s19;
	v8 =	vld [tilespmem:s26+$0x0];
	[tilespmem:s12+$0x0] =	vst v10  }
0x3a9: {  	s12 =	sadd.s32 $0x100, s1;
	v3 =	vadd.f32 v3, v14;
	[tilespmem:s2+$0x0] =	vst v6;
	v6 =	vld [tilespmem:s13+$0x0]  }
0x3aa: {  	s2 =	sadd.s32 $0x10, s12  }
0x3ab: {  	v10 =	vld [tilespmem:s9+$0x12080];
	v2 =	vadd.f32 v2, v9;
	[tilespmem:s17+$0x0] =	vst v3;
	s7 =	sor.u32 $0x300, s2  }
0x3ac: {  	v53 =	vld [tilespmem:s7+$0x12000];
	v3 =	vadd.f32 v7, v11  }
0x3ad: {  	v7 =	vld [tilespmem:s7+$0x8000];
	[tilespmem:s14+$0x8180] =	vst v2;
	v8 =	vadd.f32 v8, v52  }
0x3ae: {  	s20 =	sor.u32 $0xA080, s10;
	s17 =	sor.u32 s30, s23;
	v2 =	vld [tilespmem:s9+$0x8080];
	[tilespmem:s4+$0x8080] =	vst v3;
	v6 =	vadd.f32 v6, v50  }
0x3af: {  	s23 =	sor.u32 s6, s20;
	v3 =	vld [tilespmem:s17+$0x0];
	[tilespmem:s26+$0x0] =	vst v8  }
0x3b0: {  	v0 =	vadd.f32 v4, v0;
	s5 =	sor.u32 s25, s0;
	v4 =	vld [tilespmem:s23+$0x0];
	s26 =	sor.u32 $0xE180, s24;
	[tilespmem:s13+$0x0] =	vst v6;
	s13 =	simm.s32 $0x0  }
0x3b1: {  	s1 =	sor.u32 s3, s26;
	v6 =	vld [tilespmem:s5+$0x0];
	s0 =	sor.u32 s13, s13  }
0x3b2: {  	[tilespmem:s11+$0x0] =	vst v0;
	v7 =	vadd.f32 v7, v53;
	v8 =	vld [tilespmem:s1+$0x0];
	s11 =	sor.u32 $0x380, s0  }
0x3b3: {  	v0 =	vld [tilespmem:s11+$0x12000]  }
0x3b4: {  	v2 =	vadd.f32 v2, v10;
	[tilespmem:s7+$0x8000] =	vst v7;
	v7 =	vld [tilespmem:s11+$0x8000]  }
0x3b5: {  	v3 =	vadd.f32 v3, v9  }
0x3b6: {  	[tilespmem:s9+$0x8080] =	vst v2;
	v2 =	vadd.f32 v4, v11  }
0x3b7: {  	s0 =	sor.u32 $0xA300, s29;
	[tilespmem:s17+$0x0] =	vst v3;
	v4 =	vadd.f32 v6, v52;
	v6 =	vadd.f32 v8, v50  }
0x3b8: {  	s22 =	smov.u32 s24;
	s24 =	sor.u32 s31, s0;
	[tilespmem:s23+$0x0] =	vst v2  }
0x3b9: {  	s20 =	sor.u32 s15, s20;
	v54 =	vld [tilespmem:s24+$0x0];
	[tilespmem:s1+$0x0] =	vst v6;
	v6 =	vadd.f32 v7, v0  }
0x3ba: {  	s19 =	sor.u32 s30, s19;
	s13 =	sor.u32 $0xC080, s10;
	v3 =	vld [tilespmem:s20+$0x0];
	[tilespmem:s5+$0x0] =	vst v4  }
0x3bb: {  	v2 =	vld [tilespmem:s19+$0x0];
	s23 =	sor.u32 s6, s13;
	[tilespmem:s11+$0x8000] =	vst v6  }
0x3bc: {  	s17 =	sor.u32 s25, s18;
	v8 =	vld [tilespmem:s23+$0x0];
	s1 =	sld [smem:$0x7DC]  }
0x3bd: {  	v7 =	vld [tilespmem:s17+$0x0]  }
0x3be: {  	v4 =	vld [tilespmem:s28+$0x12200]  }
0x3bf: {  	v55 =	vadd.f32 v54, v53;
	v6 =	vld [tilespmem:s28+$0x8200];
	s1 =	sor.u32 s21, s1  }
0x3c0: {  	s16 =	smov.u32 s30;
	s30 =	sor.u32 $0xC300, s29;
	v3 =	vadd.f32 v3, v10;
	v56 =	vld [tilespmem:s1+$0x0]  }
0x3c1: {  	v2 =	vadd.f32 v2, v9;
	s11 =	sor.u32 s31, s30;
	[tilespmem:s24+$0x0] =	vst v55  }
0x3c2: {  	s18 =	sor.u32 s15, s13;
	[tilespmem:s20+$0x0] =	vst v3;
	v3 =	vadd.f32 v8, v11;
	v8 =	vld [tilespmem:s11+$0x0]  }
0x3c3: {  	s13 =	sor.u32 s16, s26;
	[tilespmem:s19+$0x0] =	vst v2;
	v57 =	vld [tilespmem:s18+$0x0];
	s19 =	sor.u32 $0xE080, s10;
	v2 =	vadd.f32 v7, v52  }
0x3c4: {  	[tilespmem:s23+$0x0] =	vst v3;
	v3 =	vld [tilespmem:s13+$0x0];
	s20 =	sor.u32 s6, s19;
	v6 =	vadd.f32 v6, v4  }
0x3c5: {  	s5 =	sor.u32 $0x300, s12;
	v7 =	vld [tilespmem:s20+$0x0];
	[tilespmem:s17+$0x0] =	vst v2;
	v12 =	vadd.f32 v56, v0  }
0x3c6: {  	s12 =	sor.u32 $0xA200, s22;
	v2 =	vld [tilespmem:s5+$0x12000];
	[tilespmem:s28+$0x8200] =	vst v6  }
0x3c7: {  	s17 =	sor.u32 s3, s12;
	v6 =	vld [tilespmem:s5+$0x8000];
	v8 =	vadd.f32 v8, v53;
	[tilespmem:s1+$0x0] =	vst v12  }
0x3c8: {  	v59 =	vld [tilespmem:s17+$0x0];
	[dreg:$0x4] =	wrdreg s29  }
0x3c9: {  	v58 =	vadd.f32 v57, v10;
	s1 =	sor.u32 s21, s8;
	[tilespmem:s11+$0x0] =	vst v8  }
0x3ca: {  	v3 =	vadd.f32 v3, v9;
	v9 =	vld [tilespmem:s1+$0x0];
	[dreg:$0xe] =	wrdreg s31  }
0x3cb: {  	v7 =	vadd.f32 v7, v11;
	[tilespmem:s18+$0x0] =	vst v58  }
0x3cc: {  	s23 =	sor.u32 $0xE300, s29;
	v6 =	vadd.f32 v6, v2;
	[tilespmem:s13+$0x0] =	vst v3  }
0x3cd: {  	s26 =	sor.u32 s31, s23;
	[tilespmem:s20+$0x0] =	vst v7;
	v7 =	vadd.f32 v59, v4  }
0x3ce: {  	s18 =	sor.u32 s15, s19;
	v11 =	vld [tilespmem:s26+$0x0];
	[tilespmem:s5+$0x8000] =	vst v6  }
0x3cf: {  	v12 =	vld [tilespmem:s18+$0x0];
	[tilespmem:s17+$0x0] =	vst v7  }
0x3d0: {  	v3 =	vld [tilespmem:s14+$0x12200];
	s20 =	sld [smem:$0x7DD]  }
0x3d1: {  	s24 =	smov.u32 s22;
	v8 =	vld [tilespmem:s4+$0x12100]  }
0x3d2: {  	s13 =	sor.u32 $0xC200, s24;
	v60 =	vld [tilespmem:s4+$0x8100]  }
0x3d3: {  	s5 =	sor.u32 s25, s0;
	v61 =	vld [tilespmem:s14+$0x8200];
	s11 =	sor.u32 s3, s13;
	v7 =	vadd.f32 v11, v53;
	s0 =	sor.u32 s21, s20  }
0x3d4: {  	s22 =	smov.u32 s28;
	s28 =	simm.s32 $0x20;
	v6 =	vld [tilespmem:s11+$0x0];
	[dreg:$0x7] =	wrdreg s0  }
0x3d5: {  	s8 =	sor.u32 $0x380, s2;
	s17 =	smov.u32 s3;
	s3 =	simm.s32 $0x100;
	[tilespmem:s26+$0x0] =	vst v7  }
0x3d6: {  	s2 =	smov.u32 s24;
	s19 =	sor.u32 s3, s28;
	s3 =	sld [smem:$0x7DE]  }
0x3d7: {  	v1 =	vadd.f32 v5, v1;
	s29 =	smov.u32 s25;
	s31 =	simm.s32 $0x300;
	s21 =	simm.s32 $0x200  }
0x3d8: {  	s28 =	simm.s32 $0x200;
	s26 =	simm.s32 $0x40;
	[dreg:$0x6] =	wrdreg s21  }
0x3d9: {  	s7 =	sor.u32 $0x380, s19;
	s19 =	simm.s32 $0x60;
	s0 =	sor.u32 s28, s26;
	[tilespmem:s3+$0x0] =	vst v1  }
0x3da: {  	v5 =	vadd.f32 v12, v10;
	s20 =	simm.s32 $0x300;
	v62 =	vld [tilespmem:s5+$0x0];
	s0 =	sor.u32 $0x380, s0;
	[dreg:$0xd] =	wrdreg s7  }
0x3db: {  	s21 =	smov.u32 s16;
	[dreg:$0xb] =	wrdreg s0;
	s0 =	sor.u32 s20, s19  }
0x3dc: {  	v7 =	vadd.f32 v9, v0;
	s16 =	sor.u32 s16, s12;
	s26 =	sor.u32 $0xA100, s10;
	[tilespmem:s18+$0x0] =	vst v5;
	s0 =	sor.u32 $0x380, s0  }
0x3dd: {  	s12 =	sor.u32 $0xE200, s24;
	s28 =	simm.s32 $0x300;
	v1 =	vld [tilespmem:s8+$0x12000];
	[dreg:$0xc] =	wrdreg s0  }
0x3de: {  	s3 =	sor.u32 s25, s30;
	s25 =	sor.u32 s25, s23;
	s23 =	smov.u32 s14;
	[tilespmem:s1+$0x0] =	vst v7  }
0x3df: {  	v9 =	vadd.f32 v60, v8;
	s14 =	smov.u32 s5;
	s0 =	sor.u32 s21, s13;
	v5 =	vld [tilespmem:s8+$0x8000];
	[dreg:$0x14] =	wrdreg s25  }
0x3e0: {  	v63 =	vadd.f32 v61, v3;
	s30 =	smov.u32 s9;
	s19 =	smov.u32 s21;
	[dreg:$0x1f] =	wrdreg s0  }
0x3e1: {  	s20 =	smov.u32 s10;
	s10 =	smov.u32 s6;
	s7 =	sor.u32 s6, s26;
	v7 =	vld [tilespmem:s9+$0x12100];
	[tilespmem:s4+$0x8100] =	vst v9  }
0x3e2: {  	s13 =	smov.u32 s4;
	s0 =	sor.u32 s15, s26;
	s26 =	simm.s32 $0x6;
	v10 =	vld [tilespmem:s9+$0x8100];
	[tilespmem:s23+$0x8200] =	vst v63  }
0x3e3: {  	s9 =	smov.u32 s15;
	v9 =	vadd.f32 v6, v4;
	v6 =	vadd.f32 v62, v2;
	s4 =	simm.s32 $0x80;
	v11 =	vld [tilespmem:s7+$0x0];
	[dreg:$0x12] =	wrdreg s28  }
.LBB2_5:
0x3e4: {  	[smem:$0x7D9] =	sst s23  }
0x3e5: {  	[dreg:$0x18] =	wrdreg s4;
	s21 =	sand.u32 $0x60, s4;
	s5 =	sadd.s32 $0x100, s31  }
0x3e6: {  	v12 =	vld [tilespmem:s16+$0x0];
	s4 =	smov.u32 s17;
	s23 =	sor.u32 s17, s12;
	s25 =	rddreg [dreg:$0x4];
	[tilespmem:s11+$0x0] =	vst v9  }
0x3e7: {  	s31 =	rddreg [dreg:$0xe];
	s17 =	sand.u32 $0x1C00, s5;
	s1 =	sor.u32 $0x10, s21;
	[tilespmem:s14+$0x0] =	vst v6;
	v9 =	vld [tilespmem:s23+$0x0];
	v5 =	vadd.f32 v5, v1  }
0x3e8: {  	s28 =	sor.u32 $0xA380, s25;
	s14 =	rddreg [dreg:$0x18];
	s18 =	sor.u32 s17, s1;
	v13 =	vld [tilespmem:s3+$0x0]  }
0x3e9: {  	s24 =	sor.u32 s5, s14;
	s14 =	sor.u32 s31, s28;
	v6 =	vld [tilespmem:s18+$0x12000];
	v10 =	vadd.f32 v10, v7;
	[tilespmem:s8+$0x8000] =	vst v5  }
0x3ea: {  	v11 =	vadd.f32 v11, v8;
	v14 =	vld [tilespmem:s14+$0x0]  }
0x3eb: {  	s15 =	smov.u32 s19;
	s6 =	sor.u32 s19, s12;
	s11 =	sor.u32 s21, s17;
	v15 =	vld [tilespmem:s18+$0x8000];
	[tilespmem:s30+$0x8100] =	vst v10;
	v10 =	vadd.f32 v12, v3  }
0x3ec: {  	s19 =	sor.u32 s29, s28;
	s28 =	sor.u32 $0xC100, s20;
	s24 =	sor.u32 $0x380, s24;
	[tilespmem:s7+$0x0] =	vst v11;
	v4 =	vadd.f32 v9, v4  }
0x3ed: {  	[dreg:$0x1e] =	wrdreg s24;
	s24 =	sor.u32 s10, s28;
	v5 =	vld [tilespmem:s11+$0x12000];
	[tilespmem:s16+$0x0] =	vst v10;
	v10 =	vadd.f32 v13, v2  }
0x3ee: {  	v9 =	vld [tilespmem:s24+$0x0];
	[tilespmem:s23+$0x0] =	vst v4  }
0x3ef: {  	v11 =	vld [tilespmem:s11+$0x8000];
	[tilespmem:s3+$0x0] =	vst v10;
	v10 =	vadd.f32 v14, v1  }
0x3f0: {  	s26 =	sadd.s32 $0x2, s26;
	[smem:$0x7D8] =	sst s6;
	s6 =	smov.u32 s29;
	v4 =	vld [tilespmem:s22+$0x12280];
	v40 =	vadd.f32 v15, v6  }
0x3f1: {  	[dreg:$0x16] =	wrdreg s26;
	p0 =	slt.u32 s26, $0x3E;
	s16 =	sor.u32 $0xC380, s25;
	v41 =	vld [tilespmem:s22+$0x8280];
	[tilespmem:s14+$0x0] =	vst v10  }
0x3f2: {  	s8 =	smov.u32 s22;
	s22 =	sor.u32 $0xA000, s17;
	v42 =	vld [tilespmem:s0+$0x0];
	s14 =	sor.u32 s31, s16;
	[tilespmem:s18+$0x8000] =	vst v40  }
0x3f3: {  	[dreg:$0x1c] =	wrdreg s19;
	s23 =	sor.u32 s29, s16;
	s29 =	sor.u32 s1, s22;
	v9 =	vadd.f32 v9, v8;
	v10 =	vld [tilespmem:s14+$0x0]  }
0x3f4: {  	s19 =	smov.u32 s30;
	s3 =	smov.u32 s15;
	s15 =	rddreg [dreg:$0x1f];
	v12 =	vld [tilespmem:s29+$0x0]  }
0x3f5: {  	s12 =	sor.u32 s9, s28;
	s28 =	sor.u32 $0xE100, s20;
	s30 =	rddreg [dreg:$0x14];
	v11 =	vadd.f32 v11, v5;
	[tilespmem:s24+$0x0] =	vst v9;
	v9 =	vld [tilespmem:s15+$0x0]  }
0x3f6: {  	s26 =	smov.u32 s25;
	s25 =	sor.u32 s10, s28;
	[dreg:$0x1a] =	wrdreg s23;
	v13 =	vadd.f32 v41, v4  }
0x3f7: {  	s7 =	sor.u32 s21, s22;
	s24 =	smov.u32 s6;
	s6 =	sor.u32 $0xA280, s2;
	[tilespmem:s11+$0x8000] =	vst v11;
	v11 =	vld [tilespmem:s25+$0x0];
	v14 =	vadd.f32 v42, v7  }
0x3f8: {  	s23 =	sor.u32 s9, s28;
	s28 =	smov.u32 s2;
	s2 =	sor.u32 s3, s6;
	v43 =	vld [tilespmem:s7+$0x0];
	[tilespmem:s8+$0x8280] =	vst v13;
	v10 =	vadd.f32 v10, v1  }
0x3f9: {  	[smem:$0x7DA] =	sst s2;
	s2 =	sor.u32 s4, s6;
	v44 =	vld [tilespmem:s30+$0x0];
	[tilespmem:s0+$0x0] =	vst v14;
	v12 =	vadd.f32 v12, v6  }
0x3fa: {  	s8 =	smov.u32 s13;
	s13 =	sor.u32 $0xE380, s26;
	v45 =	vld [tilespmem:s2+$0x0];
	v9 =	vadd.f32 v9, v3;
	[tilespmem:s14+$0x0] =	vst v10  }
0x3fb: {  	s26 =	sor.u32 $0xC000, s17;
	v16 =	vld [tilespmem:s12+$0x0];
	s14 =	sor.u32 s31, s13;
	[tilespmem:s29+$0x0] =	vst v12  }
0x3fc: {  	v8 =	vadd.f32 v11, v8;
	[tilespmem:s15+$0x0] =	vst v9;
	s15 =	smov.u32 s17;
	s17 =	sld [smem:$0x7D8];
	s29 =	sor.u32 s1, s26;
	v10 =	vld [tilespmem:s14+$0x0]  }
0x3fd: {  	v11 =	vadd.f32 v43, v5;
	v12 =	vld [tilespmem:s29+$0x0]  }
0x3fe: {  	s22 =	smov.u32 s28;
	v2 =	vadd.f32 v44, v2;
	[tilespmem:s25+$0x0] =	vst v8  }
0x3ff: {  	s28 =	smov.u32 s20;
	s20 =	sor.u32 $0xC280, s22;
	v9 =	vld [tilespmem:s17+$0x0];
	[tilespmem:s7+$0x0] =	vst v11;
	v11 =	vadd.f32 v45, v4  }
0x400: {  	s6 =	smov.u32 s21;
	s16 =	sor.u32 s24, s13;
	s24 =	sor.u32 s21, s26;
	v46 =	vadd.f32 v16, v7;
	v8 =	vld [tilespmem:s8+$0x12180];
	[tilespmem:s30+$0x0] =	vst v2  }
0x401: {  	s0 =	smov.u32 s3;
	s13 =	smov.u32 s9;
	s31 =	smov.u32 s4;
	v47 =	vld [tilespmem:s8+$0x8180];
	[tilespmem:s2+$0x0] =	vst v11;
	v1 =	vadd.f32 v10, v1  }
0x402: {  	s9 =	smov.u32 s0;
	s25 =	smov.u32 s1;
	s1 =	sor.u32 s31, s20;
	v2 =	vld [tilespmem:s24+$0x0];
	[tilespmem:s12+$0x0] =	vst v46;
	v10 =	vadd.f32 v12, v6  }
0x403: {  	s0 =	sor.u32 s0, s20;
	s20 =	smov.u32 s13;
	s13 =	sld [smem:$0x7D9];
	v11 =	vld [tilespmem:s1+$0x0];
	[tilespmem:s14+$0x0] =	vst v1  }
0x404: {  	s21 =	sor.u32 $0xE000, s15;
	v48 =	vld [tilespmem:s23+$0x0];
	v3 =	vadd.f32 v9, v3;
	[tilespmem:s29+$0x0] =	vst v10;
	s29 =	smov.u32 s22;
	s22 =	rddreg [dreg:$0xd]  }
0x405: {  	s3 =	sor.u32 s25, s21;
	v9 =	vld [tilespmem:s22+$0x12000]  }
0x406: {  	v10 =	vadd.f32 v47, v8;
	v1 =	vld [tilespmem:s3+$0x0];
	[tilespmem:s17+$0x0] =	vst v3  }
0x407: {  	s4 =	smov.u32 s10;
	s10 =	sor.u32 $0xA180, s28;
	v3 =	vadd.f32 v2, v5;
	v2 =	vld [tilespmem:s13+$0x12280]  }
0x408: {  	s26 =	smov.u32 s18;
	s18 =	sor.u32 s4, s10;
	v11 =	vadd.f32 v11, v4;
	[tilespmem:s8+$0x8180] =	vst v10;
	v10 =	vld [tilespmem:s13+$0x8280]  }
0x409: {  	s7 =	sor.u32 s6, s21;
	s21 =	sor.u32 $0xE280, s29;
	[tilespmem:s24+$0x0] =	vst v3;
	v3 =	vadd.f32 v48, v7;
	v7 =	vld [tilespmem:s18+$0x0]  }
0x40a: {  	s14 =	sor.u32 s31, s21;
	[tilespmem:s1+$0x0] =	vst v11;
	v49 =	vld [tilespmem:s7+$0x0]  }
0x40b: {  	s12 =	sld [smem:$0x7DA];
	v11 =	vld [tilespmem:s14+$0x0];
	[tilespmem:s23+$0x0] =	vst v3;
	v1 =	vadd.f32 v1, v6  }
0x40c: {  	s17 =	sor.u32 s20, s10;
	s23 =	rddreg [dreg:$0xa];
	v3 =	vld [tilespmem:s19+$0x12180]  }
0x40d: {  	s2 =	sor.u32 s9, s21;
	s24 =	sor.u32 $0xC180, s28;
	v13 =	vld [tilespmem:s19+$0x8180];
	s1 =	sadd.s32 $0x1, s23;
	[tilespmem:s3+$0x0] =	vst v1;
	v1 =	vadd.f32 v10, v2  }
0x40e: {  	s21 =	sor.u32 s4, s24;
	[dreg:$0xa] =	wrdreg s1;
	s1 =	sand.u32 $0x3, s1;
	v7 =	vadd.f32 v7, v8;
	v6 =	vld [tilespmem:s26+$0x12080]  }
0x40f: {  	s10 =	sshll.u32 s1, $0x5;
	s1 =	sor.u32 s20, s24;
	s24 =	rddreg [dreg:$0x6];
	v5 =	vadd.f32 v49, v5;
	v10 =	vld [tilespmem:s26+$0x8080];
	[tilespmem:s13+$0x8280] =	vst v1  }
0x410: {  	s3 =	sadd.s32 s10, s24;
	v4 =	vadd.f32 v11, v4;
	[tilespmem:s18+$0x0] =	vst v7  }
0x411: {  	s10 =	sadd.s32 $0x10, s3;
	v7 =	vld [tilespmem:s12+$0x0];
	[tilespmem:s7+$0x0] =	vst v5  }
0x412: {  	v11 =	vld [tilespmem:s21+$0x0];
	[tilespmem:s14+$0x0] =	vst v4;
	s7 =	sor.u32 $0x300, s10  }
0x413: {  	v5 =	vld [tilespmem:s7+$0x12000]  }
0x414: {  	s24 =	smov.u32 s5;
	s18 =	rddreg [dreg:$0x12];
	v50 =	vadd.f32 v13, v3;
	v4 =	vadd.f32 v10, v6;
	v10 =	vld [tilespmem:s7+$0x8000]  }
0x415: {  	s23 =	smov.u32 s19;
	[dreg:$0x12] =	wrdreg s24;
	s24 =	smov.u32 s11;
	v1 =	vld [tilespmem:s11+$0x12080]  }
0x416: {  	s14 =	sor.u32 $0xA080, s15;
	v51 =	vld [tilespmem:s24+$0x8080];
	[tilespmem:s23+$0x8180] =	vst v50;
	v7 =	vadd.f32 v7, v2  }
0x417: {  	s19 =	smov.u32 s18;
	s18 =	sor.u32 s6, s14;
	s14 =	sor.u32 s25, s14;
	[tilespmem:s26+$0x8080] =	vst v4;
	v4 =	vld [tilespmem:s17+$0x0];
	v11 =	vadd.f32 v11, v8  }
0x418: {  	[dreg:$0x6] =	wrdreg s19;
	s19 =	sor.u32 $0xE180, s28;
	v52 =	vld [tilespmem:s14+$0x0];
	[tilespmem:s12+$0x0] =	vst v7  }
0x419: {  	s30 =	smov.u32 s31;
	s12 =	sor.u32 s20, s19;
	[tilespmem:s21+$0x0] =	vst v11;
	s19 =	sor.u32 s4, s19;
	v7 =	vld [tilespmem:s0+$0x0];
	v10 =	vadd.f32 v10, v5  }
0x41a: {  	s31 =	smov.u32 s5;
	s13 =	sor.u32 $0x300, s3;
	s3 =	sor.u32 $0xA300, s29;
	v11 =	vld [tilespmem:s19+$0x0]  }
0x41b: {  	s5 =	sor.u32 s9, s3;
	v12 =	vadd.f32 v51, v1;
	v53 =	vld [tilespmem:s22+$0x8000];
	[tilespmem:s7+$0x8000] =	vst v10;
	s7 =	sor.u32 s30, s3;
	s3 =	rddreg [dreg:$0x7]  }
0x41c: {  	v4 =	vadd.f32 v4, v3;
	v10 =	vld [tilespmem:s3+$0x0]  }
0x41d: {  	[tilespmem:s24+$0x8080] =	vst v12;
	v54 =	vadd.f32 v52, v6;
	v55 =	vld [tilespmem:s7+$0x0]  }
0x41e: {  	v56 =	vld [tilespmem:s18+$0x0];
	[tilespmem:s17+$0x0] =	vst v4;
	v4 =	vadd.f32 v7, v2  }
0x41f: {  	s11 =	sor.u32 $0xC080, s15;
	[tilespmem:s14+$0x0] =	vst v54;
	v8 =	vadd.f32 v11, v8  }
0x420: {  	s17 =	sor.u32 s6, s11;
	s14 =	sor.u32 s25, s11;
	v7 =	vld [tilespmem:s1+$0x0];
	s11 =	rddreg [dreg:$0xb];
	[tilespmem:s0+$0x0] =	vst v4  }
0x421: {  	s21 =	rddreg [dreg:$0xc];
	v57 =	vadd.f32 v53, v9;
	v11 =	vld [tilespmem:s14+$0x0];
	[tilespmem:s19+$0x0] =	vst v8;
	s19 =	smov.u32 s11;
	s11 =	smov.u32 s16  }
0x422: {  	v8 =	vld [tilespmem:s2+$0x0];
	v10 =	vadd.f32 v10, v0;
	[dreg:$0x7] =	wrdreg s11  }
0x423: {  	v0 =	vmov v9;
	v4 =	vld [tilespmem:s8+$0x12200];
	v9 =	vadd.f32 v55, v5;
	[tilespmem:s22+$0x8000] =	vst v57;
	s22 =	smov.u32 s21;
	s11 =	rddreg [dreg:$0x1c]  }
0x424: {  	v59 =	vld [tilespmem:s8+$0x8200];
	[dreg:$0xb] =	wrdreg s22;
	v58 =	vadd.f32 v56, v1;
	s22 =	sor.u32 $0xC300, s29;
	[tilespmem:s3+$0x0] =	vst v10  }
0x425: {  	[dreg:$0xd] =	wrdreg s19;
	v7 =	vadd.f32 v7, v3;
	[tilespmem:s7+$0x0] =	vst v9;
	s7 =	sor.u32 s30, s22;
	v9 =	vld [tilespmem:s11+$0x0]  }
0x426: {  	s19 =	rddreg [dreg:$0x1e];
	[tilespmem:s18+$0x0] =	vst v58;
	v10 =	vadd.f32 v11, v6;
	v11 =	vld [tilespmem:s7+$0x0]  }
0x427: {  	s21 =	smov.u32 s19;
	s19 =	sor.u32 $0xE080, s15;
	v12 =	vld [tilespmem:s17+$0x0];
	[tilespmem:s1+$0x0] =	vst v7;
	v2 =	vadd.f32 v8, v2  }
0x428: {  	[dreg:$0x4] =	wrdreg s29;
	s1 =	sor.u32 s25, s19;
	[tilespmem:s14+$0x0] =	vst v10;
	v7 =	vld [tilespmem:s12+$0x0]  }
0x429: {  	[dreg:$0xc] =	wrdreg s21;
	v10 =	vadd.f32 v59, v4;
	v8 =	vld [tilespmem:s1+$0x0];
	[tilespmem:s2+$0x0] =	vst v2  }
0x42a: {  	s3 =	sor.u32 s9, s22;
	s0 =	sor.u32 s6, s19;
	s21 =	sor.u32 $0xA200, s28;
	v2 =	vld [tilespmem:s13+$0x12000];
	v9 =	vadd.f32 v9, v0  }
0x42b: {  	s22 =	smov.u32 s8;
	s14 =	sor.u32 s4, s21;
	[tilespmem:s8+$0x8200] =	vst v10;
	s8 =	sor.u32 $0xE300, s29;
	v10 =	vld [tilespmem:s13+$0x8000];
	v11 =	vadd.f32 v11, v5  }
0x42c: {  	s29 =	smov.u32 s9;
	v60 =	vld [tilespmem:s14+$0x0];
	s19 =	sor.u32 s9, s8;
	s9 =	rddreg [dreg:$0x1a];
	v12 =	vadd.f32 v12, v1;
	[tilespmem:s11+$0x0] =	vst v9  }
0x42d: {  	s16 =	sor.u32 s20, s21;
	s21 =	sor.u32 s30, s8;
	v3 =	vadd.f32 v7, v3;
	[tilespmem:s7+$0x0] =	vst v11;
	v7 =	vld [tilespmem:s9+$0x0]  }
0x42e: {  	[tilespmem:s17+$0x0] =	vst v12;
	v6 =	vadd.f32 v8, v6;
	v9 =	vld [tilespmem:s21+$0x0]  }
0x42f: {  	v11 =	vld [tilespmem:s0+$0x0];
	[tilespmem:s12+$0x0] =	vst v3  }
0x430: {  	[tilespmem:s1+$0x0] =	vst v6;
	v3 =	vld [tilespmem:s23+$0x12200];
	v6 =	vadd.f32 v10, v2  }
0x431: {  	v10 =	vadd.f32 v60, v4;
	v8 =	vld [tilespmem:s26+$0x12100]  }
0x432: {  	s12 =	sor.u32 $0xC200, s28;
	v61 =	vld [tilespmem:s26+$0x8100];
	[tilespmem:s13+$0x8000] =	vst v6;
	v6 =	vadd.f32 v7, v0  }
0x433: {  	[dreg:$0xe] =	wrdreg s30;
	s11 =	sor.u32 s4, s12;
	[tilespmem:s14+$0x0] =	vst v10;
	v62 =	vld [tilespmem:s23+$0x8200];
	v5 =	vadd.f32 v9, v5  }
0x434: {  	s18 =	rddreg [dreg:$0x18];
	s2 =	smov.u32 s28;
	s8 =	sor.u32 $0x380, s10;
	v9 =	vld [tilespmem:s11+$0x0];
	v1 =	vadd.f32 v11, v1;
	[tilespmem:s9+$0x0] =	vst v6  }
0x435: {  	s30 =	smov.u32 s24;
	s10 =	smov.u32 s25;
	[dreg:$0x14] =	wrdreg s19;
	[tilespmem:s21+$0x0] =	vst v5;
	v6 =	vld [tilespmem:s5+$0x0]  }
.Ltmp3:
0x436: {  	s19 =	smov.u32 s20;
	s17 =	sor.u32 s20, s12;
	[tilespmem:s0+$0x0] =	vst v1;
	v1 =	vld [tilespmem:s8+$0x12000];
	(pc) =	sbr.rel @p0 .LBB2_5-.Ltmp3, $4  }
0x437: {  	s20 =	smov.u32 s15;
	s12 =	sor.u32 $0xE200, s28;
	[dreg:$0x1f] =	wrdreg s17;
	v11 =	vadd.f32 v61, v8;
	v5 =	vld [tilespmem:s8+$0x8000]  }
0x438: {  	s17 =	smov.u32 s4;
	s4 =	sadd.s32 $0x20, s18;
	s21 =	sor.u32 $0xA100, s15;
	v7 =	vld [tilespmem:s24+$0x12100];
	v63 =	vadd.f32 v62, v3  }
0x439: {  	s14 =	smov.u32 s5;
	s13 =	smov.u32 s26;
	s7 =	sor.u32 s25, s21;
	v10 =	vld [tilespmem:s24+$0x8100];
	[tilespmem:s26+$0x8100] =	vst v11  }
0x43a: {  	s9 =	smov.u32 s6;
	s0 =	sor.u32 s6, s21;
	s26 =	rddreg [dreg:$0x16];
	v9 =	vadd.f32 v9, v4;
	v11 =	vld [tilespmem:s7+$0x0];
	[tilespmem:s23+$0x8200] =	vst v63;
	v6 =	vadd.f32 v6, v2  }
0x43b: {  	_ =	sdelay $0x2  }
0x43c: {  	v10 =	vadd.f32 v10, v7;
	_ =	sdelay $0x1  }
0x43d: {  	[tilespmem:s30+$0x8100] =	vst v10  }
0x43e: {  	v10 =	vld [tilespmem:s0+$0x0];
	_ =	sdelay $0x2  }
0x43f: {  	v11 =	vadd.f32 v11, v8  }
0x440: {  	s1 =	sor.u32 $0xC100, s20  }
0x441: {  	s4 =	sor.u32 s10, s1;
	[tilespmem:s7+$0x0] =	vst v11;
	v10 =	vadd.f32 v10, v7  }
0x442: {  	v11 =	vld [tilespmem:s4+$0x0]  }
0x443: {  	s5 =	sor.u32 s9, s1;
	[tilespmem:s0+$0x0] =	vst v10  }
0x444: {  	v10 =	vld [tilespmem:s5+$0x0];
	_ =	sdelay $0x2  }
0x445: {  	s18 =	smov.u32 s20;
	v11 =	vadd.f32 v11, v8  }
0x446: {  	s6 =	sor.u32 $0xE100, s18  }
0x447: {  	s21 =	sor.u32 s10, s6;
	[tilespmem:s4+$0x0] =	vst v11;
	v10 =	vadd.f32 v10, v7  }
0x448: {  	v11 =	vld [tilespmem:s21+$0x0]  }
0x449: {  	s24 =	sor.u32 s9, s6;
	[tilespmem:s5+$0x0] =	vst v10  }
0x44a: {  	v10 =	vld [tilespmem:s24+$0x0];
	_ =	sdelay $0x2  }
0x44b: {  	v63 =	vadd.f32 v11, v8;
	_ =	sdelay $0x1  }
0x44c: {  	[tilespmem:s21+$0x0] =	vst v63;
	v12 =	vadd.f32 v10, v7  }
0x44d: {  	v8 =	vld [tilespmem:s13+$0x12180]  }
0x44e: {  	v13 =	vld [tilespmem:s13+$0x8180];
	[tilespmem:s24+$0x0] =	vst v12  }
0x44f: {  	v14 =	vld [tilespmem:s30+$0x12180]  }
0x450: {  	v15 =	vld [tilespmem:s30+$0x8180];
	_ =	sdelay $0x2  }
0x451: {  	v7 =	vadd.f32 v13, v8  }
0x452: {  	s15 =	smov.u32 s10;
	s25 =	sor.u32 $0xA180, s18  }
0x453: {  	s26 =	sor.u32 s15, s25;
	[tilespmem:s13+$0x8180] =	vst v7;
	v16 =	vadd.f32 v15, v14  }
0x454: {  	v17 =	vld [tilespmem:s26+$0x0]  }
0x455: {  	s0 =	sor.u32 s9, s25;
	[tilespmem:s30+$0x8180] =	vst v16  }
0x456: {  	v7 =	vld [tilespmem:s0+$0x0];
	_ =	sdelay $0x2  }
0x457: {  	v11 =	vadd.f32 v17, v8  }
0x458: {  	s28 =	sor.u32 $0xC180, s18  }
0x459: {  	s31 =	sor.u32 s15, s28;
	[tilespmem:s26+$0x0] =	vst v11;
	v7 =	vadd.f32 v7, v14  }
0x45a: {  	v11 =	vld [tilespmem:s31+$0x0]  }
0x45b: {  	s4 =	sor.u32 s9, s28;
	[tilespmem:s0+$0x0] =	vst v7  }
0x45c: {  	v7 =	vld [tilespmem:s4+$0x0];
	_ =	sdelay $0x2  }
0x45d: {  	v11 =	vadd.f32 v11, v8  }
0x45e: {  	s5 =	sor.u32 $0xE180, s18  }
0x45f: {  	s6 =	sor.u32 s15, s5;
	[tilespmem:s31+$0x0] =	vst v11;
	v7 =	vadd.f32 v7, v14  }
0x460: {  	v11 =	vld [tilespmem:s6+$0x0]  }
0x461: {  	s7 =	sor.u32 s9, s5;
	[tilespmem:s4+$0x0] =	vst v7  }
0x462: {  	v7 =	vld [tilespmem:s7+$0x0];
	_ =	sdelay $0x2  }
0x463: {  	v8 =	vadd.f32 v11, v8;
	_ =	sdelay $0x1  }
0x464: {  	[tilespmem:s6+$0x0] =	vst v8;
	v7 =	vadd.f32 v7, v14  }
0x465: {  	v8 =	vld [tilespmem:s13+$0x12200]  }
0x466: {  	v18 =	vld [tilespmem:s13+$0x8200];
	[tilespmem:s7+$0x0] =	vst v7  }
0x467: {  	v19 =	vld [tilespmem:s30+$0x12200]  }
0x468: {  	v20 =	vld [tilespmem:s30+$0x8200]  }
0x469: {  	v12 =	vld [tilespmem:s16+$0x0];
	_ =	sdelay $0x1  }
0x46a: {  	v7 =	vadd.f32 v18, v8  }
0x46b: {  	s10 =	sor.u32 $0xA200, s18  }
0x46c: {  	s21 =	sor.u32 s15, s10;
	[tilespmem:s13+$0x8200] =	vst v7;
	v21 =	vadd.f32 v20, v19  }
0x46d: {  	v12 =	vadd.f32 v12, v3;
	v22 =	vld [tilespmem:s21+$0x0]  }
0x46e: {  	s0 =	sor.u32 s9, s10;
	[tilespmem:s30+$0x8200] =	vst v21  }
0x46f: {  	[tilespmem:s16+$0x0] =	vst v12;
	v7 =	vld [tilespmem:s0+$0x0]  }
0x470: {  	s4 =	rddreg [dreg:$0x1f]  }
0x471: {  	v12 =	vld [tilespmem:s4+$0x0]  }
0x472: {  	v11 =	vadd.f32 v22, v8  }
0x473: {  	s24 =	sor.u32 $0xC200, s18  }
0x474: {  	s25 =	sor.u32 s15, s24;
	[tilespmem:s21+$0x0] =	vst v11;
	v7 =	vadd.f32 v7, v19  }
0x475: {  	s28 =	sor.u32 s17, s12;
	[tilespmem:s11+$0x0] =	vst v9;
	v11 =	vld [tilespmem:s25+$0x0]  }
0x476: {  	s26 =	sor.u32 s9, s24;
	v24 =	vld [tilespmem:s28+$0x0];
	v23 =	vadd.f32 v12, v3;
	[tilespmem:s0+$0x0] =	vst v7  }
0x477: {  	v7 =	vld [tilespmem:s26+$0x0]  }
0x478: {  	s31 =	sor.u32 s19, s12;
	[tilespmem:s4+$0x0] =	vst v23  }
0x479: {  	v26 =	vld [tilespmem:s31+$0x0]  }
0x47a: {  	v25 =	vadd.f32 v11, v8  }
0x47b: {  	v4 =	vadd.f32 v24, v4;
	s4 =	sor.u32 $0xE200, s18  }
0x47c: {  	[tilespmem:s25+$0x0] =	vst v25;
	s5 =	sor.u32 s15, s4;
	v7 =	vadd.f32 v7, v19  }
0x47d: {  	s20 =	smov.u32 s14;
	s14 =	smov.u32 s9;
	[tilespmem:s28+$0x0] =	vst v4;
	v9 =	vld [tilespmem:s5+$0x0]  }
0x47e: {  	s6 =	sor.u32 s14, s4;
	v4 =	vld [tilespmem:s22+$0x12280];
	v27 =	vadd.f32 v26, v3;
	[tilespmem:s26+$0x0] =	vst v7  }
0x47f: {  	v7 =	vld [tilespmem:s6+$0x0]  }
0x480: {  	v28 =	vld [tilespmem:s22+$0x8280];
	[tilespmem:s31+$0x0] =	vst v27  }
0x481: {  	v29 =	vld [tilespmem:s23+$0x12280]  }
0x482: {  	v8 =	vadd.f32 v9, v8;
	v30 =	vld [tilespmem:s23+$0x8280];
	_ =	sdelay $0x1  }
0x483: {  	[tilespmem:s5+$0x0] =	vst v8;
	v7 =	vadd.f32 v7, v19  }
0x484: {  	v31 =	vld [tilespmem:s13+$0x12280]  }
0x485: {  	v3 =	vadd.f32 v28, v4;
	v32 =	vld [tilespmem:s13+$0x8280];
	[tilespmem:s6+$0x0] =	vst v7  }
0x486: {  	s7 =	sor.u32 $0xA280, s2;
	v34 =	vadd.f32 v30, v29;
	v7 =	vld [tilespmem:s30+$0x12280]  }
0x487: {  	s9 =	sor.u32 s17, s7;
	[tilespmem:s22+$0x8280] =	vst v3;
	v33 =	vld [tilespmem:s30+$0x8280]  }
0x488: {  	s0 =	sor.u32 s19, s7;
	v35 =	vld [tilespmem:s9+$0x0];
	[tilespmem:s23+$0x8280] =	vst v34  }
0x489: {  	v37 =	vld [tilespmem:s0+$0x0]  }
0x48a: {  	v36 =	vadd.f32 v32, v31  }
0x48b: {  	s10 =	sor.u32 $0xA280, s18  }
0x48c: {  	s11 =	sor.u32 s15, s10;
	[tilespmem:s13+$0x8280] =	vst v36;
	v38 =	vadd.f32 v33, v7  }
0x48d: {  	s4 =	smov.u32 s2;
	v8 =	vadd.f32 v35, v4;
	v39 =	vld [tilespmem:s11+$0x0]  }
0x48e: {  	s2 =	sor.u32 s14, s10;
	s12 =	sor.u32 $0xC280, s4;
	v40 =	vadd.f32 v37, v29;
	[tilespmem:s30+$0x8280] =	vst v38  }
0x48f: {  	[tilespmem:s9+$0x0] =	vst v8;
	s13 =	sor.u32 s17, s12;
	v3 =	vld [tilespmem:s2+$0x0]  }
0x490: {  	s9 =	sor.u32 s19, s12;
	v41 =	vld [tilespmem:s13+$0x0];
	[tilespmem:s0+$0x0] =	vst v40  }
0x491: {  	v43 =	vld [tilespmem:s9+$0x0]  }
0x492: {  	v42 =	vadd.f32 v39, v31  }
0x493: {  	s16 =	sor.u32 $0xC280, s18  }
0x494: {  	s21 =	sor.u32 s15, s16;
	[tilespmem:s11+$0x0] =	vst v42;
	v3 =	vadd.f32 v3, v7  }
0x495: {  	v11 =	vadd.f32 v41, v4;
	v8 =	vld [tilespmem:s21+$0x0]  }
0x496: {  	s22 =	sor.u32 $0xE280, s4;
	s0 =	sor.u32 s14, s16;
	v44 =	vadd.f32 v43, v29;
	[tilespmem:s2+$0x0] =	vst v3  }
0x497: {  	s23 =	sor.u32 s17, s22;
	[tilespmem:s13+$0x0] =	vst v11;
	v3 =	vld [tilespmem:s0+$0x0]  }
0x498: {  	s24 =	sor.u32 s19, s22;
	v45 =	vld [tilespmem:s23+$0x0];
	[tilespmem:s9+$0x0] =	vst v44  }
0x499: {  	v11 =	vld [tilespmem:s24+$0x0]  }
0x49a: {  	v8 =	vadd.f32 v8, v31;
	s25 =	rddreg [dreg:$0xa]  }
0x49b: {  	s28 =	sor.u32 $0xE280, s18;
	s26 =	sadd.s32 $0x1, s25  }
0x49c: {  	s31 =	sor.u32 s15, s28;
	[tilespmem:s21+$0x0] =	vst v8;
	s30 =	sand.u32 $0x3, s26;
	v3 =	vadd.f32 v3, v7  }
0x49d: {  	v4 =	vadd.f32 v45, v4;
	v8 =	vld [tilespmem:s31+$0x0];
	s5 =	rddreg [dreg:$0x6];
	s7 =	sshll.u32 s30, $0x5  }
0x49e: {  	s10 =	sor.u32 s14, s28;
	s7 =	sadd.s32 s7, s5;
	v46 =	vadd.f32 v11, v29;
	[tilespmem:s0+$0x0] =	vst v3  }
0x49f: {  	[tilespmem:s23+$0x0] =	vst v4;
	s9 =	sadd.s32 $0x1, s26;
	s0 =	sadd.s32 $0x10, s7;
	v3 =	vld [tilespmem:s10+$0x0]  }
0x4a0: {  	s9 =	sand.u32 $0x3, s9;
	s6 =	sor.u32 $0x300, s0;
	[tilespmem:s24+$0x0] =	vst v46  }
0x4a1: {  	s1 =	sshll.u32 s9, $0x5;
	v47 =	vld [tilespmem:s6+$0x12000];
	s5 =	rddreg [dreg:$0x12]  }
0x4a2: {  	s2 =	sor.u32 $0x300, s7;
	v8 =	vadd.f32 v8, v31;
	v48 =	vld [tilespmem:s6+$0x8000];
	s13 =	sadd.s32 s1, s5  }
0x4a3: {  	v49 =	vld [tilespmem:s2+$0x12000];
	s1 =	sadd.s32 $0x10, s13  }
0x4a4: {  	v50 =	vld [tilespmem:s2+$0x8000];
	[tilespmem:s31+$0x0] =	vst v8;
	s16 =	sor.u32 $0x300, s1;
	v3 =	vadd.f32 v3, v7  }
0x4a5: {  	v51 =	vld [tilespmem:s16+$0x12000]  }
0x4a6: {  	s7 =	sor.u32 $0x300, s13;
	v8 =	vld [tilespmem:s16+$0x8000];
	[tilespmem:s10+$0x0] =	vst v3  }
0x4a7: {  	v52 =	vadd.f32 v48, v47;
	v53 =	vld [tilespmem:s7+$0x12000]  }
0x4a8: {  	s21 =	sor.u32 $0xA300, s4;
	v54 =	vld [tilespmem:s7+$0x8000]  }
0x4a9: {  	s22 =	sor.u32 s17, s21;
	v55 =	vadd.f32 v50, v49;
	[tilespmem:s6+$0x8000] =	vst v52  }
0x4aa: {  	v56 =	vld [tilespmem:s22+$0x0]  }
0x4ab: {  	s10 =	sor.u32 s19, s21;
	[tilespmem:s2+$0x8000] =	vst v55;
	v57 =	vadd.f32 v8, v51  }
0x4ac: {  	s23 =	sor.u32 $0xA300, s18;
	[tilespmem:s20+$0x0] =	vst v6;
	v58 =	vld [tilespmem:s10+$0x0]  }
0x4ad: {  	s24 =	sor.u32 s15, s23;
	v61 =	vld [tilespmem:s3+$0x0];
	[tilespmem:s16+$0x8000] =	vst v57;
	v59 =	vadd.f32 v54, v53  }
0x4ae: {  	v60 =	vld [tilespmem:s24+$0x0]  }
0x4af: {  	s2 =	sor.u32 s14, s23;
	v11 =	vadd.f32 v56, v47;
	[tilespmem:s7+$0x8000] =	vst v59  }
0x4b0: {  	s25 =	sor.u32 $0xC300, s4;
	v3 =	vld [tilespmem:s2+$0x0]  }
0x4b1: {  	s26 =	sor.u32 s17, s25;
	v8 =	vadd.f32 v58, v49;
	[tilespmem:s22+$0x0] =	vst v11  }
0x4b2: {  	v62 =	vadd.f32 v61, v2;
	v11 =	vld [tilespmem:s26+$0x0]  }
0x4b3: {  	s5 =	sor.u32 s19, s25;
	[tilespmem:s10+$0x0] =	vst v8;
	v6 =	vadd.f32 v60, v51  }
0x4b4: {  	s28 =	sor.u32 $0xC300, s18;
	[tilespmem:s3+$0x0] =	vst v62;
	v63 =	vld [tilespmem:s5+$0x0]  }
0x4b5: {  	s30 =	sor.u32 s15, s28;
	[tilespmem:s24+$0x0] =	vst v6;
	v3 =	vadd.f32 v3, v53  }
0x4b6: {  	v6 =	vld [tilespmem:s30+$0x0];
	s11 =	rddreg [dreg:$0x14]  }
0x4b7: {  	s10 =	sor.u32 s14, s28;
	v8 =	vld [tilespmem:s11+$0x0];
	v11 =	vadd.f32 v11, v47;
	[tilespmem:s2+$0x0] =	vst v3  }
0x4b8: {  	s31 =	sor.u32 $0xE300, s4;
	v3 =	vld [tilespmem:s10+$0x0]  }
0x4b9: {  	v16 =	vadd.f32 v63, v49;
	s2 =	sor.u32 s17, s31;
	[tilespmem:s26+$0x0] =	vst v11  }
0x4ba: {  	v17 =	vld [tilespmem:s2+$0x0]  }
0x4bb: {  	s3 =	sor.u32 s19, s31;
	[tilespmem:s5+$0x0] =	vst v16;
	v6 =	vadd.f32 v6, v51  }
0x4bc: {  	v19 =	vld [tilespmem:s3+$0x0];
	v18 =	vadd.f32 v8, v2  }
0x4bd: {  	s6 =	sor.u32 $0xE300, s18;
	[tilespmem:s30+$0x0] =	vst v6;
	v3 =	vadd.f32 v3, v53  }
0x4be: {  	s13 =	sor.u32 s15, s6;
	[tilespmem:s11+$0x0] =	vst v18  }
0x4bf: {  	s16 =	sor.u32 s14, s6;
	v20 =	vld [tilespmem:s13+$0x0];
	v22 =	vadd.f32 v17, v47;
	[tilespmem:s10+$0x0] =	vst v3  }
0x4c0: {  	s12 =	rddreg [dreg:$0xd];
	v23 =	vld [tilespmem:s16+$0x0]  }
0x4c1: {  	s0 =	sor.u32 $0x380, s0;
	v8 =	vadd.f32 v19, v49;
	[tilespmem:s2+$0x0] =	vst v22;
	v21 =	vld [tilespmem:s12+$0x12000]  }
0x4c2: {  	v25 =	vld [tilespmem:s0+$0x12000]  }
0x4c3: {  	[tilespmem:s3+$0x0] =	vst v8;
	v26 =	vld [tilespmem:s0+$0x8000]  }
0x4c4: {  	v24 =	vld [tilespmem:s12+$0x8000];
	s11 =	rddreg [dreg:$0xb];
	v2 =	vadd.f32 v20, v51  }
0x4c5: {  	v27 =	vld [tilespmem:s11+$0x12000];
	v28 =	vadd.f32 v23, v53  }
0x4c6: {  	s1 =	sor.u32 $0x380, s1;
	v11 =	vld [tilespmem:s11+$0x8000];
	[tilespmem:s13+$0x0] =	vst v2  }
0x4c7: {  	v31 =	vadd.f32 v5, v1;
	v29 =	vld [tilespmem:s1+$0x12000];
	[tilespmem:s16+$0x0] =	vst v28  }
0x4c8: {  	v30 =	vld [tilespmem:s1+$0x8000];
	v34 =	vadd.f32 v26, v25;
	s9 =	rddreg [dreg:$0xc]  }
0x4c9: {  	s22 =	sor.u32 $0xA380, s4;
	s10 =	rddreg [dreg:$0x4];
	[tilespmem:s8+$0x8000] =	vst v31;
	v32 =	vld [tilespmem:s9+$0x12000]  }
0x4ca: {  	s23 =	sor.u32 s17, s22;
	s20 =	sor.u32 $0xA380, s10;
	v33 =	vld [tilespmem:s9+$0x8000];
	s16 =	rddreg [dreg:$0xe];
	[tilespmem:s0+$0x8000] =	vst v34  }
0x4cb: {  	v6 =	vadd.f32 v24, v21;
	s21 =	sor.u32 s16, s20;
	v37 =	vld [tilespmem:s23+$0x0]  }
0x4cc: {  	v38 =	vadd.f32 v11, v27;
	v35 =	vld [tilespmem:s21+$0x0]  }
0x4cd: {  	[tilespmem:s12+$0x8000] =	vst v6;
	v36 =	vadd.f32 v30, v29;
	s2 =	sor.u32 s29, s20  }
0x4ce: {  	s24 =	sor.u32 $0xA380, s18;
	s5 =	sor.u32 s19, s22;
	[tilespmem:s11+$0x8000] =	vst v38;
	v39 =	vld [tilespmem:s2+$0x0]  }
0x4cf: {  	s25 =	sor.u32 s15, s24;
	v42 =	vld [tilespmem:s5+$0x0];
	[tilespmem:s1+$0x8000] =	vst v36;
	v40 =	vadd.f32 v33, v32  }
0x4d0: {  	v41 =	vld [tilespmem:s25+$0x0];
	v6 =	vadd.f32 v37, v25  }
0x4d1: {  	s7 =	sor.u32 s14, s24;
	s30 =	sor.u32 $0xC380, s4;
	v8 =	vadd.f32 v35, v1;
	[tilespmem:s9+$0x8000] =	vst v40  }
0x4d2: {  	s31 =	sor.u32 s17, s30;
	s26 =	sor.u32 $0xC380, s10;
	v2 =	vld [tilespmem:s7+$0x0];
	[tilespmem:s23+$0x0] =	vst v6  }
0x4d3: {  	s28 =	sor.u32 s16, s26;
	v11 =	vadd.f32 v39, v21;
	[tilespmem:s21+$0x0] =	vst v8;
	v44 =	vld [tilespmem:s31+$0x0]  }
0x4d4: {  	v45 =	vadd.f32 v42, v27;
	v8 =	vld [tilespmem:s28+$0x0]  }
0x4d5: {  	s8 =	sor.u32 s29, s26;
	v43 =	vadd.f32 v41, v29;
	[tilespmem:s2+$0x0] =	vst v11  }
0x4d6: {  	s6 =	sor.u32 $0xC380, s18;
	s12 =	sor.u32 s19, s30;
	[tilespmem:s5+$0x0] =	vst v45;
	v46 =	vld [tilespmem:s8+$0x0]  }
0x4d7: {  	s11 =	sor.u32 s15, s6;
	v48 =	vld [tilespmem:s12+$0x0];
	[tilespmem:s25+$0x0] =	vst v43;
	v2 =	vadd.f32 v2, v32  }
0x4d8: {  	v6 =	vld [tilespmem:s11+$0x0];
	v50 =	vadd.f32 v44, v25  }
0x4d9: {  	s20 =	sor.u32 $0xE380, s4;
	s2 =	sor.u32 s14, s6;
	[tilespmem:s7+$0x0] =	vst v2;
	v47 =	vadd.f32 v8, v1  }
0x4da: {  	s13 =	sor.u32 $0xE380, s10;
	s22 =	sor.u32 s17, s20;
	v49 =	vld [tilespmem:s2+$0x0];
	[tilespmem:s31+$0x0] =	vst v50  }
0x4db: {  	s16 =	sor.u32 s16, s13;
	v12 =	vadd.f32 v46, v21;
	[tilespmem:s28+$0x0] =	vst v47;
	v53 =	vld [tilespmem:s22+$0x0]  }
0x4dc: {  	v8 =	vadd.f32 v48, v27;
	v51 =	vld [tilespmem:s16+$0x0];
	s21 =	rddreg [dreg:$0x7]  }
0x4dd: {  	s7 =	sor.u32 s29, s13;
	v6 =	vadd.f32 v6, v29;
	[tilespmem:s8+$0x0] =	vst v12;
	v52 =	vld [tilespmem:s21+$0x0]  }
0x4de: {  	s4 =	sor.u32 s19, s20;
	s6 =	sor.u32 $0xE380, s18;
	[tilespmem:s12+$0x0] =	vst v8;
	v54 =	vld [tilespmem:s7+$0x0]  }
0x4df: {  	s23 =	sor.u32 s15, s6;
	[tilespmem:s11+$0x0] =	vst v6;
	v57 =	vld [tilespmem:s4+$0x0];
	v11 =	vadd.f32 v49, v32  }
0x4e0: {  	v55 =	vld [tilespmem:s23+$0x0];
	v59 =	vadd.f32 v53, v25  }
0x4e1: {  	[tilespmem:s2+$0x0] =	vst v11;
	v56 =	vadd.f32 v51, v1  }
0x4e2: {  	v0 =	vadd.f32 v52, v0;
	[tilespmem:s22+$0x0] =	vst v59  }
0x4e3: {  	s24 =	sor.u32 s14, s6;
	v60 =	vadd.f32 v54, v21;
	[tilespmem:s16+$0x0] =	vst v56  }
0x4e4: {  	v58 =	vld [tilespmem:s24+$0x0];
	v62 =	vadd.f32 v57, v27;
	[tilespmem:s21+$0x0] =	vst v0  }
0x4e5: {  	v61 =	vadd.f32 v55, v29;
	[tilespmem:s7+$0x0] =	vst v60  }
0x4e6: {  	[tilespmem:s4+$0x0] =	vst v62  }
0x4e7: {  	[tilespmem:s23+$0x0] =	vst v61  }
0x4e8: {  	s0 =	sld [smem:$0x7F2]  }
0x4e9: {  	s1 =	sld [smem:$0x7DB];
	v63 =	vadd.f32 v58, v32;
	_ =	sdelay $0x1  }
0x4ea: {  	s25 =	rddreg [dreg:$0x2];
	[tilespmem:s24+$0x0] =	vst v63  }
0x4eb: {  	s9 =	simm.s32 $0x8000;
	s0 =	sadd.s32 s0, s1;
	s26 =	sld [smem:$0x7F8]  }
0x4ec: {  	s8 =	simm.s32 $0x0;
	s1 =	sadd.s32 s25, s0;
	s28 =	sld [smem:$0x7F9]  }
0x4ed: {  	[hbm4b:s1+s8] =	stream.linear.scatter [tilespmem:s9], [sflag:$0x6], $0x2000, $0x38;
	[tilespmem:$0x14000] =	vst v63  }
0x4ee: {  	s10 =	simm.s32 $0xA000;
	s29 =	sld [smem:$0x7FA];
	s1 =	sadd.s32 s0, s26  }
0x4ef: {  	[hbm4b:s1+s8] =	stream.linear.scatter [tilespmem:s10], [sflag:$0x6], $0x2000, $0x38;
	[tilespmem:$0x14000] =	vst v63  }
0x4f0: {  	s11 =	simm.s32 $0xC000;
	s1 =	sadd.s32 s0, s28  }
0x4f1: {  	[hbm4b:s1+s8] =	stream.linear.scatter [tilespmem:s11], [sflag:$0x6], $0x2000, $0x38;
	[tilespmem:$0x14000] =	vst v63  }
0x4f2: {  	s30 =	simm.s32 $0x5;
	s12 =	simm.s32 $0xE000;
	s0 =	sadd.s32 s0, s29  }
0x4f3: {  	[hbm4b:s0+s8] =	stream.linear.scatter [tilespmem:s12], [sflag:$0x6], $0x2000, $0x38;
	[tilespmem:$0x14000] =	vst v63  }
0x4f4: {  	_ =	swait.ge [sflag:s30], $0x2000  }
0x4f5: {  	[sflag:s30] =	ssyncset.done $0x0  }
0x4f6: {  	[sflag:s30] =	ssyncadd.s32 $0xFFFFE000  }
0x4f7: {  	_ =	swait.ge [sflag:s30], $0x2000  }
0x4f8: {  	[sflag:s30] =	ssyncset.done $0x0  }
0x4f9: {  	[sflag:s30] =	ssyncadd.s32 $0xFFFFE000  }
0x4fa: {  	_ =	swait.ge [sflag:s30], $0x2000  }
0x4fb: {  	[sflag:s30] =	ssyncset.done $0x0  }
0x4fc: {  	[sflag:s30] =	ssyncadd.s32 $0xFFFFE000  }
0x4fd: {  	s13 =	sld [smem:$0x7EB];
	_ =	swait.ge [sflag:s30], $0x2000  }
0x4fe: {  	s1 =	sld [smem:$0x7FB];
	_ =	sdelay $0x1  }
0x4ff: {  	s0 =	sshll.u32 s13, $0x1;
	p0 =	seq.s32 s13, $0xF;
	[sflag:s30] =	ssyncset.done $0x0  }
0x500: {  	[sflag:s30] =	ssyncadd.s32 $0xFFFFE000;
	s1 =	sadd.s32 @!p0 s0, s1  }
0x501: {  	s3 =	simm.s32 @!p0 $0x0;
	s7 =	rddreg [dreg:$0x1];
	s1 =	sshll.u32 @!p0 s1, $0xA  }
0x502: {  	s4 =	simm.s32 @!p0 $0x10000;
	s6 =	rddreg [dreg:$0x0];
	s2 =	sadd.s32 @!p0 s7, s1  }
0x503: {  	[tilespmem:s4], [sflag:$0x3] =	stream.linear.gather @!p0 [hbm4b:s2+s3], $0x2000, $0x38;
	[tilespmem:$0x14000] =	vst v63  }
0x504: {  	s2 =	sadd.s32 @!p0 s6, s1  }
0x505: {  	[tilespmem:s3], [sflag:$0x1] =	stream.linear.gather @!p0 [hbm4b:s2+s3], $0x2000, $0x38;
	[tilespmem:$0x14000] =	vst v63  }
0x506: {  	s2 =	sand.u32 @!p0 $0x1FFFFC00, s1  }
0x507: {  	s2 =	sadd.s32 @!p0 s6, s2  }
0x508: {  	s5 =	simm.s32 @!p0 $0x2000;
	s1 =	sor.u32 @!p0 $0x200000, s1;
	s4 =	sadd.s32 @!p0 $0x100000, s2  }
0x509: {  	[tilespmem:s5], [sflag:$0x1] =	stream.linear.gather @!p0 [hbm4b:s4+s3], $0x2000, $0x38;
	[tilespmem:$0x14000] =	vst v63  }
0x50a: {  	s1 =	sadd.s32 @!p0 s6, s1;
	s4 =	simm.s32 @!p0 $0x4000  }
0x50b: {  	[tilespmem:s4], [sflag:$0x1] =	stream.linear.gather @!p0 [hbm4b:s1+s3], $0x2000, $0x38;
	[tilespmem:$0x14000] =	vst v63  }
0x50c: {  	s31 =	simm.s32 $0x6;
	s1 =	sadd.s32 @!p0 $0x300000, s2;
	s2 =	simm.s32 @!p0 $0x6000  }
0x50d: {  	[tilespmem:s2], [sflag:$0x1] =	stream.linear.gather @!p0 [hbm4b:s1+s3], $0x2000, $0x38;
	[tilespmem:$0x14000] =	vst v63  }
0x50e: {  	_ =	swait.ge [sflag:s31], $0x2000  }
0x50f: {  	[sflag:s31] =	ssyncset.done $0x0  }
0x510: {  	[sflag:s31] =	ssyncadd.s32 $0xFFFFE000  }
0x511: {  	_ =	swait.ge [sflag:s31], $0x2000  }
0x512: {  	[sflag:s31] =	ssyncset.done $0x0  }
0x513: {  	[sflag:s31] =	ssyncadd.s32 $0xFFFFE000  }
0x514: {  	_ =	swait.ge [sflag:s31], $0x2000  }
.Ltmp4:
0x515: {  	[sflag:s31] =	ssyncset.done $0x0;
	(pc) =	sbr.rel @p0 .LBB2_8-.Ltmp4, $4  }
0x516: {  	[sflag:s31] =	ssyncadd.s32 $0xFFFFE000  }
0x517: {  	_ =	swait.ge [sflag:s31], $0x2000  }
0x518: {  	[sflag:s31] =	ssyncset.done $0x0  }
0x519: {  	[sflag:s31] =	ssyncadd.s32 $0xFFFFE000  }
0x51a: {  	s1 =	sld [smem:$0x7FC];
	_ =	sdelay $0x2  }
0x51b: {  	s0 =	sadd.s32 s0, s1  }
0x51c: {  	s0 =	sshll.u32 s0, $0xA  }
0x51d: {  	s2 =	simm.s32 $0x12000;
	s26 =	sadd.s32 s7, s0;
	s29 =	sand.u32 $0x1FFFFC00, s0  }
0x51e: {  	[tilespmem:s2], [sflag:$0x4] =	stream.linear.gather [hbm4b:s26+s8], $0x2000, $0x38;
	[tilespmem:$0x14000] =	vst v63  }
0x51f: {  	s28 =	sadd.s32 s6, s0;
	s1 =	sadd.s32 s6, s29  }
0x520: {  	[tilespmem:s9], [sflag:$0x2] =	stream.linear.gather [hbm4b:s28+s8], $0x2000, $0x38;
	[tilespmem:$0x14000] =	vst v63  }
0x521: {  	s30 =	sadd.s32 $0x100000, s1  }
0x522: {  	[tilespmem:s10], [sflag:$0x2] =	stream.linear.gather [hbm4b:s30+s8], $0x2000, $0x38;
	[tilespmem:$0x14000] =	vst v63  }
.Ltmp5:
0x523: {  	s0 =	sor.u32 $0x200000, s0;
	(pc) =	sbr.rel .LBB2_2-.Ltmp5, $4  }
0x524: {  	s13 =	sadd.s32 $0x1, s13;
	s0 =	sadd.s32 s6, s0  }
0x525: {  	[tilespmem:s11], [sflag:$0x2] =	stream.linear.gather [hbm4b:s0+s8], $0x2000, $0x38;
	[tilespmem:$0x14000] =	vst v63  }
0x526: {  	[smem:$0x7EB] =	sst s13;
	s31 =	sadd.s32 $0x300000, s1  }
0x527: {  	[tilespmem:s12], [sflag:$0x2] =	stream.linear.gather [hbm4b:s31+s8], $0x2000, $0x38;
	[tilespmem:$0x14000] =	vst v63  }
.LBB2_9:
0x528: {  	_ =	sfence.sel $0x180000  }
0x529: {  	[bflag:$0x0] =	sbarrier.arrive $0xFFFF  }
0x52a: {  	_ =	strace $0x90000047  }
0x52b: {  	s0 =	stileid.u32;
	[bflag:$0x2] =	sbarrier.arrive $0xFFFF  }
0x52c: {  	p0 =	sne.s32 s0, $0x0;
	s0 =	rddreg [dreg:$0x3]  }
0x52d: {  	s0 =	sadd.s32 @!p0 $0x100000, s0  }
0x52e: {  	[sflag:s0] =	ssyncadd.tile.s32 @!p0 $0x1;
	_ =	shalt  }
.Lfunc_end2:
_tile_overlayer_lowered:
.L_overlay_start_2:
0x52f: {  	(tag) =	ssettag $0x2  }
0x530: {  	s0 =	rddreg [dreg:$0x0];
	s2 =	stileid.u32  }
0x531: {  	s1 =	rddreg [dreg:$0x1];
	p0 =	sne.s32 s2, $0x0  }
0x532: {  	s3 =	rddreg [dreg:$0x2];
	[bflag:$0x3] =	sbarrier.arrive $0xFFFF;
	s2 =	simm.s32 @!p0 $0x1C07  }
0x533: {  	[timem:s3], [sflag:s2] =	dma.local @!p0 [hbm:s0], s1  }
0x534: {  	s0 =	simm.s32 @!p0 $0x7  }
0x535: {  	_ =	swait.ge @!p0 [sflag:s0], s1  }
0x536: {  	s1 =	ssub.s32 @!p0 $0x0, s1;
	[sflag:s0] =	ssyncset.done @!p0 $0x0  }
0x537: {  	[sflag:s0] =	ssyncadd.s32 @!p0 s1  }
0x538: {  	[bflag:$0x3] =	sbarrier.arrive $0xFFFF  }
0x539: {  	_ =	shalt  }

</sc_bundles>
